<compile_context>
chip_gen: v7x
topology: tpu7x:2x2x1
jax: 0.10.2.dev20260603
libtpu: 0.0.44.dev20260713+nightly
codegen_flags: <defaults>
</compile_context>

<pallas_src>
import functools

import jax
import jax.numpy as jnp
from jax import lax
from jax.experimental import pallas as pl
from jax.experimental.pallas import tpu as pltpu
from jax.experimental.pallas import tpu_sc as plsc

BATCH = 16384
EMBED = 16
NW = 32
BPW = BATCH // NW
NGRP = BPW // 16


def _gather_body(su_hbm, pu_hbm, si_hbm, pi_hbm, uttab_hbm, ittab_hbm,
                 uout_hbm, iout_hbm,
                 uidx_v, upos_v, iidx_v, ipos_v, slab_v, uflat_v, iflat_v,
                 *sems):
    wid = lax.axis_index("s") * 2 + lax.axis_index("c")
    base = wid * BPW
    pltpu.sync_copy(su_hbm.at[pl.ds(base, BPW)], uidx_v)
    pltpu.sync_copy(pu_hbm.at[pl.ds(base, BPW)], upos_v)
    pltpu.sync_copy(si_hbm.at[pl.ds(base, BPW)], iidx_v)
    pltpu.sync_copy(pi_hbm.at[pl.ds(base, BPW)], ipos_v)
    lanes = lax.iota(jnp.int32, 16)
    wsem = sems[16]

    for t, (idx_v, pos_v, tab_hbm, flat_v, out_hbm) in enumerate(
        ((uidx_v, upos_v, uttab_hbm, uflat_v, uout_hbm),
         (iidx_v, ipos_v, ittab_hbm, iflat_v, iout_hbm))):

        def grp(g, carry, idx_v=idx_v, pos_v=pos_v, tab_hbm=tab_hbm,
                flat_v=flat_v, out_hbm=out_hbm):
            start = g * 16
            iv = idx_v[pl.ds(start, 16)]
            col = iv & 127
            off = (iv >> 7) * 128
            pv = idx_v[pl.ds(jnp.maximum(start - 1, 0), 16)]
            headi = jnp.where(
                ((iv >> 7) != (pv >> 7)) | (lanes == 0) | (g == 0), 1, 0
            ).astype(jnp.int32)
            slotv = plsc.cummax(jnp.where(headi == 1, lanes, 0))
            for k in range(16):
                @pl.when(headi[k] == 1)
                def _fire(k=k, off=off, tab_hbm=tab_hbm):
                    pltpu.async_copy(
                        tab_hbm.at[:, pl.ds(pl.multiple_of(off[k], 128), 128)],
                        slab_v.at[t * 16 + k], sems[k])
            for k in range(16):
                @pl.when(headi[k] == 1)
                def _drain(k=k, tab_hbm=tab_hbm):
                    pltpu.make_async_copy(
                        tab_hbm.at[:, pl.ds(0, 128)],
                        slab_v.at[t * 16 + k], sems[k]).wait()
                v = plsc.load_gather(
                    slab_v,
                    [jnp.full((16,), t * 16 + slotv[k], jnp.int32), lanes,
                     jnp.full((16,), col[k], jnp.int32)])
                plsc.store_scatter(flat_v, [(start + k) * EMBED + lanes], v)
            posv = pos_v[pl.ds(start, 16)]
            for k in range(16):
                pltpu.async_copy(
                    flat_v.at[pl.ds((start + k) * EMBED, EMBED)],
                    out_hbm.at[pl.ds(posv[k] * EMBED, EMBED)], wsem)
            return carry

        lax.fori_loop(0, NGRP, grp, 0)
        pltpu.make_async_copy(
            flat_v, out_hbm.at[pl.ds(0, BPW * EMBED)], wsem).wait()


@functools.cache
def _gather():
    return pl.kernel(
        _gather_body,
        mesh=plsc.VectorSubcoreMesh(core_axis_name="c", subcore_axis_name="s"),
        compiler_params=pltpu.CompilerParams(needs_layout_passes=False),
        out_type=[
            jax.ShapeDtypeStruct((BATCH * EMBED,), jnp.float32),
            jax.ShapeDtypeStruct((BATCH * EMBED,), jnp.float32),
        ],
        scratch_types=(
            [pltpu.VMEM((BPW,), jnp.int32),
             pltpu.VMEM((BPW,), jnp.int32),
             pltpu.VMEM((BPW,), jnp.int32),
             pltpu.VMEM((BPW,), jnp.int32),
             pltpu.VMEM((32, EMBED, 128), jnp.float32),
             pltpu.VMEM((BPW * EMBED,), jnp.float32),
             pltpu.VMEM((BPW * EMBED,), jnp.float32)]
            + [pltpu.SemaphoreType.DMA] * 17
        ),
    )


B_BLK = 16384
R_BLK = B_BLK // 8


def _mlp_body(xu_ref, xi_ref, m1u_ref, m1i_ref, b1_ref, m2_ref, b2_ref,
              m3_ref, b3_ref, out_ref):
    h = (jnp.dot(xu_ref[...], m1u_ref[...], preferred_element_type=jnp.float32)
         + jnp.dot(xi_ref[...], m1i_ref[...], preferred_element_type=jnp.float32)
         + b1_ref[...])
    h = jnp.maximum(h, 0.0)
    h = jnp.dot(h, m2_ref[...], preferred_element_type=jnp.float32) + b2_ref[...]
    h = jnp.maximum(h, 0.0)
    out_ref[...] = (jnp.dot(h, m3_ref[...], preferred_element_type=jnp.float32)
                    + b3_ref[...])


def _mlp(xu, xi, m1u, m1i, b1t, m2, b2t, m3, b3t):
    grid = (BATCH // B_BLK,)
    full = lambda shape: pl.BlockSpec(shape, lambda i: (0, 0))
    return pl.pallas_call(
        _mlp_body,
        grid=grid,
        in_specs=[
            pl.BlockSpec((R_BLK, 128), lambda i: (i, 0)),
            pl.BlockSpec((R_BLK, 128), lambda i: (i, 0)),
            full((128, 128)),
            full((128, 128)),
            full((1, 128)),
            full((128, 64)),
            full((1, 64)),
            full((64, 8)),
            full((1, 8)),
        ],
        out_specs=pl.BlockSpec((R_BLK, 8), lambda i: (i, 0)),
        out_shape=jax.ShapeDtypeStruct((BATCH // 8, 8), jnp.float32),
    )(xu, xi, m1u, m1i, b1t, m2, b2t, m3, b3t)


def kernel(user, item, user_table, item_table, W1, b1, W2, b2, W3, b3):
    user32 = user.astype(jnp.int32)
    item32 = item.astype(jnp.int32)
    pos = lax.iota(jnp.int32, BATCH)
    su, pu = lax.sort((user32, pos), num_keys=1)
    si, pi_ = lax.sort((item32, pos), num_keys=1)
    u_flat, i_flat = _gather()(su, pu, si, pi_, user_table.T, item_table.T)
    xu = u_flat.reshape(BATCH // 8, 128)
    xi = i_flat.reshape(BATCH // 8, 128)
    eye8 = jnp.eye(8, dtype=jnp.float32)
    m1u = jnp.kron(eye8, W1[:EMBED])
    m1i = jnp.kron(eye8, W1[EMBED:])
    b1t = jnp.tile(b1, 8).reshape(1, 128)
    m2 = jnp.kron(eye8, W2)
    b2t = jnp.tile(b2, 8).reshape(1, 64)
    m3 = jnp.kron(eye8, W3)
    b3t = jnp.tile(b3, 8).reshape(1, 8)
    out = _mlp(xu, xi, m1u, m1i, b1t, m2, b2t, m3, b3t)
    return out.reshape(BATCH)

# --- scband reference (transcript-rebuilt; emitter-appended) ---
"""Pipeline reference for scband-ncf-40321152975063 (READ-ONLY COPY).

The authoritative reference and input builder live on the scoring server;
editing this copy changes nothing except your own understanding.
"""

import jax, jax.numpy as jnp
import numpy as np

NUM_USERS = 1000000
NUM_ITEMS = 1000000
EMBED_DIM = 16
BATCH = 16384

def _xavier(key, shape):
    fan_in, fan_out = shape[0], shape[1]
    limit = float(np.sqrt(6.0 / (fan_in + fan_out)))
    return jax.random.uniform(key, shape, dtype=jnp.float32, minval=-limit, maxval=limit)

def setup_inputs(seed: int = 0) -> dict:
    key = jax.random.key(seed)
    ks = jax.random.split(key, 8)
    user = jax.random.randint(ks[0], (BATCH,), 0, NUM_USERS, dtype=jnp.int64 if jax.config.jax_enable_x64 else jnp.int32)
    item = jax.random.randint(ks[1], (BATCH,), 0, NUM_ITEMS, dtype=jnp.int64 if jax.config.jax_enable_x64 else jnp.int32)
    user_table = _xavier(ks[2], (NUM_USERS, EMBED_DIM))
    item_table = _xavier(ks[3], (NUM_ITEMS, EMBED_DIM))
    # MLP: Linear(32->16), ReLU, Linear(16->8), ReLU, Linear(8->1)
    W1 = _xavier(ks[4], (2 * EMBED_DIM, 16))
    b1 = jnp.zeros((16,), dtype=jnp.float32)
    W2 = _xavier(ks[5], (16, 8))
    b2 = jnp.zeros((8,), dtype=jnp.float32)
    W3 = _xavier(ks[6], (8, 1))
    b3 = jnp.zeros((1,), dtype=jnp.float32)
    return {"user": user, "item": item, "user_table": user_table, "item_table": item_table,
            "W1": W1, "b1": b1, "W2": W2, "b2": b2, "W3": W3, "b3": b3}

def reference(user, item, user_table, item_table, W1, b1, W2, b2, W3, b3):
    u_emb = jnp.take(user_table, user, axis=0)
    i_emb = jnp.take(item_table, item, axis=0)
    x = jnp.concatenate([u_emb, i_emb], axis=-1)
    x = jax.nn.relu(x @ W1 + b1)
    x = jax.nn.relu(x @ W2 + b2)
    x = x @ W3 + b3
    return jnp.squeeze(x, axis=-1)

if __name__ == "__main__":
    import jax
    _d = setup_inputs()
    print(jax.jit(kernel)(*tuple(_d.values())))

</pallas_src>

<mosaic_0001>
#map = affine_map<(d0, d1) -> (0)>
#map1 = affine_map<(d0, d1) -> (0, 0)>
module attributes {stable_mosaic.version = 14 : i64} {
  func.func @_gather_body(%arg0: i32, %arg1: i32, %arg2: memref<16384xi32, #tpu.memory_space<hbm>>, %arg3: memref<16384xi32, #tpu.memory_space<hbm>>, %arg4: memref<16384xi32, #tpu.memory_space<hbm>>, %arg5: memref<16384xi32, #tpu.memory_space<hbm>>, %arg6: memref<16x1000000xf32, #tpu.memory_space<hbm>>, %arg7: memref<16x1000000xf32, #tpu.memory_space<hbm>>, %arg8: memref<262144xf32, #tpu.memory_space<hbm>>, %arg9: memref<262144xf32, #tpu.memory_space<hbm>>, %arg10: memref<512xi32, #tpu.memory_space<vmem>>, %arg11: memref<512xi32, #tpu.memory_space<vmem>>, %arg12: memref<512xi32, #tpu.memory_space<vmem>>, %arg13: memref<512xi32, #tpu.memory_space<vmem>>, %arg14: memref<32x16x128xf32, #tpu.memory_space<vmem>>, %arg15: memref<8192xf32, #tpu.memory_space<vmem>>, %arg16: memref<8192xf32, #tpu.memory_space<vmem>>, %arg17: memref<!tpu.dma_semaphore, #tpu.memory_space<semaphore_mem>>, %arg18: memref<!tpu.dma_semaphore, #tpu.memory_space<semaphore_mem>>, %arg19: memref<!tpu.dma_semaphore, #tpu.memory_space<semaphore_mem>>, %arg20: memref<!tpu.dma_semaphore, #tpu.memory_space<semaphore_mem>>, %arg21: memref<!tpu.dma_semaphore, #tpu.memory_space<semaphore_mem>>, %arg22: memref<!tpu.dma_semaphore, #tpu.memory_space<semaphore_mem>>, %arg23: memref<!tpu.dma_semaphore, #tpu.memory_space<semaphore_mem>>, %arg24: memref<!tpu.dma_semaphore, #tpu.memory_space<semaphore_mem>>, %arg25: memref<!tpu.dma_semaphore, #tpu.memory_space<semaphore_mem>>, %arg26: memref<!tpu.dma_semaphore, #tpu.memory_space<semaphore_mem>>, %arg27: memref<!tpu.dma_semaphore, #tpu.memory_space<semaphore_mem>>, %arg28: memref<!tpu.dma_semaphore, #tpu.memory_space<semaphore_mem>>, %arg29: memref<!tpu.dma_semaphore, #tpu.memory_space<semaphore_mem>>, %arg30: memref<!tpu.dma_semaphore, #tpu.memory_space<semaphore_mem>>, %arg31: memref<!tpu.dma_semaphore, #tpu.memory_space<semaphore_mem>>, %arg32: memref<!tpu.dma_semaphore, #tpu.memory_space<semaphore_mem>>, %arg33: memref<!tpu.dma_semaphore, #tpu.memory_space<semaphore_mem>>) attributes {dimension_semantics = [#tpu.dimension_semantics<core_parallel>, #tpu.dimension_semantics<subcore_parallel>], iteration_bounds = array<i64: 2, 16>, scalar_prefetch = 0 : i64, scratch_operands = 24 : i64, tpu.core_type = #tpu.core_type<sc_vector_subcore>, window_params = [{transform_indices = #map}, {transform_indices = #map}, {transform_indices = #map}, {transform_indices = #map}, {transform_indices = #map1}, {transform_indices = #map1}, {transform_indices = #map}, {transform_indices = #map}]} {
    %mul3A = arith.constant 2 : i32
    %mul3A_0 = arith.muli %arg1, %mul3A : i32
    %add3A = arith.addi %mul3A_0, %arg0 : i32
    %mul3A_1 = arith.constant 512 : i32
    %mul3A_2 = arith.muli %add3A, %mul3A_1 : i32
    "tpu.region"() ({
      %run_scoped3A = tpu.sem_alloc : memref<!tpu.dma_semaphore, #tpu.memory_space<semaphore_mem>>
      %dma_start3A = tpu.memref_slice %arg2[%mul3A_2] : memref<16384xi32, #tpu.memory_space<hbm>> -> memref<512xi32, #tpu.memory_space<hbm>>
      %dma_start3A_21 = tpu.memref_slice %arg2[%mul3A_2] : memref<16384xi32, #tpu.memory_space<hbm>> -> memref<512xi32, #tpu.memory_space<hbm>>
      tpu.enqueue_dma source(%dma_start3A_21 : memref<512xi32, #tpu.memory_space<hbm>>) target(%arg10 : memref<512xi32, #tpu.memory_space<vmem>>) target_semaphore(%run_scoped3A : memref<!tpu.dma_semaphore, #tpu.memory_space<semaphore_mem>>)
      %dma_wait3A_22 = tpu.memref_slice %arg2[%mul3A_2] : memref<16384xi32, #tpu.memory_space<hbm>> -> memref<512xi32, #tpu.memory_space<hbm>>
      %dma_wait3A_23 = tpu.memref_slice %arg2[%mul3A_2] : memref<16384xi32, #tpu.memory_space<hbm>> -> memref<512xi32, #tpu.memory_space<hbm>>
      tpu.wait_dma2 semaphore(%run_scoped3A : memref<!tpu.dma_semaphore, #tpu.memory_space<semaphore_mem>>) src(%dma_wait3A_23 : memref<512xi32, #tpu.memory_space<hbm>>) dst(%arg10 : memref<512xi32, #tpu.memory_space<vmem>>)
      tpu.yield
    }) : () -> ()
    "tpu.region"() ({
      %run_scoped3A = tpu.sem_alloc : memref<!tpu.dma_semaphore, #tpu.memory_space<semaphore_mem>>
      %dma_start3A = tpu.memref_slice %arg3[%mul3A_2] : memref<16384xi32, #tpu.memory_space<hbm>> -> memref<512xi32, #tpu.memory_space<hbm>>
      %dma_start3A_21 = tpu.memref_slice %arg3[%mul3A_2] : memref<16384xi32, #tpu.memory_space<hbm>> -> memref<512xi32, #tpu.memory_space<hbm>>
      tpu.enqueue_dma source(%dma_start3A_21 : memref<512xi32, #tpu.memory_space<hbm>>) target(%arg11 : memref<512xi32, #tpu.memory_space<vmem>>) target_semaphore(%run_scoped3A : memref<!tpu.dma_semaphore, #tpu.memory_space<semaphore_mem>>)
      %dma_wait3A_22 = tpu.memref_slice %arg3[%mul3A_2] : memref<16384xi32, #tpu.memory_space<hbm>> -> memref<512xi32, #tpu.memory_space<hbm>>
      %dma_wait3A_23 = tpu.memref_slice %arg3[%mul3A_2] : memref<16384xi32, #tpu.memory_space<hbm>> -> memref<512xi32, #tpu.memory_space<hbm>>
      tpu.wait_dma2 semaphore(%run_scoped3A : memref<!tpu.dma_semaphore, #tpu.memory_space<semaphore_mem>>) src(%dma_wait3A_23 : memref<512xi32, #tpu.memory_space<hbm>>) dst(%arg11 : memref<512xi32, #tpu.memory_space<vmem>>)
      tpu.yield
    }) : () -> ()
    "tpu.region"() ({
      %run_scoped3A = tpu.sem_alloc : memref<!tpu.dma_semaphore, #tpu.memory_space<semaphore_mem>>
      %dma_start3A = tpu.memref_slice %arg4[%mul3A_2] : memref<16384xi32, #tpu.memory_space<hbm>> -> memref<512xi32, #tpu.memory_space<hbm>>
      %dma_start3A_21 = tpu.memref_slice %arg4[%mul3A_2] : memref<16384xi32, #tpu.memory_space<hbm>> -> memref<512xi32, #tpu.memory_space<hbm>>
      tpu.enqueue_dma source(%dma_start3A_21 : memref<512xi32, #tpu.memory_space<hbm>>) target(%arg12 : memref<512xi32, #tpu.memory_space<vmem>>) target_semaphore(%run_scoped3A : memref<!tpu.dma_semaphore, #tpu.memory_space<semaphore_mem>>)
      %dma_wait3A_22 = tpu.memref_slice %arg4[%mul3A_2] : memref<16384xi32, #tpu.memory_space<hbm>> -> memref<512xi32, #tpu.memory_space<hbm>>
      %dma_wait3A_23 = tpu.memref_slice %arg4[%mul3A_2] : memref<16384xi32, #tpu.memory_space<hbm>> -> memref<512xi32, #tpu.memory_space<hbm>>
      tpu.wait_dma2 semaphore(%run_scoped3A : memref<!tpu.dma_semaphore, #tpu.memory_space<semaphore_mem>>) src(%dma_wait3A_23 : memref<512xi32, #tpu.memory_space<hbm>>) dst(%arg12 : memref<512xi32, #tpu.memory_space<vmem>>)
      tpu.yield
    }) : () -> ()
    "tpu.region"() ({
      %run_scoped3A = tpu.sem_alloc : memref<!tpu.dma_semaphore, #tpu.memory_space<semaphore_mem>>
      %dma_start3A = tpu.memref_slice %arg5[%mul3A_2] : memref<16384xi32, #tpu.memory_space<hbm>> -> memref<512xi32, #tpu.memory_space<hbm>>
      %dma_start3A_21 = tpu.memref_slice %arg5[%mul3A_2] : memref<16384xi32, #tpu.memory_space<hbm>> -> memref<512xi32, #tpu.memory_space<hbm>>
      tpu.enqueue_dma source(%dma_start3A_21 : memref<512xi32, #tpu.memory_space<hbm>>) target(%arg13 : memref<512xi32, #tpu.memory_space<vmem>>) target_semaphore(%run_scoped3A : memref<!tpu.dma_semaphore, #tpu.memory_space<semaphore_mem>>)
      %dma_wait3A_22 = tpu.memref_slice %arg5[%mul3A_2] : memref<16384xi32, #tpu.memory_space<hbm>> -> memref<512xi32, #tpu.memory_space<hbm>>
      %dma_wait3A_23 = tpu.memref_slice %arg5[%mul3A_2] : memref<16384xi32, #tpu.memory_space<hbm>> -> memref<512xi32, #tpu.memory_space<hbm>>
      tpu.wait_dma2 semaphore(%run_scoped3A : memref<!tpu.dma_semaphore, #tpu.memory_space<semaphore_mem>>) src(%dma_wait3A_23 : memref<512xi32, #tpu.memory_space<hbm>>) dst(%arg13 : memref<512xi32, #tpu.memory_space<vmem>>)
      tpu.yield
    }) : () -> ()
    %iota3A = tpu.iota {dimensions = array<i32: 0>} : vector<16xi32>
    %scan3A = arith.constant 0 : i32
    %scan3A_3 = arith.constant 0 : i32
    %scan3A_4 = arith.constant 32 : i32
    %scan3A_5 = arith.addi %scan3A_3, %scan3A_4 : i32
    %scan3A_6 = arith.constant 1 : i32
    scf.for %scan3A_21 = %scan3A_3 to %scan3A_5 step %scan3A_6  : i32 {
      %mul3A_22 = arith.constant 16 : i32
      %mul3A_23 = arith.muli %scan3A_21, %mul3A_22 : i32
      %get3A = arith.index_cast %mul3A_23 : i32 to index
      %get3A_24 = tpu.vector_load %arg10[%get3A] {strides = array<i32>} : memref<512xi32, #tpu.memory_space<vmem>>, vector<16xi32>,
      %and3A = arith.constant 127 : i32
      %and3A_25 = vector.broadcast %and3A : i32 to vector<16xi32>
      %and3A_26 = arith.andi %get3A_24, %and3A_25 : vector<16xi32>
      %shift_right_arithmetic3A = arith.constant 7 : i32
      %shift_right_arithmetic3A_27 = vector.broadcast %shift_right_arithmetic3A : i32 to vector<16xi32>
      %shift_right_arithmetic3A_28 = arith.shrsi %get3A_24, %shift_right_arithmetic3A_27 : vector<16xi32>
      %mul3A_29 = arith.constant 128 : i32
      %mul3A_30 = vector.broadcast %mul3A_29 : i32 to vector<16xi32>
      %mul3A_31 = arith.muli %shift_right_arithmetic3A_28, %mul3A_30 : vector<16xi32>
      %sub3A = arith.constant 1 : i32
      %sub3A_32 = arith.subi %mul3A_23, %sub3A : i32
      %max3A = arith.constant 0 : i32
      %max3A_33 = arith.maxsi %sub3A_32, %max3A : i32
      %get3A_34 = arith.index_cast %max3A_33 : i32 to index
      %get3A_35 = tpu.vector_load %arg10[%get3A_34] {strides = array<i32>} : memref<512xi32, #tpu.memory_space<vmem>>, vector<16xi32>,
      %shift_right_arithmetic3A_36 = arith.constant 7 : i32
      %shift_right_arithmetic3A_37 = vector.broadcast %shift_right_arithmetic3A_36 : i32 to vector<16xi32>
      %shift_right_arithmetic3A_38 = arith.shrsi %get3A_24, %shift_right_arithmetic3A_37 : vector<16xi32>
      %shift_right_arithmetic3A_39 = arith.constant 7 : i32
      %shift_right_arithmetic3A_40 = vector.broadcast %shift_right_arithmetic3A_39 : i32 to vector<16xi32>
      %shift_right_arithmetic3A_41 = arith.shrsi %get3A_35, %shift_right_arithmetic3A_40 : vector<16xi32>
      %ne3A = arith.cmpi ne, %shift_right_arithmetic3A_38, %shift_right_arithmetic3A_41 : vector<16xi32>
      %eq3A = arith.constant 0 : i32
      %eq3A_42 = vector.broadcast %eq3A : i32 to vector<16xi32>
      %eq3A_43 = arith.cmpi eq, %iota3A, %eq3A_42 : vector<16xi32>
      %or3A = arith.ori %ne3A, %eq3A_43 : vector<16xi1>
      %eq3A_44 = arith.constant 0 : i32
      %eq3A_45 = arith.cmpi eq, %scan3A_21, %eq3A_44 : i32
      %or3A_46 = vector.broadcast %eq3A_45 : i1 to vector<16xi1>
      %or3A_47 = arith.ori %or3A, %or3A_46 : vector<16xi1>
      %jit3A = arith.constant 1 : i32
      %jit3A_48 = arith.constant 0 : i32
      %broadcast_in_dim3A = vector.broadcast %jit3A : i32 to vector<16xi32>
      %broadcast_in_dim3A_49 = vector.broadcast %jit3A_48 : i32 to vector<16xi32>
      %select_n3A = arith.select %or3A_47, %broadcast_in_dim3A, %broadcast_in_dim3A_49 : vector<16xi1>, vector<16xi32>
      %eq3A_50 = arith.constant 1 : i32
      %eq3A_51 = vector.broadcast %eq3A_50 : i32 to vector<16xi32>
      %eq3A_52 = arith.cmpi eq, %select_n3A, %eq3A_51 : vector<16xi32>
      %jit3A_53 = arith.constant 0 : i32
      %broadcast_in_dim3A_54 = vector.broadcast %jit3A_53 : i32 to vector<16xi32>
      %select_n3A_55 = arith.select %eq3A_52, %iota3A, %broadcast_in_dim3A_54 : vector<16xi1>, vector<16xi32>
      %broadcast_in_dim3A_56 = arith.constant true
      %broadcast_in_dim3A_57 = vector.broadcast %broadcast_in_dim3A_56 : i1 to vector<16xi1>
      %masked_cummax3A = arith.constant -2147483648 : i32
      %masked_cummax3A_58 = vector.broadcast %masked_cummax3A : i32 to vector<16xi32>
      %masked_cummax3A_59 = arith.xori %select_n3A_55, %masked_cummax3A_58 : vector<16xi32>
      %masked_cummax3A_60 = tpu.scan <max>, %masked_cummax3A_59 masked %broadcast_in_dim3A_57 : vector<16xi32>, vector<16xi1> -> vector<16xi32>
      %masked_cummax3A_61 = arith.xori %masked_cummax3A_60, %masked_cummax3A_58 : vector<16xi32>
      %slice3A = vector.extract_strided_slice %select_n3A {offsets = [0], sizes = [1], strides = [1]} : vector<16xi32> to vector<1xi32>
      %squeeze3A = vector.extract %slice3A[0] : i32 from vector<1xi32>
      %eq3A_62 = arith.constant 1 : i32
      %eq3A_63 = arith.cmpi eq, %squeeze3A, %eq3A_62 : i32
      %convert_element_type3A = arith.extui %eq3A_63 : i1 to i32
      %cond3A = arith.constant 0 : i32
      %cond3A_64 = arith.cmpi ne, %convert_element_type3A, %cond3A : i32
      scf.if %cond3A_64 {
        %slice3A_714 = vector.extract_strided_slice %mul3A_31 {offsets = [0], sizes = [1], strides = [1]} : vector<16xi32> to vector<1xi32>
        %squeeze3A_715 = vector.extract %slice3A_714[0] : i32 from vector<1xi32>
        %multiple_of3A = tpu.assume_multiple %squeeze3A_715, 128 : i32
        %dma_start3A_716 = arith.constant 0 : i32
        %dma_start3A_717 = arith.constant 0 : i32
        %dma_start3A_718 = arith.constant 0 : i32
        %dma_start3A_719 = tpu.memref_slice %arg14[%dma_start3A_716, %dma_start3A_717, %dma_start3A_718] : memref<32x16x128xf32, #tpu.memory_space<vmem>> -> memref<1x16x128xf32, #tpu.memory_space<vmem>>
        %dma_start3A_720 = tpu.memref_squeeze %dma_start3A_719 : memref<1x16x128xf32, #tpu.memory_space<vmem>> -> memref<16x128xf32, #tpu.memory_space<vmem>>
        %dma_start3A_721 = arith.constant 0 : i32
        %dma_start3A_722 = tpu.memref_slice %arg6[%dma_start3A_721, %multiple_of3A] : memref<16x1000000xf32, #tpu.memory_space<hbm>> -> memref<16x128xf32, #tpu.memory_space<hbm>>
        %dma_start3A_723 = arith.constant 0 : i32
        %dma_start3A_724 = arith.constant 0 : i32
        %dma_start3A_725 = tpu.memref_slice %arg14[%dma_start3A_716, %dma_start3A_723, %dma_start3A_724] : memref<32x16x128xf32, #tpu.memory_space<vmem>> -> memref<1x16x128xf32, #tpu.memory_space<vmem>>
        %dma_start3A_726 = tpu.memref_squeeze %dma_start3A_725 : memref<1x16x128xf32, #tpu.memory_space<vmem>> -> memref<16x128xf32, #tpu.memory_space<vmem>>
        %dma_start3A_727 = arith.constant 0 : i32
        %dma_start3A_728 = tpu.memref_slice %arg6[%dma_start3A_727, %multiple_of3A] : memref<16x1000000xf32, #tpu.memory_space<hbm>> -> memref<16x128xf32, #tpu.memory_space<hbm>>
        tpu.enqueue_dma source(%dma_start3A_728 : memref<16x128xf32, #tpu.memory_space<hbm>>) target(%dma_start3A_726 : memref<16x128xf32, #tpu.memory_space<vmem>>) target_semaphore(%arg17 : memref<!tpu.dma_semaphore, #tpu.memory_space<semaphore_mem>>)
      } else {
      }
      %slice3A_65 = vector.extract_strided_slice %select_n3A {offsets = [1], sizes = [1], strides = [1]} : vector<16xi32> to vector<1xi32>
      %squeeze3A_66 = vector.extract %slice3A_65[0] : i32 from vector<1xi32>
      %eq3A_67 = arith.constant 1 : i32
      %eq3A_68 = arith.cmpi eq, %squeeze3A_66, %eq3A_67 : i32
      %convert_element_type3A_69 = arith.extui %eq3A_68 : i1 to i32
      %cond3A_70 = arith.constant 0 : i32
      %cond3A_71 = arith.cmpi ne, %convert_element_type3A_69, %cond3A_70 : i32
      scf.if %cond3A_71 {
        %slice3A_714 = vector.extract_strided_slice %mul3A_31 {offsets = [1], sizes = [1], strides = [1]} : vector<16xi32> to vector<1xi32>
        %squeeze3A_715 = vector.extract %slice3A_714[0] : i32 from vector<1xi32>
        %multiple_of3A = tpu.assume_multiple %squeeze3A_715, 128 : i32
        %dma_start3A_716 = arith.constant 1 : i32
        %dma_start3A_717 = arith.constant 0 : i32
        %dma_start3A_718 = arith.constant 0 : i32
        %dma_start3A_719 = tpu.memref_slice %arg14[%dma_start3A_716, %dma_start3A_717, %dma_start3A_718] : memref<32x16x128xf32, #tpu.memory_space<vmem>> -> memref<1x16x128xf32, #tpu.memory_space<vmem>>
        %dma_start3A_720 = tpu.memref_squeeze %dma_start3A_719 : memref<1x16x128xf32, #tpu.memory_space<vmem>> -> memref<16x128xf32, #tpu.memory_space<vmem>>
        %dma_start3A_721 = arith.constant 0 : i32
        %dma_start3A_722 = tpu.memref_slice %arg6[%dma_start3A_721, %multiple_of3A] : memref<16x1000000xf32, #tpu.memory_space<hbm>> -> memref<16x128xf32, #tpu.memory_space<hbm>>
        %dma_start3A_723 = arith.constant 0 : i32
        %dma_start3A_724 = arith.constant 0 : i32
        %dma_start3A_725 = tpu.memref_slice %arg14[%dma_start3A_716, %dma_start3A_723, %dma_start3A_724] : memref<32x16x128xf32, #tpu.memory_space<vmem>> -> memref<1x16x128xf32, #tpu.memory_space<vmem>>
        %dma_start3A_726 = tpu.memref_squeeze %dma_start3A_725 : memref<1x16x128xf32, #tpu.memory_space<vmem>> -> memref<16x128xf32, #tpu.memory_space<vmem>>
        %dma_start3A_727 = arith.constant 0 : i32
        %dma_start3A_728 = tpu.memref_slice %arg6[%dma_start3A_727, %multiple_of3A] : memref<16x1000000xf32, #tpu.memory_space<hbm>> -> memref<16x128xf32, #tpu.memory_space<hbm>>
        tpu.enqueue_dma source(%dma_start3A_728 : memref<16x128xf32, #tpu.memory_space<hbm>>) target(%dma_start3A_726 : memref<16x128xf32, #tpu.memory_space<vmem>>) target_semaphore(%arg18 : memref<!tpu.dma_semaphore, #tpu.memory_space<semaphore_mem>>)
      } else {
      }
      %slice3A_72 = vector.extract_strided_slice %select_n3A {offsets = [2], sizes = [1], strides = [1]} : vector<16xi32> to vector<1xi32>
      %squeeze3A_73 = vector.extract %slice3A_72[0] : i32 from vector<1xi32>
      %eq3A_74 = arith.constant 1 : i32
      %eq3A_75 = arith.cmpi eq, %squeeze3A_73, %eq3A_74 : i32
      %convert_element_type3A_76 = arith.extui %eq3A_75 : i1 to i32
      %cond3A_77 = arith.constant 0 : i32
      %cond3A_78 = arith.cmpi ne, %convert_element_type3A_76, %cond3A_77 : i32
      scf.if %cond3A_78 {
        %slice3A_714 = vector.extract_strided_slice %mul3A_31 {offsets = [2], sizes = [1], strides = [1]} : vector<16xi32> to vector<1xi32>
        %squeeze3A_715 = vector.extract %slice3A_714[0] : i32 from vector<1xi32>
        %multiple_of3A = tpu.assume_multiple %squeeze3A_715, 128 : i32
        %dma_start3A_716 = arith.constant 2 : i32
        %dma_start3A_717 = arith.constant 0 : i32
        %dma_start3A_718 = arith.constant 0 : i32
        %dma_start3A_719 = tpu.memref_slice %arg14[%dma_start3A_716, %dma_start3A_717, %dma_start3A_718] : memref<32x16x128xf32, #tpu.memory_space<vmem>> -> memref<1x16x128xf32, #tpu.memory_space<vmem>>
        %dma_start3A_720 = tpu.memref_squeeze %dma_start3A_719 : memref<1x16x128xf32, #tpu.memory_space<vmem>> -> memref<16x128xf32, #tpu.memory_space<vmem>>
        %dma_start3A_721 = arith.constant 0 : i32
        %dma_start3A_722 = tpu.memref_slice %arg6[%dma_start3A_721, %multiple_of3A] : memref<16x1000000xf32, #tpu.memory_space<hbm>> -> memref<16x128xf32, #tpu.memory_space<hbm>>
        %dma_start3A_723 = arith.constant 0 : i32
        %dma_start3A_724 = arith.constant 0 : i32
        %dma_start3A_725 = tpu.memref_slice %arg14[%dma_start3A_716, %dma_start3A_723, %dma_start3A_724] : memref<32x16x128xf32, #tpu.memory_space<vmem>> -> memref<1x16x128xf32, #tpu.memory_space<vmem>>
        %dma_start3A_726 = tpu.memref_squeeze %dma_start3A_725 : memref<1x16x128xf32, #tpu.memory_space<vmem>> -> memref<16x128xf32, #tpu.memory_space<vmem>>
        %dma_start3A_727 = arith.constant 0 : i32
        %dma_start3A_728 = tpu.memref_slice %arg6[%dma_start3A_727, %multiple_of3A] : memref<16x1000000xf32, #tpu.memory_space<hbm>> -> memref<16x128xf32, #tpu.memory_space<hbm>>
        tpu.enqueue_dma source(%dma_start3A_728 : memref<16x128xf32, #tpu.memory_space<hbm>>) target(%dma_start3A_726 : memref<16x128xf32, #tpu.memory_space<vmem>>) target_semaphore(%arg19 : memref<!tpu.dma_semaphore, #tpu.memory_space<semaphore_mem>>)
      } else {
      }
      %slice3A_79 = vector.extract_strided_slice %select_n3A {offsets = [3], sizes = [1], strides = [1]} : vector<16xi32> to vector<1xi32>
      %squeeze3A_80 = vector.extract %slice3A_79[0] : i32 from vector<1xi32>
      %eq3A_81 = arith.constant 1 : i32
      %eq3A_82 = arith.cmpi eq, %squeeze3A_80, %eq3A_81 : i32
      %convert_element_type3A_83 = arith.extui %eq3A_82 : i1 to i32
      %cond3A_84 = arith.constant 0 : i32
      %cond3A_85 = arith.cmpi ne, %convert_element_type3A_83, %cond3A_84 : i32
      scf.if %cond3A_85 {
        %slice3A_714 = vector.extract_strided_slice %mul3A_31 {offsets = [3], sizes = [1], strides = [1]} : vector<16xi32> to vector<1xi32>
        %squeeze3A_715 = vector.extract %slice3A_714[0] : i32 from vector<1xi32>
        %multiple_of3A = tpu.assume_multiple %squeeze3A_715, 128 : i32
        %dma_start3A_716 = arith.constant 3 : i32
        %dma_start3A_717 = arith.constant 0 : i32
        %dma_start3A_718 = arith.constant 0 : i32
        %dma_start3A_719 = tpu.memref_slice %arg14[%dma_start3A_716, %dma_start3A_717, %dma_start3A_718] : memref<32x16x128xf32, #tpu.memory_space<vmem>> -> memref<1x16x128xf32, #tpu.memory_space<vmem>>
        %dma_start3A_720 = tpu.memref_squeeze %dma_start3A_719 : memref<1x16x128xf32, #tpu.memory_space<vmem>> -> memref<16x128xf32, #tpu.memory_space<vmem>>
        %dma_start3A_721 = arith.constant 0 : i32
        %dma_start3A_722 = tpu.memref_slice %arg6[%dma_start3A_721, %multiple_of3A] : memref<16x1000000xf32, #tpu.memory_space<hbm>> -> memref<16x128xf32, #tpu.memory_space<hbm>>
        %dma_start3A_723 = arith.constant 0 : i32
        %dma_start3A_724 = arith.constant 0 : i32
        %dma_start3A_725 = tpu.memref_slice %arg14[%dma_start3A_716, %dma_start3A_723, %dma_start3A_724] : memref<32x16x128xf32, #tpu.memory_space<vmem>> -> memref<1x16x128xf32, #tpu.memory_space<vmem>>
        %dma_start3A_726 = tpu.memref_squeeze %dma_start3A_725 : memref<1x16x128xf32, #tpu.memory_space<vmem>> -> memref<16x128xf32, #tpu.memory_space<vmem>>
        %dma_start3A_727 = arith.constant 0 : i32
        %dma_start3A_728 = tpu.memref_slice %arg6[%dma_start3A_727, %multiple_of3A] : memref<16x1000000xf32, #tpu.memory_space<hbm>> -> memref<16x128xf32, #tpu.memory_space<hbm>>
        tpu.enqueue_dma source(%dma_start3A_728 : memref<16x128xf32, #tpu.memory_space<hbm>>) target(%dma_start3A_726 : memref<16x128xf32, #tpu.memory_space<vmem>>) target_semaphore(%arg20 : memref<!tpu.dma_semaphore, #tpu.memory_space<semaphore_mem>>)
      } else {
      }
      %slice3A_86 = vector.extract_strided_slice %select_n3A {offsets = [4], sizes = [1], strides = [1]} : vector<16xi32> to vector<1xi32>
      %squeeze3A_87 = vector.extract %slice3A_86[0] : i32 from vector<1xi32>
      %eq3A_88 = arith.constant 1 : i32
      %eq3A_89 = arith.cmpi eq, %squeeze3A_87, %eq3A_88 : i32
      %convert_element_type3A_90 = arith.extui %eq3A_89 : i1 to i32
      %cond3A_91 = arith.constant 0 : i32
      %cond3A_92 = arith.cmpi ne, %convert_element_type3A_90, %cond3A_91 : i32
      scf.if %cond3A_92 {
        %slice3A_714 = vector.extract_strided_slice %mul3A_31 {offsets = [4], sizes = [1], strides = [1]} : vector<16xi32> to vector<1xi32>
        %squeeze3A_715 = vector.extract %slice3A_714[0] : i32 from vector<1xi32>
        %multiple_of3A = tpu.assume_multiple %squeeze3A_715, 128 : i32
        %dma_start3A_716 = arith.constant 4 : i32
        %dma_start3A_717 = arith.constant 0 : i32
        %dma_start3A_718 = arith.constant 0 : i32
        %dma_start3A_719 = tpu.memref_slice %arg14[%dma_start3A_716, %dma_start3A_717, %dma_start3A_718] : memref<32x16x128xf32, #tpu.memory_space<vmem>> -> memref<1x16x128xf32, #tpu.memory_space<vmem>>
        %dma_start3A_720 = tpu.memref_squeeze %dma_start3A_719 : memref<1x16x128xf32, #tpu.memory_space<vmem>> -> memref<16x128xf32, #tpu.memory_space<vmem>>
        %dma_start3A_721 = arith.constant 0 : i32
        %dma_start3A_722 = tpu.memref_slice %arg6[%dma_start3A_721, %multiple_of3A] : memref<16x1000000xf32, #tpu.memory_space<hbm>> -> memref<16x128xf32, #tpu.memory_space<hbm>>
        %dma_start3A_723 = arith.constant 0 : i32
        %dma_start3A_724 = arith.constant 0 : i32
        %dma_start3A_725 = tpu.memref_slice %arg14[%dma_start3A_716, %dma_start3A_723, %dma_start3A_724] : memref<32x16x128xf32, #tpu.memory_space<vmem>> -> memref<1x16x128xf32, #tpu.memory_space<vmem>>
        %dma_start3A_726 = tpu.memref_squeeze %dma_start3A_725 : memref<1x16x128xf32, #tpu.memory_space<vmem>> -> memref<16x128xf32, #tpu.memory_space<vmem>>
        %dma_start3A_727 = arith.constant 0 : i32
        %dma_start3A_728 = tpu.memref_slice %arg6[%dma_start3A_727, %multiple_of3A] : memref<16x1000000xf32, #tpu.memory_space<hbm>> -> memref<16x128xf32, #tpu.memory_space<hbm>>
        tpu.enqueue_dma source(%dma_start3A_728 : memref<16x128xf32, #tpu.memory_space<hbm>>) target(%dma_start3A_726 : memref<16x128xf32, #tpu.memory_space<vmem>>) target_semaphore(%arg21 : memref<!tpu.dma_semaphore, #tpu.memory_space<semaphore_mem>>)
      } else {
      }
      %slice3A_93 = vector.extract_strided_slice %select_n3A {offsets = [5], sizes = [1], strides = [1]} : vector<16xi32> to vector<1xi32>
      %squeeze3A_94 = vector.extract %slice3A_93[0] : i32 from vector<1xi32>
      %eq3A_95 = arith.constant 1 : i32
      %eq3A_96 = arith.cmpi eq, %squeeze3A_94, %eq3A_95 : i32
      %convert_element_type3A_97 = arith.extui %eq3A_96 : i1 to i32
      %cond3A_98 = arith.constant 0 : i32
      %cond3A_99 = arith.cmpi ne, %convert_element_type3A_97, %cond3A_98 : i32
      scf.if %cond3A_99 {
        %slice3A_714 = vector.extract_strided_slice %mul3A_31 {offsets = [5], sizes = [1], strides = [1]} : vector<16xi32> to vector<1xi32>
        %squeeze3A_715 = vector.extract %slice3A_714[0] : i32 from vector<1xi32>
        %multiple_of3A = tpu.assume_multiple %squeeze3A_715, 128 : i32
        %dma_start3A_716 = arith.constant 5 : i32
        %dma_start3A_717 = arith.constant 0 : i32
        %dma_start3A_718 = arith.constant 0 : i32
        %dma_start3A_719 = tpu.memref_slice %arg14[%dma_start3A_716, %dma_start3A_717, %dma_start3A_718] : memref<32x16x128xf32, #tpu.memory_space<vmem>> -> memref<1x16x128xf32, #tpu.memory_space<vmem>>
        %dma_start3A_720 = tpu.memref_squeeze %dma_start3A_719 : memref<1x16x128xf32, #tpu.memory_space<vmem>> -> memref<16x128xf32, #tpu.memory_space<vmem>>
        %dma_start3A_721 = arith.constant 0 : i32
        %dma_start3A_722 = tpu.memref_slice %arg6[%dma_start3A_721, %multiple_of3A] : memref<16x1000000xf32, #tpu.memory_space<hbm>> -> memref<16x128xf32, #tpu.memory_space<hbm>>
        %dma_start3A_723 = arith.constant 0 : i32
        %dma_start3A_724 = arith.constant 0 : i32
        %dma_start3A_725 = tpu.memref_slice %arg14[%dma_start3A_716, %dma_start3A_723, %dma_start3A_724] : memref<32x16x128xf32, #tpu.memory_space<vmem>> -> memref<1x16x128xf32, #tpu.memory_space<vmem>>
        %dma_start3A_726 = tpu.memref_squeeze %dma_start3A_725 : memref<1x16x128xf32, #tpu.memory_space<vmem>> -> memref<16x128xf32, #tpu.memory_space<vmem>>
        %dma_start3A_727 = arith.constant 0 : i32
        %dma_start3A_728 = tpu.memref_slice %arg6[%dma_start3A_727, %multiple_of3A] : memref<16x1000000xf32, #tpu.memory_space<hbm>> -> memref<16x128xf32, #tpu.memory_space<hbm>>
        tpu.enqueue_dma source(%dma_start3A_728 : memref<16x128xf32, #tpu.memory_space<hbm>>) target(%dma_start3A_726 : memref<16x128xf32, #tpu.memory_space<vmem>>) target_semaphore(%arg22 : memref<!tpu.dma_semaphore, #tpu.memory_space<semaphore_mem>>)
      } else {
      }
      %slice3A_100 = vector.extract_strided_slice %select_n3A {offsets = [6], sizes = [1], strides = [1]} : vector<16xi32> to vector<1xi32>
      %squeeze3A_101 = vector.extract %slice3A_100[0] : i32 from vector<1xi32>
      %eq3A_102 = arith.constant 1 : i32
      %eq3A_103 = arith.cmpi eq, %squeeze3A_101, %eq3A_102 : i32
      %convert_element_type3A_104 = arith.extui %eq3A_103 : i1 to i32
      %cond3A_105 = arith.constant 0 : i32
      %cond3A_106 = arith.cmpi ne, %convert_element_type3A_104, %cond3A_105 : i32
      scf.if %cond3A_106 {
        %slice3A_714 = vector.extract_strided_slice %mul3A_31 {offsets = [6], sizes = [1], strides = [1]} : vector<16xi32> to vector<1xi32>
        %squeeze3A_715 = vector.extract %slice3A_714[0] : i32 from vector<1xi32>
        %multiple_of3A = tpu.assume_multiple %squeeze3A_715, 128 : i32
        %dma_start3A_716 = arith.constant 6 : i32
        %dma_start3A_717 = arith.constant 0 : i32
        %dma_start3A_718 = arith.constant 0 : i32
        %dma_start3A_719 = tpu.memref_slice %arg14[%dma_start3A_716, %dma_start3A_717, %dma_start3A_718] : memref<32x16x128xf32, #tpu.memory_space<vmem>> -> memref<1x16x128xf32, #tpu.memory_space<vmem>>
        %dma_start3A_720 = tpu.memref_squeeze %dma_start3A_719 : memref<1x16x128xf32, #tpu.memory_space<vmem>> -> memref<16x128xf32, #tpu.memory_space<vmem>>
        %dma_start3A_721 = arith.constant 0 : i32
        %dma_start3A_722 = tpu.memref_slice %arg6[%dma_start3A_721, %multiple_of3A] : memref<16x1000000xf32, #tpu.memory_space<hbm>> -> memref<16x128xf32, #tpu.memory_space<hbm>>
        %dma_start3A_723 = arith.constant 0 : i32
        %dma_start3A_724 = arith.constant 0 : i32
        %dma_start3A_725 = tpu.memref_slice %arg14[%dma_start3A_716, %dma_start3A_723, %dma_start3A_724] : memref<32x16x128xf32, #tpu.memory_space<vmem>> -> memref<1x16x128xf32, #tpu.memory_space<vmem>>
        %dma_start3A_726 = tpu.memref_squeeze %dma_start3A_725 : memref<1x16x128xf32, #tpu.memory_space<vmem>> -> memref<16x128xf32, #tpu.memory_space<vmem>>
        %dma_start3A_727 = arith.constant 0 : i32
        %dma_start3A_728 = tpu.memref_slice %arg6[%dma_start3A_727, %multiple_of3A] : memref<16x1000000xf32, #tpu.memory_space<hbm>> -> memref<16x128xf32, #tpu.memory_space<hbm>>
        tpu.enqueue_dma source(%dma_start3A_728 : memref<16x128xf32, #tpu.memory_space<hbm>>) target(%dma_start3A_726 : memref<16x128xf32, #tpu.memory_space<vmem>>) target_semaphore(%arg23 : memref<!tpu.dma_semaphore, #tpu.memory_space<semaphore_mem>>)
      } else {
      }
      %slice3A_107 = vector.extract_strided_slice %select_n3A {offsets = [7], sizes = [1], strides = [1]} : vector<16xi32> to vector<1xi32>
      %squeeze3A_108 = vector.extract %slice3A_107[0] : i32 from vector<1xi32>
      %eq3A_109 = arith.constant 1 : i32
      %eq3A_110 = arith.cmpi eq, %squeeze3A_108, %eq3A_109 : i32
      %convert_element_type3A_111 = arith.extui %eq3A_110 : i1 to i32
      %cond3A_112 = arith.constant 0 : i32
      %cond3A_113 = arith.cmpi ne, %convert_element_type3A_111, %cond3A_112 : i32
      scf.if %cond3A_113 {
        %slice3A_714 = vector.extract_strided_slice %mul3A_31 {offsets = [7], sizes = [1], strides = [1]} : vector<16xi32> to vector<1xi32>
        %squeeze3A_715 = vector.extract %slice3A_714[0] : i32 from vector<1xi32>
        %multiple_of3A = tpu.assume_multiple %squeeze3A_715, 128 : i32
        %dma_start3A_716 = arith.constant 7 : i32
        %dma_start3A_717 = arith.constant 0 : i32
        %dma_start3A_718 = arith.constant 0 : i32
        %dma_start3A_719 = tpu.memref_slice %arg14[%dma_start3A_716, %dma_start3A_717, %dma_start3A_718] : memref<32x16x128xf32, #tpu.memory_space<vmem>> -> memref<1x16x128xf32, #tpu.memory_space<vmem>>
        %dma_start3A_720 = tpu.memref_squeeze %dma_start3A_719 : memref<1x16x128xf32, #tpu.memory_space<vmem>> -> memref<16x128xf32, #tpu.memory_space<vmem>>
        %dma_start3A_721 = arith.constant 0 : i32
        %dma_start3A_722 = tpu.memref_slice %arg6[%dma_start3A_721, %multiple_of3A] : memref<16x1000000xf32, #tpu.memory_space<hbm>> -> memref<16x128xf32, #tpu.memory_space<hbm>>
        %dma_start3A_723 = arith.constant 0 : i32
        %dma_start3A_724 = arith.constant 0 : i32
        %dma_start3A_725 = tpu.memref_slice %arg14[%dma_start3A_716, %dma_start3A_723, %dma_start3A_724] : memref<32x16x128xf32, #tpu.memory_space<vmem>> -> memref<1x16x128xf32, #tpu.memory_space<vmem>>
        %dma_start3A_726 = tpu.memref_squeeze %dma_start3A_725 : memref<1x16x128xf32, #tpu.memory_space<vmem>> -> memref<16x128xf32, #tpu.memory_space<vmem>>
        %dma_start3A_727 = arith.constant 0 : i32
        %dma_start3A_728 = tpu.memref_slice %arg6[%dma_start3A_727, %multiple_of3A] : memref<16x1000000xf32, #tpu.memory_space<hbm>> -> memref<16x128xf32, #tpu.memory_space<hbm>>
        tpu.enqueue_dma source(%dma_start3A_728 : memref<16x128xf32, #tpu.memory_space<hbm>>) target(%dma_start3A_726 : memref<16x128xf32, #tpu.memory_space<vmem>>) target_semaphore(%arg24 : memref<!tpu.dma_semaphore, #tpu.memory_space<semaphore_mem>>)
      } else {
      }
      %slice3A_114 = vector.extract_strided_slice %select_n3A {offsets = [8], sizes = [1], strides = [1]} : vector<16xi32> to vector<1xi32>
      %squeeze3A_115 = vector.extract %slice3A_114[0] : i32 from vector<1xi32>
      %eq3A_116 = arith.constant 1 : i32
      %eq3A_117 = arith.cmpi eq, %squeeze3A_115, %eq3A_116 : i32
      %convert_element_type3A_118 = arith.extui %eq3A_117 : i1 to i32
      %cond3A_119 = arith.constant 0 : i32
      %cond3A_120 = arith.cmpi ne, %convert_element_type3A_118, %cond3A_119 : i32
      scf.if %cond3A_120 {
        %slice3A_714 = vector.extract_strided_slice %mul3A_31 {offsets = [8], sizes = [1], strides = [1]} : vector<16xi32> to vector<1xi32>
        %squeeze3A_715 = vector.extract %slice3A_714[0] : i32 from vector<1xi32>
        %multiple_of3A = tpu.assume_multiple %squeeze3A_715, 128 : i32
        %dma_start3A_716 = arith.constant 8 : i32
        %dma_start3A_717 = arith.constant 0 : i32
        %dma_start3A_718 = arith.constant 0 : i32
        %dma_start3A_719 = tpu.memref_slice %arg14[%dma_start3A_716, %dma_start3A_717, %dma_start3A_718] : memref<32x16x128xf32, #tpu.memory_space<vmem>> -> memref<1x16x128xf32, #tpu.memory_space<vmem>>
        %dma_start3A_720 = tpu.memref_squeeze %dma_start3A_719 : memref<1x16x128xf32, #tpu.memory_space<vmem>> -> memref<16x128xf32, #tpu.memory_space<vmem>>
        %dma_start3A_721 = arith.constant 0 : i32
        %dma_start3A_722 = tpu.memref_slice %arg6[%dma_start3A_721, %multiple_of3A] : memref<16x1000000xf32, #tpu.memory_space<hbm>> -> memref<16x128xf32, #tpu.memory_space<hbm>>
        %dma_start3A_723 = arith.constant 0 : i32
        %dma_start3A_724 = arith.constant 0 : i32
        %dma_start3A_725 = tpu.memref_slice %arg14[%dma_start3A_716, %dma_start3A_723, %dma_start3A_724] : memref<32x16x128xf32, #tpu.memory_space<vmem>> -> memref<1x16x128xf32, #tpu.memory_space<vmem>>
        %dma_start3A_726 = tpu.memref_squeeze %dma_start3A_725 : memref<1x16x128xf32, #tpu.memory_space<vmem>> -> memref<16x128xf32, #tpu.memory_space<vmem>>
        %dma_start3A_727 = arith.constant 0 : i32
        %dma_start3A_728 = tpu.memref_slice %arg6[%dma_start3A_727, %multiple_of3A] : memref<16x1000000xf32, #tpu.memory_space<hbm>> -> memref<16x128xf32, #tpu.memory_space<hbm>>
        tpu.enqueue_dma source(%dma_start3A_728 : memref<16x128xf32, #tpu.memory_space<hbm>>) target(%dma_start3A_726 : memref<16x128xf32, #tpu.memory_space<vmem>>) target_semaphore(%arg25 : memref<!tpu.dma_semaphore, #tpu.memory_space<semaphore_mem>>)
      } else {
      }
      %slice3A_121 = vector.extract_strided_slice %select_n3A {offsets = [9], sizes = [1], strides = [1]} : vector<16xi32> to vector<1xi32>
      %squeeze3A_122 = vector.extract %slice3A_121[0] : i32 from vector<1xi32>
      %eq3A_123 = arith.constant 1 : i32
      %eq3A_124 = arith.cmpi eq, %squeeze3A_122, %eq3A_123 : i32
      %convert_element_type3A_125 = arith.extui %eq3A_124 : i1 to i32
      %cond3A_126 = arith.constant 0 : i32
      %cond3A_127 = arith.cmpi ne, %convert_element_type3A_125, %cond3A_126 : i32
      scf.if %cond3A_127 {
        %slice3A_714 = vector.extract_strided_slice %mul3A_31 {offsets = [9], sizes = [1], strides = [1]} : vector<16xi32> to vector<1xi32>
        %squeeze3A_715 = vector.extract %slice3A_714[0] : i32 from vector<1xi32>
        %multiple_of3A = tpu.assume_multiple %squeeze3A_715, 128 : i32
        %dma_start3A_716 = arith.constant 9 : i32
        %dma_start3A_717 = arith.constant 0 : i32
        %dma_start3A_718 = arith.constant 0 : i32
        %dma_start3A_719 = tpu.memref_slice %arg14[%dma_start3A_716, %dma_start3A_717, %dma_start3A_718] : memref<32x16x128xf32, #tpu.memory_space<vmem>> -> memref<1x16x128xf32, #tpu.memory_space<vmem>>
        %dma_start3A_720 = tpu.memref_squeeze %dma_start3A_719 : memref<1x16x128xf32, #tpu.memory_space<vmem>> -> memref<16x128xf32, #tpu.memory_space<vmem>>
        %dma_start3A_721 = arith.constant 0 : i32
        %dma_start3A_722 = tpu.memref_slice %arg6[%dma_start3A_721, %multiple_of3A] : memref<16x1000000xf32, #tpu.memory_space<hbm>> -> memref<16x128xf32, #tpu.memory_space<hbm>>
        %dma_start3A_723 = arith.constant 0 : i32
        %dma_start3A_724 = arith.constant 0 : i32
        %dma_start3A_725 = tpu.memref_slice %arg14[%dma_start3A_716, %dma_start3A_723, %dma_start3A_724] : memref<32x16x128xf32, #tpu.memory_space<vmem>> -> memref<1x16x128xf32, #tpu.memory_space<vmem>>
        %dma_start3A_726 = tpu.memref_squeeze %dma_start3A_725 : memref<1x16x128xf32, #tpu.memory_space<vmem>> -> memref<16x128xf32, #tpu.memory_space<vmem>>
        %dma_start3A_727 = arith.constant 0 : i32
        %dma_start3A_728 = tpu.memref_slice %arg6[%dma_start3A_727, %multiple_of3A] : memref<16x1000000xf32, #tpu.memory_space<hbm>> -> memref<16x128xf32, #tpu.memory_space<hbm>>
        tpu.enqueue_dma source(%dma_start3A_728 : memref<16x128xf32, #tpu.memory_space<hbm>>) target(%dma_start3A_726 : memref<16x128xf32, #tpu.memory_space<vmem>>) target_semaphore(%arg26 : memref<!tpu.dma_semaphore, #tpu.memory_space<semaphore_mem>>)
      } else {
      }
      %slice3A_128 = vector.extract_strided_slice %select_n3A {offsets = [10], sizes = [1], strides = [1]} : vector<16xi32> to vector<1xi32>
      %squeeze3A_129 = vector.extract %slice3A_128[0] : i32 from vector<1xi32>
      %eq3A_130 = arith.constant 1 : i32
      %eq3A_131 = arith.cmpi eq, %squeeze3A_129, %eq3A_130 : i32
      %convert_element_type3A_132 = arith.extui %eq3A_131 : i1 to i32
      %cond3A_133 = arith.constant 0 : i32
      %cond3A_134 = arith.cmpi ne, %convert_element_type3A_132, %cond3A_133 : i32
      scf.if %cond3A_134 {
        %slice3A_714 = vector.extract_strided_slice %mul3A_31 {offsets = [10], sizes = [1], strides = [1]} : vector<16xi32> to vector<1xi32>
        %squeeze3A_715 = vector.extract %slice3A_714[0] : i32 from vector<1xi32>
        %multiple_of3A = tpu.assume_multiple %squeeze3A_715, 128 : i32
        %dma_start3A_716 = arith.constant 10 : i32
        %dma_start3A_717 = arith.constant 0 : i32
        %dma_start3A_718 = arith.constant 0 : i32
        %dma_start3A_719 = tpu.memref_slice %arg14[%dma_start3A_716, %dma_start3A_717, %dma_start3A_718] : memref<32x16x128xf32, #tpu.memory_space<vmem>> -> memref<1x16x128xf32, #tpu.memory_space<vmem>>
        %dma_start3A_720 = tpu.memref_squeeze %dma_start3A_719 : memref<1x16x128xf32, #tpu.memory_space<vmem>> -> memref<16x128xf32, #tpu.memory_space<vmem>>
        %dma_start3A_721 = arith.constant 0 : i32
        %dma_start3A_722 = tpu.memref_slice %arg6[%dma_start3A_721, %multiple_of3A] : memref<16x1000000xf32, #tpu.memory_space<hbm>> -> memref<16x128xf32, #tpu.memory_space<hbm>>
        %dma_start3A_723 = arith.constant 0 : i32
        %dma_start3A_724 = arith.constant 0 : i32
        %dma_start3A_725 = tpu.memref_slice %arg14[%dma_start3A_716, %dma_start3A_723, %dma_start3A_724] : memref<32x16x128xf32, #tpu.memory_space<vmem>> -> memref<1x16x128xf32, #tpu.memory_space<vmem>>
        %dma_start3A_726 = tpu.memref_squeeze %dma_start3A_725 : memref<1x16x128xf32, #tpu.memory_space<vmem>> -> memref<16x128xf32, #tpu.memory_space<vmem>>
        %dma_start3A_727 = arith.constant 0 : i32
        %dma_start3A_728 = tpu.memref_slice %arg6[%dma_start3A_727, %multiple_of3A] : memref<16x1000000xf32, #tpu.memory_space<hbm>> -> memref<16x128xf32, #tpu.memory_space<hbm>>
        tpu.enqueue_dma source(%dma_start3A_728 : memref<16x128xf32, #tpu.memory_space<hbm>>) target(%dma_start3A_726 : memref<16x128xf32, #tpu.memory_space<vmem>>) target_semaphore(%arg27 : memref<!tpu.dma_semaphore, #tpu.memory_space<semaphore_mem>>)
      } else {
      }
      %slice3A_135 = vector.extract_strided_slice %select_n3A {offsets = [11], sizes = [1], strides = [1]} : vector<16xi32> to vector<1xi32>
      %squeeze3A_136 = vector.extract %slice3A_135[0] : i32 from vector<1xi32>
      %eq3A_137 = arith.constant 1 : i32
      %eq3A_138 = arith.cmpi eq, %squeeze3A_136, %eq3A_137 : i32
      %convert_element_type3A_139 = arith.extui %eq3A_138 : i1 to i32
      %cond3A_140 = arith.constant 0 : i32
      %cond3A_141 = arith.cmpi ne, %convert_element_type3A_139, %cond3A_140 : i32
      scf.if %cond3A_141 {
        %slice3A_714 = vector.extract_strided_slice %mul3A_31 {offsets = [11], sizes = [1], strides = [1]} : vector<16xi32> to vector<1xi32>
        %squeeze3A_715 = vector.extract %slice3A_714[0] : i32 from vector<1xi32>
        %multiple_of3A = tpu.assume_multiple %squeeze3A_715, 128 : i32
        %dma_start3A_716 = arith.constant 11 : i32
        %dma_start3A_717 = arith.constant 0 : i32
        %dma_start3A_718 = arith.constant 0 : i32
        %dma_start3A_719 = tpu.memref_slice %arg14[%dma_start3A_716, %dma_start3A_717, %dma_start3A_718] : memref<32x16x128xf32, #tpu.memory_space<vmem>> -> memref<1x16x128xf32, #tpu.memory_space<vmem>>
        %dma_start3A_720 = tpu.memref_squeeze %dma_start3A_719 : memref<1x16x128xf32, #tpu.memory_space<vmem>> -> memref<16x128xf32, #tpu.memory_space<vmem>>
        %dma_start3A_721 = arith.constant 0 : i32
        %dma_start3A_722 = tpu.memref_slice %arg6[%dma_start3A_721, %multiple_of3A] : memref<16x1000000xf32, #tpu.memory_space<hbm>> -> memref<16x128xf32, #tpu.memory_space<hbm>>
        %dma_start3A_723 = arith.constant 0 : i32
        %dma_start3A_724 = arith.constant 0 : i32
        %dma_start3A_725 = tpu.memref_slice %arg14[%dma_start3A_716, %dma_start3A_723, %dma_start3A_724] : memref<32x16x128xf32, #tpu.memory_space<vmem>> -> memref<1x16x128xf32, #tpu.memory_space<vmem>>
        %dma_start3A_726 = tpu.memref_squeeze %dma_start3A_725 : memref<1x16x128xf32, #tpu.memory_space<vmem>> -> memref<16x128xf32, #tpu.memory_space<vmem>>
        %dma_start3A_727 = arith.constant 0 : i32
        %dma_start3A_728 = tpu.memref_slice %arg6[%dma_start3A_727, %multiple_of3A] : memref<16x1000000xf32, #tpu.memory_space<hbm>> -> memref<16x128xf32, #tpu.memory_space<hbm>>
        tpu.enqueue_dma source(%dma_start3A_728 : memref<16x128xf32, #tpu.memory_space<hbm>>) target(%dma_start3A_726 : memref<16x128xf32, #tpu.memory_space<vmem>>) target_semaphore(%arg28 : memref<!tpu.dma_semaphore, #tpu.memory_space<semaphore_mem>>)
      } else {
      }
      %slice3A_142 = vector.extract_strided_slice %select_n3A {offsets = [12], sizes = [1], strides = [1]} : vector<16xi32> to vector<1xi32>
      %squeeze3A_143 = vector.extract %slice3A_142[0] : i32 from vector<1xi32>
      %eq3A_144 = arith.constant 1 : i32
      %eq3A_145 = arith.cmpi eq, %squeeze3A_143, %eq3A_144 : i32
      %convert_element_type3A_146 = arith.extui %eq3A_145 : i1 to i32
      %cond3A_147 = arith.constant 0 : i32
      %cond3A_148 = arith.cmpi ne, %convert_element_type3A_146, %cond3A_147 : i32
      scf.if %cond3A_148 {
        %slice3A_714 = vector.extract_strided_slice %mul3A_31 {offsets = [12], sizes = [1], strides = [1]} : vector<16xi32> to vector<1xi32>
        %squeeze3A_715 = vector.extract %slice3A_714[0] : i32 from vector<1xi32>
        %multiple_of3A = tpu.assume_multiple %squeeze3A_715, 128 : i32
        %dma_start3A_716 = arith.constant 12 : i32
        %dma_start3A_717 = arith.constant 0 : i32
        %dma_start3A_718 = arith.constant 0 : i32
        %dma_start3A_719 = tpu.memref_slice %arg14[%dma_start3A_716, %dma_start3A_717, %dma_start3A_718] : memref<32x16x128xf32, #tpu.memory_space<vmem>> -> memref<1x16x128xf32, #tpu.memory_space<vmem>>
        %dma_start3A_720 = tpu.memref_squeeze %dma_start3A_719 : memref<1x16x128xf32, #tpu.memory_space<vmem>> -> memref<16x128xf32, #tpu.memory_space<vmem>>
        %dma_start3A_721 = arith.constant 0 : i32
        %dma_start3A_722 = tpu.memref_slice %arg6[%dma_start3A_721, %multiple_of3A] : memref<16x1000000xf32, #tpu.memory_space<hbm>> -> memref<16x128xf32, #tpu.memory_space<hbm>>
        %dma_start3A_723 = arith.constant 0 : i32
        %dma_start3A_724 = arith.constant 0 : i32
        %dma_start3A_725 = tpu.memref_slice %arg14[%dma_start3A_716, %dma_start3A_723, %dma_start3A_724] : memref<32x16x128xf32, #tpu.memory_space<vmem>> -> memref<1x16x128xf32, #tpu.memory_space<vmem>>
        %dma_start3A_726 = tpu.memref_squeeze %dma_start3A_725 : memref<1x16x128xf32, #tpu.memory_space<vmem>> -> memref<16x128xf32, #tpu.memory_space<vmem>>
        %dma_start3A_727 = arith.constant 0 : i32
        %dma_start3A_728 = tpu.memref_slice %arg6[%dma_start3A_727, %multiple_of3A] : memref<16x1000000xf32, #tpu.memory_space<hbm>> -> memref<16x128xf32, #tpu.memory_space<hbm>>
        tpu.enqueue_dma source(%dma_start3A_728 : memref<16x128xf32, #tpu.memory_space<hbm>>) target(%dma_start3A_726 : memref<16x128xf32, #tpu.memory_space<vmem>>) target_semaphore(%arg29 : memref<!tpu.dma_semaphore, #tpu.memory_space<semaphore_mem>>)
      } else {
      }
      %slice3A_149 = vector.extract_strided_slice %select_n3A {offsets = [13], sizes = [1], strides = [1]} : vector<16xi32> to vector<1xi32>
      %squeeze3A_150 = vector.extract %slice3A_149[0] : i32 from vector<1xi32>
      %eq3A_151 = arith.constant 1 : i32
      %eq3A_152 = arith.cmpi eq, %squeeze3A_150, %eq3A_151 : i32
      %convert_element_type3A_153 = arith.extui %eq3A_152 : i1 to i32
      %cond3A_154 = arith.constant 0 : i32
      %cond3A_155 = arith.cmpi ne, %convert_element_type3A_153, %cond3A_154 : i32
      scf.if %cond3A_155 {
        %slice3A_714 = vector.extract_strided_slice %mul3A_31 {offsets = [13], sizes = [1], strides = [1]} : vector<16xi32> to vector<1xi32>
        %squeeze3A_715 = vector.extract %slice3A_714[0] : i32 from vector<1xi32>
        %multiple_of3A = tpu.assume_multiple %squeeze3A_715, 128 : i32
        %dma_start3A_716 = arith.constant 13 : i32
        %dma_start3A_717 = arith.constant 0 : i32
        %dma_start3A_718 = arith.constant 0 : i32
        %dma_start3A_719 = tpu.memref_slice %arg14[%dma_start3A_716, %dma_start3A_717, %dma_start3A_718] : memref<32x16x128xf32, #tpu.memory_space<vmem>> -> memref<1x16x128xf32, #tpu.memory_space<vmem>>
        %dma_start3A_720 = tpu.memref_squeeze %dma_start3A_719 : memref<1x16x128xf32, #tpu.memory_space<vmem>> -> memref<16x128xf32, #tpu.memory_space<vmem>>
        %dma_start3A_721 = arith.constant 0 : i32
        %dma_start3A_722 = tpu.memref_slice %arg6[%dma_start3A_721, %multiple_of3A] : memref<16x1000000xf32, #tpu.memory_space<hbm>> -> memref<16x128xf32, #tpu.memory_space<hbm>>
        %dma_start3A_723 = arith.constant 0 : i32
        %dma_start3A_724 = arith.constant 0 : i32
        %dma_start3A_725 = tpu.memref_slice %arg14[%dma_start3A_716, %dma_start3A_723, %dma_start3A_724] : memref<32x16x128xf32, #tpu.memory_space<vmem>> -> memref<1x16x128xf32, #tpu.memory_space<vmem>>
        %dma_start3A_726 = tpu.memref_squeeze %dma_start3A_725 : memref<1x16x128xf32, #tpu.memory_space<vmem>> -> memref<16x128xf32, #tpu.memory_space<vmem>>
        %dma_start3A_727 = arith.constant 0 : i32
        %dma_start3A_728 = tpu.memref_slice %arg6[%dma_start3A_727, %multiple_of3A] : memref<16x1000000xf32, #tpu.memory_space<hbm>> -> memref<16x128xf32, #tpu.memory_space<hbm>>
        tpu.enqueue_dma source(%dma_start3A_728 : memref<16x128xf32, #tpu.memory_space<hbm>>) target(%dma_start3A_726 : memref<16x128xf32, #tpu.memory_space<vmem>>) target_semaphore(%arg30 : memref<!tpu.dma_semaphore, #tpu.memory_space<semaphore_mem>>)
      } else {
      }
      %slice3A_156 = vector.extract_strided_slice %select_n3A {offsets = [14], sizes = [1], strides = [1]} : vector<16xi32> to vector<1xi32>
      %squeeze3A_157 = vector.extract %slice3A_156[0] : i32 from vector<1xi32>
      %eq3A_158 = arith.constant 1 : i32
      %eq3A_159 = arith.cmpi eq, %squeeze3A_157, %eq3A_158 : i32
      %convert_element_type3A_160 = arith.extui %eq3A_159 : i1 to i32
      %cond3A_161 = arith.constant 0 : i32
      %cond3A_162 = arith.cmpi ne, %convert_element_type3A_160, %cond3A_161 : i32
      scf.if %cond3A_162 {
        %slice3A_714 = vector.extract_strided_slice %mul3A_31 {offsets = [14], sizes = [1], strides = [1]} : vector<16xi32> to vector<1xi32>
        %squeeze3A_715 = vector.extract %slice3A_714[0] : i32 from vector<1xi32>
        %multiple_of3A = tpu.assume_multiple %squeeze3A_715, 128 : i32
        %dma_start3A_716 = arith.constant 14 : i32
        %dma_start3A_717 = arith.constant 0 : i32
        %dma_start3A_718 = arith.constant 0 : i32
        %dma_start3A_719 = tpu.memref_slice %arg14[%dma_start3A_716, %dma_start3A_717, %dma_start3A_718] : memref<32x16x128xf32, #tpu.memory_space<vmem>> -> memref<1x16x128xf32, #tpu.memory_space<vmem>>
        %dma_start3A_720 = tpu.memref_squeeze %dma_start3A_719 : memref<1x16x128xf32, #tpu.memory_space<vmem>> -> memref<16x128xf32, #tpu.memory_space<vmem>>
        %dma_start3A_721 = arith.constant 0 : i32
        %dma_start3A_722 = tpu.memref_slice %arg6[%dma_start3A_721, %multiple_of3A] : memref<16x1000000xf32, #tpu.memory_space<hbm>> -> memref<16x128xf32, #tpu.memory_space<hbm>>
        %dma_start3A_723 = arith.constant 0 : i32
        %dma_start3A_724 = arith.constant 0 : i32
        %dma_start3A_725 = tpu.memref_slice %arg14[%dma_start3A_716, %dma_start3A_723, %dma_start3A_724] : memref<32x16x128xf32, #tpu.memory_space<vmem>> -> memref<1x16x128xf32, #tpu.memory_space<vmem>>
        %dma_start3A_726 = tpu.memref_squeeze %dma_start3A_725 : memref<1x16x128xf32, #tpu.memory_space<vmem>> -> memref<16x128xf32, #tpu.memory_space<vmem>>
        %dma_start3A_727 = arith.constant 0 : i32
        %dma_start3A_728 = tpu.memref_slice %arg6[%dma_start3A_727, %multiple_of3A] : memref<16x1000000xf32, #tpu.memory_space<hbm>> -> memref<16x128xf32, #tpu.memory_space<hbm>>
        tpu.enqueue_dma source(%dma_start3A_728 : memref<16x128xf32, #tpu.memory_space<hbm>>) target(%dma_start3A_726 : memref<16x128xf32, #tpu.memory_space<vmem>>) target_semaphore(%arg31 : memref<!tpu.dma_semaphore, #tpu.memory_space<semaphore_mem>>)
      } else {
      }
      %slice3A_163 = vector.extract_strided_slice %select_n3A {offsets = [15], sizes = [1], strides = [1]} : vector<16xi32> to vector<1xi32>
      %squeeze3A_164 = vector.extract %slice3A_163[0] : i32 from vector<1xi32>
      %eq3A_165 = arith.constant 1 : i32
      %eq3A_166 = arith.cmpi eq, %squeeze3A_164, %eq3A_165 : i32
      %convert_element_type3A_167 = arith.extui %eq3A_166 : i1 to i32
      %cond3A_168 = arith.constant 0 : i32
      %cond3A_169 = arith.cmpi ne, %convert_element_type3A_167, %cond3A_168 : i32
      scf.if %cond3A_169 {
        %slice3A_714 = vector.extract_strided_slice %mul3A_31 {offsets = [15], sizes = [1], strides = [1]} : vector<16xi32> to vector<1xi32>
        %squeeze3A_715 = vector.extract %slice3A_714[0] : i32 from vector<1xi32>
        %multiple_of3A = tpu.assume_multiple %squeeze3A_715, 128 : i32
        %dma_start3A_716 = arith.constant 15 : i32
        %dma_start3A_717 = arith.constant 0 : i32
        %dma_start3A_718 = arith.constant 0 : i32
        %dma_start3A_719 = tpu.memref_slice %arg14[%dma_start3A_716, %dma_start3A_717, %dma_start3A_718] : memref<32x16x128xf32, #tpu.memory_space<vmem>> -> memref<1x16x128xf32, #tpu.memory_space<vmem>>
        %dma_start3A_720 = tpu.memref_squeeze %dma_start3A_719 : memref<1x16x128xf32, #tpu.memory_space<vmem>> -> memref<16x128xf32, #tpu.memory_space<vmem>>
        %dma_start3A_721 = arith.constant 0 : i32
        %dma_start3A_722 = tpu.memref_slice %arg6[%dma_start3A_721, %multiple_of3A] : memref<16x1000000xf32, #tpu.memory_space<hbm>> -> memref<16x128xf32, #tpu.memory_space<hbm>>
        %dma_start3A_723 = arith.constant 0 : i32
        %dma_start3A_724 = arith.constant 0 : i32
        %dma_start3A_725 = tpu.memref_slice %arg14[%dma_start3A_716, %dma_start3A_723, %dma_start3A_724] : memref<32x16x128xf32, #tpu.memory_space<vmem>> -> memref<1x16x128xf32, #tpu.memory_space<vmem>>
        %dma_start3A_726 = tpu.memref_squeeze %dma_start3A_725 : memref<1x16x128xf32, #tpu.memory_space<vmem>> -> memref<16x128xf32, #tpu.memory_space<vmem>>
        %dma_start3A_727 = arith.constant 0 : i32
        %dma_start3A_728 = tpu.memref_slice %arg6[%dma_start3A_727, %multiple_of3A] : memref<16x1000000xf32, #tpu.memory_space<hbm>> -> memref<16x128xf32, #tpu.memory_space<hbm>>
        tpu.enqueue_dma source(%dma_start3A_728 : memref<16x128xf32, #tpu.memory_space<hbm>>) target(%dma_start3A_726 : memref<16x128xf32, #tpu.memory_space<vmem>>) target_semaphore(%arg32 : memref<!tpu.dma_semaphore, #tpu.memory_space<semaphore_mem>>)
      } else {
      }
      %slice3A_170 = vector.extract_strided_slice %select_n3A {offsets = [0], sizes = [1], strides = [1]} : vector<16xi32> to vector<1xi32>
      %squeeze3A_171 = vector.extract %slice3A_170[0] : i32 from vector<1xi32>
      %eq3A_172 = arith.constant 1 : i32
      %eq3A_173 = arith.cmpi eq, %squeeze3A_171, %eq3A_172 : i32
      %convert_element_type3A_174 = arith.extui %eq3A_173 : i1 to i32
      %cond3A_175 = arith.constant 0 : i32
      %cond3A_176 = arith.cmpi ne, %convert_element_type3A_174, %cond3A_175 : i32
      scf.if %cond3A_176 {
        %dma_wait3A_714 = arith.constant 0 : i32
        %dma_wait3A_715 = arith.constant 0 : i32
        %dma_wait3A_716 = arith.constant 0 : i32
        %dma_wait3A_717 = tpu.memref_slice %arg14[%dma_wait3A_714, %dma_wait3A_715, %dma_wait3A_716] : memref<32x16x128xf32, #tpu.memory_space<vmem>> -> memref<1x16x128xf32, #tpu.memory_space<vmem>>
        %dma_wait3A_718 = tpu.memref_squeeze %dma_wait3A_717 : memref<1x16x128xf32, #tpu.memory_space<vmem>> -> memref<16x128xf32, #tpu.memory_space<vmem>>
        %dma_wait3A_719 = arith.constant 0 : i32
        %dma_wait3A_720 = arith.constant 0 : i32
        %dma_wait3A_721 = tpu.memref_slice %arg6[%dma_wait3A_719, %dma_wait3A_720] : memref<16x1000000xf32, #tpu.memory_space<hbm>> -> memref<16x128xf32, #tpu.memory_space<hbm>>
        %dma_wait3A_722 = arith.constant 0 : i32
        %dma_wait3A_723 = arith.constant 0 : i32
        %dma_wait3A_724 = tpu.memref_slice %arg14[%dma_wait3A_714, %dma_wait3A_722, %dma_wait3A_723] : memref<32x16x128xf32, #tpu.memory_space<vmem>> -> memref<1x16x128xf32, #tpu.memory_space<vmem>>
        %dma_wait3A_725 = tpu.memref_squeeze %dma_wait3A_724 : memref<1x16x128xf32, #tpu.memory_space<vmem>> -> memref<16x128xf32, #tpu.memory_space<vmem>>
        %dma_wait3A_726 = arith.constant 0 : i32
        %dma_wait3A_727 = arith.constant 0 : i32
        %dma_wait3A_728 = tpu.memref_slice %arg6[%dma_wait3A_726, %dma_wait3A_727] : memref<16x1000000xf32, #tpu.memory_space<hbm>> -> memref<16x128xf32, #tpu.memory_space<hbm>>
        tpu.wait_dma2 semaphore(%arg17 : memref<!tpu.dma_semaphore, #tpu.memory_space<semaphore_mem>>) src(%dma_wait3A_728 : memref<16x128xf32, #tpu.memory_space<hbm>>) dst(%dma_wait3A_725 : memref<16x128xf32, #tpu.memory_space<vmem>>)
      } else {
      }
      %slice3A_177 = vector.extract_strided_slice %masked_cummax3A_61 {offsets = [0], sizes = [1], strides = [1]} : vector<16xi32> to vector<1xi32>
      %squeeze3A_178 = vector.extract %slice3A_177[0] : i32 from vector<1xi32>
      %add3A_179 = arith.constant 0 : i32
      %add3A_180 = arith.addi %add3A_179, %squeeze3A_178 : i32
      %broadcast_in_dim3A_181 = vector.broadcast %add3A_180 : i32 to vector<16xi32>
      %slice3A_182 = vector.extract_strided_slice %and3A_26 {offsets = [0], sizes = [1], strides = [1]} : vector<16xi32> to vector<1xi32>
      %squeeze3A_183 = vector.extract %slice3A_182[0] : i32 from vector<1xi32>
      %broadcast_in_dim3A_184 = vector.broadcast %squeeze3A_183 : i32 to vector<16xi32>
      %gather3A = tpu.vector_load_idx %arg14[%broadcast_in_dim3A_181, %iota3A, %broadcast_in_dim3A_184] : memref<32x16x128xf32, #tpu.memory_space<vmem>>[vector<16xi32>, vector<16xi32>, vector<16xi32>], vector<16xf32>,
      %add3A_185 = arith.constant 0 : i32
      %add3A_186 = arith.addi %mul3A_23, %add3A_185 : i32
      %mul3A_187 = arith.constant 16 : i32
      %mul3A_188 = arith.muli %add3A_186, %mul3A_187 : i32
      %add3A_189 = vector.broadcast %mul3A_188 : i32 to vector<16xi32>
      %add3A_190 = arith.addi %add3A_189, %iota3A : vector<16xi32>
      tpu.vector_store_idx %arg15[%add3A_190], %gather3A : memref<8192xf32, #tpu.memory_space<vmem>>[vector<16xi32>], vector<16xf32>,
      %slice3A_191 = vector.extract_strided_slice %select_n3A {offsets = [1], sizes = [1], strides = [1]} : vector<16xi32> to vector<1xi32>
      %squeeze3A_192 = vector.extract %slice3A_191[0] : i32 from vector<1xi32>
      %eq3A_193 = arith.constant 1 : i32
      %eq3A_194 = arith.cmpi eq, %squeeze3A_192, %eq3A_193 : i32
      %convert_element_type3A_195 = arith.extui %eq3A_194 : i1 to i32
      %cond3A_196 = arith.constant 0 : i32
      %cond3A_197 = arith.cmpi ne, %convert_element_type3A_195, %cond3A_196 : i32
      scf.if %cond3A_197 {
        %dma_wait3A_714 = arith.constant 1 : i32
        %dma_wait3A_715 = arith.constant 0 : i32
        %dma_wait3A_716 = arith.constant 0 : i32
        %dma_wait3A_717 = tpu.memref_slice %arg14[%dma_wait3A_714, %dma_wait3A_715, %dma_wait3A_716] : memref<32x16x128xf32, #tpu.memory_space<vmem>> -> memref<1x16x128xf32, #tpu.memory_space<vmem>>
        %dma_wait3A_718 = tpu.memref_squeeze %dma_wait3A_717 : memref<1x16x128xf32, #tpu.memory_space<vmem>> -> memref<16x128xf32, #tpu.memory_space<vmem>>
        %dma_wait3A_719 = arith.constant 0 : i32
        %dma_wait3A_720 = arith.constant 0 : i32
        %dma_wait3A_721 = tpu.memref_slice %arg6[%dma_wait3A_719, %dma_wait3A_720] : memref<16x1000000xf32, #tpu.memory_space<hbm>> -> memref<16x128xf32, #tpu.memory_space<hbm>>
        %dma_wait3A_722 = arith.constant 0 : i32
        %dma_wait3A_723 = arith.constant 0 : i32
        %dma_wait3A_724 = tpu.memref_slice %arg14[%dma_wait3A_714, %dma_wait3A_722, %dma_wait3A_723] : memref<32x16x128xf32, #tpu.memory_space<vmem>> -> memref<1x16x128xf32, #tpu.memory_space<vmem>>
        %dma_wait3A_725 = tpu.memref_squeeze %dma_wait3A_724 : memref<1x16x128xf32, #tpu.memory_space<vmem>> -> memref<16x128xf32, #tpu.memory_space<vmem>>
        %dma_wait3A_726 = arith.constant 0 : i32
        %dma_wait3A_727 = arith.constant 0 : i32
        %dma_wait3A_728 = tpu.memref_slice %arg6[%dma_wait3A_726, %dma_wait3A_727] : memref<16x1000000xf32, #tpu.memory_space<hbm>> -> memref<16x128xf32, #tpu.memory_space<hbm>>
        tpu.wait_dma2 semaphore(%arg18 : memref<!tpu.dma_semaphore, #tpu.memory_space<semaphore_mem>>) src(%dma_wait3A_728 : memref<16x128xf32, #tpu.memory_space<hbm>>) dst(%dma_wait3A_725 : memref<16x128xf32, #tpu.memory_space<vmem>>)
      } else {
      }
      %slice3A_198 = vector.extract_strided_slice %masked_cummax3A_61 {offsets = [1], sizes = [1], strides = [1]} : vector<16xi32> to vector<1xi32>
      %squeeze3A_199 = vector.extract %slice3A_198[0] : i32 from vector<1xi32>
      %add3A_200 = arith.constant 0 : i32
      %add3A_201 = arith.addi %add3A_200, %squeeze3A_199 : i32
      %broadcast_in_dim3A_202 = vector.broadcast %add3A_201 : i32 to vector<16xi32>
      %slice3A_203 = vector.extract_strided_slice %and3A_26 {offsets = [1], sizes = [1], strides = [1]} : vector<16xi32> to vector<1xi32>
      %squeeze3A_204 = vector.extract %slice3A_203[0] : i32 from vector<1xi32>
      %broadcast_in_dim3A_205 = vector.broadcast %squeeze3A_204 : i32 to vector<16xi32>
      %gather3A_206 = tpu.vector_load_idx %arg14[%broadcast_in_dim3A_202, %iota3A, %broadcast_in_dim3A_205] : memref<32x16x128xf32, #tpu.memory_space<vmem>>[vector<16xi32>, vector<16xi32>, vector<16xi32>], vector<16xf32>,
      %add3A_207 = arith.constant 1 : i32
      %add3A_208 = arith.addi %mul3A_23, %add3A_207 : i32
      %mul3A_209 = arith.constant 16 : i32
      %mul3A_210 = arith.muli %add3A_208, %mul3A_209 : i32
      %add3A_211 = vector.broadcast %mul3A_210 : i32 to vector<16xi32>
      %add3A_212 = arith.addi %add3A_211, %iota3A : vector<16xi32>
      tpu.vector_store_idx %arg15[%add3A_212], %gather3A_206 : memref<8192xf32, #tpu.memory_space<vmem>>[vector<16xi32>], vector<16xf32>,
      %slice3A_213 = vector.extract_strided_slice %select_n3A {offsets = [2], sizes = [1], strides = [1]} : vector<16xi32> to vector<1xi32>
      %squeeze3A_214 = vector.extract %slice3A_213[0] : i32 from vector<1xi32>
      %eq3A_215 = arith.constant 1 : i32
      %eq3A_216 = arith.cmpi eq, %squeeze3A_214, %eq3A_215 : i32
      %convert_element_type3A_217 = arith.extui %eq3A_216 : i1 to i32
      %cond3A_218 = arith.constant 0 : i32
      %cond3A_219 = arith.cmpi ne, %convert_element_type3A_217, %cond3A_218 : i32
      scf.if %cond3A_219 {
        %dma_wait3A_714 = arith.constant 2 : i32
        %dma_wait3A_715 = arith.constant 0 : i32
        %dma_wait3A_716 = arith.constant 0 : i32
        %dma_wait3A_717 = tpu.memref_slice %arg14[%dma_wait3A_714, %dma_wait3A_715, %dma_wait3A_716] : memref<32x16x128xf32, #tpu.memory_space<vmem>> -> memref<1x16x128xf32, #tpu.memory_space<vmem>>
        %dma_wait3A_718 = tpu.memref_squeeze %dma_wait3A_717 : memref<1x16x128xf32, #tpu.memory_space<vmem>> -> memref<16x128xf32, #tpu.memory_space<vmem>>
        %dma_wait3A_719 = arith.constant 0 : i32
        %dma_wait3A_720 = arith.constant 0 : i32
        %dma_wait3A_721 = tpu.memref_slice %arg6[%dma_wait3A_719, %dma_wait3A_720] : memref<16x1000000xf32, #tpu.memory_space<hbm>> -> memref<16x128xf32, #tpu.memory_space<hbm>>
        %dma_wait3A_722 = arith.constant 0 : i32
        %dma_wait3A_723 = arith.constant 0 : i32
        %dma_wait3A_724 = tpu.memref_slice %arg14[%dma_wait3A_714, %dma_wait3A_722, %dma_wait3A_723] : memref<32x16x128xf32, #tpu.memory_space<vmem>> -> memref<1x16x128xf32, #tpu.memory_space<vmem>>
        %dma_wait3A_725 = tpu.memref_squeeze %dma_wait3A_724 : memref<1x16x128xf32, #tpu.memory_space<vmem>> -> memref<16x128xf32, #tpu.memory_space<vmem>>
        %dma_wait3A_726 = arith.constant 0 : i32
        %dma_wait3A_727 = arith.constant 0 : i32
        %dma_wait3A_728 = tpu.memref_slice %arg6[%dma_wait3A_726, %dma_wait3A_727] : memref<16x1000000xf32, #tpu.memory_space<hbm>> -> memref<16x128xf32, #tpu.memory_space<hbm>>
        tpu.wait_dma2 semaphore(%arg19 : memref<!tpu.dma_semaphore, #tpu.memory_space<semaphore_mem>>) src(%dma_wait3A_728 : memref<16x128xf32, #tpu.memory_space<hbm>>) dst(%dma_wait3A_725 : memref<16x128xf32, #tpu.memory_space<vmem>>)
      } else {
      }
      %slice3A_220 = vector.extract_strided_slice %masked_cummax3A_61 {offsets = [2], sizes = [1], strides = [1]} : vector<16xi32> to vector<1xi32>
      %squeeze3A_221 = vector.extract %slice3A_220[0] : i32 from vector<1xi32>
      %add3A_222 = arith.constant 0 : i32
      %add3A_223 = arith.addi %add3A_222, %squeeze3A_221 : i32
      %broadcast_in_dim3A_224 = vector.broadcast %add3A_223 : i32 to vector<16xi32>
      %slice3A_225 = vector.extract_strided_slice %and3A_26 {offsets = [2], sizes = [1], strides = [1]} : vector<16xi32> to vector<1xi32>
      %squeeze3A_226 = vector.extract %slice3A_225[0] : i32 from vector<1xi32>
      %broadcast_in_dim3A_227 = vector.broadcast %squeeze3A_226 : i32 to vector<16xi32>
      %gather3A_228 = tpu.vector_load_idx %arg14[%broadcast_in_dim3A_224, %iota3A, %broadcast_in_dim3A_227] : memref<32x16x128xf32, #tpu.memory_space<vmem>>[vector<16xi32>, vector<16xi32>, vector<16xi32>], vector<16xf32>,
      %add3A_229 = arith.constant 2 : i32
      %add3A_230 = arith.addi %mul3A_23, %add3A_229 : i32
      %mul3A_231 = arith.constant 16 : i32
      %mul3A_232 = arith.muli %add3A_230, %mul3A_231 : i32
      %add3A_233 = vector.broadcast %mul3A_232 : i32 to vector<16xi32>
      %add3A_234 = arith.addi %add3A_233, %iota3A : vector<16xi32>
      tpu.vector_store_idx %arg15[%add3A_234], %gather3A_228 : memref<8192xf32, #tpu.memory_space<vmem>>[vector<16xi32>], vector<16xf32>,
      %slice3A_235 = vector.extract_strided_slice %select_n3A {offsets = [3], sizes = [1], strides = [1]} : vector<16xi32> to vector<1xi32>
      %squeeze3A_236 = vector.extract %slice3A_235[0] : i32 from vector<1xi32>
      %eq3A_237 = arith.constant 1 : i32
      %eq3A_238 = arith.cmpi eq, %squeeze3A_236, %eq3A_237 : i32
      %convert_element_type3A_239 = arith.extui %eq3A_238 : i1 to i32
      %cond3A_240 = arith.constant 0 : i32
      %cond3A_241 = arith.cmpi ne, %convert_element_type3A_239, %cond3A_240 : i32
      scf.if %cond3A_241 {
        %dma_wait3A_714 = arith.constant 3 : i32
        %dma_wait3A_715 = arith.constant 0 : i32
        %dma_wait3A_716 = arith.constant 0 : i32
        %dma_wait3A_717 = tpu.memref_slice %arg14[%dma_wait3A_714, %dma_wait3A_715, %dma_wait3A_716] : memref<32x16x128xf32, #tpu.memory_space<vmem>> -> memref<1x16x128xf32, #tpu.memory_space<vmem>>
        %dma_wait3A_718 = tpu.memref_squeeze %dma_wait3A_717 : memref<1x16x128xf32, #tpu.memory_space<vmem>> -> memref<16x128xf32, #tpu.memory_space<vmem>>
        %dma_wait3A_719 = arith.constant 0 : i32
        %dma_wait3A_720 = arith.constant 0 : i32
        %dma_wait3A_721 = tpu.memref_slice %arg6[%dma_wait3A_719, %dma_wait3A_720] : memref<16x1000000xf32, #tpu.memory_space<hbm>> -> memref<16x128xf32, #tpu.memory_space<hbm>>
        %dma_wait3A_722 = arith.constant 0 : i32
        %dma_wait3A_723 = arith.constant 0 : i32
        %dma_wait3A_724 = tpu.memref_slice %arg14[%dma_wait3A_714, %dma_wait3A_722, %dma_wait3A_723] : memref<32x16x128xf32, #tpu.memory_space<vmem>> -> memref<1x16x128xf32, #tpu.memory_space<vmem>>
        %dma_wait3A_725 = tpu.memref_squeeze %dma_wait3A_724 : memref<1x16x128xf32, #tpu.memory_space<vmem>> -> memref<16x128xf32, #tpu.memory_space<vmem>>
        %dma_wait3A_726 = arith.constant 0 : i32
        %dma_wait3A_727 = arith.constant 0 : i32
        %dma_wait3A_728 = tpu.memref_slice %arg6[%dma_wait3A_726, %dma_wait3A_727] : memref<16x1000000xf32, #tpu.memory_space<hbm>> -> memref<16x128xf32, #tpu.memory_space<hbm>>
        tpu.wait_dma2 semaphore(%arg20 : memref<!tpu.dma_semaphore, #tpu.memory_space<semaphore_mem>>) src(%dma_wait3A_728 : memref<16x128xf32, #tpu.memory_space<hbm>>) dst(%dma_wait3A_725 : memref<16x128xf32, #tpu.memory_space<vmem>>)
      } else {
      }
      %slice3A_242 = vector.extract_strided_slice %masked_cummax3A_61 {offsets = [3], sizes = [1], strides = [1]} : vector<16xi32> to vector<1xi32>
      %squeeze3A_243 = vector.extract %slice3A_242[0] : i32 from vector<1xi32>
      %add3A_244 = arith.constant 0 : i32
      %add3A_245 = arith.addi %add3A_244, %squeeze3A_243 : i32
      %broadcast_in_dim3A_246 = vector.broadcast %add3A_245 : i32 to vector<16xi32>
      %slice3A_247 = vector.extract_strided_slice %and3A_26 {offsets = [3], sizes = [1], strides = [1]} : vector<16xi32> to vector<1xi32>
      %squeeze3A_248 = vector.extract %slice3A_247[0] : i32 from vector<1xi32>
      %broadcast_in_dim3A_249 = vector.broadcast %squeeze3A_248 : i32 to vector<16xi32>
      %gather3A_250 = tpu.vector_load_idx %arg14[%broadcast_in_dim3A_246, %iota3A, %broadcast_in_dim3A_249] : memref<32x16x128xf32, #tpu.memory_space<vmem>>[vector<16xi32>, vector<16xi32>, vector<16xi32>], vector<16xf32>,
      %add3A_251 = arith.constant 3 : i32
      %add3A_252 = arith.addi %mul3A_23, %add3A_251 : i32
      %mul3A_253 = arith.constant 16 : i32
      %mul3A_254 = arith.muli %add3A_252, %mul3A_253 : i32
      %add3A_255 = vector.broadcast %mul3A_254 : i32 to vector<16xi32>
      %add3A_256 = arith.addi %add3A_255, %iota3A : vector<16xi32>
      tpu.vector_store_idx %arg15[%add3A_256], %gather3A_250 : memref<8192xf32, #tpu.memory_space<vmem>>[vector<16xi32>], vector<16xf32>,
      %slice3A_257 = vector.extract_strided_slice %select_n3A {offsets = [4], sizes = [1], strides = [1]} : vector<16xi32> to vector<1xi32>
      %squeeze3A_258 = vector.extract %slice3A_257[0] : i32 from vector<1xi32>
      %eq3A_259 = arith.constant 1 : i32
      %eq3A_260 = arith.cmpi eq, %squeeze3A_258, %eq3A_259 : i32
      %convert_element_type3A_261 = arith.extui %eq3A_260 : i1 to i32
      %cond3A_262 = arith.constant 0 : i32
      %cond3A_263 = arith.cmpi ne, %convert_element_type3A_261, %cond3A_262 : i32
      scf.if %cond3A_263 {
        %dma_wait3A_714 = arith.constant 4 : i32
        %dma_wait3A_715 = arith.constant 0 : i32
        %dma_wait3A_716 = arith.constant 0 : i32
        %dma_wait3A_717 = tpu.memref_slice %arg14[%dma_wait3A_714, %dma_wait3A_715, %dma_wait3A_716] : memref<32x16x128xf32, #tpu.memory_space<vmem>> -> memref<1x16x128xf32, #tpu.memory_space<vmem>>
        %dma_wait3A_718 = tpu.memref_squeeze %dma_wait3A_717 : memref<1x16x128xf32, #tpu.memory_space<vmem>> -> memref<16x128xf32, #tpu.memory_space<vmem>>
        %dma_wait3A_719 = arith.constant 0 : i32
        %dma_wait3A_720 = arith.constant 0 : i32
        %dma_wait3A_721 = tpu.memref_slice %arg6[%dma_wait3A_719, %dma_wait3A_720] : memref<16x1000000xf32, #tpu.memory_space<hbm>> -> memref<16x128xf32, #tpu.memory_space<hbm>>
        %dma_wait3A_722 = arith.constant 0 : i32
        %dma_wait3A_723 = arith.constant 0 : i32
        %dma_wait3A_724 = tpu.memref_slice %arg14[%dma_wait3A_714, %dma_wait3A_722, %dma_wait3A_723] : memref<32x16x128xf32, #tpu.memory_space<vmem>> -> memref<1x16x128xf32, #tpu.memory_space<vmem>>
        %dma_wait3A_725 = tpu.memref_squeeze %dma_wait3A_724 : memref<1x16x128xf32, #tpu.memory_space<vmem>> -> memref<16x128xf32, #tpu.memory_space<vmem>>
        %dma_wait3A_726 = arith.constant 0 : i32
        %dma_wait3A_727 = arith.constant 0 : i32
        %dma_wait3A_728 = tpu.memref_slice %arg6[%dma_wait3A_726, %dma_wait3A_727] : memref<16x1000000xf32, #tpu.memory_space<hbm>> -> memref<16x128xf32, #tpu.memory_space<hbm>>
        tpu.wait_dma2 semaphore(%arg21 : memref<!tpu.dma_semaphore, #tpu.memory_space<semaphore_mem>>) src(%dma_wait3A_728 : memref<16x128xf32, #tpu.memory_space<hbm>>) dst(%dma_wait3A_725 : memref<16x128xf32, #tpu.memory_space<vmem>>)
      } else {
      }
      %slice3A_264 = vector.extract_strided_slice %masked_cummax3A_61 {offsets = [4], sizes = [1], strides = [1]} : vector<16xi32> to vector<1xi32>
      %squeeze3A_265 = vector.extract %slice3A_264[0] : i32 from vector<1xi32>
      %add3A_266 = arith.constant 0 : i32
      %add3A_267 = arith.addi %add3A_266, %squeeze3A_265 : i32
      %broadcast_in_dim3A_268 = vector.broadcast %add3A_267 : i32 to vector<16xi32>
      %slice3A_269 = vector.extract_strided_slice %and3A_26 {offsets = [4], sizes = [1], strides = [1]} : vector<16xi32> to vector<1xi32>
      %squeeze3A_270 = vector.extract %slice3A_269[0] : i32 from vector<1xi32>
      %broadcast_in_dim3A_271 = vector.broadcast %squeeze3A_270 : i32 to vector<16xi32>
      %gather3A_272 = tpu.vector_load_idx %arg14[%broadcast_in_dim3A_268, %iota3A, %broadcast_in_dim3A_271] : memref<32x16x128xf32, #tpu.memory_space<vmem>>[vector<16xi32>, vector<16xi32>, vector<16xi32>], vector<16xf32>,
      %add3A_273 = arith.constant 4 : i32
      %add3A_274 = arith.addi %mul3A_23, %add3A_273 : i32
      %mul3A_275 = arith.constant 16 : i32
      %mul3A_276 = arith.muli %add3A_274, %mul3A_275 : i32
      %add3A_277 = vector.broadcast %mul3A_276 : i32 to vector<16xi32>
      %add3A_278 = arith.addi %add3A_277, %iota3A : vector<16xi32>
      tpu.vector_store_idx %arg15[%add3A_278], %gather3A_272 : memref<8192xf32, #tpu.memory_space<vmem>>[vector<16xi32>], vector<16xf32>,
      %slice3A_279 = vector.extract_strided_slice %select_n3A {offsets = [5], sizes = [1], strides = [1]} : vector<16xi32> to vector<1xi32>
      %squeeze3A_280 = vector.extract %slice3A_279[0] : i32 from vector<1xi32>
      %eq3A_281 = arith.constant 1 : i32
      %eq3A_282 = arith.cmpi eq, %squeeze3A_280, %eq3A_281 : i32
      %convert_element_type3A_283 = arith.extui %eq3A_282 : i1 to i32
      %cond3A_284 = arith.constant 0 : i32
      %cond3A_285 = arith.cmpi ne, %convert_element_type3A_283, %cond3A_284 : i32
      scf.if %cond3A_285 {
        %dma_wait3A_714 = arith.constant 5 : i32
        %dma_wait3A_715 = arith.constant 0 : i32
        %dma_wait3A_716 = arith.constant 0 : i32
        %dma_wait3A_717 = tpu.memref_slice %arg14[%dma_wait3A_714, %dma_wait3A_715, %dma_wait3A_716] : memref<32x16x128xf32, #tpu.memory_space<vmem>> -> memref<1x16x128xf32, #tpu.memory_space<vmem>>
        %dma_wait3A_718 = tpu.memref_squeeze %dma_wait3A_717 : memref<1x16x128xf32, #tpu.memory_space<vmem>> -> memref<16x128xf32, #tpu.memory_space<vmem>>
        %dma_wait3A_719 = arith.constant 0 : i32
        %dma_wait3A_720 = arith.constant 0 : i32
        %dma_wait3A_721 = tpu.memref_slice %arg6[%dma_wait3A_719, %dma_wait3A_720] : memref<16x1000000xf32, #tpu.memory_space<hbm>> -> memref<16x128xf32, #tpu.memory_space<hbm>>
        %dma_wait3A_722 = arith.constant 0 : i32
        %dma_wait3A_723 = arith.constant 0 : i32
        %dma_wait3A_724 = tpu.memref_slice %arg14[%dma_wait3A_714, %dma_wait3A_722, %dma_wait3A_723] : memref<32x16x128xf32, #tpu.memory_space<vmem>> -> memref<1x16x128xf32, #tpu.memory_space<vmem>>
        %dma_wait3A_725 = tpu.memref_squeeze %dma_wait3A_724 : memref<1x16x128xf32, #tpu.memory_space<vmem>> -> memref<16x128xf32, #tpu.memory_space<vmem>>
        %dma_wait3A_726 = arith.constant 0 : i32
        %dma_wait3A_727 = arith.constant 0 : i32
        %dma_wait3A_728 = tpu.memref_slice %arg6[%dma_wait3A_726, %dma_wait3A_727] : memref<16x1000000xf32, #tpu.memory_space<hbm>> -> memref<16x128xf32, #tpu.memory_space<hbm>>
        tpu.wait_dma2 semaphore(%arg22 : memref<!tpu.dma_semaphore, #tpu.memory_space<semaphore_mem>>) src(%dma_wait3A_728 : memref<16x128xf32, #tpu.memory_space<hbm>>) dst(%dma_wait3A_725 : memref<16x128xf32, #tpu.memory_space<vmem>>)
      } else {
      }
      %slice3A_286 = vector.extract_strided_slice %masked_cummax3A_61 {offsets = [5], sizes = [1], strides = [1]} : vector<16xi32> to vector<1xi32>
      %squeeze3A_287 = vector.extract %slice3A_286[0] : i32 from vector<1xi32>
      %add3A_288 = arith.constant 0 : i32
      %add3A_289 = arith.addi %add3A_288, %squeeze3A_287 : i32
      %broadcast_in_dim3A_290 = vector.broadcast %add3A_289 : i32 to vector<16xi32>
      %slice3A_291 = vector.extract_strided_slice %and3A_26 {offsets = [5], sizes = [1], strides = [1]} : vector<16xi32> to vector<1xi32>
      %squeeze3A_292 = vector.extract %slice3A_291[0] : i32 from vector<1xi32>
      %broadcast_in_dim3A_293 = vector.broadcast %squeeze3A_292 : i32 to vector<16xi32>
      %gather3A_294 = tpu.vector_load_idx %arg14[%broadcast_in_dim3A_290, %iota3A, %broadcast_in_dim3A_293] : memref<32x16x128xf32, #tpu.memory_space<vmem>>[vector<16xi32>, vector<16xi32>, vector<16xi32>], vector<16xf32>,
      %add3A_295 = arith.constant 5 : i32
      %add3A_296 = arith.addi %mul3A_23, %add3A_295 : i32
      %mul3A_297 = arith.constant 16 : i32
      %mul3A_298 = arith.muli %add3A_296, %mul3A_297 : i32
      %add3A_299 = vector.broadcast %mul3A_298 : i32 to vector<16xi32>
      %add3A_300 = arith.addi %add3A_299, %iota3A : vector<16xi32>
      tpu.vector_store_idx %arg15[%add3A_300], %gather3A_294 : memref<8192xf32, #tpu.memory_space<vmem>>[vector<16xi32>], vector<16xf32>,
      %slice3A_301 = vector.extract_strided_slice %select_n3A {offsets = [6], sizes = [1], strides = [1]} : vector<16xi32> to vector<1xi32>
      %squeeze3A_302 = vector.extract %slice3A_301[0] : i32 from vector<1xi32>
      %eq3A_303 = arith.constant 1 : i32
      %eq3A_304 = arith.cmpi eq, %squeeze3A_302, %eq3A_303 : i32
      %convert_element_type3A_305 = arith.extui %eq3A_304 : i1 to i32
      %cond3A_306 = arith.constant 0 : i32
      %cond3A_307 = arith.cmpi ne, %convert_element_type3A_305, %cond3A_306 : i32
      scf.if %cond3A_307 {
        %dma_wait3A_714 = arith.constant 6 : i32
        %dma_wait3A_715 = arith.constant 0 : i32
        %dma_wait3A_716 = arith.constant 0 : i32
        %dma_wait3A_717 = tpu.memref_slice %arg14[%dma_wait3A_714, %dma_wait3A_715, %dma_wait3A_716] : memref<32x16x128xf32, #tpu.memory_space<vmem>> -> memref<1x16x128xf32, #tpu.memory_space<vmem>>
        %dma_wait3A_718 = tpu.memref_squeeze %dma_wait3A_717 : memref<1x16x128xf32, #tpu.memory_space<vmem>> -> memref<16x128xf32, #tpu.memory_space<vmem>>
        %dma_wait3A_719 = arith.constant 0 : i32
        %dma_wait3A_720 = arith.constant 0 : i32
        %dma_wait3A_721 = tpu.memref_slice %arg6[%dma_wait3A_719, %dma_wait3A_720] : memref<16x1000000xf32, #tpu.memory_space<hbm>> -> memref<16x128xf32, #tpu.memory_space<hbm>>
        %dma_wait3A_722 = arith.constant 0 : i32
        %dma_wait3A_723 = arith.constant 0 : i32
        %dma_wait3A_724 = tpu.memref_slice %arg14[%dma_wait3A_714, %dma_wait3A_722, %dma_wait3A_723] : memref<32x16x128xf32, #tpu.memory_space<vmem>> -> memref<1x16x128xf32, #tpu.memory_space<vmem>>
        %dma_wait3A_725 = tpu.memref_squeeze %dma_wait3A_724 : memref<1x16x128xf32, #tpu.memory_space<vmem>> -> memref<16x128xf32, #tpu.memory_space<vmem>>
        %dma_wait3A_726 = arith.constant 0 : i32
        %dma_wait3A_727 = arith.constant 0 : i32
        %dma_wait3A_728 = tpu.memref_slice %arg6[%dma_wait3A_726, %dma_wait3A_727] : memref<16x1000000xf32, #tpu.memory_space<hbm>> -> memref<16x128xf32, #tpu.memory_space<hbm>>
        tpu.wait_dma2 semaphore(%arg23 : memref<!tpu.dma_semaphore, #tpu.memory_space<semaphore_mem>>) src(%dma_wait3A_728 : memref<16x128xf32, #tpu.memory_space<hbm>>) dst(%dma_wait3A_725 : memref<16x128xf32, #tpu.memory_space<vmem>>)
      } else {
      }
      %slice3A_308 = vector.extract_strided_slice %masked_cummax3A_61 {offsets = [6], sizes = [1], strides = [1]} : vector<16xi32> to vector<1xi32>
      %squeeze3A_309 = vector.extract %slice3A_308[0] : i32 from vector<1xi32>
      %add3A_310 = arith.constant 0 : i32
      %add3A_311 = arith.addi %add3A_310, %squeeze3A_309 : i32
      %broadcast_in_dim3A_312 = vector.broadcast %add3A_311 : i32 to vector<16xi32>
      %slice3A_313 = vector.extract_strided_slice %and3A_26 {offsets = [6], sizes = [1], strides = [1]} : vector<16xi32> to vector<1xi32>
      %squeeze3A_314 = vector.extract %slice3A_313[0] : i32 from vector<1xi32>
      %broadcast_in_dim3A_315 = vector.broadcast %squeeze3A_314 : i32 to vector<16xi32>
      %gather3A_316 = tpu.vector_load_idx %arg14[%broadcast_in_dim3A_312, %iota3A, %broadcast_in_dim3A_315] : memref<32x16x128xf32, #tpu.memory_space<vmem>>[vector<16xi32>, vector<16xi32>, vector<16xi32>], vector<16xf32>,
      %add3A_317 = arith.constant 6 : i32
      %add3A_318 = arith.addi %mul3A_23, %add3A_317 : i32
      %mul3A_319 = arith.constant 16 : i32
      %mul3A_320 = arith.muli %add3A_318, %mul3A_319 : i32
      %add3A_321 = vector.broadcast %mul3A_320 : i32 to vector<16xi32>
      %add3A_322 = arith.addi %add3A_321, %iota3A : vector<16xi32>
      tpu.vector_store_idx %arg15[%add3A_322], %gather3A_316 : memref<8192xf32, #tpu.memory_space<vmem>>[vector<16xi32>], vector<16xf32>,
      %slice3A_323 = vector.extract_strided_slice %select_n3A {offsets = [7], sizes = [1], strides = [1]} : vector<16xi32> to vector<1xi32>
      %squeeze3A_324 = vector.extract %slice3A_323[0] : i32 from vector<1xi32>
      %eq3A_325 = arith.constant 1 : i32
      %eq3A_326 = arith.cmpi eq, %squeeze3A_324, %eq3A_325 : i32
      %convert_element_type3A_327 = arith.extui %eq3A_326 : i1 to i32
      %cond3A_328 = arith.constant 0 : i32
      %cond3A_329 = arith.cmpi ne, %convert_element_type3A_327, %cond3A_328 : i32
      scf.if %cond3A_329 {
        %dma_wait3A_714 = arith.constant 7 : i32
        %dma_wait3A_715 = arith.constant 0 : i32
        %dma_wait3A_716 = arith.constant 0 : i32
        %dma_wait3A_717 = tpu.memref_slice %arg14[%dma_wait3A_714, %dma_wait3A_715, %dma_wait3A_716] : memref<32x16x128xf32, #tpu.memory_space<vmem>> -> memref<1x16x128xf32, #tpu.memory_space<vmem>>
        %dma_wait3A_718 = tpu.memref_squeeze %dma_wait3A_717 : memref<1x16x128xf32, #tpu.memory_space<vmem>> -> memref<16x128xf32, #tpu.memory_space<vmem>>
        %dma_wait3A_719 = arith.constant 0 : i32
        %dma_wait3A_720 = arith.constant 0 : i32
        %dma_wait3A_721 = tpu.memref_slice %arg6[%dma_wait3A_719, %dma_wait3A_720] : memref<16x1000000xf32, #tpu.memory_space<hbm>> -> memref<16x128xf32, #tpu.memory_space<hbm>>
        %dma_wait3A_722 = arith.constant 0 : i32
        %dma_wait3A_723 = arith.constant 0 : i32
        %dma_wait3A_724 = tpu.memref_slice %arg14[%dma_wait3A_714, %dma_wait3A_722, %dma_wait3A_723] : memref<32x16x128xf32, #tpu.memory_space<vmem>> -> memref<1x16x128xf32, #tpu.memory_space<vmem>>
        %dma_wait3A_725 = tpu.memref_squeeze %dma_wait3A_724 : memref<1x16x128xf32, #tpu.memory_space<vmem>> -> memref<16x128xf32, #tpu.memory_space<vmem>>
        %dma_wait3A_726 = arith.constant 0 : i32
        %dma_wait3A_727 = arith.constant 0 : i32
        %dma_wait3A_728 = tpu.memref_slice %arg6[%dma_wait3A_726, %dma_wait3A_727] : memref<16x1000000xf32, #tpu.memory_space<hbm>> -> memref<16x128xf32, #tpu.memory_space<hbm>>
        tpu.wait_dma2 semaphore(%arg24 : memref<!tpu.dma_semaphore, #tpu.memory_space<semaphore_mem>>) src(%dma_wait3A_728 : memref<16x128xf32, #tpu.memory_space<hbm>>) dst(%dma_wait3A_725 : memref<16x128xf32, #tpu.memory_space<vmem>>)
      } else {
      }
      %slice3A_330 = vector.extract_strided_slice %masked_cummax3A_61 {offsets = [7], sizes = [1], strides = [1]} : vector<16xi32> to vector<1xi32>
      %squeeze3A_331 = vector.extract %slice3A_330[0] : i32 from vector<1xi32>
      %add3A_332 = arith.constant 0 : i32
      %add3A_333 = arith.addi %add3A_332, %squeeze3A_331 : i32
      %broadcast_in_dim3A_334 = vector.broadcast %add3A_333 : i32 to vector<16xi32>
      %slice3A_335 = vector.extract_strided_slice %and3A_26 {offsets = [7], sizes = [1], strides = [1]} : vector<16xi32> to vector<1xi32>
      %squeeze3A_336 = vector.extract %slice3A_335[0] : i32 from vector<1xi32>
      %broadcast_in_dim3A_337 = vector.broadcast %squeeze3A_336 : i32 to vector<16xi32>
      %gather3A_338 = tpu.vector_load_idx %arg14[%broadcast_in_dim3A_334, %iota3A, %broadcast_in_dim3A_337] : memref<32x16x128xf32, #tpu.memory_space<vmem>>[vector<16xi32>, vector<16xi32>, vector<16xi32>], vector<16xf32>,
      %add3A_339 = arith.constant 7 : i32
      %add3A_340 = arith.addi %mul3A_23, %add3A_339 : i32
      %mul3A_341 = arith.constant 16 : i32
      %mul3A_342 = arith.muli %add3A_340, %mul3A_341 : i32
      %add3A_343 = vector.broadcast %mul3A_342 : i32 to vector<16xi32>
      %add3A_344 = arith.addi %add3A_343, %iota3A : vector<16xi32>
      tpu.vector_store_idx %arg15[%add3A_344], %gather3A_338 : memref<8192xf32, #tpu.memory_space<vmem>>[vector<16xi32>], vector<16xf32>,
      %slice3A_345 = vector.extract_strided_slice %select_n3A {offsets = [8], sizes = [1], strides = [1]} : vector<16xi32> to vector<1xi32>
      %squeeze3A_346 = vector.extract %slice3A_345[0] : i32 from vector<1xi32>
      %eq3A_347 = arith.constant 1 : i32
      %eq3A_348 = arith.cmpi eq, %squeeze3A_346, %eq3A_347 : i32
      %convert_element_type3A_349 = arith.extui %eq3A_348 : i1 to i32
      %cond3A_350 = arith.constant 0 : i32
      %cond3A_351 = arith.cmpi ne, %convert_element_type3A_349, %cond3A_350 : i32
      scf.if %cond3A_351 {
        %dma_wait3A_714 = arith.constant 8 : i32
        %dma_wait3A_715 = arith.constant 0 : i32
        %dma_wait3A_716 = arith.constant 0 : i32
        %dma_wait3A_717 = tpu.memref_slice %arg14[%dma_wait3A_714, %dma_wait3A_715, %dma_wait3A_716] : memref<32x16x128xf32, #tpu.memory_space<vmem>> -> memref<1x16x128xf32, #tpu.memory_space<vmem>>
        %dma_wait3A_718 = tpu.memref_squeeze %dma_wait3A_717 : memref<1x16x128xf32, #tpu.memory_space<vmem>> -> memref<16x128xf32, #tpu.memory_space<vmem>>
        %dma_wait3A_719 = arith.constant 0 : i32
        %dma_wait3A_720 = arith.constant 0 : i32
        %dma_wait3A_721 = tpu.memref_slice %arg6[%dma_wait3A_719, %dma_wait3A_720] : memref<16x1000000xf32, #tpu.memory_space<hbm>> -> memref<16x128xf32, #tpu.memory_space<hbm>>
        %dma_wait3A_722 = arith.constant 0 : i32
        %dma_wait3A_723 = arith.constant 0 : i32
        %dma_wait3A_724 = tpu.memref_slice %arg14[%dma_wait3A_714, %dma_wait3A_722, %dma_wait3A_723] : memref<32x16x128xf32, #tpu.memory_space<vmem>> -> memref<1x16x128xf32, #tpu.memory_space<vmem>>
        %dma_wait3A_725 = tpu.memref_squeeze %dma_wait3A_724 : memref<1x16x128xf32, #tpu.memory_space<vmem>> -> memref<16x128xf32, #tpu.memory_space<vmem>>
        %dma_wait3A_726 = arith.constant 0 : i32
        %dma_wait3A_727 = arith.constant 0 : i32
        %dma_wait3A_728 = tpu.memref_slice %arg6[%dma_wait3A_726, %dma_wait3A_727] : memref<16x1000000xf32, #tpu.memory_space<hbm>> -> memref<16x128xf32, #tpu.memory_space<hbm>>
        tpu.wait_dma2 semaphore(%arg25 : memref<!tpu.dma_semaphore, #tpu.memory_space<semaphore_mem>>) src(%dma_wait3A_728 : memref<16x128xf32, #tpu.memory_space<hbm>>) dst(%dma_wait3A_725 : memref<16x128xf32, #tpu.memory_space<vmem>>)
      } else {
      }
      %slice3A_352 = vector.extract_strided_slice %masked_cummax3A_61 {offsets = [8], sizes = [1], strides = [1]} : vector<16xi32> to vector<1xi32>
      %squeeze3A_353 = vector.extract %slice3A_352[0] : i32 from vector<1xi32>
      %add3A_354 = arith.constant 0 : i32
      %add3A_355 = arith.addi %add3A_354, %squeeze3A_353 : i32
      %broadcast_in_dim3A_356 = vector.broadcast %add3A_355 : i32 to vector<16xi32>
      %slice3A_357 = vector.extract_strided_slice %and3A_26 {offsets = [8], sizes = [1], strides = [1]} : vector<16xi32> to vector<1xi32>
      %squeeze3A_358 = vector.extract %slice3A_357[0] : i32 from vector<1xi32>
      %broadcast_in_dim3A_359 = vector.broadcast %squeeze3A_358 : i32 to vector<16xi32>
      %gather3A_360 = tpu.vector_load_idx %arg14[%broadcast_in_dim3A_356, %iota3A, %broadcast_in_dim3A_359] : memref<32x16x128xf32, #tpu.memory_space<vmem>>[vector<16xi32>, vector<16xi32>, vector<16xi32>], vector<16xf32>,
      %add3A_361 = arith.constant 8 : i32
      %add3A_362 = arith.addi %mul3A_23, %add3A_361 : i32
      %mul3A_363 = arith.constant 16 : i32
      %mul3A_364 = arith.muli %add3A_362, %mul3A_363 : i32
      %add3A_365 = vector.broadcast %mul3A_364 : i32 to vector<16xi32>
      %add3A_366 = arith.addi %add3A_365, %iota3A : vector<16xi32>
      tpu.vector_store_idx %arg15[%add3A_366], %gather3A_360 : memref<8192xf32, #tpu.memory_space<vmem>>[vector<16xi32>], vector<16xf32>,
      %slice3A_367 = vector.extract_strided_slice %select_n3A {offsets = [9], sizes = [1], strides = [1]} : vector<16xi32> to vector<1xi32>
      %squeeze3A_368 = vector.extract %slice3A_367[0] : i32 from vector<1xi32>
      %eq3A_369 = arith.constant 1 : i32
      %eq3A_370 = arith.cmpi eq, %squeeze3A_368, %eq3A_369 : i32
      %convert_element_type3A_371 = arith.extui %eq3A_370 : i1 to i32
      %cond3A_372 = arith.constant 0 : i32
      %cond3A_373 = arith.cmpi ne, %convert_element_type3A_371, %cond3A_372 : i32
      scf.if %cond3A_373 {
        %dma_wait3A_714 = arith.constant 9 : i32
        %dma_wait3A_715 = arith.constant 0 : i32
        %dma_wait3A_716 = arith.constant 0 : i32
        %dma_wait3A_717 = tpu.memref_slice %arg14[%dma_wait3A_714, %dma_wait3A_715, %dma_wait3A_716] : memref<32x16x128xf32, #tpu.memory_space<vmem>> -> memref<1x16x128xf32, #tpu.memory_space<vmem>>
        %dma_wait3A_718 = tpu.memref_squeeze %dma_wait3A_717 : memref<1x16x128xf32, #tpu.memory_space<vmem>> -> memref<16x128xf32, #tpu.memory_space<vmem>>
        %dma_wait3A_719 = arith.constant 0 : i32
        %dma_wait3A_720 = arith.constant 0 : i32
        %dma_wait3A_721 = tpu.memref_slice %arg6[%dma_wait3A_719, %dma_wait3A_720] : memref<16x1000000xf32, #tpu.memory_space<hbm>> -> memref<16x128xf32, #tpu.memory_space<hbm>>
        %dma_wait3A_722 = arith.constant 0 : i32
        %dma_wait3A_723 = arith.constant 0 : i32
        %dma_wait3A_724 = tpu.memref_slice %arg14[%dma_wait3A_714, %dma_wait3A_722, %dma_wait3A_723] : memref<32x16x128xf32, #tpu.memory_space<vmem>> -> memref<1x16x128xf32, #tpu.memory_space<vmem>>
        %dma_wait3A_725 = tpu.memref_squeeze %dma_wait3A_724 : memref<1x16x128xf32, #tpu.memory_space<vmem>> -> memref<16x128xf32, #tpu.memory_space<vmem>>
        %dma_wait3A_726 = arith.constant 0 : i32
        %dma_wait3A_727 = arith.constant 0 : i32
        %dma_wait3A_728 = tpu.memref_slice %arg6[%dma_wait3A_726, %dma_wait3A_727] : memref<16x1000000xf32, #tpu.memory_space<hbm>> -> memref<16x128xf32, #tpu.memory_space<hbm>>
        tpu.wait_dma2 semaphore(%arg26 : memref<!tpu.dma_semaphore, #tpu.memory_space<semaphore_mem>>) src(%dma_wait3A_728 : memref<16x128xf32, #tpu.memory_space<hbm>>) dst(%dma_wait3A_725 : memref<16x128xf32, #tpu.memory_space<vmem>>)
      } else {
      }
      %slice3A_374 = vector.extract_strided_slice %masked_cummax3A_61 {offsets = [9], sizes = [1], strides = [1]} : vector<16xi32> to vector<1xi32>
      %squeeze3A_375 = vector.extract %slice3A_374[0] : i32 from vector<1xi32>
      %add3A_376 = arith.constant 0 : i32
      %add3A_377 = arith.addi %add3A_376, %squeeze3A_375 : i32
      %broadcast_in_dim3A_378 = vector.broadcast %add3A_377 : i32 to vector<16xi32>
      %slice3A_379 = vector.extract_strided_slice %and3A_26 {offsets = [9], sizes = [1], strides = [1]} : vector<16xi32> to vector<1xi32>
      %squeeze3A_380 = vector.extract %slice3A_379[0] : i32 from vector<1xi32>
      %broadcast_in_dim3A_381 = vector.broadcast %squeeze3A_380 : i32 to vector<16xi32>
      %gather3A_382 = tpu.vector_load_idx %arg14[%broadcast_in_dim3A_378, %iota3A, %broadcast_in_dim3A_381] : memref<32x16x128xf32, #tpu.memory_space<vmem>>[vector<16xi32>, vector<16xi32>, vector<16xi32>], vector<16xf32>,
      %add3A_383 = arith.constant 9 : i32
      %add3A_384 = arith.addi %mul3A_23, %add3A_383 : i32
      %mul3A_385 = arith.constant 16 : i32
      %mul3A_386 = arith.muli %add3A_384, %mul3A_385 : i32
      %add3A_387 = vector.broadcast %mul3A_386 : i32 to vector<16xi32>
      %add3A_388 = arith.addi %add3A_387, %iota3A : vector<16xi32>
      tpu.vector_store_idx %arg15[%add3A_388], %gather3A_382 : memref<8192xf32, #tpu.memory_space<vmem>>[vector<16xi32>], vector<16xf32>,
      %slice3A_389 = vector.extract_strided_slice %select_n3A {offsets = [10], sizes = [1], strides = [1]} : vector<16xi32> to vector<1xi32>
      %squeeze3A_390 = vector.extract %slice3A_389[0] : i32 from vector<1xi32>
      %eq3A_391 = arith.constant 1 : i32
      %eq3A_392 = arith.cmpi eq, %squeeze3A_390, %eq3A_391 : i32
      %convert_element_type3A_393 = arith.extui %eq3A_392 : i1 to i32
      %cond3A_394 = arith.constant 0 : i32
      %cond3A_395 = arith.cmpi ne, %convert_element_type3A_393, %cond3A_394 : i32
      scf.if %cond3A_395 {
        %dma_wait3A_714 = arith.constant 10 : i32
        %dma_wait3A_715 = arith.constant 0 : i32
        %dma_wait3A_716 = arith.constant 0 : i32
        %dma_wait3A_717 = tpu.memref_slice %arg14[%dma_wait3A_714, %dma_wait3A_715, %dma_wait3A_716] : memref<32x16x128xf32, #tpu.memory_space<vmem>> -> memref<1x16x128xf32, #tpu.memory_space<vmem>>
        %dma_wait3A_718 = tpu.memref_squeeze %dma_wait3A_717 : memref<1x16x128xf32, #tpu.memory_space<vmem>> -> memref<16x128xf32, #tpu.memory_space<vmem>>
        %dma_wait3A_719 = arith.constant 0 : i32
        %dma_wait3A_720 = arith.constant 0 : i32
        %dma_wait3A_721 = tpu.memref_slice %arg6[%dma_wait3A_719, %dma_wait3A_720] : memref<16x1000000xf32, #tpu.memory_space<hbm>> -> memref<16x128xf32, #tpu.memory_space<hbm>>
        %dma_wait3A_722 = arith.constant 0 : i32
        %dma_wait3A_723 = arith.constant 0 : i32
        %dma_wait3A_724 = tpu.memref_slice %arg14[%dma_wait3A_714, %dma_wait3A_722, %dma_wait3A_723] : memref<32x16x128xf32, #tpu.memory_space<vmem>> -> memref<1x16x128xf32, #tpu.memory_space<vmem>>
        %dma_wait3A_725 = tpu.memref_squeeze %dma_wait3A_724 : memref<1x16x128xf32, #tpu.memory_space<vmem>> -> memref<16x128xf32, #tpu.memory_space<vmem>>
        %dma_wait3A_726 = arith.constant 0 : i32
        %dma_wait3A_727 = arith.constant 0 : i32
        %dma_wait3A_728 = tpu.memref_slice %arg6[%dma_wait3A_726, %dma_wait3A_727] : memref<16x1000000xf32, #tpu.memory_space<hbm>> -> memref<16x128xf32, #tpu.memory_space<hbm>>
        tpu.wait_dma2 semaphore(%arg27 : memref<!tpu.dma_semaphore, #tpu.memory_space<semaphore_mem>>) src(%dma_wait3A_728 : memref<16x128xf32, #tpu.memory_space<hbm>>) dst(%dma_wait3A_725 : memref<16x128xf32, #tpu.memory_space<vmem>>)
      } else {
      }
      %slice3A_396 = vector.extract_strided_slice %masked_cummax3A_61 {offsets = [10], sizes = [1], strides = [1]} : vector<16xi32> to vector<1xi32>
      %squeeze3A_397 = vector.extract %slice3A_396[0] : i32 from vector<1xi32>
      %add3A_398 = arith.constant 0 : i32
      %add3A_399 = arith.addi %add3A_398, %squeeze3A_397 : i32
      %broadcast_in_dim3A_400 = vector.broadcast %add3A_399 : i32 to vector<16xi32>
      %slice3A_401 = vector.extract_strided_slice %and3A_26 {offsets = [10], sizes = [1], strides = [1]} : vector<16xi32> to vector<1xi32>
      %squeeze3A_402 = vector.extract %slice3A_401[0] : i32 from vector<1xi32>
      %broadcast_in_dim3A_403 = vector.broadcast %squeeze3A_402 : i32 to vector<16xi32>
      %gather3A_404 = tpu.vector_load_idx %arg14[%broadcast_in_dim3A_400, %iota3A, %broadcast_in_dim3A_403] : memref<32x16x128xf32, #tpu.memory_space<vmem>>[vector<16xi32>, vector<16xi32>, vector<16xi32>], vector<16xf32>,
      %add3A_405 = arith.constant 10 : i32
      %add3A_406 = arith.addi %mul3A_23, %add3A_405 : i32
      %mul3A_407 = arith.constant 16 : i32
      %mul3A_408 = arith.muli %add3A_406, %mul3A_407 : i32
      %add3A_409 = vector.broadcast %mul3A_408 : i32 to vector<16xi32>
      %add3A_410 = arith.addi %add3A_409, %iota3A : vector<16xi32>
      tpu.vector_store_idx %arg15[%add3A_410], %gather3A_404 : memref<8192xf32, #tpu.memory_space<vmem>>[vector<16xi32>], vector<16xf32>,
      %slice3A_411 = vector.extract_strided_slice %select_n3A {offsets = [11], sizes = [1], strides = [1]} : vector<16xi32> to vector<1xi32>
      %squeeze3A_412 = vector.extract %slice3A_411[0] : i32 from vector<1xi32>
      %eq3A_413 = arith.constant 1 : i32
      %eq3A_414 = arith.cmpi eq, %squeeze3A_412, %eq3A_413 : i32
      %convert_element_type3A_415 = arith.extui %eq3A_414 : i1 to i32
      %cond3A_416 = arith.constant 0 : i32
      %cond3A_417 = arith.cmpi ne, %convert_element_type3A_415, %cond3A_416 : i32
      scf.if %cond3A_417 {
        %dma_wait3A_714 = arith.constant 11 : i32
        %dma_wait3A_715 = arith.constant 0 : i32
        %dma_wait3A_716 = arith.constant 0 : i32
        %dma_wait3A_717 = tpu.memref_slice %arg14[%dma_wait3A_714, %dma_wait3A_715, %dma_wait3A_716] : memref<32x16x128xf32, #tpu.memory_space<vmem>> -> memref<1x16x128xf32, #tpu.memory_space<vmem>>
        %dma_wait3A_718 = tpu.memref_squeeze %dma_wait3A_717 : memref<1x16x128xf32, #tpu.memory_space<vmem>> -> memref<16x128xf32, #tpu.memory_space<vmem>>
        %dma_wait3A_719 = arith.constant 0 : i32
        %dma_wait3A_720 = arith.constant 0 : i32
        %dma_wait3A_721 = tpu.memref_slice %arg6[%dma_wait3A_719, %dma_wait3A_720] : memref<16x1000000xf32, #tpu.memory_space<hbm>> -> memref<16x128xf32, #tpu.memory_space<hbm>>
        %dma_wait3A_722 = arith.constant 0 : i32
        %dma_wait3A_723 = arith.constant 0 : i32
        %dma_wait3A_724 = tpu.memref_slice %arg14[%dma_wait3A_714, %dma_wait3A_722, %dma_wait3A_723] : memref<32x16x128xf32, #tpu.memory_space<vmem>> -> memref<1x16x128xf32, #tpu.memory_space<vmem>>
        %dma_wait3A_725 = tpu.memref_squeeze %dma_wait3A_724 : memref<1x16x128xf32, #tpu.memory_space<vmem>> -> memref<16x128xf32, #tpu.memory_space<vmem>>
        %dma_wait3A_726 = arith.constant 0 : i32
        %dma_wait3A_727 = arith.constant 0 : i32
        %dma_wait3A_728 = tpu.memref_slice %arg6[%dma_wait3A_726, %dma_wait3A_727] : memref<16x1000000xf32, #tpu.memory_space<hbm>> -> memref<16x128xf32, #tpu.memory_space<hbm>>
        tpu.wait_dma2 semaphore(%arg28 : memref<!tpu.dma_semaphore, #tpu.memory_space<semaphore_mem>>) src(%dma_wait3A_728 : memref<16x128xf32, #tpu.memory_space<hbm>>) dst(%dma_wait3A_725 : memref<16x128xf32, #tpu.memory_space<vmem>>)
      } else {
      }
      %slice3A_418 = vector.extract_strided_slice %masked_cummax3A_61 {offsets = [11], sizes = [1], strides = [1]} : vector<16xi32> to vector<1xi32>
      %squeeze3A_419 = vector.extract %slice3A_418[0] : i32 from vector<1xi32>
      %add3A_420 = arith.constant 0 : i32
      %add3A_421 = arith.addi %add3A_420, %squeeze3A_419 : i32
      %broadcast_in_dim3A_422 = vector.broadcast %add3A_421 : i32 to vector<16xi32>
      %slice3A_423 = vector.extract_strided_slice %and3A_26 {offsets = [11], sizes = [1], strides = [1]} : vector<16xi32> to vector<1xi32>
      %squeeze3A_424 = vector.extract %slice3A_423[0] : i32 from vector<1xi32>
      %broadcast_in_dim3A_425 = vector.broadcast %squeeze3A_424 : i32 to vector<16xi32>
      %gather3A_426 = tpu.vector_load_idx %arg14[%broadcast_in_dim3A_422, %iota3A, %broadcast_in_dim3A_425] : memref<32x16x128xf32, #tpu.memory_space<vmem>>[vector<16xi32>, vector<16xi32>, vector<16xi32>], vector<16xf32>,
      %add3A_427 = arith.constant 11 : i32
      %add3A_428 = arith.addi %mul3A_23, %add3A_427 : i32
      %mul3A_429 = arith.constant 16 : i32
      %mul3A_430 = arith.muli %add3A_428, %mul3A_429 : i32
      %add3A_431 = vector.broadcast %mul3A_430 : i32 to vector<16xi32>
      %add3A_432 = arith.addi %add3A_431, %iota3A : vector<16xi32>
      tpu.vector_store_idx %arg15[%add3A_432], %gather3A_426 : memref<8192xf32, #tpu.memory_space<vmem>>[vector<16xi32>], vector<16xf32>,
      %slice3A_433 = vector.extract_strided_slice %select_n3A {offsets = [12], sizes = [1], strides = [1]} : vector<16xi32> to vector<1xi32>
      %squeeze3A_434 = vector.extract %slice3A_433[0] : i32 from vector<1xi32>
      %eq3A_435 = arith.constant 1 : i32
      %eq3A_436 = arith.cmpi eq, %squeeze3A_434, %eq3A_435 : i32
      %convert_element_type3A_437 = arith.extui %eq3A_436 : i1 to i32
      %cond3A_438 = arith.constant 0 : i32
      %cond3A_439 = arith.cmpi ne, %convert_element_type3A_437, %cond3A_438 : i32
      scf.if %cond3A_439 {
        %dma_wait3A_714 = arith.constant 12 : i32
        %dma_wait3A_715 = arith.constant 0 : i32
        %dma_wait3A_716 = arith.constant 0 : i32
        %dma_wait3A_717 = tpu.memref_slice %arg14[%dma_wait3A_714, %dma_wait3A_715, %dma_wait3A_716] : memref<32x16x128xf32, #tpu.memory_space<vmem>> -> memref<1x16x128xf32, #tpu.memory_space<vmem>>
        %dma_wait3A_718 = tpu.memref_squeeze %dma_wait3A_717 : memref<1x16x128xf32, #tpu.memory_space<vmem>> -> memref<16x128xf32, #tpu.memory_space<vmem>>
        %dma_wait3A_719 = arith.constant 0 : i32
        %dma_wait3A_720 = arith.constant 0 : i32
        %dma_wait3A_721 = tpu.memref_slice %arg6[%dma_wait3A_719, %dma_wait3A_720] : memref<16x1000000xf32, #tpu.memory_space<hbm>> -> memref<16x128xf32, #tpu.memory_space<hbm>>
        %dma_wait3A_722 = arith.constant 0 : i32
        %dma_wait3A_723 = arith.constant 0 : i32
        %dma_wait3A_724 = tpu.memref_slice %arg14[%dma_wait3A_714, %dma_wait3A_722, %dma_wait3A_723] : memref<32x16x128xf32, #tpu.memory_space<vmem>> -> memref<1x16x128xf32, #tpu.memory_space<vmem>>
        %dma_wait3A_725 = tpu.memref_squeeze %dma_wait3A_724 : memref<1x16x128xf32, #tpu.memory_space<vmem>> -> memref<16x128xf32, #tpu.memory_space<vmem>>
        %dma_wait3A_726 = arith.constant 0 : i32
        %dma_wait3A_727 = arith.constant 0 : i32
        %dma_wait3A_728 = tpu.memref_slice %arg6[%dma_wait3A_726, %dma_wait3A_727] : memref<16x1000000xf32, #tpu.memory_space<hbm>> -> memref<16x128xf32, #tpu.memory_space<hbm>>
        tpu.wait_dma2 semaphore(%arg29 : memref<!tpu.dma_semaphore, #tpu.memory_space<semaphore_mem>>) src(%dma_wait3A_728 : memref<16x128xf32, #tpu.memory_space<hbm>>) dst(%dma_wait3A_725 : memref<16x128xf32, #tpu.memory_space<vmem>>)
      } else {
      }
      %slice3A_440 = vector.extract_strided_slice %masked_cummax3A_61 {offsets = [12], sizes = [1], strides = [1]} : vector<16xi32> to vector<1xi32>
      %squeeze3A_441 = vector.extract %slice3A_440[0] : i32 from vector<1xi32>
      %add3A_442 = arith.constant 0 : i32
      %add3A_443 = arith.addi %add3A_442, %squeeze3A_441 : i32
      %broadcast_in_dim3A_444 = vector.broadcast %add3A_443 : i32 to vector<16xi32>
      %slice3A_445 = vector.extract_strided_slice %and3A_26 {offsets = [12], sizes = [1], strides = [1]} : vector<16xi32> to vector<1xi32>
      %squeeze3A_446 = vector.extract %slice3A_445[0] : i32 from vector<1xi32>
      %broadcast_in_dim3A_447 = vector.broadcast %squeeze3A_446 : i32 to vector<16xi32>
      %gather3A_448 = tpu.vector_load_idx %arg14[%broadcast_in_dim3A_444, %iota3A, %broadcast_in_dim3A_447] : memref<32x16x128xf32, #tpu.memory_space<vmem>>[vector<16xi32>, vector<16xi32>, vector<16xi32>], vector<16xf32>,
      %add3A_449 = arith.constant 12 : i32
      %add3A_450 = arith.addi %mul3A_23, %add3A_449 : i32
      %mul3A_451 = arith.constant 16 : i32
      %mul3A_452 = arith.muli %add3A_450, %mul3A_451 : i32
      %add3A_453 = vector.broadcast %mul3A_452 : i32 to vector<16xi32>
      %add3A_454 = arith.addi %add3A_453, %iota3A : vector<16xi32>
      tpu.vector_store_idx %arg15[%add3A_454], %gather3A_448 : memref<8192xf32, #tpu.memory_space<vmem>>[vector<16xi32>], vector<16xf32>,
      %slice3A_455 = vector.extract_strided_slice %select_n3A {offsets = [13], sizes = [1], strides = [1]} : vector<16xi32> to vector<1xi32>
      %squeeze3A_456 = vector.extract %slice3A_455[0] : i32 from vector<1xi32>
      %eq3A_457 = arith.constant 1 : i32
      %eq3A_458 = arith.cmpi eq, %squeeze3A_456, %eq3A_457 : i32
      %convert_element_type3A_459 = arith.extui %eq3A_458 : i1 to i32
      %cond3A_460 = arith.constant 0 : i32
      %cond3A_461 = arith.cmpi ne, %convert_element_type3A_459, %cond3A_460 : i32
      scf.if %cond3A_461 {
        %dma_wait3A_714 = arith.constant 13 : i32
        %dma_wait3A_715 = arith.constant 0 : i32
        %dma_wait3A_716 = arith.constant 0 : i32
        %dma_wait3A_717 = tpu.memref_slice %arg14[%dma_wait3A_714, %dma_wait3A_715, %dma_wait3A_716] : memref<32x16x128xf32, #tpu.memory_space<vmem>> -> memref<1x16x128xf32, #tpu.memory_space<vmem>>
        %dma_wait3A_718 = tpu.memref_squeeze %dma_wait3A_717 : memref<1x16x128xf32, #tpu.memory_space<vmem>> -> memref<16x128xf32, #tpu.memory_space<vmem>>
        %dma_wait3A_719 = arith.constant 0 : i32
        %dma_wait3A_720 = arith.constant 0 : i32
        %dma_wait3A_721 = tpu.memref_slice %arg6[%dma_wait3A_719, %dma_wait3A_720] : memref<16x1000000xf32, #tpu.memory_space<hbm>> -> memref<16x128xf32, #tpu.memory_space<hbm>>
        %dma_wait3A_722 = arith.constant 0 : i32
        %dma_wait3A_723 = arith.constant 0 : i32
        %dma_wait3A_724 = tpu.memref_slice %arg14[%dma_wait3A_714, %dma_wait3A_722, %dma_wait3A_723] : memref<32x16x128xf32, #tpu.memory_space<vmem>> -> memref<1x16x128xf32, #tpu.memory_space<vmem>>
        %dma_wait3A_725 = tpu.memref_squeeze %dma_wait3A_724 : memref<1x16x128xf32, #tpu.memory_space<vmem>> -> memref<16x128xf32, #tpu.memory_space<vmem>>
        %dma_wait3A_726 = arith.constant 0 : i32
        %dma_wait3A_727 = arith.constant 0 : i32
        %dma_wait3A_728 = tpu.memref_slice %arg6[%dma_wait3A_726, %dma_wait3A_727] : memref<16x1000000xf32, #tpu.memory_space<hbm>> -> memref<16x128xf32, #tpu.memory_space<hbm>>
        tpu.wait_dma2 semaphore(%arg30 : memref<!tpu.dma_semaphore, #tpu.memory_space<semaphore_mem>>) src(%dma_wait3A_728 : memref<16x128xf32, #tpu.memory_space<hbm>>) dst(%dma_wait3A_725 : memref<16x128xf32, #tpu.memory_space<vmem>>)
      } else {
      }
      %slice3A_462 = vector.extract_strided_slice %masked_cummax3A_61 {offsets = [13], sizes = [1], strides = [1]} : vector<16xi32> to vector<1xi32>
      %squeeze3A_463 = vector.extract %slice3A_462[0] : i32 from vector<1xi32>
      %add3A_464 = arith.constant 0 : i32
      %add3A_465 = arith.addi %add3A_464, %squeeze3A_463 : i32
      %broadcast_in_dim3A_466 = vector.broadcast %add3A_465 : i32 to vector<16xi32>
      %slice3A_467 = vector.extract_strided_slice %and3A_26 {offsets = [13], sizes = [1], strides = [1]} : vector<16xi32> to vector<1xi32>
      %squeeze3A_468 = vector.extract %slice3A_467[0] : i32 from vector<1xi32>
      %broadcast_in_dim3A_469 = vector.broadcast %squeeze3A_468 : i32 to vector<16xi32>
      %gather3A_470 = tpu.vector_load_idx %arg14[%broadcast_in_dim3A_466, %iota3A, %broadcast_in_dim3A_469] : memref<32x16x128xf32, #tpu.memory_space<vmem>>[vector<16xi32>, vector<16xi32>, vector<16xi32>], vector<16xf32>,
      %add3A_471 = arith.constant 13 : i32
      %add3A_472 = arith.addi %mul3A_23, %add3A_471 : i32
      %mul3A_473 = arith.constant 16 : i32
      %mul3A_474 = arith.muli %add3A_472, %mul3A_473 : i32
      %add3A_475 = vector.broadcast %mul3A_474 : i32 to vector<16xi32>
      %add3A_476 = arith.addi %add3A_475, %iota3A : vector<16xi32>
      tpu.vector_store_idx %arg15[%add3A_476], %gather3A_470 : memref<8192xf32, #tpu.memory_space<vmem>>[vector<16xi32>], vector<16xf32>,
      %slice3A_477 = vector.extract_strided_slice %select_n3A {offsets = [14], sizes = [1], strides = [1]} : vector<16xi32> to vector<1xi32>
      %squeeze3A_478 = vector.extract %slice3A_477[0] : i32 from vector<1xi32>
      %eq3A_479 = arith.constant 1 : i32
      %eq3A_480 = arith.cmpi eq, %squeeze3A_478, %eq3A_479 : i32
      %convert_element_type3A_481 = arith.extui %eq3A_480 : i1 to i32
      %cond3A_482 = arith.constant 0 : i32
      %cond3A_483 = arith.cmpi ne, %convert_element_type3A_481, %cond3A_482 : i32
      scf.if %cond3A_483 {
        %dma_wait3A_714 = arith.constant 14 : i32
        %dma_wait3A_715 = arith.constant 0 : i32
        %dma_wait3A_716 = arith.constant 0 : i32
        %dma_wait3A_717 = tpu.memref_slice %arg14[%dma_wait3A_714, %dma_wait3A_715, %dma_wait3A_716] : memref<32x16x128xf32, #tpu.memory_space<vmem>> -> memref<1x16x128xf32, #tpu.memory_space<vmem>>
        %dma_wait3A_718 = tpu.memref_squeeze %dma_wait3A_717 : memref<1x16x128xf32, #tpu.memory_space<vmem>> -> memref<16x128xf32, #tpu.memory_space<vmem>>
        %dma_wait3A_719 = arith.constant 0 : i32
        %dma_wait3A_720 = arith.constant 0 : i32
        %dma_wait3A_721 = tpu.memref_slice %arg6[%dma_wait3A_719, %dma_wait3A_720] : memref<16x1000000xf32, #tpu.memory_space<hbm>> -> memref<16x128xf32, #tpu.memory_space<hbm>>
        %dma_wait3A_722 = arith.constant 0 : i32
        %dma_wait3A_723 = arith.constant 0 : i32
        %dma_wait3A_724 = tpu.memref_slice %arg14[%dma_wait3A_714, %dma_wait3A_722, %dma_wait3A_723] : memref<32x16x128xf32, #tpu.memory_space<vmem>> -> memref<1x16x128xf32, #tpu.memory_space<vmem>>
        %dma_wait3A_725 = tpu.memref_squeeze %dma_wait3A_724 : memref<1x16x128xf32, #tpu.memory_space<vmem>> -> memref<16x128xf32, #tpu.memory_space<vmem>>
        %dma_wait3A_726 = arith.constant 0 : i32
        %dma_wait3A_727 = arith.constant 0 : i32
        %dma_wait3A_728 = tpu.memref_slice %arg6[%dma_wait3A_726, %dma_wait3A_727] : memref<16x1000000xf32, #tpu.memory_space<hbm>> -> memref<16x128xf32, #tpu.memory_space<hbm>>
        tpu.wait_dma2 semaphore(%arg31 : memref<!tpu.dma_semaphore, #tpu.memory_space<semaphore_mem>>) src(%dma_wait3A_728 : memref<16x128xf32, #tpu.memory_space<hbm>>) dst(%dma_wait3A_725 : memref<16x128xf32, #tpu.memory_space<vmem>>)
      } else {
      }
      %slice3A_484 = vector.extract_strided_slice %masked_cummax3A_61 {offsets = [14], sizes = [1], strides = [1]} : vector<16xi32> to vector<1xi32>
      %squeeze3A_485 = vector.extract %slice3A_484[0] : i32 from vector<1xi32>
      %add3A_486 = arith.constant 0 : i32
      %add3A_487 = arith.addi %add3A_486, %squeeze3A_485 : i32
      %broadcast_in_dim3A_488 = vector.broadcast %add3A_487 : i32 to vector<16xi32>
      %slice3A_489 = vector.extract_strided_slice %and3A_26 {offsets = [14], sizes = [1], strides = [1]} : vector<16xi32> to vector<1xi32>
      %squeeze3A_490 = vector.extract %slice3A_489[0] : i32 from vector<1xi32>
      %broadcast_in_dim3A_491 = vector.broadcast %squeeze3A_490 : i32 to vector<16xi32>
      %gather3A_492 = tpu.vector_load_idx %arg14[%broadcast_in_dim3A_488, %iota3A, %broadcast_in_dim3A_491] : memref<32x16x128xf32, #tpu.memory_space<vmem>>[vector<16xi32>, vector<16xi32>, vector<16xi32>], vector<16xf32>,
      %add3A_493 = arith.constant 14 : i32
      %add3A_494 = arith.addi %mul3A_23, %add3A_493 : i32
      %mul3A_495 = arith.constant 16 : i32
      %mul3A_496 = arith.muli %add3A_494, %mul3A_495 : i32
      %add3A_497 = vector.broadcast %mul3A_496 : i32 to vector<16xi32>
      %add3A_498 = arith.addi %add3A_497, %iota3A : vector<16xi32>
      tpu.vector_store_idx %arg15[%add3A_498], %gather3A_492 : memref<8192xf32, #tpu.memory_space<vmem>>[vector<16xi32>], vector<16xf32>,
      %slice3A_499 = vector.extract_strided_slice %select_n3A {offsets = [15], sizes = [1], strides = [1]} : vector<16xi32> to vector<1xi32>
      %squeeze3A_500 = vector.extract %slice3A_499[0] : i32 from vector<1xi32>
      %eq3A_501 = arith.constant 1 : i32
      %eq3A_502 = arith.cmpi eq, %squeeze3A_500, %eq3A_501 : i32
      %convert_element_type3A_503 = arith.extui %eq3A_502 : i1 to i32
      %cond3A_504 = arith.constant 0 : i32
      %cond3A_505 = arith.cmpi ne, %convert_element_type3A_503, %cond3A_504 : i32
      scf.if %cond3A_505 {
        %dma_wait3A_714 = arith.constant 15 : i32
        %dma_wait3A_715 = arith.constant 0 : i32
        %dma_wait3A_716 = arith.constant 0 : i32
        %dma_wait3A_717 = tpu.memref_slice %arg14[%dma_wait3A_714, %dma_wait3A_715, %dma_wait3A_716] : memref<32x16x128xf32, #tpu.memory_space<vmem>> -> memref<1x16x128xf32, #tpu.memory_space<vmem>>
        %dma_wait3A_718 = tpu.memref_squeeze %dma_wait3A_717 : memref<1x16x128xf32, #tpu.memory_space<vmem>> -> memref<16x128xf32, #tpu.memory_space<vmem>>
        %dma_wait3A_719 = arith.constant 0 : i32
        %dma_wait3A_720 = arith.constant 0 : i32
        %dma_wait3A_721 = tpu.memref_slice %arg6[%dma_wait3A_719, %dma_wait3A_720] : memref<16x1000000xf32, #tpu.memory_space<hbm>> -> memref<16x128xf32, #tpu.memory_space<hbm>>
        %dma_wait3A_722 = arith.constant 0 : i32
        %dma_wait3A_723 = arith.constant 0 : i32
        %dma_wait3A_724 = tpu.memref_slice %arg14[%dma_wait3A_714, %dma_wait3A_722, %dma_wait3A_723] : memref<32x16x128xf32, #tpu.memory_space<vmem>> -> memref<1x16x128xf32, #tpu.memory_space<vmem>>
        %dma_wait3A_725 = tpu.memref_squeeze %dma_wait3A_724 : memref<1x16x128xf32, #tpu.memory_space<vmem>> -> memref<16x128xf32, #tpu.memory_space<vmem>>
        %dma_wait3A_726 = arith.constant 0 : i32
        %dma_wait3A_727 = arith.constant 0 : i32
        %dma_wait3A_728 = tpu.memref_slice %arg6[%dma_wait3A_726, %dma_wait3A_727] : memref<16x1000000xf32, #tpu.memory_space<hbm>> -> memref<16x128xf32, #tpu.memory_space<hbm>>
        tpu.wait_dma2 semaphore(%arg32 : memref<!tpu.dma_semaphore, #tpu.memory_space<semaphore_mem>>) src(%dma_wait3A_728 : memref<16x128xf32, #tpu.memory_space<hbm>>) dst(%dma_wait3A_725 : memref<16x128xf32, #tpu.memory_space<vmem>>)
      } else {
      }
      %slice3A_506 = vector.extract_strided_slice %masked_cummax3A_61 {offsets = [15], sizes = [1], strides = [1]} : vector<16xi32> to vector<1xi32>
      %squeeze3A_507 = vector.extract %slice3A_506[0] : i32 from vector<1xi32>
      %add3A_508 = arith.constant 0 : i32
      %add3A_509 = arith.addi %add3A_508, %squeeze3A_507 : i32
      %broadcast_in_dim3A_510 = vector.broadcast %add3A_509 : i32 to vector<16xi32>
      %slice3A_511 = vector.extract_strided_slice %and3A_26 {offsets = [15], sizes = [1], strides = [1]} : vector<16xi32> to vector<1xi32>
      %squeeze3A_512 = vector.extract %slice3A_511[0] : i32 from vector<1xi32>
      %broadcast_in_dim3A_513 = vector.broadcast %squeeze3A_512 : i32 to vector<16xi32>
      %gather3A_514 = tpu.vector_load_idx %arg14[%broadcast_in_dim3A_510, %iota3A, %broadcast_in_dim3A_513] : memref<32x16x128xf32, #tpu.memory_space<vmem>>[vector<16xi32>, vector<16xi32>, vector<16xi32>], vector<16xf32>,
      %add3A_515 = arith.constant 15 : i32
      %add3A_516 = arith.addi %mul3A_23, %add3A_515 : i32
      %mul3A_517 = arith.constant 16 : i32
      %mul3A_518 = arith.muli %add3A_516, %mul3A_517 : i32
      %add3A_519 = vector.broadcast %mul3A_518 : i32 to vector<16xi32>
      %add3A_520 = arith.addi %add3A_519, %iota3A : vector<16xi32>
      tpu.vector_store_idx %arg15[%add3A_520], %gather3A_514 : memref<8192xf32, #tpu.memory_space<vmem>>[vector<16xi32>], vector<16xf32>,
      %get3A_521 = arith.index_cast %mul3A_23 : i32 to index
      %get3A_522 = tpu.vector_load %arg11[%get3A_521] {strides = array<i32>} : memref<512xi32, #tpu.memory_space<vmem>>, vector<16xi32>,
      %add3A_523 = arith.constant 0 : i32
      %add3A_524 = arith.addi %mul3A_23, %add3A_523 : i32
      %mul3A_525 = arith.constant 16 : i32
      %mul3A_526 = arith.muli %add3A_524, %mul3A_525 : i32
      %slice3A_527 = vector.extract_strided_slice %get3A_522 {offsets = [0], sizes = [1], strides = [1]} : vector<16xi32> to vector<1xi32>
      %squeeze3A_528 = vector.extract %slice3A_527[0] : i32 from vector<1xi32>
      %mul3A_529 = arith.constant 16 : i32
      %mul3A_530 = arith.muli %squeeze3A_528, %mul3A_529 : i32
      %dma_start3A = tpu.memref_slice %arg15[%mul3A_526] : memref<8192xf32, #tpu.memory_space<vmem>> -> memref<16xf32, #tpu.memory_space<vmem>>
      %dma_start3A_531 = tpu.memref_slice %arg8[%mul3A_530] : memref<262144xf32, #tpu.memory_space<hbm>> -> memref<16xf32, #tpu.memory_space<hbm>>
      %dma_start3A_532 = tpu.memref_slice %arg8[%mul3A_530] : memref<262144xf32, #tpu.memory_space<hbm>> -> memref<16xf32, #tpu.memory_space<hbm>>
      %dma_start3A_533 = tpu.memref_slice %arg15[%mul3A_526] : memref<8192xf32, #tpu.memory_space<vmem>> -> memref<16xf32, #tpu.memory_space<vmem>>
      tpu.enqueue_dma source(%dma_start3A_533 : memref<16xf32, #tpu.memory_space<vmem>>) target(%dma_start3A_532 : memref<16xf32, #tpu.memory_space<hbm>>) target_semaphore(%arg33 : memref<!tpu.dma_semaphore, #tpu.memory_space<semaphore_mem>>)
      %add3A_534 = arith.constant 1 : i32
      %add3A_535 = arith.addi %mul3A_23, %add3A_534 : i32
      %mul3A_536 = arith.constant 16 : i32
      %mul3A_537 = arith.muli %add3A_535, %mul3A_536 : i32
      %slice3A_538 = vector.extract_strided_slice %get3A_522 {offsets = [1], sizes = [1], strides = [1]} : vector<16xi32> to vector<1xi32>
      %squeeze3A_539 = vector.extract %slice3A_538[0] : i32 from vector<1xi32>
      %mul3A_540 = arith.constant 16 : i32
      %mul3A_541 = arith.muli %squeeze3A_539, %mul3A_540 : i32
      %dma_start3A_542 = tpu.memref_slice %arg15[%mul3A_537] : memref<8192xf32, #tpu.memory_space<vmem>> -> memref<16xf32, #tpu.memory_space<vmem>>
      %dma_start3A_543 = tpu.memref_slice %arg8[%mul3A_541] : memref<262144xf32, #tpu.memory_space<hbm>> -> memref<16xf32, #tpu.memory_space<hbm>>
      %dma_start3A_544 = tpu.memref_slice %arg8[%mul3A_541] : memref<262144xf32, #tpu.memory_space<hbm>> -> memref<16xf32, #tpu.memory_space<hbm>>
      %dma_start3A_545 = tpu.memref_slice %arg15[%mul3A_537] : memref<8192xf32, #tpu.memory_space<vmem>> -> memref<16xf32, #tpu.memory_space<vmem>>
      tpu.enqueue_dma source(%dma_start3A_545 : memref<16xf32, #tpu.memory_space<vmem>>) target(%dma_start3A_544 : memref<16xf32, #tpu.memory_space<hbm>>) target_semaphore(%arg33 : memref<!tpu.dma_semaphore, #tpu.memory_space<semaphore_mem>>)
      %add3A_546 = arith.constant 2 : i32
      %add3A_547 = arith.addi %mul3A_23, %add3A_546 : i32
      %mul3A_548 = arith.constant 16 : i32
      %mul3A_549 = arith.muli %add3A_547, %mul3A_548 : i32
      %slice3A_550 = vector.extract_strided_slice %get3A_522 {offsets = [2], sizes = [1], strides = [1]} : vector<16xi32> to vector<1xi32>
      %squeeze3A_551 = vector.extract %slice3A_550[0] : i32 from vector<1xi32>
      %mul3A_552 = arith.constant 16 : i32
      %mul3A_553 = arith.muli %squeeze3A_551, %mul3A_552 : i32
      %dma_start3A_554 = tpu.memref_slice %arg15[%mul3A_549] : memref<8192xf32, #tpu.memory_space<vmem>> -> memref<16xf32, #tpu.memory_space<vmem>>
      %dma_start3A_555 = tpu.memref_slice %arg8[%mul3A_553] : memref<262144xf32, #tpu.memory_space<hbm>> -> memref<16xf32, #tpu.memory_space<hbm>>
      %dma_start3A_556 = tpu.memref_slice %arg8[%mul3A_553] : memref<262144xf32, #tpu.memory_space<hbm>> -> memref<16xf32, #tpu.memory_space<hbm>>
      %dma_start3A_557 = tpu.memref_slice %arg15[%mul3A_549] : memref<8192xf32, #tpu.memory_space<vmem>> -> memref<16xf32, #tpu.memory_space<vmem>>
      tpu.enqueue_dma source(%dma_start3A_557 : memref<16xf32, #tpu.memory_space<vmem>>) target(%dma_start3A_556 : memref<16xf32, #tpu.memory_space<hbm>>) target_semaphore(%arg33 : memref<!tpu.dma_semaphore, #tpu.memory_space<semaphore_mem>>)
      %add3A_558 = arith.constant 3 : i32
      %add3A_559 = arith.addi %mul3A_23, %add3A_558 : i32
      %mul3A_560 = arith.constant 16 : i32
      %mul3A_561 = arith.muli %add3A_559, %mul3A_560 : i32
      %slice3A_562 = vector.extract_strided_slice %get3A_522 {offsets = [3], sizes = [1], strides = [1]} : vector<16xi32> to vector<1xi32>
      %squeeze3A_563 = vector.extract %slice3A_562[0] : i32 from vector<1xi32>
      %mul3A_564 = arith.constant 16 : i32
      %mul3A_565 = arith.muli %squeeze3A_563, %mul3A_564 : i32
      %dma_start3A_566 = tpu.memref_slice %arg15[%mul3A_561] : memref<8192xf32, #tpu.memory_space<vmem>> -> memref<16xf32, #tpu.memory_space<vmem>>
      %dma_start3A_567 = tpu.memref_slice %arg8[%mul3A_565] : memref<262144xf32, #tpu.memory_space<hbm>> -> memref<16xf32, #tpu.memory_space<hbm>>
      %dma_start3A_568 = tpu.memref_slice %arg8[%mul3A_565] : memref<262144xf32, #tpu.memory_space<hbm>> -> memref<16xf32, #tpu.memory_space<hbm>>
      %dma_start3A_569 = tpu.memref_slice %arg15[%mul3A_561] : memref<8192xf32, #tpu.memory_space<vmem>> -> memref<16xf32, #tpu.memory_space<vmem>>
      tpu.enqueue_dma source(%dma_start3A_569 : memref<16xf32, #tpu.memory_space<vmem>>) target(%dma_start3A_568 : memref<16xf32, #tpu.memory_space<hbm>>) target_semaphore(%arg33 : memref<!tpu.dma_semaphore, #tpu.memory_space<semaphore_mem>>)
      %add3A_570 = arith.constant 4 : i32
      %add3A_571 = arith.addi %mul3A_23, %add3A_570 : i32
      %mul3A_572 = arith.constant 16 : i32
      %mul3A_573 = arith.muli %add3A_571, %mul3A_572 : i32
      %slice3A_574 = vector.extract_strided_slice %get3A_522 {offsets = [4], sizes = [1], strides = [1]} : vector<16xi32> to vector<1xi32>
      %squeeze3A_575 = vector.extract %slice3A_574[0] : i32 from vector<1xi32>
      %mul3A_576 = arith.constant 16 : i32
      %mul3A_577 = arith.muli %squeeze3A_575, %mul3A_576 : i32
      %dma_start3A_578 = tpu.memref_slice %arg15[%mul3A_573] : memref<8192xf32, #tpu.memory_space<vmem>> -> memref<16xf32, #tpu.memory_space<vmem>>
      %dma_start3A_579 = tpu.memref_slice %arg8[%mul3A_577] : memref<262144xf32, #tpu.memory_space<hbm>> -> memref<16xf32, #tpu.memory_space<hbm>>
      %dma_start3A_580 = tpu.memref_slice %arg8[%mul3A_577] : memref<262144xf32, #tpu.memory_space<hbm>> -> memref<16xf32, #tpu.memory_space<hbm>>
      %dma_start3A_581 = tpu.memref_slice %arg15[%mul3A_573] : memref<8192xf32, #tpu.memory_space<vmem>> -> memref<16xf32, #tpu.memory_space<vmem>>
      tpu.enqueue_dma source(%dma_start3A_581 : memref<16xf32, #tpu.memory_space<vmem>>) target(%dma_start3A_580 : memref<16xf32, #tpu.memory_space<hbm>>) target_semaphore(%arg33 : memref<!tpu.dma_semaphore, #tpu.memory_space<semaphore_mem>>)
      %add3A_582 = arith.constant 5 : i32
      %add3A_583 = arith.addi %mul3A_23, %add3A_582 : i32
      %mul3A_584 = arith.constant 16 : i32
      %mul3A_585 = arith.muli %add3A_583, %mul3A_584 : i32
      %slice3A_586 = vector.extract_strided_slice %get3A_522 {offsets = [5], sizes = [1], strides = [1]} : vector<16xi32> to vector<1xi32>
      %squeeze3A_587 = vector.extract %slice3A_586[0] : i32 from vector<1xi32>
      %mul3A_588 = arith.constant 16 : i32
      %mul3A_589 = arith.muli %squeeze3A_587, %mul3A_588 : i32
      %dma_start3A_590 = tpu.memref_slice %arg15[%mul3A_585] : memref<8192xf32, #tpu.memory_space<vmem>> -> memref<16xf32, #tpu.memory_space<vmem>>
      %dma_start3A_591 = tpu.memref_slice %arg8[%mul3A_589] : memref<262144xf32, #tpu.memory_space<hbm>> -> memref<16xf32, #tpu.memory_space<hbm>>
      %dma_start3A_592 = tpu.memref_slice %arg8[%mul3A_589] : memref<262144xf32, #tpu.memory_space<hbm>> -> memref<16xf32, #tpu.memory_space<hbm>>
      %dma_start3A_593 = tpu.memref_slice %arg15[%mul3A_585] : memref<8192xf32, #tpu.memory_space<vmem>> -> memref<16xf32, #tpu.memory_space<vmem>>
      tpu.enqueue_dma source(%dma_start3A_593 : memref<16xf32, #tpu.memory_space<vmem>>) target(%dma_start3A_592 : memref<16xf32, #tpu.memory_space<hbm>>) target_semaphore(%arg33 : memref<!tpu.dma_semaphore, #tpu.memory_space<semaphore_mem>>)
      %add3A_594 = arith.constant 6 : i32
      %add3A_595 = arith.addi %mul3A_23, %add3A_594 : i32
      %mul3A_596 = arith.constant 16 : i32
      %mul3A_597 = arith.muli %add3A_595, %mul3A_596 : i32
      %slice3A_598 = vector.extract_strided_slice %get3A_522 {offsets = [6], sizes = [1], strides = [1]} : vector<16xi32> to vector<1xi32>
      %squeeze3A_599 = vector.extract %slice3A_598[0] : i32 from vector<1xi32>
      %mul3A_600 = arith.constant 16 : i32
      %mul3A_601 = arith.muli %squeeze3A_599, %mul3A_600 : i32
      %dma_start3A_602 = tpu.memref_slice %arg15[%mul3A_597] : memref<8192xf32, #tpu.memory_space<vmem>> -> memref<16xf32, #tpu.memory_space<vmem>>
      %dma_start3A_603 = tpu.memref_slice %arg8[%mul3A_601] : memref<262144xf32, #tpu.memory_space<hbm>> -> memref<16xf32, #tpu.memory_space<hbm>>
      %dma_start3A_604 = tpu.memref_slice %arg8[%mul3A_601] : memref<262144xf32, #tpu.memory_space<hbm>> -> memref<16xf32, #tpu.memory_space<hbm>>
      %dma_start3A_605 = tpu.memref_slice %arg15[%mul3A_597] : memref<8192xf32, #tpu.memory_space<vmem>> -> memref<16xf32, #tpu.memory_space<vmem>>
      tpu.enqueue_dma source(%dma_start3A_605 : memref<16xf32, #tpu.memory_space<vmem>>) target(%dma_start3A_604 : memref<16xf32, #tpu.memory_space<hbm>>) target_semaphore(%arg33 : memref<!tpu.dma_semaphore, #tpu.memory_space<semaphore_mem>>)
      %add3A_606 = arith.constant 7 : i32
      %add3A_607 = arith.addi %mul3A_23, %add3A_606 : i32
      %mul3A_608 = arith.constant 16 : i32
      %mul3A_609 = arith.muli %add3A_607, %mul3A_608 : i32
      %slice3A_610 = vector.extract_strided_slice %get3A_522 {offsets = [7], sizes = [1], strides = [1]} : vector<16xi32> to vector<1xi32>
      %squeeze3A_611 = vector.extract %slice3A_610[0] : i32 from vector<1xi32>
      %mul3A_612 = arith.constant 16 : i32
      %mul3A_613 = arith.muli %squeeze3A_611, %mul3A_612 : i32
      %dma_start3A_614 = tpu.memref_slice %arg15[%mul3A_609] : memref<8192xf32, #tpu.memory_space<vmem>> -> memref<16xf32, #tpu.memory_space<vmem>>
      %dma_start3A_615 = tpu.memref_slice %arg8[%mul3A_613] : memref<262144xf32, #tpu.memory_space<hbm>> -> memref<16xf32, #tpu.memory_space<hbm>>
      %dma_start3A_616 = tpu.memref_slice %arg8[%mul3A_613] : memref<262144xf32, #tpu.memory_space<hbm>> -> memref<16xf32, #tpu.memory_space<hbm>>
      %dma_start3A_617 = tpu.memref_slice %arg15[%mul3A_609] : memref<8192xf32, #tpu.memory_space<vmem>> -> memref<16xf32, #tpu.memory_space<vmem>>
      tpu.enqueue_dma source(%dma_start3A_617 : memref<16xf32, #tpu.memory_space<vmem>>) target(%dma_start3A_616 : memref<16xf32, #tpu.memory_space<hbm>>) target_semaphore(%arg33 : memref<!tpu.dma_semaphore, #tpu.memory_space<semaphore_mem>>)
      %add3A_618 = arith.constant 8 : i32
      %add3A_619 = arith.addi %mul3A_23, %add3A_618 : i32
      %mul3A_620 = arith.constant 16 : i32
      %mul3A_621 = arith.muli %add3A_619, %mul3A_620 : i32
      %slice3A_622 = vector.extract_strided_slice %get3A_522 {offsets = [8], sizes = [1], strides = [1]} : vector<16xi32> to vector<1xi32>
      %squeeze3A_623 = vector.extract %slice3A_622[0] : i32 from vector<1xi32>
      %mul3A_624 = arith.constant 16 : i32
      %mul3A_625 = arith.muli %squeeze3A_623, %mul3A_624 : i32
      %dma_start3A_626 = tpu.memref_slice %arg15[%mul3A_621] : memref<8192xf32, #tpu.memory_space<vmem>> -> memref<16xf32, #tpu.memory_space<vmem>>
      %dma_start3A_627 = tpu.memref_slice %arg8[%mul3A_625] : memref<262144xf32, #tpu.memory_space<hbm>> -> memref<16xf32, #tpu.memory_space<hbm>>
      %dma_start3A_628 = tpu.memref_slice %arg8[%mul3A_625] : memref<262144xf32, #tpu.memory_space<hbm>> -> memref<16xf32, #tpu.memory_space<hbm>>
      %dma_start3A_629 = tpu.memref_slice %arg15[%mul3A_621] : memref<8192xf32, #tpu.memory_space<vmem>> -> memref<16xf32, #tpu.memory_space<vmem>>
      tpu.enqueue_dma source(%dma_start3A_629 : memref<16xf32, #tpu.memory_space<vmem>>) target(%dma_start3A_628 : memref<16xf32, #tpu.memory_space<hbm>>) target_semaphore(%arg33 : memref<!tpu.dma_semaphore, #tpu.memory_space<semaphore_mem>>)
      %add3A_630 = arith.constant 9 : i32
      %add3A_631 = arith.addi %mul3A_23, %add3A_630 : i32
      %mul3A_632 = arith.constant 16 : i32
      %mul3A_633 = arith.muli %add3A_631, %mul3A_632 : i32
      %slice3A_634 = vector.extract_strided_slice %get3A_522 {offsets = [9], sizes = [1], strides = [1]} : vector<16xi32> to vector<1xi32>
      %squeeze3A_635 = vector.extract %slice3A_634[0] : i32 from vector<1xi32>
      %mul3A_636 = arith.constant 16 : i32
      %mul3A_637 = arith.muli %squeeze3A_635, %mul3A_636 : i32
      %dma_start3A_638 = tpu.memref_slice %arg15[%mul3A_633] : memref<8192xf32, #tpu.memory_space<vmem>> -> memref<16xf32, #tpu.memory_space<vmem>>
      %dma_start3A_639 = tpu.memref_slice %arg8[%mul3A_637] : memref<262144xf32, #tpu.memory_space<hbm>> -> memref<16xf32, #tpu.memory_space<hbm>>
      %dma_start3A_640 = tpu.memref_slice %arg8[%mul3A_637] : memref<262144xf32, #tpu.memory_space<hbm>> -> memref<16xf32, #tpu.memory_space<hbm>>
      %dma_start3A_641 = tpu.memref_slice %arg15[%mul3A_633] : memref<8192xf32, #tpu.memory_space<vmem>> -> memref<16xf32, #tpu.memory_space<vmem>>
      tpu.enqueue_dma source(%dma_start3A_641 : memref<16xf32, #tpu.memory_space<vmem>>) target(%dma_start3A_640 : memref<16xf32, #tpu.memory_space<hbm>>) target_semaphore(%arg33 : memref<!tpu.dma_semaphore, #tpu.memory_space<semaphore_mem>>)
      %add3A_642 = arith.constant 10 : i32
      %add3A_643 = arith.addi %mul3A_23, %add3A_642 : i32
      %mul3A_644 = arith.constant 16 : i32
      %mul3A_645 = arith.muli %add3A_643, %mul3A_644 : i32
      %slice3A_646 = vector.extract_strided_slice %get3A_522 {offsets = [10], sizes = [1], strides = [1]} : vector<16xi32> to vector<1xi32>
      %squeeze3A_647 = vector.extract %slice3A_646[0] : i32 from vector<1xi32>
      %mul3A_648 = arith.constant 16 : i32
      %mul3A_649 = arith.muli %squeeze3A_647, %mul3A_648 : i32
      %dma_start3A_650 = tpu.memref_slice %arg15[%mul3A_645] : memref<8192xf32, #tpu.memory_space<vmem>> -> memref<16xf32, #tpu.memory_space<vmem>>
      %dma_start3A_651 = tpu.memref_slice %arg8[%mul3A_649] : memref<262144xf32, #tpu.memory_space<hbm>> -> memref<16xf32, #tpu.memory_space<hbm>>
      %dma_start3A_652 = tpu.memref_slice %arg8[%mul3A_649] : memref<262144xf32, #tpu.memory_space<hbm>> -> memref<16xf32, #tpu.memory_space<hbm>>
      %dma_start3A_653 = tpu.memref_slice %arg15[%mul3A_645] : memref<8192xf32, #tpu.memory_space<vmem>> -> memref<16xf32, #tpu.memory_space<vmem>>
      tpu.enqueue_dma source(%dma_start3A_653 : memref<16xf32, #tpu.memory_space<vmem>>) target(%dma_start3A_652 : memref<16xf32, #tpu.memory_space<hbm>>) target_semaphore(%arg33 : memref<!tpu.dma_semaphore, #tpu.memory_space<semaphore_mem>>)
      %add3A_654 = arith.constant 11 : i32
      %add3A_655 = arith.addi %mul3A_23, %add3A_654 : i32
      %mul3A_656 = arith.constant 16 : i32
      %mul3A_657 = arith.muli %add3A_655, %mul3A_656 : i32
      %slice3A_658 = vector.extract_strided_slice %get3A_522 {offsets = [11], sizes = [1], strides = [1]} : vector<16xi32> to vector<1xi32>
      %squeeze3A_659 = vector.extract %slice3A_658[0] : i32 from vector<1xi32>
      %mul3A_660 = arith.constant 16 : i32
      %mul3A_661 = arith.muli %squeeze3A_659, %mul3A_660 : i32
      %dma_start3A_662 = tpu.memref_slice %arg15[%mul3A_657] : memref<8192xf32, #tpu.memory_space<vmem>> -> memref<16xf32, #tpu.memory_space<vmem>>
      %dma_start3A_663 = tpu.memref_slice %arg8[%mul3A_661] : memref<262144xf32, #tpu.memory_space<hbm>> -> memref<16xf32, #tpu.memory_space<hbm>>
      %dma_start3A_664 = tpu.memref_slice %arg8[%mul3A_661] : memref<262144xf32, #tpu.memory_space<hbm>> -> memref<16xf32, #tpu.memory_space<hbm>>
      %dma_start3A_665 = tpu.memref_slice %arg15[%mul3A_657] : memref<8192xf32, #tpu.memory_space<vmem>> -> memref<16xf32, #tpu.memory_space<vmem>>
      tpu.enqueue_dma source(%dma_start3A_665 : memref<16xf32, #tpu.memory_space<vmem>>) target(%dma_start3A_664 : memref<16xf32, #tpu.memory_space<hbm>>) target_semaphore(%arg33 : memref<!tpu.dma_semaphore, #tpu.memory_space<semaphore_mem>>)
      %add3A_666 = arith.constant 12 : i32
      %add3A_667 = arith.addi %mul3A_23, %add3A_666 : i32
      %mul3A_668 = arith.constant 16 : i32
      %mul3A_669 = arith.muli %add3A_667, %mul3A_668 : i32
      %slice3A_670 = vector.extract_strided_slice %get3A_522 {offsets = [12], sizes = [1], strides = [1]} : vector<16xi32> to vector<1xi32>
      %squeeze3A_671 = vector.extract %slice3A_670[0] : i32 from vector<1xi32>
      %mul3A_672 = arith.constant 16 : i32
      %mul3A_673 = arith.muli %squeeze3A_671, %mul3A_672 : i32
      %dma_start3A_674 = tpu.memref_slice %arg15[%mul3A_669] : memref<8192xf32, #tpu.memory_space<vmem>> -> memref<16xf32, #tpu.memory_space<vmem>>
      %dma_start3A_675 = tpu.memref_slice %arg8[%mul3A_673] : memref<262144xf32, #tpu.memory_space<hbm>> -> memref<16xf32, #tpu.memory_space<hbm>>
      %dma_start3A_676 = tpu.memref_slice %arg8[%mul3A_673] : memref<262144xf32, #tpu.memory_space<hbm>> -> memref<16xf32, #tpu.memory_space<hbm>>
      %dma_start3A_677 = tpu.memref_slice %arg15[%mul3A_669] : memref<8192xf32, #tpu.memory_space<vmem>> -> memref<16xf32, #tpu.memory_space<vmem>>
      tpu.enqueue_dma source(%dma_start3A_677 : memref<16xf32, #tpu.memory_space<vmem>>) target(%dma_start3A_676 : memref<16xf32, #tpu.memory_space<hbm>>) target_semaphore(%arg33 : memref<!tpu.dma_semaphore, #tpu.memory_space<semaphore_mem>>)
      %add3A_678 = arith.constant 13 : i32
      %add3A_679 = arith.addi %mul3A_23, %add3A_678 : i32
      %mul3A_680 = arith.constant 16 : i32
      %mul3A_681 = arith.muli %add3A_679, %mul3A_680 : i32
      %slice3A_682 = vector.extract_strided_slice %get3A_522 {offsets = [13], sizes = [1], strides = [1]} : vector<16xi32> to vector<1xi32>
      %squeeze3A_683 = vector.extract %slice3A_682[0] : i32 from vector<1xi32>
      %mul3A_684 = arith.constant 16 : i32
      %mul3A_685 = arith.muli %squeeze3A_683, %mul3A_684 : i32
      %dma_start3A_686 = tpu.memref_slice %arg15[%mul3A_681] : memref<8192xf32, #tpu.memory_space<vmem>> -> memref<16xf32, #tpu.memory_space<vmem>>
      %dma_start3A_687 = tpu.memref_slice %arg8[%mul3A_685] : memref<262144xf32, #tpu.memory_space<hbm>> -> memref<16xf32, #tpu.memory_space<hbm>>
      %dma_start3A_688 = tpu.memref_slice %arg8[%mul3A_685] : memref<262144xf32, #tpu.memory_space<hbm>> -> memref<16xf32, #tpu.memory_space<hbm>>
      %dma_start3A_689 = tpu.memref_slice %arg15[%mul3A_681] : memref<8192xf32, #tpu.memory_space<vmem>> -> memref<16xf32, #tpu.memory_space<vmem>>
      tpu.enqueue_dma source(%dma_start3A_689 : memref<16xf32, #tpu.memory_space<vmem>>) target(%dma_start3A_688 : memref<16xf32, #tpu.memory_space<hbm>>) target_semaphore(%arg33 : memref<!tpu.dma_semaphore, #tpu.memory_space<semaphore_mem>>)
      %add3A_690 = arith.constant 14 : i32
      %add3A_691 = arith.addi %mul3A_23, %add3A_690 : i32
      %mul3A_692 = arith.constant 16 : i32
      %mul3A_693 = arith.muli %add3A_691, %mul3A_692 : i32
      %slice3A_694 = vector.extract_strided_slice %get3A_522 {offsets = [14], sizes = [1], strides = [1]} : vector<16xi32> to vector<1xi32>
      %squeeze3A_695 = vector.extract %slice3A_694[0] : i32 from vector<1xi32>
      %mul3A_696 = arith.constant 16 : i32
      %mul3A_697 = arith.muli %squeeze3A_695, %mul3A_696 : i32
      %dma_start3A_698 = tpu.memref_slice %arg15[%mul3A_693] : memref<8192xf32, #tpu.memory_space<vmem>> -> memref<16xf32, #tpu.memory_space<vmem>>
      %dma_start3A_699 = tpu.memref_slice %arg8[%mul3A_697] : memref<262144xf32, #tpu.memory_space<hbm>> -> memref<16xf32, #tpu.memory_space<hbm>>
      %dma_start3A_700 = tpu.memref_slice %arg8[%mul3A_697] : memref<262144xf32, #tpu.memory_space<hbm>> -> memref<16xf32, #tpu.memory_space<hbm>>
      %dma_start3A_701 = tpu.memref_slice %arg15[%mul3A_693] : memref<8192xf32, #tpu.memory_space<vmem>> -> memref<16xf32, #tpu.memory_space<vmem>>
      tpu.enqueue_dma source(%dma_start3A_701 : memref<16xf32, #tpu.memory_space<vmem>>) target(%dma_start3A_700 : memref<16xf32, #tpu.memory_space<hbm>>) target_semaphore(%arg33 : memref<!tpu.dma_semaphore, #tpu.memory_space<semaphore_mem>>)
      %add3A_702 = arith.constant 15 : i32
      %add3A_703 = arith.addi %mul3A_23, %add3A_702 : i32
      %mul3A_704 = arith.constant 16 : i32
      %mul3A_705 = arith.muli %add3A_703, %mul3A_704 : i32
      %slice3A_706 = vector.extract_strided_slice %get3A_522 {offsets = [15], sizes = [1], strides = [1]} : vector<16xi32> to vector<1xi32>
      %squeeze3A_707 = vector.extract %slice3A_706[0] : i32 from vector<1xi32>
      %mul3A_708 = arith.constant 16 : i32
      %mul3A_709 = arith.muli %squeeze3A_707, %mul3A_708 : i32
      %dma_start3A_710 = tpu.memref_slice %arg15[%mul3A_705] : memref<8192xf32, #tpu.memory_space<vmem>> -> memref<16xf32, #tpu.memory_space<vmem>>
      %dma_start3A_711 = tpu.memref_slice %arg8[%mul3A_709] : memref<262144xf32, #tpu.memory_space<hbm>> -> memref<16xf32, #tpu.memory_space<hbm>>
      %dma_start3A_712 = tpu.memref_slice %arg8[%mul3A_709] : memref<262144xf32, #tpu.memory_space<hbm>> -> memref<16xf32, #tpu.memory_space<hbm>>
      %dma_start3A_713 = tpu.memref_slice %arg15[%mul3A_705] : memref<8192xf32, #tpu.memory_space<vmem>> -> memref<16xf32, #tpu.memory_space<vmem>>
      tpu.enqueue_dma source(%dma_start3A_713 : memref<16xf32, #tpu.memory_space<vmem>>) target(%dma_start3A_712 : memref<16xf32, #tpu.memory_space<hbm>>) target_semaphore(%arg33 : memref<!tpu.dma_semaphore, #tpu.memory_space<semaphore_mem>>)
    }
    %scan3A_7 = arith.constant 32 : i32
    %dma_wait3A = arith.constant 0 : i32
    %dma_wait3A_8 = tpu.memref_slice %arg8[%dma_wait3A] : memref<262144xf32, #tpu.memory_space<hbm>> -> memref<8192xf32, #tpu.memory_space<hbm>>
    %dma_wait3A_9 = arith.constant 0 : i32
    %dma_wait3A_10 = tpu.memref_slice %arg8[%dma_wait3A_9] : memref<262144xf32, #tpu.memory_space<hbm>> -> memref<8192xf32, #tpu.memory_space<hbm>>
    tpu.wait_dma2 semaphore(%arg33 : memref<!tpu.dma_semaphore, #tpu.memory_space<semaphore_mem>>) src(%arg15 : memref<8192xf32, #tpu.memory_space<vmem>>) dst(%dma_wait3A_10 : memref<8192xf32, #tpu.memory_space<hbm>>)
    %scan3A_11 = arith.constant 0 : i32
    %scan3A_12 = arith.constant 0 : i32
    %scan3A_13 = arith.constant 32 : i32
    %scan3A_14 = arith.addi %scan3A_12, %scan3A_13 : i32
    %scan3A_15 = arith.constant 1 : i32
    scf.for %scan3A_21 = %scan3A_12 to %scan3A_14 step %scan3A_15  : i32 {
      %mul3A_22 = arith.constant 16 : i32
      %mul3A_23 = arith.muli %scan3A_21, %mul3A_22 : i32
      %get3A = arith.index_cast %mul3A_23 : i32 to index
      %get3A_24 = tpu.vector_load %arg12[%get3A] {strides = array<i32>} : memref<512xi32, #tpu.memory_space<vmem>>, vector<16xi32>,
      %and3A = arith.constant 127 : i32
      %and3A_25 = vector.broadcast %and3A : i32 to vector<16xi32>
      %and3A_26 = arith.andi %get3A_24, %and3A_25 : vector<16xi32>
      %shift_right_arithmetic3A = arith.constant 7 : i32
      %shift_right_arithmetic3A_27 = vector.broadcast %shift_right_arithmetic3A : i32 to vector<16xi32>
      %shift_right_arithmetic3A_28 = arith.shrsi %get3A_24, %shift_right_arithmetic3A_27 : vector<16xi32>
      %mul3A_29 = arith.constant 128 : i32
      %mul3A_30 = vector.broadcast %mul3A_29 : i32 to vector<16xi32>
      %mul3A_31 = arith.muli %shift_right_arithmetic3A_28, %mul3A_30 : vector<16xi32>
      %sub3A = arith.constant 1 : i32
      %sub3A_32 = arith.subi %mul3A_23, %sub3A : i32
      %max3A = arith.constant 0 : i32
      %max3A_33 = arith.maxsi %sub3A_32, %max3A : i32
      %get3A_34 = arith.index_cast %max3A_33 : i32 to index
      %get3A_35 = tpu.vector_load %arg12[%get3A_34] {strides = array<i32>} : memref<512xi32, #tpu.memory_space<vmem>>, vector<16xi32>,
      %shift_right_arithmetic3A_36 = arith.constant 7 : i32
      %shift_right_arithmetic3A_37 = vector.broadcast %shift_right_arithmetic3A_36 : i32 to vector<16xi32>
      %shift_right_arithmetic3A_38 = arith.shrsi %get3A_24, %shift_right_arithmetic3A_37 : vector<16xi32>
      %shift_right_arithmetic3A_39 = arith.constant 7 : i32
      %shift_right_arithmetic3A_40 = vector.broadcast %shift_right_arithmetic3A_39 : i32 to vector<16xi32>
      %shift_right_arithmetic3A_41 = arith.shrsi %get3A_35, %shift_right_arithmetic3A_40 : vector<16xi32>
      %ne3A = arith.cmpi ne, %shift_right_arithmetic3A_38, %shift_right_arithmetic3A_41 : vector<16xi32>
      %eq3A = arith.constant 0 : i32
      %eq3A_42 = vector.broadcast %eq3A : i32 to vector<16xi32>
      %eq3A_43 = arith.cmpi eq, %iota3A, %eq3A_42 : vector<16xi32>
      %or3A = arith.ori %ne3A, %eq3A_43 : vector<16xi1>
      %eq3A_44 = arith.constant 0 : i32
      %eq3A_45 = arith.cmpi eq, %scan3A_21, %eq3A_44 : i32
      %or3A_46 = vector.broadcast %eq3A_45 : i1 to vector<16xi1>
      %or3A_47 = arith.ori %or3A, %or3A_46 : vector<16xi1>
      %jit3A = arith.constant 1 : i32
      %jit3A_48 = arith.constant 0 : i32
      %broadcast_in_dim3A = vector.broadcast %jit3A : i32 to vector<16xi32>
      %broadcast_in_dim3A_49 = vector.broadcast %jit3A_48 : i32 to vector<16xi32>
      %select_n3A = arith.select %or3A_47, %broadcast_in_dim3A, %broadcast_in_dim3A_49 : vector<16xi1>, vector<16xi32>
      %eq3A_50 = arith.constant 1 : i32
      %eq3A_51 = vector.broadcast %eq3A_50 : i32 to vector<16xi32>
      %eq3A_52 = arith.cmpi eq, %select_n3A, %eq3A_51 : vector<16xi32>
      %jit3A_53 = arith.constant 0 : i32
      %broadcast_in_dim3A_54 = vector.broadcast %jit3A_53 : i32 to vector<16xi32>
      %select_n3A_55 = arith.select %eq3A_52, %iota3A, %broadcast_in_dim3A_54 : vector<16xi1>, vector<16xi32>
      %broadcast_in_dim3A_56 = arith.constant true
      %broadcast_in_dim3A_57 = vector.broadcast %broadcast_in_dim3A_56 : i1 to vector<16xi1>
      %masked_cummax3A = arith.constant -2147483648 : i32
      %masked_cummax3A_58 = vector.broadcast %masked_cummax3A : i32 to vector<16xi32>
      %masked_cummax3A_59 = arith.xori %select_n3A_55, %masked_cummax3A_58 : vector<16xi32>
      %masked_cummax3A_60 = tpu.scan <max>, %masked_cummax3A_59 masked %broadcast_in_dim3A_57 : vector<16xi32>, vector<16xi1> -> vector<16xi32>
      %masked_cummax3A_61 = arith.xori %masked_cummax3A_60, %masked_cummax3A_58 : vector<16xi32>
      %slice3A = vector.extract_strided_slice %select_n3A {offsets = [0], sizes = [1], strides = [1]} : vector<16xi32> to vector<1xi32>
      %squeeze3A = vector.extract %slice3A[0] : i32 from vector<1xi32>
      %eq3A_62 = arith.constant 1 : i32
      %eq3A_63 = arith.cmpi eq, %squeeze3A, %eq3A_62 : i32
      %convert_element_type3A = arith.extui %eq3A_63 : i1 to i32
      %cond3A = arith.constant 0 : i32
      %cond3A_64 = arith.cmpi ne, %convert_element_type3A, %cond3A : i32
      scf.if %cond3A_64 {
        %slice3A_714 = vector.extract_strided_slice %mul3A_31 {offsets = [0], sizes = [1], strides = [1]} : vector<16xi32> to vector<1xi32>
        %squeeze3A_715 = vector.extract %slice3A_714[0] : i32 from vector<1xi32>
        %multiple_of3A = tpu.assume_multiple %squeeze3A_715, 128 : i32
        %dma_start3A_716 = arith.constant 16 : i32
        %dma_start3A_717 = arith.constant 0 : i32
        %dma_start3A_718 = arith.constant 0 : i32
        %dma_start3A_719 = tpu.memref_slice %arg14[%dma_start3A_716, %dma_start3A_717, %dma_start3A_718] : memref<32x16x128xf32, #tpu.memory_space<vmem>> -> memref<1x16x128xf32, #tpu.memory_space<vmem>>
        %dma_start3A_720 = tpu.memref_squeeze %dma_start3A_719 : memref<1x16x128xf32, #tpu.memory_space<vmem>> -> memref<16x128xf32, #tpu.memory_space<vmem>>
        %dma_start3A_721 = arith.constant 0 : i32
        %dma_start3A_722 = tpu.memref_slice %arg7[%dma_start3A_721, %multiple_of3A] : memref<16x1000000xf32, #tpu.memory_space<hbm>> -> memref<16x128xf32, #tpu.memory_space<hbm>>
        %dma_start3A_723 = arith.constant 0 : i32
        %dma_start3A_724 = arith.constant 0 : i32
        %dma_start3A_725 = tpu.memref_slice %arg14[%dma_start3A_716, %dma_start3A_723, %dma_start3A_724] : memref<32x16x128xf32, #tpu.memory_space<vmem>> -> memref<1x16x128xf32, #tpu.memory_space<vmem>>
        %dma_start3A_726 = tpu.memref_squeeze %dma_start3A_725 : memref<1x16x128xf32, #tpu.memory_space<vmem>> -> memref<16x128xf32, #tpu.memory_space<vmem>>
        %dma_start3A_727 = arith.constant 0 : i32
        %dma_start3A_728 = tpu.memref_slice %arg7[%dma_start3A_727, %multiple_of3A] : memref<16x1000000xf32, #tpu.memory_space<hbm>> -> memref<16x128xf32, #tpu.memory_space<hbm>>
        tpu.enqueue_dma source(%dma_start3A_728 : memref<16x128xf32, #tpu.memory_space<hbm>>) target(%dma_start3A_726 : memref<16x128xf32, #tpu.memory_space<vmem>>) target_semaphore(%arg17 : memref<!tpu.dma_semaphore, #tpu.memory_space<semaphore_mem>>)
      } else {
      }
      %slice3A_65 = vector.extract_strided_slice %select_n3A {offsets = [1], sizes = [1], strides = [1]} : vector<16xi32> to vector<1xi32>
      %squeeze3A_66 = vector.extract %slice3A_65[0] : i32 from vector<1xi32>
      %eq3A_67 = arith.constant 1 : i32
      %eq3A_68 = arith.cmpi eq, %squeeze3A_66, %eq3A_67 : i32
      %convert_element_type3A_69 = arith.extui %eq3A_68 : i1 to i32
      %cond3A_70 = arith.constant 0 : i32
      %cond3A_71 = arith.cmpi ne, %convert_element_type3A_69, %cond3A_70 : i32
      scf.if %cond3A_71 {
        %slice3A_714 = vector.extract_strided_slice %mul3A_31 {offsets = [1], sizes = [1], strides = [1]} : vector<16xi32> to vector<1xi32>
        %squeeze3A_715 = vector.extract %slice3A_714[0] : i32 from vector<1xi32>
        %multiple_of3A = tpu.assume_multiple %squeeze3A_715, 128 : i32
        %dma_start3A_716 = arith.constant 17 : i32
        %dma_start3A_717 = arith.constant 0 : i32
        %dma_start3A_718 = arith.constant 0 : i32
        %dma_start3A_719 = tpu.memref_slice %arg14[%dma_start3A_716, %dma_start3A_717, %dma_start3A_718] : memref<32x16x128xf32, #tpu.memory_space<vmem>> -> memref<1x16x128xf32, #tpu.memory_space<vmem>>
        %dma_start3A_720 = tpu.memref_squeeze %dma_start3A_719 : memref<1x16x128xf32, #tpu.memory_space<vmem>> -> memref<16x128xf32, #tpu.memory_space<vmem>>
        %dma_start3A_721 = arith.constant 0 : i32
        %dma_start3A_722 = tpu.memref_slice %arg7[%dma_start3A_721, %multiple_of3A] : memref<16x1000000xf32, #tpu.memory_space<hbm>> -> memref<16x128xf32, #tpu.memory_space<hbm>>
        %dma_start3A_723 = arith.constant 0 : i32
        %dma_start3A_724 = arith.constant 0 : i32
        %dma_start3A_725 = tpu.memref_slice %arg14[%dma_start3A_716, %dma_start3A_723, %dma_start3A_724] : memref<32x16x128xf32, #tpu.memory_space<vmem>> -> memref<1x16x128xf32, #tpu.memory_space<vmem>>
        %dma_start3A_726 = tpu.memref_squeeze %dma_start3A_725 : memref<1x16x128xf32, #tpu.memory_space<vmem>> -> memref<16x128xf32, #tpu.memory_space<vmem>>
        %dma_start3A_727 = arith.constant 0 : i32
        %dma_start3A_728 = tpu.memref_slice %arg7[%dma_start3A_727, %multiple_of3A] : memref<16x1000000xf32, #tpu.memory_space<hbm>> -> memref<16x128xf32, #tpu.memory_space<hbm>>
        tpu.enqueue_dma source(%dma_start3A_728 : memref<16x128xf32, #tpu.memory_space<hbm>>) target(%dma_start3A_726 : memref<16x128xf32, #tpu.memory_space<vmem>>) target_semaphore(%arg18 : memref<!tpu.dma_semaphore, #tpu.memory_space<semaphore_mem>>)
      } else {
      }
      %slice3A_72 = vector.extract_strided_slice %select_n3A {offsets = [2], sizes = [1], strides = [1]} : vector<16xi32> to vector<1xi32>
      %squeeze3A_73 = vector.extract %slice3A_72[0] : i32 from vector<1xi32>
      %eq3A_74 = arith.constant 1 : i32
      %eq3A_75 = arith.cmpi eq, %squeeze3A_73, %eq3A_74 : i32
      %convert_element_type3A_76 = arith.extui %eq3A_75 : i1 to i32
      %cond3A_77 = arith.constant 0 : i32
      %cond3A_78 = arith.cmpi ne, %convert_element_type3A_76, %cond3A_77 : i32
      scf.if %cond3A_78 {
        %slice3A_714 = vector.extract_strided_slice %mul3A_31 {offsets = [2], sizes = [1], strides = [1]} : vector<16xi32> to vector<1xi32>
        %squeeze3A_715 = vector.extract %slice3A_714[0] : i32 from vector<1xi32>
        %multiple_of3A = tpu.assume_multiple %squeeze3A_715, 128 : i32
        %dma_start3A_716 = arith.constant 18 : i32
        %dma_start3A_717 = arith.constant 0 : i32
        %dma_start3A_718 = arith.constant 0 : i32
        %dma_start3A_719 = tpu.memref_slice %arg14[%dma_start3A_716, %dma_start3A_717, %dma_start3A_718] : memref<32x16x128xf32, #tpu.memory_space<vmem>> -> memref<1x16x128xf32, #tpu.memory_space<vmem>>
        %dma_start3A_720 = tpu.memref_squeeze %dma_start3A_719 : memref<1x16x128xf32, #tpu.memory_space<vmem>> -> memref<16x128xf32, #tpu.memory_space<vmem>>
        %dma_start3A_721 = arith.constant 0 : i32
        %dma_start3A_722 = tpu.memref_slice %arg7[%dma_start3A_721, %multiple_of3A] : memref<16x1000000xf32, #tpu.memory_space<hbm>> -> memref<16x128xf32, #tpu.memory_space<hbm>>
        %dma_start3A_723 = arith.constant 0 : i32
        %dma_start3A_724 = arith.constant 0 : i32
        %dma_start3A_725 = tpu.memref_slice %arg14[%dma_start3A_716, %dma_start3A_723, %dma_start3A_724] : memref<32x16x128xf32, #tpu.memory_space<vmem>> -> memref<1x16x128xf32, #tpu.memory_space<vmem>>
        %dma_start3A_726 = tpu.memref_squeeze %dma_start3A_725 : memref<1x16x128xf32, #tpu.memory_space<vmem>> -> memref<16x128xf32, #tpu.memory_space<vmem>>
        %dma_start3A_727 = arith.constant 0 : i32
        %dma_start3A_728 = tpu.memref_slice %arg7[%dma_start3A_727, %multiple_of3A] : memref<16x1000000xf32, #tpu.memory_space<hbm>> -> memref<16x128xf32, #tpu.memory_space<hbm>>
        tpu.enqueue_dma source(%dma_start3A_728 : memref<16x128xf32, #tpu.memory_space<hbm>>) target(%dma_start3A_726 : memref<16x128xf32, #tpu.memory_space<vmem>>) target_semaphore(%arg19 : memref<!tpu.dma_semaphore, #tpu.memory_space<semaphore_mem>>)
      } else {
      }
      %slice3A_79 = vector.extract_strided_slice %select_n3A {offsets = [3], sizes = [1], strides = [1]} : vector<16xi32> to vector<1xi32>
      %squeeze3A_80 = vector.extract %slice3A_79[0] : i32 from vector<1xi32>
      %eq3A_81 = arith.constant 1 : i32
      %eq3A_82 = arith.cmpi eq, %squeeze3A_80, %eq3A_81 : i32
      %convert_element_type3A_83 = arith.extui %eq3A_82 : i1 to i32
      %cond3A_84 = arith.constant 0 : i32
      %cond3A_85 = arith.cmpi ne, %convert_element_type3A_83, %cond3A_84 : i32
      scf.if %cond3A_85 {
        %slice3A_714 = vector.extract_strided_slice %mul3A_31 {offsets = [3], sizes = [1], strides = [1]} : vector<16xi32> to vector<1xi32>
        %squeeze3A_715 = vector.extract %slice3A_714[0] : i32 from vector<1xi32>
        %multiple_of3A = tpu.assume_multiple %squeeze3A_715, 128 : i32
        %dma_start3A_716 = arith.constant 19 : i32
        %dma_start3A_717 = arith.constant 0 : i32
        %dma_start3A_718 = arith.constant 0 : i32
        %dma_start3A_719 = tpu.memref_slice %arg14[%dma_start3A_716, %dma_start3A_717, %dma_start3A_718] : memref<32x16x128xf32, #tpu.memory_space<vmem>> -> memref<1x16x128xf32, #tpu.memory_space<vmem>>
        %dma_start3A_720 = tpu.memref_squeeze %dma_start3A_719 : memref<1x16x128xf32, #tpu.memory_space<vmem>> -> memref<16x128xf32, #tpu.memory_space<vmem>>
        %dma_start3A_721 = arith.constant 0 : i32
        %dma_start3A_722 = tpu.memref_slice %arg7[%dma_start3A_721, %multiple_of3A] : memref<16x1000000xf32, #tpu.memory_space<hbm>> -> memref<16x128xf32, #tpu.memory_space<hbm>>
        %dma_start3A_723 = arith.constant 0 : i32
        %dma_start3A_724 = arith.constant 0 : i32
        %dma_start3A_725 = tpu.memref_slice %arg14[%dma_start3A_716, %dma_start3A_723, %dma_start3A_724] : memref<32x16x128xf32, #tpu.memory_space<vmem>> -> memref<1x16x128xf32, #tpu.memory_space<vmem>>
        %dma_start3A_726 = tpu.memref_squeeze %dma_start3A_725 : memref<1x16x128xf32, #tpu.memory_space<vmem>> -> memref<16x128xf32, #tpu.memory_space<vmem>>
        %dma_start3A_727 = arith.constant 0 : i32
        %dma_start3A_728 = tpu.memref_slice %arg7[%dma_start3A_727, %multiple_of3A] : memref<16x1000000xf32, #tpu.memory_space<hbm>> -> memref<16x128xf32, #tpu.memory_space<hbm>>
        tpu.enqueue_dma source(%dma_start3A_728 : memref<16x128xf32, #tpu.memory_space<hbm>>) target(%dma_start3A_726 : memref<16x128xf32, #tpu.memory_space<vmem>>) target_semaphore(%arg20 : memref<!tpu.dma_semaphore, #tpu.memory_space<semaphore_mem>>)
      } else {
      }
      %slice3A_86 = vector.extract_strided_slice %select_n3A {offsets = [4], sizes = [1], strides = [1]} : vector<16xi32> to vector<1xi32>
      %squeeze3A_87 = vector.extract %slice3A_86[0] : i32 from vector<1xi32>
      %eq3A_88 = arith.constant 1 : i32
      %eq3A_89 = arith.cmpi eq, %squeeze3A_87, %eq3A_88 : i32
      %convert_element_type3A_90 = arith.extui %eq3A_89 : i1 to i32
      %cond3A_91 = arith.constant 0 : i32
      %cond3A_92 = arith.cmpi ne, %convert_element_type3A_90, %cond3A_91 : i32
      scf.if %cond3A_92 {
        %slice3A_714 = vector.extract_strided_slice %mul3A_31 {offsets = [4], sizes = [1], strides = [1]} : vector<16xi32> to vector<1xi32>
        %squeeze3A_715 = vector.extract %slice3A_714[0] : i32 from vector<1xi32>
        %multiple_of3A = tpu.assume_multiple %squeeze3A_715, 128 : i32
        %dma_start3A_716 = arith.constant 20 : i32
        %dma_start3A_717 = arith.constant 0 : i32
        %dma_start3A_718 = arith.constant 0 : i32
        %dma_start3A_719 = tpu.memref_slice %arg14[%dma_start3A_716, %dma_start3A_717, %dma_start3A_718] : memref<32x16x128xf32, #tpu.memory_space<vmem>> -> memref<1x16x128xf32, #tpu.memory_space<vmem>>
        %dma_start3A_720 = tpu.memref_squeeze %dma_start3A_719 : memref<1x16x128xf32, #tpu.memory_space<vmem>> -> memref<16x128xf32, #tpu.memory_space<vmem>>
        %dma_start3A_721 = arith.constant 0 : i32
        %dma_start3A_722 = tpu.memref_slice %arg7[%dma_start3A_721, %multiple_of3A] : memref<16x1000000xf32, #tpu.memory_space<hbm>> -> memref<16x128xf32, #tpu.memory_space<hbm>>
        %dma_start3A_723 = arith.constant 0 : i32
        %dma_start3A_724 = arith.constant 0 : i32
        %dma_start3A_725 = tpu.memref_slice %arg14[%dma_start3A_716, %dma_start3A_723, %dma_start3A_724] : memref<32x16x128xf32, #tpu.memory_space<vmem>> -> memref<1x16x128xf32, #tpu.memory_space<vmem>>
        %dma_start3A_726 = tpu.memref_squeeze %dma_start3A_725 : memref<1x16x128xf32, #tpu.memory_space<vmem>> -> memref<16x128xf32, #tpu.memory_space<vmem>>
        %dma_start3A_727 = arith.constant 0 : i32
        %dma_start3A_728 = tpu.memref_slice %arg7[%dma_start3A_727, %multiple_of3A] : memref<16x1000000xf32, #tpu.memory_space<hbm>> -> memref<16x128xf32, #tpu.memory_space<hbm>>
        tpu.enqueue_dma source(%dma_start3A_728 : memref<16x128xf32, #tpu.memory_space<hbm>>) target(%dma_start3A_726 : memref<16x128xf32, #tpu.memory_space<vmem>>) target_semaphore(%arg21 : memref<!tpu.dma_semaphore, #tpu.memory_space<semaphore_mem>>)
      } else {
      }
      %slice3A_93 = vector.extract_strided_slice %select_n3A {offsets = [5], sizes = [1], strides = [1]} : vector<16xi32> to vector<1xi32>
      %squeeze3A_94 = vector.extract %slice3A_93[0] : i32 from vector<1xi32>
      %eq3A_95 = arith.constant 1 : i32
      %eq3A_96 = arith.cmpi eq, %squeeze3A_94, %eq3A_95 : i32
      %convert_element_type3A_97 = arith.extui %eq3A_96 : i1 to i32
      %cond3A_98 = arith.constant 0 : i32
      %cond3A_99 = arith.cmpi ne, %convert_element_type3A_97, %cond3A_98 : i32
      scf.if %cond3A_99 {
        %slice3A_714 = vector.extract_strided_slice %mul3A_31 {offsets = [5], sizes = [1], strides = [1]} : vector<16xi32> to vector<1xi32>
        %squeeze3A_715 = vector.extract %slice3A_714[0] : i32 from vector<1xi32>
        %multiple_of3A = tpu.assume_multiple %squeeze3A_715, 128 : i32
        %dma_start3A_716 = arith.constant 21 : i32
        %dma_start3A_717 = arith.constant 0 : i32
        %dma_start3A_718 = arith.constant 0 : i32
        %dma_start3A_719 = tpu.memref_slice %arg14[%dma_start3A_716, %dma_start3A_717, %dma_start3A_718] : memref<32x16x128xf32, #tpu.memory_space<vmem>> -> memref<1x16x128xf32, #tpu.memory_space<vmem>>
        %dma_start3A_720 = tpu.memref_squeeze %dma_start3A_719 : memref<1x16x128xf32, #tpu.memory_space<vmem>> -> memref<16x128xf32, #tpu.memory_space<vmem>>
        %dma_start3A_721 = arith.constant 0 : i32
        %dma_start3A_722 = tpu.memref_slice %arg7[%dma_start3A_721, %multiple_of3A] : memref<16x1000000xf32, #tpu.memory_space<hbm>> -> memref<16x128xf32, #tpu.memory_space<hbm>>
        %dma_start3A_723 = arith.constant 0 : i32
        %dma_start3A_724 = arith.constant 0 : i32
        %dma_start3A_725 = tpu.memref_slice %arg14[%dma_start3A_716, %dma_start3A_723, %dma_start3A_724] : memref<32x16x128xf32, #tpu.memory_space<vmem>> -> memref<1x16x128xf32, #tpu.memory_space<vmem>>
        %dma_start3A_726 = tpu.memref_squeeze %dma_start3A_725 : memref<1x16x128xf32, #tpu.memory_space<vmem>> -> memref<16x128xf32, #tpu.memory_space<vmem>>
        %dma_start3A_727 = arith.constant 0 : i32
        %dma_start3A_728 = tpu.memref_slice %arg7[%dma_start3A_727, %multiple_of3A] : memref<16x1000000xf32, #tpu.memory_space<hbm>> -> memref<16x128xf32, #tpu.memory_space<hbm>>
        tpu.enqueue_dma source(%dma_start3A_728 : memref<16x128xf32, #tpu.memory_space<hbm>>) target(%dma_start3A_726 : memref<16x128xf32, #tpu.memory_space<vmem>>) target_semaphore(%arg22 : memref<!tpu.dma_semaphore, #tpu.memory_space<semaphore_mem>>)
      } else {
      }
      %slice3A_100 = vector.extract_strided_slice %select_n3A {offsets = [6], sizes = [1], strides = [1]} : vector<16xi32> to vector<1xi32>
      %squeeze3A_101 = vector.extract %slice3A_100[0] : i32 from vector<1xi32>
      %eq3A_102 = arith.constant 1 : i32
      %eq3A_103 = arith.cmpi eq, %squeeze3A_101, %eq3A_102 : i32
      %convert_element_type3A_104 = arith.extui %eq3A_103 : i1 to i32
      %cond3A_105 = arith.constant 0 : i32
      %cond3A_106 = arith.cmpi ne, %convert_element_type3A_104, %cond3A_105 : i32
      scf.if %cond3A_106 {
        %slice3A_714 = vector.extract_strided_slice %mul3A_31 {offsets = [6], sizes = [1], strides = [1]} : vector<16xi32> to vector<1xi32>
        %squeeze3A_715 = vector.extract %slice3A_714[0] : i32 from vector<1xi32>
        %multiple_of3A = tpu.assume_multiple %squeeze3A_715, 128 : i32
        %dma_start3A_716 = arith.constant 22 : i32
        %dma_start3A_717 = arith.constant 0 : i32
        %dma_start3A_718 = arith.constant 0 : i32
        %dma_start3A_719 = tpu.memref_slice %arg14[%dma_start3A_716, %dma_start3A_717, %dma_start3A_718] : memref<32x16x128xf32, #tpu.memory_space<vmem>> -> memref<1x16x128xf32, #tpu.memory_space<vmem>>
        %dma_start3A_720 = tpu.memref_squeeze %dma_start3A_719 : memref<1x16x128xf32, #tpu.memory_space<vmem>> -> memref<16x128xf32, #tpu.memory_space<vmem>>
        %dma_start3A_721 = arith.constant 0 : i32
        %dma_start3A_722 = tpu.memref_slice %arg7[%dma_start3A_721, %multiple_of3A] : memref<16x1000000xf32, #tpu.memory_space<hbm>> -> memref<16x128xf32, #tpu.memory_space<hbm>>
        %dma_start3A_723 = arith.constant 0 : i32
        %dma_start3A_724 = arith.constant 0 : i32
        %dma_start3A_725 = tpu.memref_slice %arg14[%dma_start3A_716, %dma_start3A_723, %dma_start3A_724] : memref<32x16x128xf32, #tpu.memory_space<vmem>> -> memref<1x16x128xf32, #tpu.memory_space<vmem>>
        %dma_start3A_726 = tpu.memref_squeeze %dma_start3A_725 : memref<1x16x128xf32, #tpu.memory_space<vmem>> -> memref<16x128xf32, #tpu.memory_space<vmem>>
        %dma_start3A_727 = arith.constant 0 : i32
        %dma_start3A_728 = tpu.memref_slice %arg7[%dma_start3A_727, %multiple_of3A] : memref<16x1000000xf32, #tpu.memory_space<hbm>> -> memref<16x128xf32, #tpu.memory_space<hbm>>
        tpu.enqueue_dma source(%dma_start3A_728 : memref<16x128xf32, #tpu.memory_space<hbm>>) target(%dma_start3A_726 : memref<16x128xf32, #tpu.memory_space<vmem>>) target_semaphore(%arg23 : memref<!tpu.dma_semaphore, #tpu.memory_space<semaphore_mem>>)
      } else {
      }
      %slice3A_107 = vector.extract_strided_slice %select_n3A {offsets = [7], sizes = [1], strides = [1]} : vector<16xi32> to vector<1xi32>
      %squeeze3A_108 = vector.extract %slice3A_107[0] : i32 from vector<1xi32>
      %eq3A_109 = arith.constant 1 : i32
      %eq3A_110 = arith.cmpi eq, %squeeze3A_108, %eq3A_109 : i32
      %convert_element_type3A_111 = arith.extui %eq3A_110 : i1 to i32
      %cond3A_112 = arith.constant 0 : i32
      %cond3A_113 = arith.cmpi ne, %convert_element_type3A_111, %cond3A_112 : i32
      scf.if %cond3A_113 {
        %slice3A_714 = vector.extract_strided_slice %mul3A_31 {offsets = [7], sizes = [1], strides = [1]} : vector<16xi32> to vector<1xi32>
        %squeeze3A_715 = vector.extract %slice3A_714[0] : i32 from vector<1xi32>
        %multiple_of3A = tpu.assume_multiple %squeeze3A_715, 128 : i32
        %dma_start3A_716 = arith.constant 23 : i32
        %dma_start3A_717 = arith.constant 0 : i32
        %dma_start3A_718 = arith.constant 0 : i32
        %dma_start3A_719 = tpu.memref_slice %arg14[%dma_start3A_716, %dma_start3A_717, %dma_start3A_718] : memref<32x16x128xf32, #tpu.memory_space<vmem>> -> memref<1x16x128xf32, #tpu.memory_space<vmem>>
        %dma_start3A_720 = tpu.memref_squeeze %dma_start3A_719 : memref<1x16x128xf32, #tpu.memory_space<vmem>> -> memref<16x128xf32, #tpu.memory_space<vmem>>
        %dma_start3A_721 = arith.constant 0 : i32
        %dma_start3A_722 = tpu.memref_slice %arg7[%dma_start3A_721, %multiple_of3A] : memref<16x1000000xf32, #tpu.memory_space<hbm>> -> memref<16x128xf32, #tpu.memory_space<hbm>>
        %dma_start3A_723 = arith.constant 0 : i32
        %dma_start3A_724 = arith.constant 0 : i32
        %dma_start3A_725 = tpu.memref_slice %arg14[%dma_start3A_716, %dma_start3A_723, %dma_start3A_724] : memref<32x16x128xf32, #tpu.memory_space<vmem>> -> memref<1x16x128xf32, #tpu.memory_space<vmem>>
        %dma_start3A_726 = tpu.memref_squeeze %dma_start3A_725 : memref<1x16x128xf32, #tpu.memory_space<vmem>> -> memref<16x128xf32, #tpu.memory_space<vmem>>
        %dma_start3A_727 = arith.constant 0 : i32
        %dma_start3A_728 = tpu.memref_slice %arg7[%dma_start3A_727, %multiple_of3A] : memref<16x1000000xf32, #tpu.memory_space<hbm>> -> memref<16x128xf32, #tpu.memory_space<hbm>>
        tpu.enqueue_dma source(%dma_start3A_728 : memref<16x128xf32, #tpu.memory_space<hbm>>) target(%dma_start3A_726 : memref<16x128xf32, #tpu.memory_space<vmem>>) target_semaphore(%arg24 : memref<!tpu.dma_semaphore, #tpu.memory_space<semaphore_mem>>)
      } else {
      }
      %slice3A_114 = vector.extract_strided_slice %select_n3A {offsets = [8], sizes = [1], strides = [1]} : vector<16xi32> to vector<1xi32>
      %squeeze3A_115 = vector.extract %slice3A_114[0] : i32 from vector<1xi32>
      %eq3A_116 = arith.constant 1 : i32
      %eq3A_117 = arith.cmpi eq, %squeeze3A_115, %eq3A_116 : i32
      %convert_element_type3A_118 = arith.extui %eq3A_117 : i1 to i32
      %cond3A_119 = arith.constant 0 : i32
      %cond3A_120 = arith.cmpi ne, %convert_element_type3A_118, %cond3A_119 : i32
      scf.if %cond3A_120 {
        %slice3A_714 = vector.extract_strided_slice %mul3A_31 {offsets = [8], sizes = [1], strides = [1]} : vector<16xi32> to vector<1xi32>
        %squeeze3A_715 = vector.extract %slice3A_714[0] : i32 from vector<1xi32>
        %multiple_of3A = tpu.assume_multiple %squeeze3A_715, 128 : i32
        %dma_start3A_716 = arith.constant 24 : i32
        %dma_start3A_717 = arith.constant 0 : i32
        %dma_start3A_718 = arith.constant 0 : i32
        %dma_start3A_719 = tpu.memref_slice %arg14[%dma_start3A_716, %dma_start3A_717, %dma_start3A_718] : memref<32x16x128xf32, #tpu.memory_space<vmem>> -> memref<1x16x128xf32, #tpu.memory_space<vmem>>
        %dma_start3A_720 = tpu.memref_squeeze %dma_start3A_719 : memref<1x16x128xf32, #tpu.memory_space<vmem>> -> memref<16x128xf32, #tpu.memory_space<vmem>>
        %dma_start3A_721 = arith.constant 0 : i32
        %dma_start3A_722 = tpu.memref_slice %arg7[%dma_start3A_721, %multiple_of3A] : memref<16x1000000xf32, #tpu.memory_space<hbm>> -> memref<16x128xf32, #tpu.memory_space<hbm>>
        %dma_start3A_723 = arith.constant 0 : i32
        %dma_start3A_724 = arith.constant 0 : i32
        %dma_start3A_725 = tpu.memref_slice %arg14[%dma_start3A_716, %dma_start3A_723, %dma_start3A_724] : memref<32x16x128xf32, #tpu.memory_space<vmem>> -> memref<1x16x128xf32, #tpu.memory_space<vmem>>
        %dma_start3A_726 = tpu.memref_squeeze %dma_start3A_725 : memref<1x16x128xf32, #tpu.memory_space<vmem>> -> memref<16x128xf32, #tpu.memory_space<vmem>>
        %dma_start3A_727 = arith.constant 0 : i32
        %dma_start3A_728 = tpu.memref_slice %arg7[%dma_start3A_727, %multiple_of3A] : memref<16x1000000xf32, #tpu.memory_space<hbm>> -> memref<16x128xf32, #tpu.memory_space<hbm>>
        tpu.enqueue_dma source(%dma_start3A_728 : memref<16x128xf32, #tpu.memory_space<hbm>>) target(%dma_start3A_726 : memref<16x128xf32, #tpu.memory_space<vmem>>) target_semaphore(%arg25 : memref<!tpu.dma_semaphore, #tpu.memory_space<semaphore_mem>>)
      } else {
      }
      %slice3A_121 = vector.extract_strided_slice %select_n3A {offsets = [9], sizes = [1], strides = [1]} : vector<16xi32> to vector<1xi32>
      %squeeze3A_122 = vector.extract %slice3A_121[0] : i32 from vector<1xi32>
      %eq3A_123 = arith.constant 1 : i32
      %eq3A_124 = arith.cmpi eq, %squeeze3A_122, %eq3A_123 : i32
      %convert_element_type3A_125 = arith.extui %eq3A_124 : i1 to i32
      %cond3A_126 = arith.constant 0 : i32
      %cond3A_127 = arith.cmpi ne, %convert_element_type3A_125, %cond3A_126 : i32
      scf.if %cond3A_127 {
        %slice3A_714 = vector.extract_strided_slice %mul3A_31 {offsets = [9], sizes = [1], strides = [1]} : vector<16xi32> to vector<1xi32>
        %squeeze3A_715 = vector.extract %slice3A_714[0] : i32 from vector<1xi32>
        %multiple_of3A = tpu.assume_multiple %squeeze3A_715, 128 : i32
        %dma_start3A_716 = arith.constant 25 : i32
        %dma_start3A_717 = arith.constant 0 : i32
        %dma_start3A_718 = arith.constant 0 : i32
        %dma_start3A_719 = tpu.memref_slice %arg14[%dma_start3A_716, %dma_start3A_717, %dma_start3A_718] : memref<32x16x128xf32, #tpu.memory_space<vmem>> -> memref<1x16x128xf32, #tpu.memory_space<vmem>>
        %dma_start3A_720 = tpu.memref_squeeze %dma_start3A_719 : memref<1x16x128xf32, #tpu.memory_space<vmem>> -> memref<16x128xf32, #tpu.memory_space<vmem>>
        %dma_start3A_721 = arith.constant 0 : i32
        %dma_start3A_722 = tpu.memref_slice %arg7[%dma_start3A_721, %multiple_of3A] : memref<16x1000000xf32, #tpu.memory_space<hbm>> -> memref<16x128xf32, #tpu.memory_space<hbm>>
        %dma_start3A_723 = arith.constant 0 : i32
        %dma_start3A_724 = arith.constant 0 : i32
        %dma_start3A_725 = tpu.memref_slice %arg14[%dma_start3A_716, %dma_start3A_723, %dma_start3A_724] : memref<32x16x128xf32, #tpu.memory_space<vmem>> -> memref<1x16x128xf32, #tpu.memory_space<vmem>>
        %dma_start3A_726 = tpu.memref_squeeze %dma_start3A_725 : memref<1x16x128xf32, #tpu.memory_space<vmem>> -> memref<16x128xf32, #tpu.memory_space<vmem>>
        %dma_start3A_727 = arith.constant 0 : i32
        %dma_start3A_728 = tpu.memref_slice %arg7[%dma_start3A_727, %multiple_of3A] : memref<16x1000000xf32, #tpu.memory_space<hbm>> -> memref<16x128xf32, #tpu.memory_space<hbm>>
        tpu.enqueue_dma source(%dma_start3A_728 : memref<16x128xf32, #tpu.memory_space<hbm>>) target(%dma_start3A_726 : memref<16x128xf32, #tpu.memory_space<vmem>>) target_semaphore(%arg26 : memref<!tpu.dma_semaphore, #tpu.memory_space<semaphore_mem>>)
      } else {
      }
      %slice3A_128 = vector.extract_strided_slice %select_n3A {offsets = [10], sizes = [1], strides = [1]} : vector<16xi32> to vector<1xi32>
      %squeeze3A_129 = vector.extract %slice3A_128[0] : i32 from vector<1xi32>
      %eq3A_130 = arith.constant 1 : i32
      %eq3A_131 = arith.cmpi eq, %squeeze3A_129, %eq3A_130 : i32
      %convert_element_type3A_132 = arith.extui %eq3A_131 : i1 to i32
      %cond3A_133 = arith.constant 0 : i32
      %cond3A_134 = arith.cmpi ne, %convert_element_type3A_132, %cond3A_133 : i32
      scf.if %cond3A_134 {
        %slice3A_714 = vector.extract_strided_slice %mul3A_31 {offsets = [10], sizes = [1], strides = [1]} : vector<16xi32> to vector<1xi32>
        %squeeze3A_715 = vector.extract %slice3A_714[0] : i32 from vector<1xi32>
        %multiple_of3A = tpu.assume_multiple %squeeze3A_715, 128 : i32
        %dma_start3A_716 = arith.constant 26 : i32
        %dma_start3A_717 = arith.constant 0 : i32
        %dma_start3A_718 = arith.constant 0 : i32
        %dma_start3A_719 = tpu.memref_slice %arg14[%dma_start3A_716, %dma_start3A_717, %dma_start3A_718] : memref<32x16x128xf32, #tpu.memory_space<vmem>> -> memref<1x16x128xf32, #tpu.memory_space<vmem>>
        %dma_start3A_720 = tpu.memref_squeeze %dma_start3A_719 : memref<1x16x128xf32, #tpu.memory_space<vmem>> -> memref<16x128xf32, #tpu.memory_space<vmem>>
        %dma_start3A_721 = arith.constant 0 : i32
        %dma_start3A_722 = tpu.memref_slice %arg7[%dma_start3A_721, %multiple_of3A] : memref<16x1000000xf32, #tpu.memory_space<hbm>> -> memref<16x128xf32, #tpu.memory_space<hbm>>
        %dma_start3A_723 = arith.constant 0 : i32
        %dma_start3A_724 = arith.constant 0 : i32
        %dma_start3A_725 = tpu.memref_slice %arg14[%dma_start3A_716, %dma_start3A_723, %dma_start3A_724] : memref<32x16x128xf32, #tpu.memory_space<vmem>> -> memref<1x16x128xf32, #tpu.memory_space<vmem>>
        %dma_start3A_726 = tpu.memref_squeeze %dma_start3A_725 : memref<1x16x128xf32, #tpu.memory_space<vmem>> -> memref<16x128xf32, #tpu.memory_space<vmem>>
        %dma_start3A_727 = arith.constant 0 : i32
        %dma_start3A_728 = tpu.memref_slice %arg7[%dma_start3A_727, %multiple_of3A] : memref<16x1000000xf32, #tpu.memory_space<hbm>> -> memref<16x128xf32, #tpu.memory_space<hbm>>
        tpu.enqueue_dma source(%dma_start3A_728 : memref<16x128xf32, #tpu.memory_space<hbm>>) target(%dma_start3A_726 : memref<16x128xf32, #tpu.memory_space<vmem>>) target_semaphore(%arg27 : memref<!tpu.dma_semaphore, #tpu.memory_space<semaphore_mem>>)
      } else {
      }
      %slice3A_135 = vector.extract_strided_slice %select_n3A {offsets = [11], sizes = [1], strides = [1]} : vector<16xi32> to vector<1xi32>
      %squeeze3A_136 = vector.extract %slice3A_135[0] : i32 from vector<1xi32>
      %eq3A_137 = arith.constant 1 : i32
      %eq3A_138 = arith.cmpi eq, %squeeze3A_136, %eq3A_137 : i32
      %convert_element_type3A_139 = arith.extui %eq3A_138 : i1 to i32
      %cond3A_140 = arith.constant 0 : i32
      %cond3A_141 = arith.cmpi ne, %convert_element_type3A_139, %cond3A_140 : i32
      scf.if %cond3A_141 {
        %slice3A_714 = vector.extract_strided_slice %mul3A_31 {offsets = [11], sizes = [1], strides = [1]} : vector<16xi32> to vector<1xi32>
        %squeeze3A_715 = vector.extract %slice3A_714[0] : i32 from vector<1xi32>
        %multiple_of3A = tpu.assume_multiple %squeeze3A_715, 128 : i32
        %dma_start3A_716 = arith.constant 27 : i32
        %dma_start3A_717 = arith.constant 0 : i32
        %dma_start3A_718 = arith.constant 0 : i32
        %dma_start3A_719 = tpu.memref_slice %arg14[%dma_start3A_716, %dma_start3A_717, %dma_start3A_718] : memref<32x16x128xf32, #tpu.memory_space<vmem>> -> memref<1x16x128xf32, #tpu.memory_space<vmem>>
        %dma_start3A_720 = tpu.memref_squeeze %dma_start3A_719 : memref<1x16x128xf32, #tpu.memory_space<vmem>> -> memref<16x128xf32, #tpu.memory_space<vmem>>
        %dma_start3A_721 = arith.constant 0 : i32
        %dma_start3A_722 = tpu.memref_slice %arg7[%dma_start3A_721, %multiple_of3A] : memref<16x1000000xf32, #tpu.memory_space<hbm>> -> memref<16x128xf32, #tpu.memory_space<hbm>>
        %dma_start3A_723 = arith.constant 0 : i32
        %dma_start3A_724 = arith.constant 0 : i32
        %dma_start3A_725 = tpu.memref_slice %arg14[%dma_start3A_716, %dma_start3A_723, %dma_start3A_724] : memref<32x16x128xf32, #tpu.memory_space<vmem>> -> memref<1x16x128xf32, #tpu.memory_space<vmem>>
        %dma_start3A_726 = tpu.memref_squeeze %dma_start3A_725 : memref<1x16x128xf32, #tpu.memory_space<vmem>> -> memref<16x128xf32, #tpu.memory_space<vmem>>
        %dma_start3A_727 = arith.constant 0 : i32
        %dma_start3A_728 = tpu.memref_slice %arg7[%dma_start3A_727, %multiple_of3A] : memref<16x1000000xf32, #tpu.memory_space<hbm>> -> memref<16x128xf32, #tpu.memory_space<hbm>>
        tpu.enqueue_dma source(%dma_start3A_728 : memref<16x128xf32, #tpu.memory_space<hbm>>) target(%dma_start3A_726 : memref<16x128xf32, #tpu.memory_space<vmem>>) target_semaphore(%arg28 : memref<!tpu.dma_semaphore, #tpu.memory_space<semaphore_mem>>)
      } else {
      }
      %slice3A_142 = vector.extract_strided_slice %select_n3A {offsets = [12], sizes = [1], strides = [1]} : vector<16xi32> to vector<1xi32>
      %squeeze3A_143 = vector.extract %slice3A_142[0] : i32 from vector<1xi32>
      %eq3A_144 = arith.constant 1 : i32
      %eq3A_145 = arith.cmpi eq, %squeeze3A_143, %eq3A_144 : i32
      %convert_element_type3A_146 = arith.extui %eq3A_145 : i1 to i32
      %cond3A_147 = arith.constant 0 : i32
      %cond3A_148 = arith.cmpi ne, %convert_element_type3A_146, %cond3A_147 : i32
      scf.if %cond3A_148 {
        %slice3A_714 = vector.extract_strided_slice %mul3A_31 {offsets = [12], sizes = [1], strides = [1]} : vector<16xi32> to vector<1xi32>
        %squeeze3A_715 = vector.extract %slice3A_714[0] : i32 from vector<1xi32>
        %multiple_of3A = tpu.assume_multiple %squeeze3A_715, 128 : i32
        %dma_start3A_716 = arith.constant 28 : i32
        %dma_start3A_717 = arith.constant 0 : i32
        %dma_start3A_718 = arith.constant 0 : i32
        %dma_start3A_719 = tpu.memref_slice %arg14[%dma_start3A_716, %dma_start3A_717, %dma_start3A_718] : memref<32x16x128xf32, #tpu.memory_space<vmem>> -> memref<1x16x128xf32, #tpu.memory_space<vmem>>
        %dma_start3A_720 = tpu.memref_squeeze %dma_start3A_719 : memref<1x16x128xf32, #tpu.memory_space<vmem>> -> memref<16x128xf32, #tpu.memory_space<vmem>>
        %dma_start3A_721 = arith.constant 0 : i32
        %dma_start3A_722 = tpu.memref_slice %arg7[%dma_start3A_721, %multiple_of3A] : memref<16x1000000xf32, #tpu.memory_space<hbm>> -> memref<16x128xf32, #tpu.memory_space<hbm>>
        %dma_start3A_723 = arith.constant 0 : i32
        %dma_start3A_724 = arith.constant 0 : i32
        %dma_start3A_725 = tpu.memref_slice %arg14[%dma_start3A_716, %dma_start3A_723, %dma_start3A_724] : memref<32x16x128xf32, #tpu.memory_space<vmem>> -> memref<1x16x128xf32, #tpu.memory_space<vmem>>
        %dma_start3A_726 = tpu.memref_squeeze %dma_start3A_725 : memref<1x16x128xf32, #tpu.memory_space<vmem>> -> memref<16x128xf32, #tpu.memory_space<vmem>>
        %dma_start3A_727 = arith.constant 0 : i32
        %dma_start3A_728 = tpu.memref_slice %arg7[%dma_start3A_727, %multiple_of3A] : memref<16x1000000xf32, #tpu.memory_space<hbm>> -> memref<16x128xf32, #tpu.memory_space<hbm>>
        tpu.enqueue_dma source(%dma_start3A_728 : memref<16x128xf32, #tpu.memory_space<hbm>>) target(%dma_start3A_726 : memref<16x128xf32, #tpu.memory_space<vmem>>) target_semaphore(%arg29 : memref<!tpu.dma_semaphore, #tpu.memory_space<semaphore_mem>>)
      } else {
      }
      %slice3A_149 = vector.extract_strided_slice %select_n3A {offsets = [13], sizes = [1], strides = [1]} : vector<16xi32> to vector<1xi32>
      %squeeze3A_150 = vector.extract %slice3A_149[0] : i32 from vector<1xi32>
      %eq3A_151 = arith.constant 1 : i32
      %eq3A_152 = arith.cmpi eq, %squeeze3A_150, %eq3A_151 : i32
      %convert_element_type3A_153 = arith.extui %eq3A_152 : i1 to i32
      %cond3A_154 = arith.constant 0 : i32
      %cond3A_155 = arith.cmpi ne, %convert_element_type3A_153, %cond3A_154 : i32
      scf.if %cond3A_155 {
        %slice3A_714 = vector.extract_strided_slice %mul3A_31 {offsets = [13], sizes = [1], strides = [1]} : vector<16xi32> to vector<1xi32>
        %squeeze3A_715 = vector.extract %slice3A_714[0] : i32 from vector<1xi32>
        %multiple_of3A = tpu.assume_multiple %squeeze3A_715, 128 : i32
        %dma_start3A_716 = arith.constant 29 : i32
        %dma_start3A_717 = arith.constant 0 : i32
        %dma_start3A_718 = arith.constant 0 : i32
        %dma_start3A_719 = tpu.memref_slice %arg14[%dma_start3A_716, %dma_start3A_717, %dma_start3A_718] : memref<32x16x128xf32, #tpu.memory_space<vmem>> -> memref<1x16x128xf32, #tpu.memory_space<vmem>>
        %dma_start3A_720 = tpu.memref_squeeze %dma_start3A_719 : memref<1x16x128xf32, #tpu.memory_space<vmem>> -> memref<16x128xf32, #tpu.memory_space<vmem>>
        %dma_start3A_721 = arith.constant 0 : i32
        %dma_start3A_722 = tpu.memref_slice %arg7[%dma_start3A_721, %multiple_of3A] : memref<16x1000000xf32, #tpu.memory_space<hbm>> -> memref<16x128xf32, #tpu.memory_space<hbm>>
        %dma_start3A_723 = arith.constant 0 : i32
        %dma_start3A_724 = arith.constant 0 : i32
        %dma_start3A_725 = tpu.memref_slice %arg14[%dma_start3A_716, %dma_start3A_723, %dma_start3A_724] : memref<32x16x128xf32, #tpu.memory_space<vmem>> -> memref<1x16x128xf32, #tpu.memory_space<vmem>>
        %dma_start3A_726 = tpu.memref_squeeze %dma_start3A_725 : memref<1x16x128xf32, #tpu.memory_space<vmem>> -> memref<16x128xf32, #tpu.memory_space<vmem>>
        %dma_start3A_727 = arith.constant 0 : i32
        %dma_start3A_728 = tpu.memref_slice %arg7[%dma_start3A_727, %multiple_of3A] : memref<16x1000000xf32, #tpu.memory_space<hbm>> -> memref<16x128xf32, #tpu.memory_space<hbm>>
        tpu.enqueue_dma source(%dma_start3A_728 : memref<16x128xf32, #tpu.memory_space<hbm>>) target(%dma_start3A_726 : memref<16x128xf32, #tpu.memory_space<vmem>>) target_semaphore(%arg30 : memref<!tpu.dma_semaphore, #tpu.memory_space<semaphore_mem>>)
      } else {
      }
      %slice3A_156 = vector.extract_strided_slice %select_n3A {offsets = [14], sizes = [1], strides = [1]} : vector<16xi32> to vector<1xi32>
      %squeeze3A_157 = vector.extract %slice3A_156[0] : i32 from vector<1xi32>
      %eq3A_158 = arith.constant 1 : i32
      %eq3A_159 = arith.cmpi eq, %squeeze3A_157, %eq3A_158 : i32
      %convert_element_type3A_160 = arith.extui %eq3A_159 : i1 to i32
      %cond3A_161 = arith.constant 0 : i32
      %cond3A_162 = arith.cmpi ne, %convert_element_type3A_160, %cond3A_161 : i32
      scf.if %cond3A_162 {
        %slice3A_714 = vector.extract_strided_slice %mul3A_31 {offsets = [14], sizes = [1], strides = [1]} : vector<16xi32> to vector<1xi32>
        %squeeze3A_715 = vector.extract %slice3A_714[0] : i32 from vector<1xi32>
        %multiple_of3A = tpu.assume_multiple %squeeze3A_715, 128 : i32
        %dma_start3A_716 = arith.constant 30 : i32
        %dma_start3A_717 = arith.constant 0 : i32
        %dma_start3A_718 = arith.constant 0 : i32
        %dma_start3A_719 = tpu.memref_slice %arg14[%dma_start3A_716, %dma_start3A_717, %dma_start3A_718] : memref<32x16x128xf32, #tpu.memory_space<vmem>> -> memref<1x16x128xf32, #tpu.memory_space<vmem>>
        %dma_start3A_720 = tpu.memref_squeeze %dma_start3A_719 : memref<1x16x128xf32, #tpu.memory_space<vmem>> -> memref<16x128xf32, #tpu.memory_space<vmem>>
        %dma_start3A_721 = arith.constant 0 : i32
        %dma_start3A_722 = tpu.memref_slice %arg7[%dma_start3A_721, %multiple_of3A] : memref<16x1000000xf32, #tpu.memory_space<hbm>> -> memref<16x128xf32, #tpu.memory_space<hbm>>
        %dma_start3A_723 = arith.constant 0 : i32
        %dma_start3A_724 = arith.constant 0 : i32
        %dma_start3A_725 = tpu.memref_slice %arg14[%dma_start3A_716, %dma_start3A_723, %dma_start3A_724] : memref<32x16x128xf32, #tpu.memory_space<vmem>> -> memref<1x16x128xf32, #tpu.memory_space<vmem>>
        %dma_start3A_726 = tpu.memref_squeeze %dma_start3A_725 : memref<1x16x128xf32, #tpu.memory_space<vmem>> -> memref<16x128xf32, #tpu.memory_space<vmem>>
        %dma_start3A_727 = arith.constant 0 : i32
        %dma_start3A_728 = tpu.memref_slice %arg7[%dma_start3A_727, %multiple_of3A] : memref<16x1000000xf32, #tpu.memory_space<hbm>> -> memref<16x128xf32, #tpu.memory_space<hbm>>
        tpu.enqueue_dma source(%dma_start3A_728 : memref<16x128xf32, #tpu.memory_space<hbm>>) target(%dma_start3A_726 : memref<16x128xf32, #tpu.memory_space<vmem>>) target_semaphore(%arg31 : memref<!tpu.dma_semaphore, #tpu.memory_space<semaphore_mem>>)
      } else {
      }
      %slice3A_163 = vector.extract_strided_slice %select_n3A {offsets = [15], sizes = [1], strides = [1]} : vector<16xi32> to vector<1xi32>
      %squeeze3A_164 = vector.extract %slice3A_163[0] : i32 from vector<1xi32>
      %eq3A_165 = arith.constant 1 : i32
      %eq3A_166 = arith.cmpi eq, %squeeze3A_164, %eq3A_165 : i32
      %convert_element_type3A_167 = arith.extui %eq3A_166 : i1 to i32
      %cond3A_168 = arith.constant 0 : i32
      %cond3A_169 = arith.cmpi ne, %convert_element_type3A_167, %cond3A_168 : i32
      scf.if %cond3A_169 {
        %slice3A_714 = vector.extract_strided_slice %mul3A_31 {offsets = [15], sizes = [1], strides = [1]} : vector<16xi32> to vector<1xi32>
        %squeeze3A_715 = vector.extract %slice3A_714[0] : i32 from vector<1xi32>
        %multiple_of3A = tpu.assume_multiple %squeeze3A_715, 128 : i32
        %dma_start3A_716 = arith.constant 31 : i32
        %dma_start3A_717 = arith.constant 0 : i32
        %dma_start3A_718 = arith.constant 0 : i32
        %dma_start3A_719 = tpu.memref_slice %arg14[%dma_start3A_716, %dma_start3A_717, %dma_start3A_718] : memref<32x16x128xf32, #tpu.memory_space<vmem>> -> memref<1x16x128xf32, #tpu.memory_space<vmem>>
        %dma_start3A_720 = tpu.memref_squeeze %dma_start3A_719 : memref<1x16x128xf32, #tpu.memory_space<vmem>> -> memref<16x128xf32, #tpu.memory_space<vmem>>
        %dma_start3A_721 = arith.constant 0 : i32
        %dma_start3A_722 = tpu.memref_slice %arg7[%dma_start3A_721, %multiple_of3A] : memref<16x1000000xf32, #tpu.memory_space<hbm>> -> memref<16x128xf32, #tpu.memory_space<hbm>>
        %dma_start3A_723 = arith.constant 0 : i32
        %dma_start3A_724 = arith.constant 0 : i32
        %dma_start3A_725 = tpu.memref_slice %arg14[%dma_start3A_716, %dma_start3A_723, %dma_start3A_724] : memref<32x16x128xf32, #tpu.memory_space<vmem>> -> memref<1x16x128xf32, #tpu.memory_space<vmem>>
        %dma_start3A_726 = tpu.memref_squeeze %dma_start3A_725 : memref<1x16x128xf32, #tpu.memory_space<vmem>> -> memref<16x128xf32, #tpu.memory_space<vmem>>
        %dma_start3A_727 = arith.constant 0 : i32
        %dma_start3A_728 = tpu.memref_slice %arg7[%dma_start3A_727, %multiple_of3A] : memref<16x1000000xf32, #tpu.memory_space<hbm>> -> memref<16x128xf32, #tpu.memory_space<hbm>>
        tpu.enqueue_dma source(%dma_start3A_728 : memref<16x128xf32, #tpu.memory_space<hbm>>) target(%dma_start3A_726 : memref<16x128xf32, #tpu.memory_space<vmem>>) target_semaphore(%arg32 : memref<!tpu.dma_semaphore, #tpu.memory_space<semaphore_mem>>)
      } else {
      }
      %slice3A_170 = vector.extract_strided_slice %select_n3A {offsets = [0], sizes = [1], strides = [1]} : vector<16xi32> to vector<1xi32>
      %squeeze3A_171 = vector.extract %slice3A_170[0] : i32 from vector<1xi32>
      %eq3A_172 = arith.constant 1 : i32
      %eq3A_173 = arith.cmpi eq, %squeeze3A_171, %eq3A_172 : i32
      %convert_element_type3A_174 = arith.extui %eq3A_173 : i1 to i32
      %cond3A_175 = arith.constant 0 : i32
      %cond3A_176 = arith.cmpi ne, %convert_element_type3A_174, %cond3A_175 : i32
      scf.if %cond3A_176 {
        %dma_wait3A_714 = arith.constant 16 : i32
        %dma_wait3A_715 = arith.constant 0 : i32
        %dma_wait3A_716 = arith.constant 0 : i32
        %dma_wait3A_717 = tpu.memref_slice %arg14[%dma_wait3A_714, %dma_wait3A_715, %dma_wait3A_716] : memref<32x16x128xf32, #tpu.memory_space<vmem>> -> memref<1x16x128xf32, #tpu.memory_space<vmem>>
        %dma_wait3A_718 = tpu.memref_squeeze %dma_wait3A_717 : memref<1x16x128xf32, #tpu.memory_space<vmem>> -> memref<16x128xf32, #tpu.memory_space<vmem>>
        %dma_wait3A_719 = arith.constant 0 : i32
        %dma_wait3A_720 = arith.constant 0 : i32
        %dma_wait3A_721 = tpu.memref_slice %arg7[%dma_wait3A_719, %dma_wait3A_720] : memref<16x1000000xf32, #tpu.memory_space<hbm>> -> memref<16x128xf32, #tpu.memory_space<hbm>>
        %dma_wait3A_722 = arith.constant 0 : i32
        %dma_wait3A_723 = arith.constant 0 : i32
        %dma_wait3A_724 = tpu.memref_slice %arg14[%dma_wait3A_714, %dma_wait3A_722, %dma_wait3A_723] : memref<32x16x128xf32, #tpu.memory_space<vmem>> -> memref<1x16x128xf32, #tpu.memory_space<vmem>>
        %dma_wait3A_725 = tpu.memref_squeeze %dma_wait3A_724 : memref<1x16x128xf32, #tpu.memory_space<vmem>> -> memref<16x128xf32, #tpu.memory_space<vmem>>
        %dma_wait3A_726 = arith.constant 0 : i32
        %dma_wait3A_727 = arith.constant 0 : i32
        %dma_wait3A_728 = tpu.memref_slice %arg7[%dma_wait3A_726, %dma_wait3A_727] : memref<16x1000000xf32, #tpu.memory_space<hbm>> -> memref<16x128xf32, #tpu.memory_space<hbm>>
        tpu.wait_dma2 semaphore(%arg17 : memref<!tpu.dma_semaphore, #tpu.memory_space<semaphore_mem>>) src(%dma_wait3A_728 : memref<16x128xf32, #tpu.memory_space<hbm>>) dst(%dma_wait3A_725 : memref<16x128xf32, #tpu.memory_space<vmem>>)
      } else {
      }
      %slice3A_177 = vector.extract_strided_slice %masked_cummax3A_61 {offsets = [0], sizes = [1], strides = [1]} : vector<16xi32> to vector<1xi32>
      %squeeze3A_178 = vector.extract %slice3A_177[0] : i32 from vector<1xi32>
      %add3A_179 = arith.constant 16 : i32
      %add3A_180 = arith.addi %add3A_179, %squeeze3A_178 : i32
      %broadcast_in_dim3A_181 = vector.broadcast %add3A_180 : i32 to vector<16xi32>
      %slice3A_182 = vector.extract_strided_slice %and3A_26 {offsets = [0], sizes = [1], strides = [1]} : vector<16xi32> to vector<1xi32>
      %squeeze3A_183 = vector.extract %slice3A_182[0] : i32 from vector<1xi32>
      %broadcast_in_dim3A_184 = vector.broadcast %squeeze3A_183 : i32 to vector<16xi32>
      %gather3A = tpu.vector_load_idx %arg14[%broadcast_in_dim3A_181, %iota3A, %broadcast_in_dim3A_184] : memref<32x16x128xf32, #tpu.memory_space<vmem>>[vector<16xi32>, vector<16xi32>, vector<16xi32>], vector<16xf32>,
      %add3A_185 = arith.constant 0 : i32
      %add3A_186 = arith.addi %mul3A_23, %add3A_185 : i32
      %mul3A_187 = arith.constant 16 : i32
      %mul3A_188 = arith.muli %add3A_186, %mul3A_187 : i32
      %add3A_189 = vector.broadcast %mul3A_188 : i32 to vector<16xi32>
      %add3A_190 = arith.addi %add3A_189, %iota3A : vector<16xi32>
      tpu.vector_store_idx %arg16[%add3A_190], %gather3A : memref<8192xf32, #tpu.memory_space<vmem>>[vector<16xi32>], vector<16xf32>,
      %slice3A_191 = vector.extract_strided_slice %select_n3A {offsets = [1], sizes = [1], strides = [1]} : vector<16xi32> to vector<1xi32>
      %squeeze3A_192 = vector.extract %slice3A_191[0] : i32 from vector<1xi32>
      %eq3A_193 = arith.constant 1 : i32
      %eq3A_194 = arith.cmpi eq, %squeeze3A_192, %eq3A_193 : i32
      %convert_element_type3A_195 = arith.extui %eq3A_194 : i1 to i32
      %cond3A_196 = arith.constant 0 : i32
      %cond3A_197 = arith.cmpi ne, %convert_element_type3A_195, %cond3A_196 : i32
      scf.if %cond3A_197 {
        %dma_wait3A_714 = arith.constant 17 : i32
        %dma_wait3A_715 = arith.constant 0 : i32
        %dma_wait3A_716 = arith.constant 0 : i32
        %dma_wait3A_717 = tpu.memref_slice %arg14[%dma_wait3A_714, %dma_wait3A_715, %dma_wait3A_716] : memref<32x16x128xf32, #tpu.memory_space<vmem>> -> memref<1x16x128xf32, #tpu.memory_space<vmem>>
        %dma_wait3A_718 = tpu.memref_squeeze %dma_wait3A_717 : memref<1x16x128xf32, #tpu.memory_space<vmem>> -> memref<16x128xf32, #tpu.memory_space<vmem>>
        %dma_wait3A_719 = arith.constant 0 : i32
        %dma_wait3A_720 = arith.constant 0 : i32
        %dma_wait3A_721 = tpu.memref_slice %arg7[%dma_wait3A_719, %dma_wait3A_720] : memref<16x1000000xf32, #tpu.memory_space<hbm>> -> memref<16x128xf32, #tpu.memory_space<hbm>>
        %dma_wait3A_722 = arith.constant 0 : i32
        %dma_wait3A_723 = arith.constant 0 : i32
        %dma_wait3A_724 = tpu.memref_slice %arg14[%dma_wait3A_714, %dma_wait3A_722, %dma_wait3A_723] : memref<32x16x128xf32, #tpu.memory_space<vmem>> -> memref<1x16x128xf32, #tpu.memory_space<vmem>>
        %dma_wait3A_725 = tpu.memref_squeeze %dma_wait3A_724 : memref<1x16x128xf32, #tpu.memory_space<vmem>> -> memref<16x128xf32, #tpu.memory_space<vmem>>
        %dma_wait3A_726 = arith.constant 0 : i32
        %dma_wait3A_727 = arith.constant 0 : i32
        %dma_wait3A_728 = tpu.memref_slice %arg7[%dma_wait3A_726, %dma_wait3A_727] : memref<16x1000000xf32, #tpu.memory_space<hbm>> -> memref<16x128xf32, #tpu.memory_space<hbm>>
        tpu.wait_dma2 semaphore(%arg18 : memref<!tpu.dma_semaphore, #tpu.memory_space<semaphore_mem>>) src(%dma_wait3A_728 : memref<16x128xf32, #tpu.memory_space<hbm>>) dst(%dma_wait3A_725 : memref<16x128xf32, #tpu.memory_space<vmem>>)
      } else {
      }
      %slice3A_198 = vector.extract_strided_slice %masked_cummax3A_61 {offsets = [1], sizes = [1], strides = [1]} : vector<16xi32> to vector<1xi32>
      %squeeze3A_199 = vector.extract %slice3A_198[0] : i32 from vector<1xi32>
      %add3A_200 = arith.constant 16 : i32
      %add3A_201 = arith.addi %add3A_200, %squeeze3A_199 : i32
      %broadcast_in_dim3A_202 = vector.broadcast %add3A_201 : i32 to vector<16xi32>
      %slice3A_203 = vector.extract_strided_slice %and3A_26 {offsets = [1], sizes = [1], strides = [1]} : vector<16xi32> to vector<1xi32>
      %squeeze3A_204 = vector.extract %slice3A_203[0] : i32 from vector<1xi32>
      %broadcast_in_dim3A_205 = vector.broadcast %squeeze3A_204 : i32 to vector<16xi32>
      %gather3A_206 = tpu.vector_load_idx %arg14[%broadcast_in_dim3A_202, %iota3A, %broadcast_in_dim3A_205] : memref<32x16x128xf32, #tpu.memory_space<vmem>>[vector<16xi32>, vector<16xi32>, vector<16xi32>], vector<16xf32>,
      %add3A_207 = arith.constant 1 : i32
      %add3A_208 = arith.addi %mul3A_23, %add3A_207 : i32
      %mul3A_209 = arith.constant 16 : i32
      %mul3A_210 = arith.muli %add3A_208, %mul3A_209 : i32
      %add3A_211 = vector.broadcast %mul3A_210 : i32 to vector<16xi32>
      %add3A_212 = arith.addi %add3A_211, %iota3A : vector<16xi32>
      tpu.vector_store_idx %arg16[%add3A_212], %gather3A_206 : memref<8192xf32, #tpu.memory_space<vmem>>[vector<16xi32>], vector<16xf32>,
      %slice3A_213 = vector.extract_strided_slice %select_n3A {offsets = [2], sizes = [1], strides = [1]} : vector<16xi32> to vector<1xi32>
      %squeeze3A_214 = vector.extract %slice3A_213[0] : i32 from vector<1xi32>
      %eq3A_215 = arith.constant 1 : i32
      %eq3A_216 = arith.cmpi eq, %squeeze3A_214, %eq3A_215 : i32
      %convert_element_type3A_217 = arith.extui %eq3A_216 : i1 to i32
      %cond3A_218 = arith.constant 0 : i32
      %cond3A_219 = arith.cmpi ne, %convert_element_type3A_217, %cond3A_218 : i32
      scf.if %cond3A_219 {
        %dma_wait3A_714 = arith.constant 18 : i32
        %dma_wait3A_715 = arith.constant 0 : i32
        %dma_wait3A_716 = arith.constant 0 : i32
        %dma_wait3A_717 = tpu.memref_slice %arg14[%dma_wait3A_714, %dma_wait3A_715, %dma_wait3A_716] : memref<32x16x128xf32, #tpu.memory_space<vmem>> -> memref<1x16x128xf32, #tpu.memory_space<vmem>>
        %dma_wait3A_718 = tpu.memref_squeeze %dma_wait3A_717 : memref<1x16x128xf32, #tpu.memory_space<vmem>> -> memref<16x128xf32, #tpu.memory_space<vmem>>
        %dma_wait3A_719 = arith.constant 0 : i32
        %dma_wait3A_720 = arith.constant 0 : i32
        %dma_wait3A_721 = tpu.memref_slice %arg7[%dma_wait3A_719, %dma_wait3A_720] : memref<16x1000000xf32, #tpu.memory_space<hbm>> -> memref<16x128xf32, #tpu.memory_space<hbm>>
        %dma_wait3A_722 = arith.constant 0 : i32
        %dma_wait3A_723 = arith.constant 0 : i32
        %dma_wait3A_724 = tpu.memref_slice %arg14[%dma_wait3A_714, %dma_wait3A_722, %dma_wait3A_723] : memref<32x16x128xf32, #tpu.memory_space<vmem>> -> memref<1x16x128xf32, #tpu.memory_space<vmem>>
        %dma_wait3A_725 = tpu.memref_squeeze %dma_wait3A_724 : memref<1x16x128xf32, #tpu.memory_space<vmem>> -> memref<16x128xf32, #tpu.memory_space<vmem>>
        %dma_wait3A_726 = arith.constant 0 : i32
        %dma_wait3A_727 = arith.constant 0 : i32
        %dma_wait3A_728 = tpu.memref_slice %arg7[%dma_wait3A_726, %dma_wait3A_727] : memref<16x1000000xf32, #tpu.memory_space<hbm>> -> memref<16x128xf32, #tpu.memory_space<hbm>>
        tpu.wait_dma2 semaphore(%arg19 : memref<!tpu.dma_semaphore, #tpu.memory_space<semaphore_mem>>) src(%dma_wait3A_728 : memref<16x128xf32, #tpu.memory_space<hbm>>) dst(%dma_wait3A_725 : memref<16x128xf32, #tpu.memory_space<vmem>>)
      } else {
      }
      %slice3A_220 = vector.extract_strided_slice %masked_cummax3A_61 {offsets = [2], sizes = [1], strides = [1]} : vector<16xi32> to vector<1xi32>
      %squeeze3A_221 = vector.extract %slice3A_220[0] : i32 from vector<1xi32>
      %add3A_222 = arith.constant 16 : i32
      %add3A_223 = arith.addi %add3A_222, %squeeze3A_221 : i32
      %broadcast_in_dim3A_224 = vector.broadcast %add3A_223 : i32 to vector<16xi32>
      %slice3A_225 = vector.extract_strided_slice %and3A_26 {offsets = [2], sizes = [1], strides = [1]} : vector<16xi32> to vector<1xi32>
      %squeeze3A_226 = vector.extract %slice3A_225[0] : i32 from vector<1xi32>
      %broadcast_in_dim3A_227 = vector.broadcast %squeeze3A_226 : i32 to vector<16xi32>
      %gather3A_228 = tpu.vector_load_idx %arg14[%broadcast_in_dim3A_224, %iota3A, %broadcast_in_dim3A_227] : memref<32x16x128xf32, #tpu.memory_space<vmem>>[vector<16xi32>, vector<16xi32>, vector<16xi32>], vector<16xf32>,
      %add3A_229 = arith.constant 2 : i32
      %add3A_230 = arith.addi %mul3A_23, %add3A_229 : i32
      %mul3A_231 = arith.constant 16 : i32
      %mul3A_232 = arith.muli %add3A_230, %mul3A_231 : i32
      %add3A_233 = vector.broadcast %mul3A_232 : i32 to vector<16xi32>
      %add3A_234 = arith.addi %add3A_233, %iota3A : vector<16xi32>
      tpu.vector_store_idx %arg16[%add3A_234], %gather3A_228 : memref<8192xf32, #tpu.memory_space<vmem>>[vector<16xi32>], vector<16xf32>,
      %slice3A_235 = vector.extract_strided_slice %select_n3A {offsets = [3], sizes = [1], strides = [1]} : vector<16xi32> to vector<1xi32>
      %squeeze3A_236 = vector.extract %slice3A_235[0] : i32 from vector<1xi32>
      %eq3A_237 = arith.constant 1 : i32
      %eq3A_238 = arith.cmpi eq, %squeeze3A_236, %eq3A_237 : i32
      %convert_element_type3A_239 = arith.extui %eq3A_238 : i1 to i32
      %cond3A_240 = arith.constant 0 : i32
      %cond3A_241 = arith.cmpi ne, %convert_element_type3A_239, %cond3A_240 : i32
      scf.if %cond3A_241 {
        %dma_wait3A_714 = arith.constant 19 : i32
        %dma_wait3A_715 = arith.constant 0 : i32
        %dma_wait3A_716 = arith.constant 0 : i32
        %dma_wait3A_717 = tpu.memref_slice %arg14[%dma_wait3A_714, %dma_wait3A_715, %dma_wait3A_716] : memref<32x16x128xf32, #tpu.memory_space<vmem>> -> memref<1x16x128xf32, #tpu.memory_space<vmem>>
        %dma_wait3A_718 = tpu.memref_squeeze %dma_wait3A_717 : memref<1x16x128xf32, #tpu.memory_space<vmem>> -> memref<16x128xf32, #tpu.memory_space<vmem>>
        %dma_wait3A_719 = arith.constant 0 : i32
        %dma_wait3A_720 = arith.constant 0 : i32
        %dma_wait3A_721 = tpu.memref_slice %arg7[%dma_wait3A_719, %dma_wait3A_720] : memref<16x1000000xf32, #tpu.memory_space<hbm>> -> memref<16x128xf32, #tpu.memory_space<hbm>>
        %dma_wait3A_722 = arith.constant 0 : i32
        %dma_wait3A_723 = arith.constant 0 : i32
        %dma_wait3A_724 = tpu.memref_slice %arg14[%dma_wait3A_714, %dma_wait3A_722, %dma_wait3A_723] : memref<32x16x128xf32, #tpu.memory_space<vmem>> -> memref<1x16x128xf32, #tpu.memory_space<vmem>>
        %dma_wait3A_725 = tpu.memref_squeeze %dma_wait3A_724 : memref<1x16x128xf32, #tpu.memory_space<vmem>> -> memref<16x128xf32, #tpu.memory_space<vmem>>
        %dma_wait3A_726 = arith.constant 0 : i32
        %dma_wait3A_727 = arith.constant 0 : i32
        %dma_wait3A_728 = tpu.memref_slice %arg7[%dma_wait3A_726, %dma_wait3A_727] : memref<16x1000000xf32, #tpu.memory_space<hbm>> -> memref<16x128xf32, #tpu.memory_space<hbm>>
        tpu.wait_dma2 semaphore(%arg20 : memref<!tpu.dma_semaphore, #tpu.memory_space<semaphore_mem>>) src(%dma_wait3A_728 : memref<16x128xf32, #tpu.memory_space<hbm>>) dst(%dma_wait3A_725 : memref<16x128xf32, #tpu.memory_space<vmem>>)
      } else {
      }
      %slice3A_242 = vector.extract_strided_slice %masked_cummax3A_61 {offsets = [3], sizes = [1], strides = [1]} : vector<16xi32> to vector<1xi32>
      %squeeze3A_243 = vector.extract %slice3A_242[0] : i32 from vector<1xi32>
      %add3A_244 = arith.constant 16 : i32
      %add3A_245 = arith.addi %add3A_244, %squeeze3A_243 : i32
      %broadcast_in_dim3A_246 = vector.broadcast %add3A_245 : i32 to vector<16xi32>
      %slice3A_247 = vector.extract_strided_slice %and3A_26 {offsets = [3], sizes = [1], strides = [1]} : vector<16xi32> to vector<1xi32>
      %squeeze3A_248 = vector.extract %slice3A_247[0] : i32 from vector<1xi32>
      %broadcast_in_dim3A_249 = vector.broadcast %squeeze3A_248 : i32 to vector<16xi32>
      %gather3A_250 = tpu.vector_load_idx %arg14[%broadcast_in_dim3A_246, %iota3A, %broadcast_in_dim3A_249] : memref<32x16x128xf32, #tpu.memory_space<vmem>>[vector<16xi32>, vector<16xi32>, vector<16xi32>], vector<16xf32>,
      %add3A_251 = arith.constant 3 : i32
      %add3A_252 = arith.addi %mul3A_23, %add3A_251 : i32
      %mul3A_253 = arith.constant 16 : i32
      %mul3A_254 = arith.muli %add3A_252, %mul3A_253 : i32
      %add3A_255 = vector.broadcast %mul3A_254 : i32 to vector<16xi32>
      %add3A_256 = arith.addi %add3A_255, %iota3A : vector<16xi32>
      tpu.vector_store_idx %arg16[%add3A_256], %gather3A_250 : memref<8192xf32, #tpu.memory_space<vmem>>[vector<16xi32>], vector<16xf32>,
      %slice3A_257 = vector.extract_strided_slice %select_n3A {offsets = [4], sizes = [1], strides = [1]} : vector<16xi32> to vector<1xi32>
      %squeeze3A_258 = vector.extract %slice3A_257[0] : i32 from vector<1xi32>
      %eq3A_259 = arith.constant 1 : i32
      %eq3A_260 = arith.cmpi eq, %squeeze3A_258, %eq3A_259 : i32
      %convert_element_type3A_261 = arith.extui %eq3A_260 : i1 to i32
      %cond3A_262 = arith.constant 0 : i32
      %cond3A_263 = arith.cmpi ne, %convert_element_type3A_261, %cond3A_262 : i32
      scf.if %cond3A_263 {
        %dma_wait3A_714 = arith.constant 20 : i32
        %dma_wait3A_715 = arith.constant 0 : i32
        %dma_wait3A_716 = arith.constant 0 : i32
        %dma_wait3A_717 = tpu.memref_slice %arg14[%dma_wait3A_714, %dma_wait3A_715, %dma_wait3A_716] : memref<32x16x128xf32, #tpu.memory_space<vmem>> -> memref<1x16x128xf32, #tpu.memory_space<vmem>>
        %dma_wait3A_718 = tpu.memref_squeeze %dma_wait3A_717 : memref<1x16x128xf32, #tpu.memory_space<vmem>> -> memref<16x128xf32, #tpu.memory_space<vmem>>
        %dma_wait3A_719 = arith.constant 0 : i32
        %dma_wait3A_720 = arith.constant 0 : i32
        %dma_wait3A_721 = tpu.memref_slice %arg7[%dma_wait3A_719, %dma_wait3A_720] : memref<16x1000000xf32, #tpu.memory_space<hbm>> -> memref<16x128xf32, #tpu.memory_space<hbm>>
        %dma_wait3A_722 = arith.constant 0 : i32
        %dma_wait3A_723 = arith.constant 0 : i32
        %dma_wait3A_724 = tpu.memref_slice %arg14[%dma_wait3A_714, %dma_wait3A_722, %dma_wait3A_723] : memref<32x16x128xf32, #tpu.memory_space<vmem>> -> memref<1x16x128xf32, #tpu.memory_space<vmem>>
        %dma_wait3A_725 = tpu.memref_squeeze %dma_wait3A_724 : memref<1x16x128xf32, #tpu.memory_space<vmem>> -> memref<16x128xf32, #tpu.memory_space<vmem>>
        %dma_wait3A_726 = arith.constant 0 : i32
        %dma_wait3A_727 = arith.constant 0 : i32
        %dma_wait3A_728 = tpu.memref_slice %arg7[%dma_wait3A_726, %dma_wait3A_727] : memref<16x1000000xf32, #tpu.memory_space<hbm>> -> memref<16x128xf32, #tpu.memory_space<hbm>>
        tpu.wait_dma2 semaphore(%arg21 : memref<!tpu.dma_semaphore, #tpu.memory_space<semaphore_mem>>) src(%dma_wait3A_728 : memref<16x128xf32, #tpu.memory_space<hbm>>) dst(%dma_wait3A_725 : memref<16x128xf32, #tpu.memory_space<vmem>>)
      } else {
      }
      %slice3A_264 = vector.extract_strided_slice %masked_cummax3A_61 {offsets = [4], sizes = [1], strides = [1]} : vector<16xi32> to vector<1xi32>
      %squeeze3A_265 = vector.extract %slice3A_264[0] : i32 from vector<1xi32>
      %add3A_266 = arith.constant 16 : i32
      %add3A_267 = arith.addi %add3A_266, %squeeze3A_265 : i32
      %broadcast_in_dim3A_268 = vector.broadcast %add3A_267 : i32 to vector<16xi32>
      %slice3A_269 = vector.extract_strided_slice %and3A_26 {offsets = [4], sizes = [1], strides = [1]} : vector<16xi32> to vector<1xi32>
      %squeeze3A_270 = vector.extract %slice3A_269[0] : i32 from vector<1xi32>
      %broadcast_in_dim3A_271 = vector.broadcast %squeeze3A_270 : i32 to vector<16xi32>
      %gather3A_272 = tpu.vector_load_idx %arg14[%broadcast_in_dim3A_268, %iota3A, %broadcast_in_dim3A_271] : memref<32x16x128xf32, #tpu.memory_space<vmem>>[vector<16xi32>, vector<16xi32>, vector<16xi32>], vector<16xf32>,
      %add3A_273 = arith.constant 4 : i32
      %add3A_274 = arith.addi %mul3A_23, %add3A_273 : i32
      %mul3A_275 = arith.constant 16 : i32
      %mul3A_276 = arith.muli %add3A_274, %mul3A_275 : i32
      %add3A_277 = vector.broadcast %mul3A_276 : i32 to vector<16xi32>
      %add3A_278 = arith.addi %add3A_277, %iota3A : vector<16xi32>
      tpu.vector_store_idx %arg16[%add3A_278], %gather3A_272 : memref<8192xf32, #tpu.memory_space<vmem>>[vector<16xi32>], vector<16xf32>,
      %slice3A_279 = vector.extract_strided_slice %select_n3A {offsets = [5], sizes = [1], strides = [1]} : vector<16xi32> to vector<1xi32>
      %squeeze3A_280 = vector.extract %slice3A_279[0] : i32 from vector<1xi32>
      %eq3A_281 = arith.constant 1 : i32
      %eq3A_282 = arith.cmpi eq, %squeeze3A_280, %eq3A_281 : i32
      %convert_element_type3A_283 = arith.extui %eq3A_282 : i1 to i32
      %cond3A_284 = arith.constant 0 : i32
      %cond3A_285 = arith.cmpi ne, %convert_element_type3A_283, %cond3A_284 : i32
      scf.if %cond3A_285 {
        %dma_wait3A_714 = arith.constant 21 : i32
        %dma_wait3A_715 = arith.constant 0 : i32
        %dma_wait3A_716 = arith.constant 0 : i32
        %dma_wait3A_717 = tpu.memref_slice %arg14[%dma_wait3A_714, %dma_wait3A_715, %dma_wait3A_716] : memref<32x16x128xf32, #tpu.memory_space<vmem>> -> memref<1x16x128xf32, #tpu.memory_space<vmem>>
        %dma_wait3A_718 = tpu.memref_squeeze %dma_wait3A_717 : memref<1x16x128xf32, #tpu.memory_space<vmem>> -> memref<16x128xf32, #tpu.memory_space<vmem>>
        %dma_wait3A_719 = arith.constant 0 : i32
        %dma_wait3A_720 = arith.constant 0 : i32
        %dma_wait3A_721 = tpu.memref_slice %arg7[%dma_wait3A_719, %dma_wait3A_720] : memref<16x1000000xf32, #tpu.memory_space<hbm>> -> memref<16x128xf32, #tpu.memory_space<hbm>>
        %dma_wait3A_722 = arith.constant 0 : i32
        %dma_wait3A_723 = arith.constant 0 : i32
        %dma_wait3A_724 = tpu.memref_slice %arg14[%dma_wait3A_714, %dma_wait3A_722, %dma_wait3A_723] : memref<32x16x128xf32, #tpu.memory_space<vmem>> -> memref<1x16x128xf32, #tpu.memory_space<vmem>>
        %dma_wait3A_725 = tpu.memref_squeeze %dma_wait3A_724 : memref<1x16x128xf32, #tpu.memory_space<vmem>> -> memref<16x128xf32, #tpu.memory_space<vmem>>
        %dma_wait3A_726 = arith.constant 0 : i32
        %dma_wait3A_727 = arith.constant 0 : i32
        %dma_wait3A_728 = tpu.memref_slice %arg7[%dma_wait3A_726, %dma_wait3A_727] : memref<16x1000000xf32, #tpu.memory_space<hbm>> -> memref<16x128xf32, #tpu.memory_space<hbm>>
        tpu.wait_dma2 semaphore(%arg22 : memref<!tpu.dma_semaphore, #tpu.memory_space<semaphore_mem>>) src(%dma_wait3A_728 : memref<16x128xf32, #tpu.memory_space<hbm>>) dst(%dma_wait3A_725 : memref<16x128xf32, #tpu.memory_space<vmem>>)
      } else {
      }
      %slice3A_286 = vector.extract_strided_slice %masked_cummax3A_61 {offsets = [5], sizes = [1], strides = [1]} : vector<16xi32> to vector<1xi32>
      %squeeze3A_287 = vector.extract %slice3A_286[0] : i32 from vector<1xi32>
      %add3A_288 = arith.constant 16 : i32
      %add3A_289 = arith.addi %add3A_288, %squeeze3A_287 : i32
      %broadcast_in_dim3A_290 = vector.broadcast %add3A_289 : i32 to vector<16xi32>
      %slice3A_291 = vector.extract_strided_slice %and3A_26 {offsets = [5], sizes = [1], strides = [1]} : vector<16xi32> to vector<1xi32>
      %squeeze3A_292 = vector.extract %slice3A_291[0] : i32 from vector<1xi32>
      %broadcast_in_dim3A_293 = vector.broadcast %squeeze3A_292 : i32 to vector<16xi32>
      %gather3A_294 = tpu.vector_load_idx %arg14[%broadcast_in_dim3A_290, %iota3A, %broadcast_in_dim3A_293] : memref<32x16x128xf32, #tpu.memory_space<vmem>>[vector<16xi32>, vector<16xi32>, vector<16xi32>], vector<16xf32>,
      %add3A_295 = arith.constant 5 : i32
      %add3A_296 = arith.addi %mul3A_23, %add3A_295 : i32
      %mul3A_297 = arith.constant 16 : i32
      %mul3A_298 = arith.muli %add3A_296, %mul3A_297 : i32
      %add3A_299 = vector.broadcast %mul3A_298 : i32 to vector<16xi32>
      %add3A_300 = arith.addi %add3A_299, %iota3A : vector<16xi32>
      tpu.vector_store_idx %arg16[%add3A_300], %gather3A_294 : memref<8192xf32, #tpu.memory_space<vmem>>[vector<16xi32>], vector<16xf32>,
      %slice3A_301 = vector.extract_strided_slice %select_n3A {offsets = [6], sizes = [1], strides = [1]} : vector<16xi32> to vector<1xi32>
      %squeeze3A_302 = vector.extract %slice3A_301[0] : i32 from vector<1xi32>
      %eq3A_303 = arith.constant 1 : i32
      %eq3A_304 = arith.cmpi eq, %squeeze3A_302, %eq3A_303 : i32
      %convert_element_type3A_305 = arith.extui %eq3A_304 : i1 to i32
      %cond3A_306 = arith.constant 0 : i32
      %cond3A_307 = arith.cmpi ne, %convert_element_type3A_305, %cond3A_306 : i32
      scf.if %cond3A_307 {
        %dma_wait3A_714 = arith.constant 22 : i32
        %dma_wait3A_715 = arith.constant 0 : i32
        %dma_wait3A_716 = arith.constant 0 : i32
        %dma_wait3A_717 = tpu.memref_slice %arg14[%dma_wait3A_714, %dma_wait3A_715, %dma_wait3A_716] : memref<32x16x128xf32, #tpu.memory_space<vmem>> -> memref<1x16x128xf32, #tpu.memory_space<vmem>>
        %dma_wait3A_718 = tpu.memref_squeeze %dma_wait3A_717 : memref<1x16x128xf32, #tpu.memory_space<vmem>> -> memref<16x128xf32, #tpu.memory_space<vmem>>
        %dma_wait3A_719 = arith.constant 0 : i32
        %dma_wait3A_720 = arith.constant 0 : i32
        %dma_wait3A_721 = tpu.memref_slice %arg7[%dma_wait3A_719, %dma_wait3A_720] : memref<16x1000000xf32, #tpu.memory_space<hbm>> -> memref<16x128xf32, #tpu.memory_space<hbm>>
        %dma_wait3A_722 = arith.constant 0 : i32
        %dma_wait3A_723 = arith.constant 0 : i32
        %dma_wait3A_724 = tpu.memref_slice %arg14[%dma_wait3A_714, %dma_wait3A_722, %dma_wait3A_723] : memref<32x16x128xf32, #tpu.memory_space<vmem>> -> memref<1x16x128xf32, #tpu.memory_space<vmem>>
        %dma_wait3A_725 = tpu.memref_squeeze %dma_wait3A_724 : memref<1x16x128xf32, #tpu.memory_space<vmem>> -> memref<16x128xf32, #tpu.memory_space<vmem>>
        %dma_wait3A_726 = arith.constant 0 : i32
        %dma_wait3A_727 = arith.constant 0 : i32
        %dma_wait3A_728 = tpu.memref_slice %arg7[%dma_wait3A_726, %dma_wait3A_727] : memref<16x1000000xf32, #tpu.memory_space<hbm>> -> memref<16x128xf32, #tpu.memory_space<hbm>>
        tpu.wait_dma2 semaphore(%arg23 : memref<!tpu.dma_semaphore, #tpu.memory_space<semaphore_mem>>) src(%dma_wait3A_728 : memref<16x128xf32, #tpu.memory_space<hbm>>) dst(%dma_wait3A_725 : memref<16x128xf32, #tpu.memory_space<vmem>>)
      } else {
      }
      %slice3A_308 = vector.extract_strided_slice %masked_cummax3A_61 {offsets = [6], sizes = [1], strides = [1]} : vector<16xi32> to vector<1xi32>
      %squeeze3A_309 = vector.extract %slice3A_308[0] : i32 from vector<1xi32>
      %add3A_310 = arith.constant 16 : i32
      %add3A_311 = arith.addi %add3A_310, %squeeze3A_309 : i32
      %broadcast_in_dim3A_312 = vector.broadcast %add3A_311 : i32 to vector<16xi32>
      %slice3A_313 = vector.extract_strided_slice %and3A_26 {offsets = [6], sizes = [1], strides = [1]} : vector<16xi32> to vector<1xi32>
      %squeeze3A_314 = vector.extract %slice3A_313[0] : i32 from vector<1xi32>
      %broadcast_in_dim3A_315 = vector.broadcast %squeeze3A_314 : i32 to vector<16xi32>
      %gather3A_316 = tpu.vector_load_idx %arg14[%broadcast_in_dim3A_312, %iota3A, %broadcast_in_dim3A_315] : memref<32x16x128xf32, #tpu.memory_space<vmem>>[vector<16xi32>, vector<16xi32>, vector<16xi32>], vector<16xf32>,
      %add3A_317 = arith.constant 6 : i32
      %add3A_318 = arith.addi %mul3A_23, %add3A_317 : i32
      %mul3A_319 = arith.constant 16 : i32
      %mul3A_320 = arith.muli %add3A_318, %mul3A_319 : i32
      %add3A_321 = vector.broadcast %mul3A_320 : i32 to vector<16xi32>
      %add3A_322 = arith.addi %add3A_321, %iota3A : vector<16xi32>
      tpu.vector_store_idx %arg16[%add3A_322], %gather3A_316 : memref<8192xf32, #tpu.memory_space<vmem>>[vector<16xi32>], vector<16xf32>,
      %slice3A_323 = vector.extract_strided_slice %select_n3A {offsets = [7], sizes = [1], strides = [1]} : vector<16xi32> to vector<1xi32>
      %squeeze3A_324 = vector.extract %slice3A_323[0] : i32 from vector<1xi32>
      %eq3A_325 = arith.constant 1 : i32
      %eq3A_326 = arith.cmpi eq, %squeeze3A_324, %eq3A_325 : i32
      %convert_element_type3A_327 = arith.extui %eq3A_326 : i1 to i32
      %cond3A_328 = arith.constant 0 : i32
      %cond3A_329 = arith.cmpi ne, %convert_element_type3A_327, %cond3A_328 : i32
      scf.if %cond3A_329 {
        %dma_wait3A_714 = arith.constant 23 : i32
        %dma_wait3A_715 = arith.constant 0 : i32
        %dma_wait3A_716 = arith.constant 0 : i32
        %dma_wait3A_717 = tpu.memref_slice %arg14[%dma_wait3A_714, %dma_wait3A_715, %dma_wait3A_716] : memref<32x16x128xf32, #tpu.memory_space<vmem>> -> memref<1x16x128xf32, #tpu.memory_space<vmem>>
        %dma_wait3A_718 = tpu.memref_squeeze %dma_wait3A_717 : memref<1x16x128xf32, #tpu.memory_space<vmem>> -> memref<16x128xf32, #tpu.memory_space<vmem>>
        %dma_wait3A_719 = arith.constant 0 : i32
        %dma_wait3A_720 = arith.constant 0 : i32
        %dma_wait3A_721 = tpu.memref_slice %arg7[%dma_wait3A_719, %dma_wait3A_720] : memref<16x1000000xf32, #tpu.memory_space<hbm>> -> memref<16x128xf32, #tpu.memory_space<hbm>>
        %dma_wait3A_722 = arith.constant 0 : i32
        %dma_wait3A_723 = arith.constant 0 : i32
        %dma_wait3A_724 = tpu.memref_slice %arg14[%dma_wait3A_714, %dma_wait3A_722, %dma_wait3A_723] : memref<32x16x128xf32, #tpu.memory_space<vmem>> -> memref<1x16x128xf32, #tpu.memory_space<vmem>>
        %dma_wait3A_725 = tpu.memref_squeeze %dma_wait3A_724 : memref<1x16x128xf32, #tpu.memory_space<vmem>> -> memref<16x128xf32, #tpu.memory_space<vmem>>
        %dma_wait3A_726 = arith.constant 0 : i32
        %dma_wait3A_727 = arith.constant 0 : i32
        %dma_wait3A_728 = tpu.memref_slice %arg7[%dma_wait3A_726, %dma_wait3A_727] : memref<16x1000000xf32, #tpu.memory_space<hbm>> -> memref<16x128xf32, #tpu.memory_space<hbm>>
        tpu.wait_dma2 semaphore(%arg24 : memref<!tpu.dma_semaphore, #tpu.memory_space<semaphore_mem>>) src(%dma_wait3A_728 : memref<16x128xf32, #tpu.memory_space<hbm>>) dst(%dma_wait3A_725 : memref<16x128xf32, #tpu.memory_space<vmem>>)
      } else {
      }
      %slice3A_330 = vector.extract_strided_slice %masked_cummax3A_61 {offsets = [7], sizes = [1], strides = [1]} : vector<16xi32> to vector<1xi32>
      %squeeze3A_331 = vector.extract %slice3A_330[0] : i32 from vector<1xi32>
      %add3A_332 = arith.constant 16 : i32
      %add3A_333 = arith.addi %add3A_332, %squeeze3A_331 : i32
      %broadcast_in_dim3A_334 = vector.broadcast %add3A_333 : i32 to vector<16xi32>
      %slice3A_335 = vector.extract_strided_slice %and3A_26 {offsets = [7], sizes = [1], strides = [1]} : vector<16xi32> to vector<1xi32>
      %squeeze3A_336 = vector.extract %slice3A_335[0] : i32 from vector<1xi32>
      %broadcast_in_dim3A_337 = vector.broadcast %squeeze3A_336 : i32 to vector<16xi32>
      %gather3A_338 = tpu.vector_load_idx %arg14[%broadcast_in_dim3A_334, %iota3A, %broadcast_in_dim3A_337] : memref<32x16x128xf32, #tpu.memory_space<vmem>>[vector<16xi32>, vector<16xi32>, vector<16xi32>], vector<16xf32>,
      %add3A_339 = arith.constant 7 : i32
      %add3A_340 = arith.addi %mul3A_23, %add3A_339 : i32
      %mul3A_341 = arith.constant 16 : i32
      %mul3A_342 = arith.muli %add3A_340, %mul3A_341 : i32
      %add3A_343 = vector.broadcast %mul3A_342 : i32 to vector<16xi32>
      %add3A_344 = arith.addi %add3A_343, %iota3A : vector<16xi32>
      tpu.vector_store_idx %arg16[%add3A_344], %gather3A_338 : memref<8192xf32, #tpu.memory_space<vmem>>[vector<16xi32>], vector<16xf32>,
      %slice3A_345 = vector.extract_strided_slice %select_n3A {offsets = [8], sizes = [1], strides = [1]} : vector<16xi32> to vector<1xi32>
      %squeeze3A_346 = vector.extract %slice3A_345[0] : i32 from vector<1xi32>
      %eq3A_347 = arith.constant 1 : i32
      %eq3A_348 = arith.cmpi eq, %squeeze3A_346, %eq3A_347 : i32
      %convert_element_type3A_349 = arith.extui %eq3A_348 : i1 to i32
      %cond3A_350 = arith.constant 0 : i32
      %cond3A_351 = arith.cmpi ne, %convert_element_type3A_349, %cond3A_350 : i32
      scf.if %cond3A_351 {
        %dma_wait3A_714 = arith.constant 24 : i32
        %dma_wait3A_715 = arith.constant 0 : i32
        %dma_wait3A_716 = arith.constant 0 : i32
        %dma_wait3A_717 = tpu.memref_slice %arg14[%dma_wait3A_714, %dma_wait3A_715, %dma_wait3A_716] : memref<32x16x128xf32, #tpu.memory_space<vmem>> -> memref<1x16x128xf32, #tpu.memory_space<vmem>>
        %dma_wait3A_718 = tpu.memref_squeeze %dma_wait3A_717 : memref<1x16x128xf32, #tpu.memory_space<vmem>> -> memref<16x128xf32, #tpu.memory_space<vmem>>
        %dma_wait3A_719 = arith.constant 0 : i32
        %dma_wait3A_720 = arith.constant 0 : i32
        %dma_wait3A_721 = tpu.memref_slice %arg7[%dma_wait3A_719, %dma_wait3A_720] : memref<16x1000000xf32, #tpu.memory_space<hbm>> -> memref<16x128xf32, #tpu.memory_space<hbm>>
        %dma_wait3A_722 = arith.constant 0 : i32
        %dma_wait3A_723 = arith.constant 0 : i32
        %dma_wait3A_724 = tpu.memref_slice %arg14[%dma_wait3A_714, %dma_wait3A_722, %dma_wait3A_723] : memref<32x16x128xf32, #tpu.memory_space<vmem>> -> memref<1x16x128xf32, #tpu.memory_space<vmem>>
        %dma_wait3A_725 = tpu.memref_squeeze %dma_wait3A_724 : memref<1x16x128xf32, #tpu.memory_space<vmem>> -> memref<16x128xf32, #tpu.memory_space<vmem>>
        %dma_wait3A_726 = arith.constant 0 : i32
        %dma_wait3A_727 = arith.constant 0 : i32
        %dma_wait3A_728 = tpu.memref_slice %arg7[%dma_wait3A_726, %dma_wait3A_727] : memref<16x1000000xf32, #tpu.memory_space<hbm>> -> memref<16x128xf32, #tpu.memory_space<hbm>>
        tpu.wait_dma2 semaphore(%arg25 : memref<!tpu.dma_semaphore, #tpu.memory_space<semaphore_mem>>) src(%dma_wait3A_728 : memref<16x128xf32, #tpu.memory_space<hbm>>) dst(%dma_wait3A_725 : memref<16x128xf32, #tpu.memory_space<vmem>>)
      } else {
      }
      %slice3A_352 = vector.extract_strided_slice %masked_cummax3A_61 {offsets = [8], sizes = [1], strides = [1]} : vector<16xi32> to vector<1xi32>
      %squeeze3A_353 = vector.extract %slice3A_352[0] : i32 from vector<1xi32>
      %add3A_354 = arith.constant 16 : i32
      %add3A_355 = arith.addi %add3A_354, %squeeze3A_353 : i32
      %broadcast_in_dim3A_356 = vector.broadcast %add3A_355 : i32 to vector<16xi32>
      %slice3A_357 = vector.extract_strided_slice %and3A_26 {offsets = [8], sizes = [1], strides = [1]} : vector<16xi32> to vector<1xi32>
      %squeeze3A_358 = vector.extract %slice3A_357[0] : i32 from vector<1xi32>
      %broadcast_in_dim3A_359 = vector.broadcast %squeeze3A_358 : i32 to vector<16xi32>
      %gather3A_360 = tpu.vector_load_idx %arg14[%broadcast_in_dim3A_356, %iota3A, %broadcast_in_dim3A_359] : memref<32x16x128xf32, #tpu.memory_space<vmem>>[vector<16xi32>, vector<16xi32>, vector<16xi32>], vector<16xf32>,
      %add3A_361 = arith.constant 8 : i32
      %add3A_362 = arith.addi %mul3A_23, %add3A_361 : i32
      %mul3A_363 = arith.constant 16 : i32
      %mul3A_364 = arith.muli %add3A_362, %mul3A_363 : i32
      %add3A_365 = vector.broadcast %mul3A_364 : i32 to vector<16xi32>
      %add3A_366 = arith.addi %add3A_365, %iota3A : vector<16xi32>
      tpu.vector_store_idx %arg16[%add3A_366], %gather3A_360 : memref<8192xf32, #tpu.memory_space<vmem>>[vector<16xi32>], vector<16xf32>,
      %slice3A_367 = vector.extract_strided_slice %select_n3A {offsets = [9], sizes = [1], strides = [1]} : vector<16xi32> to vector<1xi32>
      %squeeze3A_368 = vector.extract %slice3A_367[0] : i32 from vector<1xi32>
      %eq3A_369 = arith.constant 1 : i32
      %eq3A_370 = arith.cmpi eq, %squeeze3A_368, %eq3A_369 : i32
      %convert_element_type3A_371 = arith.extui %eq3A_370 : i1 to i32
      %cond3A_372 = arith.constant 0 : i32
      %cond3A_373 = arith.cmpi ne, %convert_element_type3A_371, %cond3A_372 : i32
      scf.if %cond3A_373 {
        %dma_wait3A_714 = arith.constant 25 : i32
        %dma_wait3A_715 = arith.constant 0 : i32
        %dma_wait3A_716 = arith.constant 0 : i32
        %dma_wait3A_717 = tpu.memref_slice %arg14[%dma_wait3A_714, %dma_wait3A_715, %dma_wait3A_716] : memref<32x16x128xf32, #tpu.memory_space<vmem>> -> memref<1x16x128xf32, #tpu.memory_space<vmem>>
        %dma_wait3A_718 = tpu.memref_squeeze %dma_wait3A_717 : memref<1x16x128xf32, #tpu.memory_space<vmem>> -> memref<16x128xf32, #tpu.memory_space<vmem>>
        %dma_wait3A_719 = arith.constant 0 : i32
        %dma_wait3A_720 = arith.constant 0 : i32
        %dma_wait3A_721 = tpu.memref_slice %arg7[%dma_wait3A_719, %dma_wait3A_720] : memref<16x1000000xf32, #tpu.memory_space<hbm>> -> memref<16x128xf32, #tpu.memory_space<hbm>>
        %dma_wait3A_722 = arith.constant 0 : i32
        %dma_wait3A_723 = arith.constant 0 : i32
        %dma_wait3A_724 = tpu.memref_slice %arg14[%dma_wait3A_714, %dma_wait3A_722, %dma_wait3A_723] : memref<32x16x128xf32, #tpu.memory_space<vmem>> -> memref<1x16x128xf32, #tpu.memory_space<vmem>>
        %dma_wait3A_725 = tpu.memref_squeeze %dma_wait3A_724 : memref<1x16x128xf32, #tpu.memory_space<vmem>> -> memref<16x128xf32, #tpu.memory_space<vmem>>
        %dma_wait3A_726 = arith.constant 0 : i32
        %dma_wait3A_727 = arith.constant 0 : i32
        %dma_wait3A_728 = tpu.memref_slice %arg7[%dma_wait3A_726, %dma_wait3A_727] : memref<16x1000000xf32, #tpu.memory_space<hbm>> -> memref<16x128xf32, #tpu.memory_space<hbm>>
        tpu.wait_dma2 semaphore(%arg26 : memref<!tpu.dma_semaphore, #tpu.memory_space<semaphore_mem>>) src(%dma_wait3A_728 : memref<16x128xf32, #tpu.memory_space<hbm>>) dst(%dma_wait3A_725 : memref<16x128xf32, #tpu.memory_space<vmem>>)
      } else {
      }
      %slice3A_374 = vector.extract_strided_slice %masked_cummax3A_61 {offsets = [9], sizes = [1], strides = [1]} : vector<16xi32> to vector<1xi32>
      %squeeze3A_375 = vector.extract %slice3A_374[0] : i32 from vector<1xi32>
      %add3A_376 = arith.constant 16 : i32
      %add3A_377 = arith.addi %add3A_376, %squeeze3A_375 : i32
      %broadcast_in_dim3A_378 = vector.broadcast %add3A_377 : i32 to vector<16xi32>
      %slice3A_379 = vector.extract_strided_slice %and3A_26 {offsets = [9], sizes = [1], strides = [1]} : vector<16xi32> to vector<1xi32>
      %squeeze3A_380 = vector.extract %slice3A_379[0] : i32 from vector<1xi32>
      %broadcast_in_dim3A_381 = vector.broadcast %squeeze3A_380 : i32 to vector<16xi32>
      %gather3A_382 = tpu.vector_load_idx %arg14[%broadcast_in_dim3A_378, %iota3A, %broadcast_in_dim3A_381] : memref<32x16x128xf32, #tpu.memory_space<vmem>>[vector<16xi32>, vector<16xi32>, vector<16xi32>], vector<16xf32>,
      %add3A_383 = arith.constant 9 : i32
      %add3A_384 = arith.addi %mul3A_23, %add3A_383 : i32
      %mul3A_385 = arith.constant 16 : i32
      %mul3A_386 = arith.muli %add3A_384, %mul3A_385 : i32
      %add3A_387 = vector.broadcast %mul3A_386 : i32 to vector<16xi32>
      %add3A_388 = arith.addi %add3A_387, %iota3A : vector<16xi32>
      tpu.vector_store_idx %arg16[%add3A_388], %gather3A_382 : memref<8192xf32, #tpu.memory_space<vmem>>[vector<16xi32>], vector<16xf32>,
      %slice3A_389 = vector.extract_strided_slice %select_n3A {offsets = [10], sizes = [1], strides = [1]} : vector<16xi32> to vector<1xi32>
      %squeeze3A_390 = vector.extract %slice3A_389[0] : i32 from vector<1xi32>
      %eq3A_391 = arith.constant 1 : i32
      %eq3A_392 = arith.cmpi eq, %squeeze3A_390, %eq3A_391 : i32
      %convert_element_type3A_393 = arith.extui %eq3A_392 : i1 to i32
      %cond3A_394 = arith.constant 0 : i32
      %cond3A_395 = arith.cmpi ne, %convert_element_type3A_393, %cond3A_394 : i32
      scf.if %cond3A_395 {
        %dma_wait3A_714 = arith.constant 26 : i32
        %dma_wait3A_715 = arith.constant 0 : i32
        %dma_wait3A_716 = arith.constant 0 : i32
        %dma_wait3A_717 = tpu.memref_slice %arg14[%dma_wait3A_714, %dma_wait3A_715, %dma_wait3A_716] : memref<32x16x128xf32, #tpu.memory_space<vmem>> -> memref<1x16x128xf32, #tpu.memory_space<vmem>>
        %dma_wait3A_718 = tpu.memref_squeeze %dma_wait3A_717 : memref<1x16x128xf32, #tpu.memory_space<vmem>> -> memref<16x128xf32, #tpu.memory_space<vmem>>
        %dma_wait3A_719 = arith.constant 0 : i32
        %dma_wait3A_720 = arith.constant 0 : i32
        %dma_wait3A_721 = tpu.memref_slice %arg7[%dma_wait3A_719, %dma_wait3A_720] : memref<16x1000000xf32, #tpu.memory_space<hbm>> -> memref<16x128xf32, #tpu.memory_space<hbm>>
        %dma_wait3A_722 = arith.constant 0 : i32
        %dma_wait3A_723 = arith.constant 0 : i32
        %dma_wait3A_724 = tpu.memref_slice %arg14[%dma_wait3A_714, %dma_wait3A_722, %dma_wait3A_723] : memref<32x16x128xf32, #tpu.memory_space<vmem>> -> memref<1x16x128xf32, #tpu.memory_space<vmem>>
        %dma_wait3A_725 = tpu.memref_squeeze %dma_wait3A_724 : memref<1x16x128xf32, #tpu.memory_space<vmem>> -> memref<16x128xf32, #tpu.memory_space<vmem>>
        %dma_wait3A_726 = arith.constant 0 : i32
        %dma_wait3A_727 = arith.constant 0 : i32
        %dma_wait3A_728 = tpu.memref_slice %arg7[%dma_wait3A_726, %dma_wait3A_727] : memref<16x1000000xf32, #tpu.memory_space<hbm>> -> memref<16x128xf32, #tpu.memory_space<hbm>>
        tpu.wait_dma2 semaphore(%arg27 : memref<!tpu.dma_semaphore, #tpu.memory_space<semaphore_mem>>) src(%dma_wait3A_728 : memref<16x128xf32, #tpu.memory_space<hbm>>) dst(%dma_wait3A_725 : memref<16x128xf32, #tpu.memory_space<vmem>>)
      } else {
      }
      %slice3A_396 = vector.extract_strided_slice %masked_cummax3A_61 {offsets = [10], sizes = [1], strides = [1]} : vector<16xi32> to vector<1xi32>
      %squeeze3A_397 = vector.extract %slice3A_396[0] : i32 from vector<1xi32>
      %add3A_398 = arith.constant 16 : i32
      %add3A_399 = arith.addi %add3A_398, %squeeze3A_397 : i32
      %broadcast_in_dim3A_400 = vector.broadcast %add3A_399 : i32 to vector<16xi32>
      %slice3A_401 = vector.extract_strided_slice %and3A_26 {offsets = [10], sizes = [1], strides = [1]} : vector<16xi32> to vector<1xi32>
      %squeeze3A_402 = vector.extract %slice3A_401[0] : i32 from vector<1xi32>
      %broadcast_in_dim3A_403 = vector.broadcast %squeeze3A_402 : i32 to vector<16xi32>
      %gather3A_404 = tpu.vector_load_idx %arg14[%broadcast_in_dim3A_400, %iota3A, %broadcast_in_dim3A_403] : memref<32x16x128xf32, #tpu.memory_space<vmem>>[vector<16xi32>, vector<16xi32>, vector<16xi32>], vector<16xf32>,
      %add3A_405 = arith.constant 10 : i32
      %add3A_406 = arith.addi %mul3A_23, %add3A_405 : i32
      %mul3A_407 = arith.constant 16 : i32
      %mul3A_408 = arith.muli %add3A_406, %mul3A_407 : i32
      %add3A_409 = vector.broadcast %mul3A_408 : i32 to vector<16xi32>
      %add3A_410 = arith.addi %add3A_409, %iota3A : vector<16xi32>
      tpu.vector_store_idx %arg16[%add3A_410], %gather3A_404 : memref<8192xf32, #tpu.memory_space<vmem>>[vector<16xi32>], vector<16xf32>,
      %slice3A_411 = vector.extract_strided_slice %select_n3A {offsets = [11], sizes = [1], strides = [1]} : vector<16xi32> to vector<1xi32>
      %squeeze3A_412 = vector.extract %slice3A_411[0] : i32 from vector<1xi32>
      %eq3A_413 = arith.constant 1 : i32
      %eq3A_414 = arith.cmpi eq, %squeeze3A_412, %eq3A_413 : i32
      %convert_element_type3A_415 = arith.extui %eq3A_414 : i1 to i32
      %cond3A_416 = arith.constant 0 : i32
      %cond3A_417 = arith.cmpi ne, %convert_element_type3A_415, %cond3A_416 : i32
      scf.if %cond3A_417 {
        %dma_wait3A_714 = arith.constant 27 : i32
        %dma_wait3A_715 = arith.constant 0 : i32
        %dma_wait3A_716 = arith.constant 0 : i32
        %dma_wait3A_717 = tpu.memref_slice %arg14[%dma_wait3A_714, %dma_wait3A_715, %dma_wait3A_716] : memref<32x16x128xf32, #tpu.memory_space<vmem>> -> memref<1x16x128xf32, #tpu.memory_space<vmem>>
        %dma_wait3A_718 = tpu.memref_squeeze %dma_wait3A_717 : memref<1x16x128xf32, #tpu.memory_space<vmem>> -> memref<16x128xf32, #tpu.memory_space<vmem>>
        %dma_wait3A_719 = arith.constant 0 : i32
        %dma_wait3A_720 = arith.constant 0 : i32
        %dma_wait3A_721 = tpu.memref_slice %arg7[%dma_wait3A_719, %dma_wait3A_720] : memref<16x1000000xf32, #tpu.memory_space<hbm>> -> memref<16x128xf32, #tpu.memory_space<hbm>>
        %dma_wait3A_722 = arith.constant 0 : i32
        %dma_wait3A_723 = arith.constant 0 : i32
        %dma_wait3A_724 = tpu.memref_slice %arg14[%dma_wait3A_714, %dma_wait3A_722, %dma_wait3A_723] : memref<32x16x128xf32, #tpu.memory_space<vmem>> -> memref<1x16x128xf32, #tpu.memory_space<vmem>>
        %dma_wait3A_725 = tpu.memref_squeeze %dma_wait3A_724 : memref<1x16x128xf32, #tpu.memory_space<vmem>> -> memref<16x128xf32, #tpu.memory_space<vmem>>
        %dma_wait3A_726 = arith.constant 0 : i32
        %dma_wait3A_727 = arith.constant 0 : i32
        %dma_wait3A_728 = tpu.memref_slice %arg7[%dma_wait3A_726, %dma_wait3A_727] : memref<16x1000000xf32, #tpu.memory_space<hbm>> -> memref<16x128xf32, #tpu.memory_space<hbm>>
        tpu.wait_dma2 semaphore(%arg28 : memref<!tpu.dma_semaphore, #tpu.memory_space<semaphore_mem>>) src(%dma_wait3A_728 : memref<16x128xf32, #tpu.memory_space<hbm>>) dst(%dma_wait3A_725 : memref<16x128xf32, #tpu.memory_space<vmem>>)
      } else {
      }
      %slice3A_418 = vector.extract_strided_slice %masked_cummax3A_61 {offsets = [11], sizes = [1], strides = [1]} : vector<16xi32> to vector<1xi32>
      %squeeze3A_419 = vector.extract %slice3A_418[0] : i32 from vector<1xi32>
      %add3A_420 = arith.constant 16 : i32
      %add3A_421 = arith.addi %add3A_420, %squeeze3A_419 : i32
      %broadcast_in_dim3A_422 = vector.broadcast %add3A_421 : i32 to vector<16xi32>
      %slice3A_423 = vector.extract_strided_slice %and3A_26 {offsets = [11], sizes = [1], strides = [1]} : vector<16xi32> to vector<1xi32>
      %squeeze3A_424 = vector.extract %slice3A_423[0] : i32 from vector<1xi32>
      %broadcast_in_dim3A_425 = vector.broadcast %squeeze3A_424 : i32 to vector<16xi32>
      %gather3A_426 = tpu.vector_load_idx %arg14[%broadcast_in_dim3A_422, %iota3A, %broadcast_in_dim3A_425] : memref<32x16x128xf32, #tpu.memory_space<vmem>>[vector<16xi32>, vector<16xi32>, vector<16xi32>], vector<16xf32>,
      %add3A_427 = arith.constant 11 : i32
      %add3A_428 = arith.addi %mul3A_23, %add3A_427 : i32
      %mul3A_429 = arith.constant 16 : i32
      %mul3A_430 = arith.muli %add3A_428, %mul3A_429 : i32
      %add3A_431 = vector.broadcast %mul3A_430 : i32 to vector<16xi32>
      %add3A_432 = arith.addi %add3A_431, %iota3A : vector<16xi32>
      tpu.vector_store_idx %arg16[%add3A_432], %gather3A_426 : memref<8192xf32, #tpu.memory_space<vmem>>[vector<16xi32>], vector<16xf32>,
      %slice3A_433 = vector.extract_strided_slice %select_n3A {offsets = [12], sizes = [1], strides = [1]} : vector<16xi32> to vector<1xi32>
      %squeeze3A_434 = vector.extract %slice3A_433[0] : i32 from vector<1xi32>
      %eq3A_435 = arith.constant 1 : i32
      %eq3A_436 = arith.cmpi eq, %squeeze3A_434, %eq3A_435 : i32
      %convert_element_type3A_437 = arith.extui %eq3A_436 : i1 to i32
      %cond3A_438 = arith.constant 0 : i32
      %cond3A_439 = arith.cmpi ne, %convert_element_type3A_437, %cond3A_438 : i32
      scf.if %cond3A_439 {
        %dma_wait3A_714 = arith.constant 28 : i32
        %dma_wait3A_715 = arith.constant 0 : i32
        %dma_wait3A_716 = arith.constant 0 : i32
        %dma_wait3A_717 = tpu.memref_slice %arg14[%dma_wait3A_714, %dma_wait3A_715, %dma_wait3A_716] : memref<32x16x128xf32, #tpu.memory_space<vmem>> -> memref<1x16x128xf32, #tpu.memory_space<vmem>>
        %dma_wait3A_718 = tpu.memref_squeeze %dma_wait3A_717 : memref<1x16x128xf32, #tpu.memory_space<vmem>> -> memref<16x128xf32, #tpu.memory_space<vmem>>
        %dma_wait3A_719 = arith.constant 0 : i32
        %dma_wait3A_720 = arith.constant 0 : i32
        %dma_wait3A_721 = tpu.memref_slice %arg7[%dma_wait3A_719, %dma_wait3A_720] : memref<16x1000000xf32, #tpu.memory_space<hbm>> -> memref<16x128xf32, #tpu.memory_space<hbm>>
        %dma_wait3A_722 = arith.constant 0 : i32
        %dma_wait3A_723 = arith.constant 0 : i32
        %dma_wait3A_724 = tpu.memref_slice %arg14[%dma_wait3A_714, %dma_wait3A_722, %dma_wait3A_723] : memref<32x16x128xf32, #tpu.memory_space<vmem>> -> memref<1x16x128xf32, #tpu.memory_space<vmem>>
        %dma_wait3A_725 = tpu.memref_squeeze %dma_wait3A_724 : memref<1x16x128xf32, #tpu.memory_space<vmem>> -> memref<16x128xf32, #tpu.memory_space<vmem>>
        %dma_wait3A_726 = arith.constant 0 : i32
        %dma_wait3A_727 = arith.constant 0 : i32
        %dma_wait3A_728 = tpu.memref_slice %arg7[%dma_wait3A_726, %dma_wait3A_727] : memref<16x1000000xf32, #tpu.memory_space<hbm>> -> memref<16x128xf32, #tpu.memory_space<hbm>>
        tpu.wait_dma2 semaphore(%arg29 : memref<!tpu.dma_semaphore, #tpu.memory_space<semaphore_mem>>) src(%dma_wait3A_728 : memref<16x128xf32, #tpu.memory_space<hbm>>) dst(%dma_wait3A_725 : memref<16x128xf32, #tpu.memory_space<vmem>>)
      } else {
      }
      %slice3A_440 = vector.extract_strided_slice %masked_cummax3A_61 {offsets = [12], sizes = [1], strides = [1]} : vector<16xi32> to vector<1xi32>
      %squeeze3A_441 = vector.extract %slice3A_440[0] : i32 from vector<1xi32>
      %add3A_442 = arith.constant 16 : i32
      %add3A_443 = arith.addi %add3A_442, %squeeze3A_441 : i32
      %broadcast_in_dim3A_444 = vector.broadcast %add3A_443 : i32 to vector<16xi32>
      %slice3A_445 = vector.extract_strided_slice %and3A_26 {offsets = [12], sizes = [1], strides = [1]} : vector<16xi32> to vector<1xi32>
      %squeeze3A_446 = vector.extract %slice3A_445[0] : i32 from vector<1xi32>
      %broadcast_in_dim3A_447 = vector.broadcast %squeeze3A_446 : i32 to vector<16xi32>
      %gather3A_448 = tpu.vector_load_idx %arg14[%broadcast_in_dim3A_444, %iota3A, %broadcast_in_dim3A_447] : memref<32x16x128xf32, #tpu.memory_space<vmem>>[vector<16xi32>, vector<16xi32>, vector<16xi32>], vector<16xf32>,
      %add3A_449 = arith.constant 12 : i32
      %add3A_450 = arith.addi %mul3A_23, %add3A_449 : i32
      %mul3A_451 = arith.constant 16 : i32
      %mul3A_452 = arith.muli %add3A_450, %mul3A_451 : i32
      %add3A_453 = vector.broadcast %mul3A_452 : i32 to vector<16xi32>
      %add3A_454 = arith.addi %add3A_453, %iota3A : vector<16xi32>
      tpu.vector_store_idx %arg16[%add3A_454], %gather3A_448 : memref<8192xf32, #tpu.memory_space<vmem>>[vector<16xi32>], vector<16xf32>,
      %slice3A_455 = vector.extract_strided_slice %select_n3A {offsets = [13], sizes = [1], strides = [1]} : vector<16xi32> to vector<1xi32>
      %squeeze3A_456 = vector.extract %slice3A_455[0] : i32 from vector<1xi32>
      %eq3A_457 = arith.constant 1 : i32
      %eq3A_458 = arith.cmpi eq, %squeeze3A_456, %eq3A_457 : i32
      %convert_element_type3A_459 = arith.extui %eq3A_458 : i1 to i32
      %cond3A_460 = arith.constant 0 : i32
      %cond3A_461 = arith.cmpi ne, %convert_element_type3A_459, %cond3A_460 : i32
      scf.if %cond3A_461 {
        %dma_wait3A_714 = arith.constant 29 : i32
        %dma_wait3A_715 = arith.constant 0 : i32
        %dma_wait3A_716 = arith.constant 0 : i32
        %dma_wait3A_717 = tpu.memref_slice %arg14[%dma_wait3A_714, %dma_wait3A_715, %dma_wait3A_716] : memref<32x16x128xf32, #tpu.memory_space<vmem>> -> memref<1x16x128xf32, #tpu.memory_space<vmem>>
        %dma_wait3A_718 = tpu.memref_squeeze %dma_wait3A_717 : memref<1x16x128xf32, #tpu.memory_space<vmem>> -> memref<16x128xf32, #tpu.memory_space<vmem>>
        %dma_wait3A_719 = arith.constant 0 : i32
        %dma_wait3A_720 = arith.constant 0 : i32
        %dma_wait3A_721 = tpu.memref_slice %arg7[%dma_wait3A_719, %dma_wait3A_720] : memref<16x1000000xf32, #tpu.memory_space<hbm>> -> memref<16x128xf32, #tpu.memory_space<hbm>>
        %dma_wait3A_722 = arith.constant 0 : i32
        %dma_wait3A_723 = arith.constant 0 : i32
        %dma_wait3A_724 = tpu.memref_slice %arg14[%dma_wait3A_714, %dma_wait3A_722, %dma_wait3A_723] : memref<32x16x128xf32, #tpu.memory_space<vmem>> -> memref<1x16x128xf32, #tpu.memory_space<vmem>>
        %dma_wait3A_725 = tpu.memref_squeeze %dma_wait3A_724 : memref<1x16x128xf32, #tpu.memory_space<vmem>> -> memref<16x128xf32, #tpu.memory_space<vmem>>
        %dma_wait3A_726 = arith.constant 0 : i32
        %dma_wait3A_727 = arith.constant 0 : i32
        %dma_wait3A_728 = tpu.memref_slice %arg7[%dma_wait3A_726, %dma_wait3A_727] : memref<16x1000000xf32, #tpu.memory_space<hbm>> -> memref<16x128xf32, #tpu.memory_space<hbm>>
        tpu.wait_dma2 semaphore(%arg30 : memref<!tpu.dma_semaphore, #tpu.memory_space<semaphore_mem>>) src(%dma_wait3A_728 : memref<16x128xf32, #tpu.memory_space<hbm>>) dst(%dma_wait3A_725 : memref<16x128xf32, #tpu.memory_space<vmem>>)
      } else {
      }
      %slice3A_462 = vector.extract_strided_slice %masked_cummax3A_61 {offsets = [13], sizes = [1], strides = [1]} : vector<16xi32> to vector<1xi32>
      %squeeze3A_463 = vector.extract %slice3A_462[0] : i32 from vector<1xi32>
      %add3A_464 = arith.constant 16 : i32
      %add3A_465 = arith.addi %add3A_464, %squeeze3A_463 : i32
      %broadcast_in_dim3A_466 = vector.broadcast %add3A_465 : i32 to vector<16xi32>
      %slice3A_467 = vector.extract_strided_slice %and3A_26 {offsets = [13], sizes = [1], strides = [1]} : vector<16xi32> to vector<1xi32>
      %squeeze3A_468 = vector.extract %slice3A_467[0] : i32 from vector<1xi32>
      %broadcast_in_dim3A_469 = vector.broadcast %squeeze3A_468 : i32 to vector<16xi32>
      %gather3A_470 = tpu.vector_load_idx %arg14[%broadcast_in_dim3A_466, %iota3A, %broadcast_in_dim3A_469] : memref<32x16x128xf32, #tpu.memory_space<vmem>>[vector<16xi32>, vector<16xi32>, vector<16xi32>], vector<16xf32>,
      %add3A_471 = arith.constant 13 : i32
      %add3A_472 = arith.addi %mul3A_23, %add3A_471 : i32
      %mul3A_473 = arith.constant 16 : i32
      %mul3A_474 = arith.muli %add3A_472, %mul3A_473 : i32
      %add3A_475 = vector.broadcast %mul3A_474 : i32 to vector<16xi32>
      %add3A_476 = arith.addi %add3A_475, %iota3A : vector<16xi32>
      tpu.vector_store_idx %arg16[%add3A_476], %gather3A_470 : memref<8192xf32, #tpu.memory_space<vmem>>[vector<16xi32>], vector<16xf32>,
      %slice3A_477 = vector.extract_strided_slice %select_n3A {offsets = [14], sizes = [1], strides = [1]} : vector<16xi32> to vector<1xi32>
      %squeeze3A_478 = vector.extract %slice3A_477[0] : i32 from vector<1xi32>
      %eq3A_479 = arith.constant 1 : i32
      %eq3A_480 = arith.cmpi eq, %squeeze3A_478, %eq3A_479 : i32
      %convert_element_type3A_481 = arith.extui %eq3A_480 : i1 to i32
      %cond3A_482 = arith.constant 0 : i32
      %cond3A_483 = arith.cmpi ne, %convert_element_type3A_481, %cond3A_482 : i32
      scf.if %cond3A_483 {
        %dma_wait3A_714 = arith.constant 30 : i32
        %dma_wait3A_715 = arith.constant 0 : i32
        %dma_wait3A_716 = arith.constant 0 : i32
        %dma_wait3A_717 = tpu.memref_slice %arg14[%dma_wait3A_714, %dma_wait3A_715, %dma_wait3A_716] : memref<32x16x128xf32, #tpu.memory_space<vmem>> -> memref<1x16x128xf32, #tpu.memory_space<vmem>>
        %dma_wait3A_718 = tpu.memref_squeeze %dma_wait3A_717 : memref<1x16x128xf32, #tpu.memory_space<vmem>> -> memref<16x128xf32, #tpu.memory_space<vmem>>
        %dma_wait3A_719 = arith.constant 0 : i32
        %dma_wait3A_720 = arith.constant 0 : i32
        %dma_wait3A_721 = tpu.memref_slice %arg7[%dma_wait3A_719, %dma_wait3A_720] : memref<16x1000000xf32, #tpu.memory_space<hbm>> -> memref<16x128xf32, #tpu.memory_space<hbm>>
        %dma_wait3A_722 = arith.constant 0 : i32
        %dma_wait3A_723 = arith.constant 0 : i32
        %dma_wait3A_724 = tpu.memref_slice %arg14[%dma_wait3A_714, %dma_wait3A_722, %dma_wait3A_723] : memref<32x16x128xf32, #tpu.memory_space<vmem>> -> memref<1x16x128xf32, #tpu.memory_space<vmem>>
        %dma_wait3A_725 = tpu.memref_squeeze %dma_wait3A_724 : memref<1x16x128xf32, #tpu.memory_space<vmem>> -> memref<16x128xf32, #tpu.memory_space<vmem>>
        %dma_wait3A_726 = arith.constant 0 : i32
        %dma_wait3A_727 = arith.constant 0 : i32
        %dma_wait3A_728 = tpu.memref_slice %arg7[%dma_wait3A_726, %dma_wait3A_727] : memref<16x1000000xf32, #tpu.memory_space<hbm>> -> memref<16x128xf32, #tpu.memory_space<hbm>>
        tpu.wait_dma2 semaphore(%arg31 : memref<!tpu.dma_semaphore, #tpu.memory_space<semaphore_mem>>) src(%dma_wait3A_728 : memref<16x128xf32, #tpu.memory_space<hbm>>) dst(%dma_wait3A_725 : memref<16x128xf32, #tpu.memory_space<vmem>>)
      } else {
      }
      %slice3A_484 = vector.extract_strided_slice %masked_cummax3A_61 {offsets = [14], sizes = [1], strides = [1]} : vector<16xi32> to vector<1xi32>
      %squeeze3A_485 = vector.extract %slice3A_484[0] : i32 from vector<1xi32>
      %add3A_486 = arith.constant 16 : i32
      %add3A_487 = arith.addi %add3A_486, %squeeze3A_485 : i32
      %broadcast_in_dim3A_488 = vector.broadcast %add3A_487 : i32 to vector<16xi32>
      %slice3A_489 = vector.extract_strided_slice %and3A_26 {offsets = [14], sizes = [1], strides = [1]} : vector<16xi32> to vector<1xi32>
      %squeeze3A_490 = vector.extract %slice3A_489[0] : i32 from vector<1xi32>
      %broadcast_in_dim3A_491 = vector.broadcast %squeeze3A_490 : i32 to vector<16xi32>
      %gather3A_492 = tpu.vector_load_idx %arg14[%broadcast_in_dim3A_488, %iota3A, %broadcast_in_dim3A_491] : memref<32x16x128xf32, #tpu.memory_space<vmem>>[vector<16xi32>, vector<16xi32>, vector<16xi32>], vector<16xf32>,
      %add3A_493 = arith.constant 14 : i32
      %add3A_494 = arith.addi %mul3A_23, %add3A_493 : i32
      %mul3A_495 = arith.constant 16 : i32
      %mul3A_496 = arith.muli %add3A_494, %mul3A_495 : i32
      %add3A_497 = vector.broadcast %mul3A_496 : i32 to vector<16xi32>
      %add3A_498 = arith.addi %add3A_497, %iota3A : vector<16xi32>
      tpu.vector_store_idx %arg16[%add3A_498], %gather3A_492 : memref<8192xf32, #tpu.memory_space<vmem>>[vector<16xi32>], vector<16xf32>,
      %slice3A_499 = vector.extract_strided_slice %select_n3A {offsets = [15], sizes = [1], strides = [1]} : vector<16xi32> to vector<1xi32>
      %squeeze3A_500 = vector.extract %slice3A_499[0] : i32 from vector<1xi32>
      %eq3A_501 = arith.constant 1 : i32
      %eq3A_502 = arith.cmpi eq, %squeeze3A_500, %eq3A_501 : i32
      %convert_element_type3A_503 = arith.extui %eq3A_502 : i1 to i32
      %cond3A_504 = arith.constant 0 : i32
      %cond3A_505 = arith.cmpi ne, %convert_element_type3A_503, %cond3A_504 : i32
      scf.if %cond3A_505 {
        %dma_wait3A_714 = arith.constant 31 : i32
        %dma_wait3A_715 = arith.constant 0 : i32
        %dma_wait3A_716 = arith.constant 0 : i32
        %dma_wait3A_717 = tpu.memref_slice %arg14[%dma_wait3A_714, %dma_wait3A_715, %dma_wait3A_716] : memref<32x16x128xf32, #tpu.memory_space<vmem>> -> memref<1x16x128xf32, #tpu.memory_space<vmem>>
        %dma_wait3A_718 = tpu.memref_squeeze %dma_wait3A_717 : memref<1x16x128xf32, #tpu.memory_space<vmem>> -> memref<16x128xf32, #tpu.memory_space<vmem>>
        %dma_wait3A_719 = arith.constant 0 : i32
        %dma_wait3A_720 = arith.constant 0 : i32
        %dma_wait3A_721 = tpu.memref_slice %arg7[%dma_wait3A_719, %dma_wait3A_720] : memref<16x1000000xf32, #tpu.memory_space<hbm>> -> memref<16x128xf32, #tpu.memory_space<hbm>>
        %dma_wait3A_722 = arith.constant 0 : i32
        %dma_wait3A_723 = arith.constant 0 : i32
        %dma_wait3A_724 = tpu.memref_slice %arg14[%dma_wait3A_714, %dma_wait3A_722, %dma_wait3A_723] : memref<32x16x128xf32, #tpu.memory_space<vmem>> -> memref<1x16x128xf32, #tpu.memory_space<vmem>>
        %dma_wait3A_725 = tpu.memref_squeeze %dma_wait3A_724 : memref<1x16x128xf32, #tpu.memory_space<vmem>> -> memref<16x128xf32, #tpu.memory_space<vmem>>
        %dma_wait3A_726 = arith.constant 0 : i32
        %dma_wait3A_727 = arith.constant 0 : i32
        %dma_wait3A_728 = tpu.memref_slice %arg7[%dma_wait3A_726, %dma_wait3A_727] : memref<16x1000000xf32, #tpu.memory_space<hbm>> -> memref<16x128xf32, #tpu.memory_space<hbm>>
        tpu.wait_dma2 semaphore(%arg32 : memref<!tpu.dma_semaphore, #tpu.memory_space<semaphore_mem>>) src(%dma_wait3A_728 : memref<16x128xf32, #tpu.memory_space<hbm>>) dst(%dma_wait3A_725 : memref<16x128xf32, #tpu.memory_space<vmem>>)
      } else {
      }
      %slice3A_506 = vector.extract_strided_slice %masked_cummax3A_61 {offsets = [15], sizes = [1], strides = [1]} : vector<16xi32> to vector<1xi32>
      %squeeze3A_507 = vector.extract %slice3A_506[0] : i32 from vector<1xi32>
      %add3A_508 = arith.constant 16 : i32
      %add3A_509 = arith.addi %add3A_508, %squeeze3A_507 : i32
      %broadcast_in_dim3A_510 = vector.broadcast %add3A_509 : i32 to vector<16xi32>
      %slice3A_511 = vector.extract_strided_slice %and3A_26 {offsets = [15], sizes = [1], strides = [1]} : vector<16xi32> to vector<1xi32>
      %squeeze3A_512 = vector.extract %slice3A_511[0] : i32 from vector<1xi32>
      %broadcast_in_dim3A_513 = vector.broadcast %squeeze3A_512 : i32 to vector<16xi32>
      %gather3A_514 = tpu.vector_load_idx %arg14[%broadcast_in_dim3A_510, %iota3A, %broadcast_in_dim3A_513] : memref<32x16x128xf32, #tpu.memory_space<vmem>>[vector<16xi32>, vector<16xi32>, vector<16xi32>], vector<16xf32>,
      %add3A_515 = arith.constant 15 : i32
      %add3A_516 = arith.addi %mul3A_23, %add3A_515 : i32
      %mul3A_517 = arith.constant 16 : i32
      %mul3A_518 = arith.muli %add3A_516, %mul3A_517 : i32
      %add3A_519 = vector.broadcast %mul3A_518 : i32 to vector<16xi32>
      %add3A_520 = arith.addi %add3A_519, %iota3A : vector<16xi32>
      tpu.vector_store_idx %arg16[%add3A_520], %gather3A_514 : memref<8192xf32, #tpu.memory_space<vmem>>[vector<16xi32>], vector<16xf32>,
      %get3A_521 = arith.index_cast %mul3A_23 : i32 to index
      %get3A_522 = tpu.vector_load %arg13[%get3A_521] {strides = array<i32>} : memref<512xi32, #tpu.memory_space<vmem>>, vector<16xi32>,
      %add3A_523 = arith.constant 0 : i32
      %add3A_524 = arith.addi %mul3A_23, %add3A_523 : i32
      %mul3A_525 = arith.constant 16 : i32
      %mul3A_526 = arith.muli %add3A_524, %mul3A_525 : i32
      %slice3A_527 = vector.extract_strided_slice %get3A_522 {offsets = [0], sizes = [1], strides = [1]} : vector<16xi32> to vector<1xi32>
      %squeeze3A_528 = vector.extract %slice3A_527[0] : i32 from vector<1xi32>
      %mul3A_529 = arith.constant 16 : i32
      %mul3A_530 = arith.muli %squeeze3A_528, %mul3A_529 : i32
      %dma_start3A = tpu.memref_slice %arg16[%mul3A_526] : memref<8192xf32, #tpu.memory_space<vmem>> -> memref<16xf32, #tpu.memory_space<vmem>>
      %dma_start3A_531 = tpu.memref_slice %arg9[%mul3A_530] : memref<262144xf32, #tpu.memory_space<hbm>> -> memref<16xf32, #tpu.memory_space<hbm>>
      %dma_start3A_532 = tpu.memref_slice %arg9[%mul3A_530] : memref<262144xf32, #tpu.memory_space<hbm>> -> memref<16xf32, #tpu.memory_space<hbm>>
      %dma_start3A_533 = tpu.memref_slice %arg16[%mul3A_526] : memref<8192xf32, #tpu.memory_space<vmem>> -> memref<16xf32, #tpu.memory_space<vmem>>
      tpu.enqueue_dma source(%dma_start3A_533 : memref<16xf32, #tpu.memory_space<vmem>>) target(%dma_start3A_532 : memref<16xf32, #tpu.memory_space<hbm>>) target_semaphore(%arg33 : memref<!tpu.dma_semaphore, #tpu.memory_space<semaphore_mem>>)
      %add3A_534 = arith.constant 1 : i32
      %add3A_535 = arith.addi %mul3A_23, %add3A_534 : i32
      %mul3A_536 = arith.constant 16 : i32
      %mul3A_537 = arith.muli %add3A_535, %mul3A_536 : i32
      %slice3A_538 = vector.extract_strided_slice %get3A_522 {offsets = [1], sizes = [1], strides = [1]} : vector<16xi32> to vector<1xi32>
      %squeeze3A_539 = vector.extract %slice3A_538[0] : i32 from vector<1xi32>
      %mul3A_540 = arith.constant 16 : i32
      %mul3A_541 = arith.muli %squeeze3A_539, %mul3A_540 : i32
      %dma_start3A_542 = tpu.memref_slice %arg16[%mul3A_537] : memref<8192xf32, #tpu.memory_space<vmem>> -> memref<16xf32, #tpu.memory_space<vmem>>
      %dma_start3A_543 = tpu.memref_slice %arg9[%mul3A_541] : memref<262144xf32, #tpu.memory_space<hbm>> -> memref<16xf32, #tpu.memory_space<hbm>>
      %dma_start3A_544 = tpu.memref_slice %arg9[%mul3A_541] : memref<262144xf32, #tpu.memory_space<hbm>> -> memref<16xf32, #tpu.memory_space<hbm>>
      %dma_start3A_545 = tpu.memref_slice %arg16[%mul3A_537] : memref<8192xf32, #tpu.memory_space<vmem>> -> memref<16xf32, #tpu.memory_space<vmem>>
      tpu.enqueue_dma source(%dma_start3A_545 : memref<16xf32, #tpu.memory_space<vmem>>) target(%dma_start3A_544 : memref<16xf32, #tpu.memory_space<hbm>>) target_semaphore(%arg33 : memref<!tpu.dma_semaphore, #tpu.memory_space<semaphore_mem>>)
      %add3A_546 = arith.constant 2 : i32
      %add3A_547 = arith.addi %mul3A_23, %add3A_546 : i32
      %mul3A_548 = arith.constant 16 : i32
      %mul3A_549 = arith.muli %add3A_547, %mul3A_548 : i32
      %slice3A_550 = vector.extract_strided_slice %get3A_522 {offsets = [2], sizes = [1], strides = [1]} : vector<16xi32> to vector<1xi32>
      %squeeze3A_551 = vector.extract %slice3A_550[0] : i32 from vector<1xi32>
      %mul3A_552 = arith.constant 16 : i32
      %mul3A_553 = arith.muli %squeeze3A_551, %mul3A_552 : i32
      %dma_start3A_554 = tpu.memref_slice %arg16[%mul3A_549] : memref<8192xf32, #tpu.memory_space<vmem>> -> memref<16xf32, #tpu.memory_space<vmem>>
      %dma_start3A_555 = tpu.memref_slice %arg9[%mul3A_553] : memref<262144xf32, #tpu.memory_space<hbm>> -> memref<16xf32, #tpu.memory_space<hbm>>
      %dma_start3A_556 = tpu.memref_slice %arg9[%mul3A_553] : memref<262144xf32, #tpu.memory_space<hbm>> -> memref<16xf32, #tpu.memory_space<hbm>>
      %dma_start3A_557 = tpu.memref_slice %arg16[%mul3A_549] : memref<8192xf32, #tpu.memory_space<vmem>> -> memref<16xf32, #tpu.memory_space<vmem>>
      tpu.enqueue_dma source(%dma_start3A_557 : memref<16xf32, #tpu.memory_space<vmem>>) target(%dma_start3A_556 : memref<16xf32, #tpu.memory_space<hbm>>) target_semaphore(%arg33 : memref<!tpu.dma_semaphore, #tpu.memory_space<semaphore_mem>>)
      %add3A_558 = arith.constant 3 : i32
      %add3A_559 = arith.addi %mul3A_23, %add3A_558 : i32
      %mul3A_560 = arith.constant 16 : i32
      %mul3A_561 = arith.muli %add3A_559, %mul3A_560 : i32
      %slice3A_562 = vector.extract_strided_slice %get3A_522 {offsets = [3], sizes = [1], strides = [1]} : vector<16xi32> to vector<1xi32>
      %squeeze3A_563 = vector.extract %slice3A_562[0] : i32 from vector<1xi32>
      %mul3A_564 = arith.constant 16 : i32
      %mul3A_565 = arith.muli %squeeze3A_563, %mul3A_564 : i32
      %dma_start3A_566 = tpu.memref_slice %arg16[%mul3A_561] : memref<8192xf32, #tpu.memory_space<vmem>> -> memref<16xf32, #tpu.memory_space<vmem>>
      %dma_start3A_567 = tpu.memref_slice %arg9[%mul3A_565] : memref<262144xf32, #tpu.memory_space<hbm>> -> memref<16xf32, #tpu.memory_space<hbm>>
      %dma_start3A_568 = tpu.memref_slice %arg9[%mul3A_565] : memref<262144xf32, #tpu.memory_space<hbm>> -> memref<16xf32, #tpu.memory_space<hbm>>
      %dma_start3A_569 = tpu.memref_slice %arg16[%mul3A_561] : memref<8192xf32, #tpu.memory_space<vmem>> -> memref<16xf32, #tpu.memory_space<vmem>>
      tpu.enqueue_dma source(%dma_start3A_569 : memref<16xf32, #tpu.memory_space<vmem>>) target(%dma_start3A_568 : memref<16xf32, #tpu.memory_space<hbm>>) target_semaphore(%arg33 : memref<!tpu.dma_semaphore, #tpu.memory_space<semaphore_mem>>)
      %add3A_570 = arith.constant 4 : i32
      %add3A_571 = arith.addi %mul3A_23, %add3A_570 : i32
      %mul3A_572 = arith.constant 16 : i32
      %mul3A_573 = arith.muli %add3A_571, %mul3A_572 : i32
      %slice3A_574 = vector.extract_strided_slice %get3A_522 {offsets = [4], sizes = [1], strides = [1]} : vector<16xi32> to vector<1xi32>
      %squeeze3A_575 = vector.extract %slice3A_574[0] : i32 from vector<1xi32>
      %mul3A_576 = arith.constant 16 : i32
      %mul3A_577 = arith.muli %squeeze3A_575, %mul3A_576 : i32
      %dma_start3A_578 = tpu.memref_slice %arg16[%mul3A_573] : memref<8192xf32, #tpu.memory_space<vmem>> -> memref<16xf32, #tpu.memory_space<vmem>>
      %dma_start3A_579 = tpu.memref_slice %arg9[%mul3A_577] : memref<262144xf32, #tpu.memory_space<hbm>> -> memref<16xf32, #tpu.memory_space<hbm>>
      %dma_start3A_580 = tpu.memref_slice %arg9[%mul3A_577] : memref<262144xf32, #tpu.memory_space<hbm>> -> memref<16xf32, #tpu.memory_space<hbm>>
      %dma_start3A_581 = tpu.memref_slice %arg16[%mul3A_573] : memref<8192xf32, #tpu.memory_space<vmem>> -> memref<16xf32, #tpu.memory_space<vmem>>
      tpu.enqueue_dma source(%dma_start3A_581 : memref<16xf32, #tpu.memory_space<vmem>>) target(%dma_start3A_580 : memref<16xf32, #tpu.memory_space<hbm>>) target_semaphore(%arg33 : memref<!tpu.dma_semaphore, #tpu.memory_space<semaphore_mem>>)
      %add3A_582 = arith.constant 5 : i32
      %add3A_583 = arith.addi %mul3A_23, %add3A_582 : i32
      %mul3A_584 = arith.constant 16 : i32
      %mul3A_585 = arith.muli %add3A_583, %mul3A_584 : i32
      %slice3A_586 = vector.extract_strided_slice %get3A_522 {offsets = [5], sizes = [1], strides = [1]} : vector<16xi32> to vector<1xi32>
      %squeeze3A_587 = vector.extract %slice3A_586[0] : i32 from vector<1xi32>
      %mul3A_588 = arith.constant 16 : i32
      %mul3A_589 = arith.muli %squeeze3A_587, %mul3A_588 : i32
      %dma_start3A_590 = tpu.memref_slice %arg16[%mul3A_585] : memref<8192xf32, #tpu.memory_space<vmem>> -> memref<16xf32, #tpu.memory_space<vmem>>
      %dma_start3A_591 = tpu.memref_slice %arg9[%mul3A_589] : memref<262144xf32, #tpu.memory_space<hbm>> -> memref<16xf32, #tpu.memory_space<hbm>>
      %dma_start3A_592 = tpu.memref_slice %arg9[%mul3A_589] : memref<262144xf32, #tpu.memory_space<hbm>> -> memref<16xf32, #tpu.memory_space<hbm>>
      %dma_start3A_593 = tpu.memref_slice %arg16[%mul3A_585] : memref<8192xf32, #tpu.memory_space<vmem>> -> memref<16xf32, #tpu.memory_space<vmem>>
      tpu.enqueue_dma source(%dma_start3A_593 : memref<16xf32, #tpu.memory_space<vmem>>) target(%dma_start3A_592 : memref<16xf32, #tpu.memory_space<hbm>>) target_semaphore(%arg33 : memref<!tpu.dma_semaphore, #tpu.memory_space<semaphore_mem>>)
      %add3A_594 = arith.constant 6 : i32
      %add3A_595 = arith.addi %mul3A_23, %add3A_594 : i32
      %mul3A_596 = arith.constant 16 : i32
      %mul3A_597 = arith.muli %add3A_595, %mul3A_596 : i32
      %slice3A_598 = vector.extract_strided_slice %get3A_522 {offsets = [6], sizes = [1], strides = [1]} : vector<16xi32> to vector<1xi32>
      %squeeze3A_599 = vector.extract %slice3A_598[0] : i32 from vector<1xi32>
      %mul3A_600 = arith.constant 16 : i32
      %mul3A_601 = arith.muli %squeeze3A_599, %mul3A_600 : i32
      %dma_start3A_602 = tpu.memref_slice %arg16[%mul3A_597] : memref<8192xf32, #tpu.memory_space<vmem>> -> memref<16xf32, #tpu.memory_space<vmem>>
      %dma_start3A_603 = tpu.memref_slice %arg9[%mul3A_601] : memref<262144xf32, #tpu.memory_space<hbm>> -> memref<16xf32, #tpu.memory_space<hbm>>
      %dma_start3A_604 = tpu.memref_slice %arg9[%mul3A_601] : memref<262144xf32, #tpu.memory_space<hbm>> -> memref<16xf32, #tpu.memory_space<hbm>>
      %dma_start3A_605 = tpu.memref_slice %arg16[%mul3A_597] : memref<8192xf32, #tpu.memory_space<vmem>> -> memref<16xf32, #tpu.memory_space<vmem>>
      tpu.enqueue_dma source(%dma_start3A_605 : memref<16xf32, #tpu.memory_space<vmem>>) target(%dma_start3A_604 : memref<16xf32, #tpu.memory_space<hbm>>) target_semaphore(%arg33 : memref<!tpu.dma_semaphore, #tpu.memory_space<semaphore_mem>>)
      %add3A_606 = arith.constant 7 : i32
      %add3A_607 = arith.addi %mul3A_23, %add3A_606 : i32
      %mul3A_608 = arith.constant 16 : i32
      %mul3A_609 = arith.muli %add3A_607, %mul3A_608 : i32
      %slice3A_610 = vector.extract_strided_slice %get3A_522 {offsets = [7], sizes = [1], strides = [1]} : vector<16xi32> to vector<1xi32>
      %squeeze3A_611 = vector.extract %slice3A_610[0] : i32 from vector<1xi32>
      %mul3A_612 = arith.constant 16 : i32
      %mul3A_613 = arith.muli %squeeze3A_611, %mul3A_612 : i32
      %dma_start3A_614 = tpu.memref_slice %arg16[%mul3A_609] : memref<8192xf32, #tpu.memory_space<vmem>> -> memref<16xf32, #tpu.memory_space<vmem>>
      %dma_start3A_615 = tpu.memref_slice %arg9[%mul3A_613] : memref<262144xf32, #tpu.memory_space<hbm>> -> memref<16xf32, #tpu.memory_space<hbm>>
      %dma_start3A_616 = tpu.memref_slice %arg9[%mul3A_613] : memref<262144xf32, #tpu.memory_space<hbm>> -> memref<16xf32, #tpu.memory_space<hbm>>
      %dma_start3A_617 = tpu.memref_slice %arg16[%mul3A_609] : memref<8192xf32, #tpu.memory_space<vmem>> -> memref<16xf32, #tpu.memory_space<vmem>>
      tpu.enqueue_dma source(%dma_start3A_617 : memref<16xf32, #tpu.memory_space<vmem>>) target(%dma_start3A_616 : memref<16xf32, #tpu.memory_space<hbm>>) target_semaphore(%arg33 : memref<!tpu.dma_semaphore, #tpu.memory_space<semaphore_mem>>)
      %add3A_618 = arith.constant 8 : i32
      %add3A_619 = arith.addi %mul3A_23, %add3A_618 : i32
      %mul3A_620 = arith.constant 16 : i32
      %mul3A_621 = arith.muli %add3A_619, %mul3A_620 : i32
      %slice3A_622 = vector.extract_strided_slice %get3A_522 {offsets = [8], sizes = [1], strides = [1]} : vector<16xi32> to vector<1xi32>
      %squeeze3A_623 = vector.extract %slice3A_622[0] : i32 from vector<1xi32>
      %mul3A_624 = arith.constant 16 : i32
      %mul3A_625 = arith.muli %squeeze3A_623, %mul3A_624 : i32
      %dma_start3A_626 = tpu.memref_slice %arg16[%mul3A_621] : memref<8192xf32, #tpu.memory_space<vmem>> -> memref<16xf32, #tpu.memory_space<vmem>>
      %dma_start3A_627 = tpu.memref_slice %arg9[%mul3A_625] : memref<262144xf32, #tpu.memory_space<hbm>> -> memref<16xf32, #tpu.memory_space<hbm>>
      %dma_start3A_628 = tpu.memref_slice %arg9[%mul3A_625] : memref<262144xf32, #tpu.memory_space<hbm>> -> memref<16xf32, #tpu.memory_space<hbm>>
      %dma_start3A_629 = tpu.memref_slice %arg16[%mul3A_621] : memref<8192xf32, #tpu.memory_space<vmem>> -> memref<16xf32, #tpu.memory_space<vmem>>
      tpu.enqueue_dma source(%dma_start3A_629 : memref<16xf32, #tpu.memory_space<vmem>>) target(%dma_start3A_628 : memref<16xf32, #tpu.memory_space<hbm>>) target_semaphore(%arg33 : memref<!tpu.dma_semaphore, #tpu.memory_space<semaphore_mem>>)
      %add3A_630 = arith.constant 9 : i32
      %add3A_631 = arith.addi %mul3A_23, %add3A_630 : i32
      %mul3A_632 = arith.constant 16 : i32
      %mul3A_633 = arith.muli %add3A_631, %mul3A_632 : i32
      %slice3A_634 = vector.extract_strided_slice %get3A_522 {offsets = [9], sizes = [1], strides = [1]} : vector<16xi32> to vector<1xi32>
      %squeeze3A_635 = vector.extract %slice3A_634[0] : i32 from vector<1xi32>
      %mul3A_636 = arith.constant 16 : i32
      %mul3A_637 = arith.muli %squeeze3A_635, %mul3A_636 : i32
      %dma_start3A_638 = tpu.memref_slice %arg16[%mul3A_633] : memref<8192xf32, #tpu.memory_space<vmem>> -> memref<16xf32, #tpu.memory_space<vmem>>
      %dma_start3A_639 = tpu.memref_slice %arg9[%mul3A_637] : memref<262144xf32, #tpu.memory_space<hbm>> -> memref<16xf32, #tpu.memory_space<hbm>>
      %dma_start3A_640 = tpu.memref_slice %arg9[%mul3A_637] : memref<262144xf32, #tpu.memory_space<hbm>> -> memref<16xf32, #tpu.memory_space<hbm>>
      %dma_start3A_641 = tpu.memref_slice %arg16[%mul3A_633] : memref<8192xf32, #tpu.memory_space<vmem>> -> memref<16xf32, #tpu.memory_space<vmem>>
      tpu.enqueue_dma source(%dma_start3A_641 : memref<16xf32, #tpu.memory_space<vmem>>) target(%dma_start3A_640 : memref<16xf32, #tpu.memory_space<hbm>>) target_semaphore(%arg33 : memref<!tpu.dma_semaphore, #tpu.memory_space<semaphore_mem>>)
      %add3A_642 = arith.constant 10 : i32
      %add3A_643 = arith.addi %mul3A_23, %add3A_642 : i32
      %mul3A_644 = arith.constant 16 : i32
      %mul3A_645 = arith.muli %add3A_643, %mul3A_644 : i32
      %slice3A_646 = vector.extract_strided_slice %get3A_522 {offsets = [10], sizes = [1], strides = [1]} : vector<16xi32> to vector<1xi32>
      %squeeze3A_647 = vector.extract %slice3A_646[0] : i32 from vector<1xi32>
      %mul3A_648 = arith.constant 16 : i32
      %mul3A_649 = arith.muli %squeeze3A_647, %mul3A_648 : i32
      %dma_start3A_650 = tpu.memref_slice %arg16[%mul3A_645] : memref<8192xf32, #tpu.memory_space<vmem>> -> memref<16xf32, #tpu.memory_space<vmem>>
      %dma_start3A_651 = tpu.memref_slice %arg9[%mul3A_649] : memref<262144xf32, #tpu.memory_space<hbm>> -> memref<16xf32, #tpu.memory_space<hbm>>
      %dma_start3A_652 = tpu.memref_slice %arg9[%mul3A_649] : memref<262144xf32, #tpu.memory_space<hbm>> -> memref<16xf32, #tpu.memory_space<hbm>>
      %dma_start3A_653 = tpu.memref_slice %arg16[%mul3A_645] : memref<8192xf32, #tpu.memory_space<vmem>> -> memref<16xf32, #tpu.memory_space<vmem>>
      tpu.enqueue_dma source(%dma_start3A_653 : memref<16xf32, #tpu.memory_space<vmem>>) target(%dma_start3A_652 : memref<16xf32, #tpu.memory_space<hbm>>) target_semaphore(%arg33 : memref<!tpu.dma_semaphore, #tpu.memory_space<semaphore_mem>>)
      %add3A_654 = arith.constant 11 : i32
      %add3A_655 = arith.addi %mul3A_23, %add3A_654 : i32
      %mul3A_656 = arith.constant 16 : i32
      %mul3A_657 = arith.muli %add3A_655, %mul3A_656 : i32
      %slice3A_658 = vector.extract_strided_slice %get3A_522 {offsets = [11], sizes = [1], strides = [1]} : vector<16xi32> to vector<1xi32>
      %squeeze3A_659 = vector.extract %slice3A_658[0] : i32 from vector<1xi32>
      %mul3A_660 = arith.constant 16 : i32
      %mul3A_661 = arith.muli %squeeze3A_659, %mul3A_660 : i32
      %dma_start3A_662 = tpu.memref_slice %arg16[%mul3A_657] : memref<8192xf32, #tpu.memory_space<vmem>> -> memref<16xf32, #tpu.memory_space<vmem>>
      %dma_start3A_663 = tpu.memref_slice %arg9[%mul3A_661] : memref<262144xf32, #tpu.memory_space<hbm>> -> memref<16xf32, #tpu.memory_space<hbm>>
      %dma_start3A_664 = tpu.memref_slice %arg9[%mul3A_661] : memref<262144xf32, #tpu.memory_space<hbm>> -> memref<16xf32, #tpu.memory_space<hbm>>
      %dma_start3A_665 = tpu.memref_slice %arg16[%mul3A_657] : memref<8192xf32, #tpu.memory_space<vmem>> -> memref<16xf32, #tpu.memory_space<vmem>>
      tpu.enqueue_dma source(%dma_start3A_665 : memref<16xf32, #tpu.memory_space<vmem>>) target(%dma_start3A_664 : memref<16xf32, #tpu.memory_space<hbm>>) target_semaphore(%arg33 : memref<!tpu.dma_semaphore, #tpu.memory_space<semaphore_mem>>)
      %add3A_666 = arith.constant 12 : i32
      %add3A_667 = arith.addi %mul3A_23, %add3A_666 : i32
      %mul3A_668 = arith.constant 16 : i32
      %mul3A_669 = arith.muli %add3A_667, %mul3A_668 : i32
      %slice3A_670 = vector.extract_strided_slice %get3A_522 {offsets = [12], sizes = [1], strides = [1]} : vector<16xi32> to vector<1xi32>
      %squeeze3A_671 = vector.extract %slice3A_670[0] : i32 from vector<1xi32>
      %mul3A_672 = arith.constant 16 : i32
      %mul3A_673 = arith.muli %squeeze3A_671, %mul3A_672 : i32
      %dma_start3A_674 = tpu.memref_slice %arg16[%mul3A_669] : memref<8192xf32, #tpu.memory_space<vmem>> -> memref<16xf32, #tpu.memory_space<vmem>>
      %dma_start3A_675 = tpu.memref_slice %arg9[%mul3A_673] : memref<262144xf32, #tpu.memory_space<hbm>> -> memref<16xf32, #tpu.memory_space<hbm>>
      %dma_start3A_676 = tpu.memref_slice %arg9[%mul3A_673] : memref<262144xf32, #tpu.memory_space<hbm>> -> memref<16xf32, #tpu.memory_space<hbm>>
      %dma_start3A_677 = tpu.memref_slice %arg16[%mul3A_669] : memref<8192xf32, #tpu.memory_space<vmem>> -> memref<16xf32, #tpu.memory_space<vmem>>
      tpu.enqueue_dma source(%dma_start3A_677 : memref<16xf32, #tpu.memory_space<vmem>>) target(%dma_start3A_676 : memref<16xf32, #tpu.memory_space<hbm>>) target_semaphore(%arg33 : memref<!tpu.dma_semaphore, #tpu.memory_space<semaphore_mem>>)
      %add3A_678 = arith.constant 13 : i32
      %add3A_679 = arith.addi %mul3A_23, %add3A_678 : i32
      %mul3A_680 = arith.constant 16 : i32
      %mul3A_681 = arith.muli %add3A_679, %mul3A_680 : i32
      %slice3A_682 = vector.extract_strided_slice %get3A_522 {offsets = [13], sizes = [1], strides = [1]} : vector<16xi32> to vector<1xi32>
      %squeeze3A_683 = vector.extract %slice3A_682[0] : i32 from vector<1xi32>
      %mul3A_684 = arith.constant 16 : i32
      %mul3A_685 = arith.muli %squeeze3A_683, %mul3A_684 : i32
      %dma_start3A_686 = tpu.memref_slice %arg16[%mul3A_681] : memref<8192xf32, #tpu.memory_space<vmem>> -> memref<16xf32, #tpu.memory_space<vmem>>
      %dma_start3A_687 = tpu.memref_slice %arg9[%mul3A_685] : memref<262144xf32, #tpu.memory_space<hbm>> -> memref<16xf32, #tpu.memory_space<hbm>>
      %dma_start3A_688 = tpu.memref_slice %arg9[%mul3A_685] : memref<262144xf32, #tpu.memory_space<hbm>> -> memref<16xf32, #tpu.memory_space<hbm>>
      %dma_start3A_689 = tpu.memref_slice %arg16[%mul3A_681] : memref<8192xf32, #tpu.memory_space<vmem>> -> memref<16xf32, #tpu.memory_space<vmem>>
      tpu.enqueue_dma source(%dma_start3A_689 : memref<16xf32, #tpu.memory_space<vmem>>) target(%dma_start3A_688 : memref<16xf32, #tpu.memory_space<hbm>>) target_semaphore(%arg33 : memref<!tpu.dma_semaphore, #tpu.memory_space<semaphore_mem>>)
      %add3A_690 = arith.constant 14 : i32
      %add3A_691 = arith.addi %mul3A_23, %add3A_690 : i32
      %mul3A_692 = arith.constant 16 : i32
      %mul3A_693 = arith.muli %add3A_691, %mul3A_692 : i32
      %slice3A_694 = vector.extract_strided_slice %get3A_522 {offsets = [14], sizes = [1], strides = [1]} : vector<16xi32> to vector<1xi32>
      %squeeze3A_695 = vector.extract %slice3A_694[0] : i32 from vector<1xi32>
      %mul3A_696 = arith.constant 16 : i32
      %mul3A_697 = arith.muli %squeeze3A_695, %mul3A_696 : i32
      %dma_start3A_698 = tpu.memref_slice %arg16[%mul3A_693] : memref<8192xf32, #tpu.memory_space<vmem>> -> memref<16xf32, #tpu.memory_space<vmem>>
      %dma_start3A_699 = tpu.memref_slice %arg9[%mul3A_697] : memref<262144xf32, #tpu.memory_space<hbm>> -> memref<16xf32, #tpu.memory_space<hbm>>
      %dma_start3A_700 = tpu.memref_slice %arg9[%mul3A_697] : memref<262144xf32, #tpu.memory_space<hbm>> -> memref<16xf32, #tpu.memory_space<hbm>>
      %dma_start3A_701 = tpu.memref_slice %arg16[%mul3A_693] : memref<8192xf32, #tpu.memory_space<vmem>> -> memref<16xf32, #tpu.memory_space<vmem>>
      tpu.enqueue_dma source(%dma_start3A_701 : memref<16xf32, #tpu.memory_space<vmem>>) target(%dma_start3A_700 : memref<16xf32, #tpu.memory_space<hbm>>) target_semaphore(%arg33 : memref<!tpu.dma_semaphore, #tpu.memory_space<semaphore_mem>>)
      %add3A_702 = arith.constant 15 : i32
      %add3A_703 = arith.addi %mul3A_23, %add3A_702 : i32
      %mul3A_704 = arith.constant 16 : i32
      %mul3A_705 = arith.muli %add3A_703, %mul3A_704 : i32
      %slice3A_706 = vector.extract_strided_slice %get3A_522 {offsets = [15], sizes = [1], strides = [1]} : vector<16xi32> to vector<1xi32>
      %squeeze3A_707 = vector.extract %slice3A_706[0] : i32 from vector<1xi32>
      %mul3A_708 = arith.constant 16 : i32
      %mul3A_709 = arith.muli %squeeze3A_707, %mul3A_708 : i32
      %dma_start3A_710 = tpu.memref_slice %arg16[%mul3A_705] : memref<8192xf32, #tpu.memory_space<vmem>> -> memref<16xf32, #tpu.memory_space<vmem>>
      %dma_start3A_711 = tpu.memref_slice %arg9[%mul3A_709] : memref<262144xf32, #tpu.memory_space<hbm>> -> memref<16xf32, #tpu.memory_space<hbm>>
      %dma_start3A_712 = tpu.memref_slice %arg9[%mul3A_709] : memref<262144xf32, #tpu.memory_space<hbm>> -> memref<16xf32, #tpu.memory_space<hbm>>
      %dma_start3A_713 = tpu.memref_slice %arg16[%mul3A_705] : memref<8192xf32, #tpu.memory_space<vmem>> -> memref<16xf32, #tpu.memory_space<vmem>>
      tpu.enqueue_dma source(%dma_start3A_713 : memref<16xf32, #tpu.memory_space<vmem>>) target(%dma_start3A_712 : memref<16xf32, #tpu.memory_space<hbm>>) target_semaphore(%arg33 : memref<!tpu.dma_semaphore, #tpu.memory_space<semaphore_mem>>)
    }
    %scan3A_16 = arith.constant 32 : i32
    %dma_wait3A_17 = arith.constant 0 : i32
    %dma_wait3A_18 = tpu.memref_slice %arg9[%dma_wait3A_17] : memref<262144xf32, #tpu.memory_space<hbm>> -> memref<8192xf32, #tpu.memory_space<hbm>>
    %dma_wait3A_19 = arith.constant 0 : i32
    %dma_wait3A_20 = tpu.memref_slice %arg9[%dma_wait3A_19] : memref<262144xf32, #tpu.memory_space<hbm>> -> memref<8192xf32, #tpu.memory_space<hbm>>
    tpu.wait_dma2 semaphore(%arg33 : memref<!tpu.dma_semaphore, #tpu.memory_space<semaphore_mem>>) src(%arg16 : memref<8192xf32, #tpu.memory_space<vmem>>) dst(%dma_wait3A_20 : memref<8192xf32, #tpu.memory_space<hbm>>)
    return
  }
}

module attributes {stable_mosaic.version = 14 : i64} {
  func.func @_mlp_body(%arg0: i32, %arg1: memref<2048x128xf32, #tpu.memory_space<vmem>>, %arg2: memref<2048x128xf32, #tpu.memory_space<vmem>>, %arg3: memref<128x128xf32, #tpu.memory_space<vmem>>, %arg4: memref<128x128xf32, #tpu.memory_space<vmem>>, %arg5: memref<1x128xf32, #tpu.memory_space<vmem>>, %arg6: memref<128x64xf32, #tpu.memory_space<vmem>>, %arg7: memref<1x64xf32, #tpu.memory_space<vmem>>, %arg8: memref<64x8xf32, #tpu.memory_space<vmem>>, %arg9: memref<1x8xf32, #tpu.memory_space<vmem>>, %arg10: memref<2048x8xf32, #tpu.memory_space<vmem>>) attributes {dimension_semantics = [#tpu.dimension_semantics<arbitrary>], iteration_bounds = array<i64: 1>, scalar_prefetch = 0 : i64, scratch_operands = 0 : i64, tpu.core_type = #tpu.core_type<tc>, window_params = [{transform_indices = @transform_0, window_bounds = array<i64: 2048, 128>}, {transform_indices = @transform_1, window_bounds = array<i64: 2048, 128>}, {pipeline_mode = #tpu.pipeline_mode<synchronous>, transform_indices = @transform_2, window_bounds = array<i64: 128, 128>}, {pipeline_mode = #tpu.pipeline_mode<synchronous>, transform_indices = @transform_3, window_bounds = array<i64: 128, 128>}, {pipeline_mode = #tpu.pipeline_mode<synchronous>, transform_indices = @transform_4, window_bounds = array<i64: 1, 128>}, {pipeline_mode = #tpu.pipeline_mode<synchronous>, transform_indices = @transform_5, window_bounds = array<i64: 128, 64>}, {pipeline_mode = #tpu.pipeline_mode<synchronous>, transform_indices = @transform_6, window_bounds = array<i64: 1, 64>}, {pipeline_mode = #tpu.pipeline_mode<synchronous>, transform_indices = @transform_7, window_bounds = array<i64: 64, 8>}, {pipeline_mode = #tpu.pipeline_mode<synchronous>, transform_indices = @transform_8, window_bounds = array<i64: 1, 8>}, {transform_indices = @transform_9, window_bounds = array<i64: 2048, 8>}]} {
    %get3A = arith.constant 0 : index
    %get3A_0 = arith.constant 0 : index
    %get3A_1 = vector.load %arg1[%get3A, %get3A_0] : memref<2048x128xf32, #tpu.memory_space<vmem>>, vector<2048x128xf32>
    %get3A_2 = arith.constant 0 : index
    %get3A_3 = arith.constant 0 : index
    %get3A_4 = vector.load %arg3[%get3A_2, %get3A_3] : memref<128x128xf32, #tpu.memory_space<vmem>>, vector<128x128xf32>
    %dot_general3A = arith.constant dense<0.000000e+00> : vector<2048x128xf32>
    %dot_general3A_5 = tpu.matmul %get3A_1, %get3A_4, %dot_general3A {dimension_numbers = #tpu.dot_dimension_numbers<[1], [0], [0], [1], [0, 0, 1, 1], [], []>, transpose_lhs_hint = false} : vector<2048x128xf32>, vector<128x128xf32>, vector<2048x128xf32> -> vector<2048x128xf32>
    %get3A_6 = arith.constant 0 : index
    %get3A_7 = arith.constant 0 : index
    %get3A_8 = vector.load %arg2[%get3A_6, %get3A_7] : memref<2048x128xf32, #tpu.memory_space<vmem>>, vector<2048x128xf32>
    %get3A_9 = arith.constant 0 : index
    %get3A_10 = arith.constant 0 : index
    %get3A_11 = vector.load %arg4[%get3A_9, %get3A_10] : memref<128x128xf32, #tpu.memory_space<vmem>>, vector<128x128xf32>
    %dot_general3A_12 = arith.constant dense<0.000000e+00> : vector<2048x128xf32>
    %dot_general3A_13 = tpu.matmul %get3A_8, %get3A_11, %dot_general3A_12 {dimension_numbers = #tpu.dot_dimension_numbers<[1], [0], [0], [1], [0, 0, 1, 1], [], []>, transpose_lhs_hint = false} : vector<2048x128xf32>, vector<128x128xf32>, vector<2048x128xf32> -> vector<2048x128xf32>
    %add3A = arith.addf %dot_general3A_5, %dot_general3A_13 : vector<2048x128xf32>
    %get3A_14 = arith.constant 0 : index
    %get3A_15 = arith.constant 0 : index
    %get3A_16 = vector.load %arg5[%get3A_14, %get3A_15] : memref<1x128xf32, #tpu.memory_space<vmem>>, vector<1x128xf32>
    %add3A_17 = vector.broadcast %get3A_16 : vector<1x128xf32> to vector<2048x128xf32>
    %add3A_18 = arith.addf %add3A, %add3A_17 : vector<2048x128xf32>
    %max3A = arith.constant 0.000000e+00 : f32
    %max3A_19 = vector.broadcast %max3A : f32 to vector<2048x128xf32>
    %max3A_20 = arith.maximumf %add3A_18, %max3A_19 : vector<2048x128xf32>
    %get3A_21 = arith.constant 0 : index
    %get3A_22 = arith.constant 0 : index
    %get3A_23 = vector.load %arg6[%get3A_21, %get3A_22] : memref<128x64xf32, #tpu.memory_space<vmem>>, vector<128x64xf32>
    %dot_general3A_24 = arith.constant dense<0.000000e+00> : vector<2048x64xf32>
    %dot_general3A_25 = tpu.matmul %max3A_20, %get3A_23, %dot_general3A_24 {dimension_numbers = #tpu.dot_dimension_numbers<[1], [0], [0], [1], [0, 0, 1, 1], [], []>, transpose_lhs_hint = false} : vector<2048x128xf32>, vector<128x64xf32>, vector<2048x64xf32> -> vector<2048x64xf32>
    %get3A_26 = arith.constant 0 : index
    %get3A_27 = arith.constant 0 : index
    %get3A_28 = vector.load %arg7[%get3A_26, %get3A_27] : memref<1x64xf32, #tpu.memory_space<vmem>>, vector<1x64xf32>
    %add3A_29 = vector.broadcast %get3A_28 : vector<1x64xf32> to vector<2048x64xf32>
    %add3A_30 = arith.addf %dot_general3A_25, %add3A_29 : vector<2048x64xf32>
    %max3A_31 = arith.constant 0.000000e+00 : f32
    %max3A_32 = vector.broadcast %max3A_31 : f32 to vector<2048x64xf32>
    %max3A_33 = arith.maximumf %add3A_30, %max3A_32 : vector<2048x64xf32>
    %get3A_34 = arith.constant 0 : index
    %get3A_35 = arith.constant 0 : index
    %get3A_36 = vector.load %arg8[%get3A_34, %get3A_35] : memref<64x8xf32, #tpu.memory_space<vmem>>, vector<64x8xf32>
    %dot_general3A_37 = arith.constant dense<0.000000e+00> : vector<2048x8xf32>
    %dot_general3A_38 = tpu.matmul %max3A_33, %get3A_36, %dot_general3A_37 {dimension_numbers = #tpu.dot_dimension_numbers<[1], [0], [0], [1], [0, 0, 1, 1], [], []>, transpose_lhs_hint = false} : vector<2048x64xf32>, vector<64x8xf32>, vector<2048x8xf32> -> vector<2048x8xf32>
    %get3A_39 = arith.constant 0 : index
    %get3A_40 = arith.constant 0 : index
    %get3A_41 = vector.load %arg9[%get3A_39, %get3A_40] : memref<1x8xf32, #tpu.memory_space<vmem>>, vector<1x8xf32>
    %add3A_42 = vector.broadcast %get3A_41 : vector<1x8xf32> to vector<2048x8xf32>
    %add3A_43 = arith.addf %dot_general3A_38, %add3A_42 : vector<2048x8xf32>
    %swap3A = arith.constant 0 : index
    %swap3A_44 = arith.constant 0 : index
    %swap3A_45 = vector.load %arg10[%swap3A, %swap3A_44] : memref<2048x8xf32, #tpu.memory_space<vmem>>, vector<2048x8xf32>
    tpu.vector_store %arg10[%swap3A, %swap3A_44], %add3A_43 {strides = array<i32>} : memref<2048x8xf32, #tpu.memory_space<vmem>>, vector<2048x8xf32>,
    return
  }
  func.func @transform_0(%arg0: i32) -> (i32, i32) {
    %c0_i32 = arith.constant 0 : i32
    %c0_i32_0 = arith.constant 0 : i32
    return %arg0, %c0_i32 : i32, i32
  }
  func.func @transform_1(%arg0: i32) -> (i32, i32) {
    %c0_i32 = arith.constant 0 : i32
    %c0_i32_0 = arith.constant 0 : i32
    return %arg0, %c0_i32 : i32, i32
  }
  func.func @transform_2(%arg0: i32) -> (i32, i32) {
    %c0_i32 = arith.constant 0 : i32
    %c0_i32_0 = arith.constant 0 : i32
    %c0_i32_1 = arith.constant 0 : i32
    return %c0_i32, %c0_i32_0 : i32, i32
  }
  func.func @transform_3(%arg0: i32) -> (i32, i32) {
    %c0_i32 = arith.constant 0 : i32
    %c0_i32_0 = arith.constant 0 : i32
    %c0_i32_1 = arith.constant 0 : i32
    return %c0_i32, %c0_i32_0 : i32, i32
  }
  func.func @transform_4(%arg0: i32) -> (i32, i32) {
    %c0_i32 = arith.constant 0 : i32
    %c0_i32_0 = arith.constant 0 : i32
    %c0_i32_1 = arith.constant 0 : i32
    return %c0_i32, %c0_i32_0 : i32, i32
  }
  func.func @transform_5(%arg0: i32) -> (i32, i32) {
    %c0_i32 = arith.constant 0 : i32
    %c0_i32_0 = arith.constant 0 : i32
    %c0_i32_1 = arith.constant 0 : i32
    return %c0_i32, %c0_i32_0 : i32, i32
  }
  func.func @transform_6(%arg0: i32) -> (i32, i32) {
    %c0_i32 = arith.constant 0 : i32
    %c0_i32_0 = arith.constant 0 : i32
    %c0_i32_1 = arith.constant 0 : i32
    return %c0_i32, %c0_i32_0 : i32, i32
  }
  func.func @transform_7(%arg0: i32) -> (i32, i32) {
    %c0_i32 = arith.constant 0 : i32
    %c0_i32_0 = arith.constant 0 : i32
    %c0_i32_1 = arith.constant 0 : i32
    return %c0_i32, %c0_i32_0 : i32, i32
  }
  func.func @transform_8(%arg0: i32) -> (i32, i32) {
    %c0_i32 = arith.constant 0 : i32
    %c0_i32_0 = arith.constant 0 : i32
    %c0_i32_1 = arith.constant 0 : i32
    return %c0_i32, %c0_i32_0 : i32, i32
  }
  func.func @transform_9(%arg0: i32) -> (i32, i32) {
    %c0_i32 = arith.constant 0 : i32
    %c0_i32_0 = arith.constant 0 : i32
    return %arg0, %c0_i32 : i32, i32
  }
}

</mosaic_0001>

<sc_bundles>
// kernel: kernel.4.cloned.1.call-start
scs
__scs_entry_jumppad:
0x0: {  	(pc) =	sbr.rel $0x88, $3  }
0x1: {  	(tag) =	ssettag $0x0;
	lr =	simm.s32 $0x1  }
0x2: {  	[smem:$0x3F97] =	sst lr;
	_ =	strace $0xD0000000  }
0x3: {  	_ = 	snop  }
0x4: {  	_ = 	snop  }
0x5: {  	_ = 	snop  }
0x6: {  	_ = 	snop  }
0x7: {  	_ = 	snop  }
__scs_overlays_trampoline_lowered:
0x8: {  	[smem:$0x3FA6] =	sst s0  }
0x9: {  	[smem:$0x3FA7] =	sst s1  }
0xa: {  	[smem:$0x3FA8] =	sst s2  }
0xb: {  	[smem:$0x3FA9] =	sst s3  }
0xc: {  	[smem:$0x3FAA] =	sst s4  }
0xd: {  	[smem:$0x3FAB] =	sst s5  }
0xe: {  	[smem:$0x3FAC] =	sst s6  }
0xf: {  	[smem:$0x3FAD] =	sst s7  }
0x10: {  	[smem:$0x3FAE] =	sst s8  }
0x11: {  	[smem:$0x3FAF] =	sst s9;
	s0 =	simm.s32 @!p0 $0x0  }
0x12: {  	s1 =	sld [smem:$0x3F95];
	s0 =	simm.s32 @p0 $0x1  }
0x13: {  	[smem:$0x3FB0] =	sst s0;
	s0 =	simm.s32 @!p1 $0x0  }
0x14: {  	s2 =	sld [smem:$0x3F94];
	s0 =	simm.s32 @p1 $0x1  }
0x15: {  	[smem:$0x3FB1] =	sst s0;
	s0 =	simm.s32 @!p2 $0x0  }
0x16: {  	s3 =	sld [smem:$0x3FDB];
	s0 =	simm.s32 @p2 $0x1  }
0x17: {  	s4 =	simm.s32 $0x1BF5;
	[smem:$0x3FB3] =	sst s0  }
0x18: {  	s0 =	sld [smem:$0x3F96];
	_ =	swait.ge [sflag:s4], $0x0  }
0x19: {  	s7 =	sld [smem:$0x3F97]  }
0x1a: {  	s8 =	sadd.s32 $0xFFFFE003, lr  }
0x1b: {  	s9 =	sadd.s32 $0xFFFFFEF7, lr;
	s5 =	simm.s32 $0xFFFFFFFF;
	p2 =	slt.u32 s8, $0xFFFFF086  }
0x1c: {  	p1 =	slt.u32 s9, $0xF7A;
	s5 =	simm.s32 @!p2 $0x0  }
0x1d: {  	s5 =	simm.s32 @p1 $0x1;
	p0 =	seq.s32 s7, s2  }
0x1e: {  	s7 =	smul.u32 @!p0 $0xF7A, s2;
	p2 =	seq.s32 @!p0 s5, $0x0  }
0x1f: {  	s9 =	smul.u32 $0xF7A, s1;
	s8 =	simm.s32 @!p0 $0x1BF5;
	p2 =	por !p2, p0  }
0x20: {  	[sflag:s8] =	ssyncset.s32 @!p0 $0xFFFFF086;
	s6 =	sadd.s32 @!p0 s3, s7;
	s7 =	simm.s32 @!p0 $0x108  }
0x21: {  	s3 =	sadd.s32 s3, s9;
	s6 =	sadd.s32 @!p0 $0x88, s6;
	s7 =	simm.s32 @p2 $0x1082  }
0x22: {  	[simem:s7], [sflag:s8] =	dma.local @!p0 [hbm:s6], $0xF7A  }
0x23: {  	s9 =	sor.u32 $0xD0000000, s2;
	s6 =	simm.s32 $0x108;
	_ =	swait.ge @!p0 [sflag:s8], $0x0  }
0x24: {  	s3 =	sadd.s32 $0x88, s3;
	s6 =	simm.s32 @!p1 $0x1082;
	[sflag:s4] =	ssyncset.s32 $0xFFFFF086  }
0x25: {  	[simem:s6], [sflag:s4] =	dma.local [hbm:s3], $0xF7A  }
0x26: {  	[smem:$0x3F97] =	sst s1;
	(tag) =	ssettag s2;
	_ =	strace s9  }
0x27: {  	s1 =	sld [smem:$0x3FA7]  }
0x28: {  	s2 =	sld [smem:$0x3FA8]  }
0x29: {  	s4 =	sld [smem:$0x3FAA]  }
0x2a: {  	p0 =	seq.s32 s5, $0x0;
	s5 =	sld [smem:$0x3FAB]  }
0x2b: {  	s6 =	sld [smem:$0x3FAC]  }
0x2c: {  	s7 =	sld [smem:$0x3FAD]  }
0x2d: {  	s3 =	simm.s32 $0x108;
	s8 =	sld [smem:$0x3FAE]  }
0x2e: {  	s3 =	simm.s32 @!p0 $0x1082;
	s9 =	sld [smem:$0x3FAF]  }
0x2f: {  	lr =	sadd.s32 s0, s3;
	s0 =	sld [smem:$0x3FA6]  }
0x30: {  	s3 =	sld [smem:$0x3FA9]  }
0x31: {  	[smem:$0x3FB2] =	sst s10  }
0x32: {  	s10 =	sld [smem:$0x3FB0];
	_ =	sdelay $0x3  }
0x33: {  	p0 =	seq.s32 s10, $0x1;
	s10 =	sld [smem:$0x3FB2];
	_ =	sdelay $0x3  }
0x34: {  	[smem:$0x3FB2] =	sst s10  }
0x35: {  	s10 =	sld [smem:$0x3FB1];
	_ =	sdelay $0x3  }
0x36: {  	p1 =	seq.s32 s10, $0x1;
	s10 =	sld [smem:$0x3FB2];
	_ =	sdelay $0x3  }
0x37: {  	[smem:$0x3FB2] =	sst s10  }
0x38: {  	s10 =	sld [smem:$0x3FB3]  }
0x39: {  	_ = 	snop;
	(pc) =	sbr.ind lr, $3  }
0x3a: {  	_ = 	snop  }
0x3b: {  	_ = 	snop  }
0x3c: {  	p2 =	seq.s32 s10, $0x1;
	s10 =	sld [smem:$0x3FB2]  }
0x3d: {  	_ =	shalt  }
0x3e: {  	_ =	shalt  }
0x3f: {  	_ =	shalt  }
0x40: {  	_ =	shalt  }
0x41: {  	_ =	shalt  }
0x42: {  	_ =	shalt  }
0x43: {  	_ =	shalt  }
0x44: {  	_ =	shalt  }
0x45: {  	_ =	shalt  }
0x46: {  	_ =	shalt  }
0x47: {  	_ =	shalt  }
0x48: {  	_ =	shalt  }
0x49: {  	_ =	shalt  }
0x4a: {  	_ =	shalt  }
0x4b: {  	_ =	shalt  }
0x4c: {  	_ =	shalt  }
0x4d: {  	_ =	shalt  }
0x4e: {  	_ =	shalt  }
0x4f: {  	_ =	shalt  }
0x50: {  	_ =	shalt  }
0x51: {  	_ =	shalt  }
0x52: {  	_ =	shalt  }
0x53: {  	_ =	shalt  }
0x54: {  	_ =	shalt  }
0x55: {  	_ =	shalt  }
0x56: {  	_ =	shalt  }
0x57: {  	_ =	shalt  }
0x58: {  	_ =	shalt  }
0x59: {  	_ =	shalt  }
0x5a: {  	_ =	shalt  }
0x5b: {  	_ =	shalt  }
0x5c: {  	_ =	shalt  }
0x5d: {  	_ =	shalt  }
0x5e: {  	_ =	shalt  }
0x5f: {  	_ =	shalt  }
0x60: {  	_ =	shalt  }
0x61: {  	_ =	shalt  }
0x62: {  	_ =	shalt  }
0x63: {  	_ =	shalt  }
0x64: {  	_ =	shalt  }
0x65: {  	_ =	shalt  }
0x66: {  	_ =	shalt  }
0x67: {  	_ =	shalt  }
0x68: {  	_ =	shalt  }
0x69: {  	_ =	shalt  }
0x6a: {  	_ =	shalt  }
0x6b: {  	_ =	shalt  }
0x6c: {  	_ =	shalt  }
0x6d: {  	_ =	shalt  }
0x6e: {  	_ =	shalt  }
0x6f: {  	_ =	shalt  }
0x70: {  	_ =	shalt  }
0x71: {  	_ =	shalt  }
0x72: {  	_ =	shalt  }
0x73: {  	_ =	shalt  }
0x74: {  	_ =	shalt  }
0x75: {  	_ =	shalt  }
0x76: {  	_ =	shalt  }
0x77: {  	_ =	shalt  }
0x78: {  	_ =	shalt  }
0x79: {  	_ =	shalt  }
0x7a: {  	_ =	shalt  }
0x7b: {  	_ =	shalt  }
0x7c: {  	_ =	shalt  }
0x7d: {  	_ =	shalt  }
0x7e: {  	_ =	shalt  }
0x7f: {  	_ =	shalt  }
0x80: {  	_ =	shalt  }
0x81: {  	_ =	shalt  }
0x82: {  	_ =	shalt  }
0x83: {  	_ =	shalt  }
0x84: {  	_ =	shalt  }
0x85: {  	_ =	shalt  }
0x86: {  	_ =	shalt  }
0x87: {  	_ =	shalt  }
.Lfunc_end0:
.L_simem_size_0:
called_computation_lowered:
.L_overlay_start_0:
0x88: {  	s2 =	sld [smem:$0x3FD9]  }
0x89: {  	s3 =	sld [smem:$0x3FFE];
	_ =	sdelay $0x1  }
0x8a: {  	s1 =	srdreg.scid  }
0x8b: {  	s0 =	sand.u32 $0x1, s1  }
0x8c: {  	s17 =	sshll.u32 s0, $0xA;
	s2 =	sadd.s32 s3, s2  }
0x8d: {  	s2 =	sadd.s32 s2, s17  }
0x8e: {  	[smem:$0x3FBE] =	sst s2  }
0x8f: {  	_ = 	snop  }
0x90: {  	s2 =	sld [smem:$0x3FC7]  }
0x91: {  	s18 =	sld [smem:$0x3FC6]  }
0x92: {  	s4 =	sld [smem:$0x3FD0];
	(tm) =	ssettm $0x1  }
0x93: {  	s5 =	sld [smem:$0x3FFB];
	_ =	sdelay $0x3  }
0x94: {  	_ =	strace s5  }
0x95: {  	s5 =	sld [smem:$0x3FFC];
	_ =	sdelay $0x3  }
0x96: {  	_ =	strace s5  }
0x97: {  	s5 =	sld [smem:$0x3FFD];
	_ =	sdelay $0x3  }
0x98: {  	_ =	strace s5  }
0x99: {  	_ =	strace $0x8FFFFFFF  }
0x9a: {  	s19 =	sld [smem:$0x3FDB];
	_ =	sdelay $0x1  }
0x9b: {  	s6 =	simm.s32 $_scs_section_size  }
0x9c: {  	s7 =	simm.s32 $_size__tile_overlayer_lowered;
	s8 =	simm.s32 $_tile_overlayer_lowered  }
0x9d: {  	s22 =	simm.s32 $0x1BFF;
	s21 =	sshll.u32 s8, $0x1;
	s5 =	sadd.s32 s6, s19  }
0x9e: {  	s9 =	simm.s32 $0x0;
	s20 =	sshll.u32 s7, $0x1;
	s7 =	sadd.s32 s21, s5  }
0x9f: {  	[timem:s9], [sflag:s22] =	dma.local [hbm:s7], s20  }
0xa0: {  	_ =	swait.ge [sflag:s22], s20  }
0xa1: {  	s6 =	ssub.s32 $0x0, s20;
	[sflag:s22] =	ssyncset.done $0x0  }
0xa2: {  	[sflag:s22] =	ssyncadd.s32 s6;
	_ =	sdelay $0x1  }
0xa3: {  	s23 =	simm.s32 $0x1B8B  }
0xa4: {  	_ =	swait.ge [sflag:s23], $0x1  }
0xa5: {  	[sflag:s23] =	ssyncset.done $0x0  }
0xa6: {  	s25 =	simm.s32 $0x1B8E;
	s24 =	sld [smem:$0x3FFE];
	[sflag:s23] =	ssyncadd.s32 $0xFFFFFFFF  }
0xa7: {  	s26 =	simm.s32 $execute0_lowered;
	[smem:$0x3FD2] =	sst s25  }
0xa8: {  	s7 =	sshll.u32 s26, $0x1;
	_ =	strace $0x80000046;
	[dreg:$0x1] =	wrdreg $0xFFFFFFFF  }
0xa9: {  	s28 =	simm.s32 $_size_execute0_lowered;
	s5 =	sadd.s32 s5, s7;
	[dreg:$0x0] =	wrdreg $0x0  }
0xaa: {  	s7 =	sshll.u32 s28, $0x1;
	[dreg:$0x2] =	wrdreg s5  }
0xab: {  	[dreg:$0x3] =	wrdreg s7  }
0xac: {  	[dreg:$0x4] =	wrdreg $0xC0  }
0xad: {  	_ =	task [dreg:s9], $0x5FFFF  }
0xae: {  	[dreg:$0x1] =	wrdreg $0xFFFFFFFF  }
0xaf: {  	[dreg:$0x0] =	wrdreg $0x60  }
0xb0: {  	[dreg:$0x2] =	wrdreg s4  }
0xb1: {  	[dreg:$0x3] =	wrdreg s24  }
0xb2: {  	[dreg:$0x4] =	wrdreg s2  }
0xb3: {  	[dreg:$0x5] =	wrdreg s18  }
0xb4: {  	[dreg:$0x6] =	wrdreg $0x9  }
0xb5: {  	_ =	task.clear_ibuf [dreg:s9], $0x7FFFF;
	_ =	strace $0x90000046  }
0xb6: {  	s29 =	simm.s32 $0x9;
	_ =	strace $0x80000048  }
0xb7: {  	_ =	swait.ge [sflag:s29], $0x1  }
0xb8: {  	[sflag:s29] =	ssyncadd.s32 $0xFFFFFFFF  }
0xb9: {  	_ =	strace $0x90000048  }
0xba: {  	_ =	sfence  }
0xbb: {  	s30 =	sld [smem:$0x0];
	_ =	sdelay $0x2  }
0xbc: {  	s31 =	sshll.u32 s1, $0xD;
	s1 =	sshrl.u32 s1, $0x2  }
0xbd: {  	s3 =	sand.u32 $0x4000, s31;
	s1 =	sadd.s32 s1, s30  }
0xbe: {  	s0 =	sor.u32 s3, s0;
	s1 =	sshll.u32 s1, $0x11  }
0xbf: {  	s0 =	sor.u32 s1, s0  }
0xc0: {  	s0 =	sadd.s32 $0x8F2B, s0  }
0xc1: {  	[sflag:s0] =	ssyncadd.remote.s32 $0x1  }
0xc2: {  	_ =	sfence.sel $0xFFFF  }
0xc3: {  	[dreg:$0x0] =	wrdreg $0xFFFFFFFF;
	(pc) =	sbr.abs _section_cstart, $3  }
0xc4: {  	[dreg:$0x1] =	wrdreg $0xFFFFFFFF  }
0xc5: {  	_ =	task.clear_ibuf [dreg:s9], $0x2FFFF;
	_ =	strace $0x9FFFFFFF  }
0xc6: {  	(tm) =	ssettm $0x7FFFFFFF  }
0xc7: {  	_ =	shalt  }
tec
execute0_lowered:
.L_overlay_start_1:
0x0: {  	(tag) =	ssettag $0x1  }
0x1: {  	s0 =	rddreg [dreg:$0x0]  }
0x2: {  	s2 =	rddreg [dreg:$0x1]  }
0x3: {  	s18 =	rddreg [dreg:$0x2]  }
0x4: {  	s24 =	simm.s32 $0x0;
	s4 =	srdreg.scid;
	s1 =	stileid.u32  }
0x5: {  	s28 =	simm.s32 $0x400;
	s29 =	simm.s32 $0x7A1400;
	s26 =	simm.s32 $0x8800  }
0x6: {  	[smem:$0x7FF] =	sst s24;
	s4 =	sand.u32 $0x1, s4;
	s7 =	sshll.u32 s1, $0x7  }
0x7: {  	s17 =	sadd.s32 $0x9800, s2;
	s6 =	ssub.s32 $0x2, s4;
	s4 =	sshll.u32 s4, $0x6  }
0x8: {  	_ =	strace $0x80000047;
	[dreg:$0x10] =	wrdreg s26;
	s4 =	sor.u32 s4, s7  }
0x9: {  	s30 =	simm.s32 $0x800;
	[dreg:$0x11] =	wrdreg s17;
	s0 =	sadd.s32 s0, s4  }
0xa: {  	vm0 =	vmxor vm0, vm0;
	s31 =	simm.s32 $0x1;
	s22 =	sadd.s32 s2, s4;
	[dreg:$0x12] =	wrdreg s0  }
0xb: {  	vm1 =	vmmov $0x1;
	v0 =	vimm.s32 $0x0;
	v1 =	vlaneseq.u32;
	s8 =	sshrl.u32 s6, $0x1;
	s23 =	sadd.s32 $0x1000, s22;
	[dreg:$0x13] =	wrdreg s22  }
0xc: {  	v2 =	vor.u32 $0x80000000, v1;
	v3 =	vmul.u32 $0x80, v1;
	v4 =	vor.u32 $0x10, v1;
	s6 =	ssub.s32 s6, s8;
	s0 =	sadd.s32 $0x800, s22;
	[dreg:$0x14] =	wrdreg s23  }
0xd: {  	s3 =	simm.s32 $0x10800;
	v5 =	vor.u32 $0x20, v1;
	v6 =	vor.u32 $0x30, v1;
	v7 =	vor.u32 $0x40, v1;
	s25 =	smax.u32 s6, $0x1;
	[dreg:$0x15] =	wrdreg s0  }
0xe: {  	s21 =	sadd.s32 $0x1800, s2;
	v8 =	vor.u32 $0x50, v1;
	v9 =	vor.u32 $0x60, v1;
	v10 =	vor.u32 $0x70, v1;
	s1 =	simm.s32 $0x0;
	[dreg:$0x16] =	wrdreg s25  }
.LBB2_1:
0xf: {  	[dreg:$0x17] =	wrdreg s1  }
0x10: {  	s0 =	rddreg [dreg:$0x12];
	s11 =	simm.s32 $0x12  }
0x11: {  	[tilespmem:s24], [sflag:$0x12] =	stream.linear.gather [hbm4b:s0+s24], $0x200, $0x38;
	[tilespmem:$0x14800] =	vst v63  }
0x12: {  	_ =	swait.ge [sflag:s11], $0x200  }
0x13: {  	[sflag:s11] =	ssyncset.done $0x0  }
0x14: {  	s22 =	simm.s32 $0x200;
	s12 =	rddreg [dreg:$0x14];
	[sflag:s11] =	ssyncadd.s32 $0xFFFFFE00  }
0x15: {  	[tilespmem:s22], [sflag:$0x12] =	stream.linear.gather [hbm4b:s12+s24], $0x200, $0x38;
	[tilespmem:$0x14800] =	vst v63  }
0x16: {  	_ =	swait.ge [sflag:s11], $0x200  }
0x17: {  	[sflag:s11] =	ssyncset.done $0x0  }
0x18: {  	s13 =	rddreg [dreg:$0x13];
	[sflag:s11] =	ssyncadd.s32 $0xFFFFFE00  }
0x19: {  	[tilespmem:s28], [sflag:$0x12] =	stream.linear.gather [hbm4b:s13+s24], $0x200, $0x38;
	[tilespmem:$0x14800] =	vst v63  }
0x1a: {  	_ =	swait.ge [sflag:s11], $0x200  }
0x1b: {  	[sflag:s11] =	ssyncset.done $0x0  }
0x1c: {  	s2 =	simm.s32 $0x600;
	s14 =	rddreg [dreg:$0x15];
	[sflag:s11] =	ssyncadd.s32 $0xFFFFFE00  }
0x1d: {  	[tilespmem:s2], [sflag:$0x12] =	stream.linear.gather [hbm4b:s14+s24], $0x200, $0x38;
	[tilespmem:$0x14800] =	vst v63  }
0x1e: {  	_ =	swait.ge [sflag:s11], $0x200  }
0x1f: {  	[sflag:s11] =	ssyncset.done $0x0  }
0x20: {  	[sflag:s11] =	ssyncadd.s32 $0xFFFFFE00  }
0x21: {  	s15 =	smax.u32 s24, $0x1;
	v11 =	vld [tilespmem:s24+$0x0]  }
0x22: {  	v12 =	vld [tilespmem:s15+$0xFFFFFFFF];
	_ =	sdelay $0x4  }
0x23: {  	p0 =	por $0x1, $0x1;
	vm2 =	vmmov vm0;
	v12 =	vxor.u32 v11, v12  }
0x24: {  	vm2 =	vmneg @p0 vm2;
	vm3 =	vgt.u32 v12, $0x7F  }
0x25: {  	vm2 =	vmor vm3, vm2  }
0x26: {  	v12 =	vand.u32 $0xFFFFFF80, v11;
	vm2 =	vmor vm2, vm1  }
0x27: {  	(v2sf) =	vpush v12, $0x0;
	v13 =	vsel vm2, $0x1, v0  }
0x28: {  	(v2sf) =	vpush v13, $0x6  }
0x29: {  	(v2sf) =	vpush v13, $0x5  }
0x2a: {  	(v2sf) =	vpush v13, $0x4  }
0x2b: {  	(v2sf) =	vpush v13, $0x3  }
0x2c: {  	(v2sf) =	vpush v13, $0x2  }
0x2d: {  	(v2sf) =	vpush v13, $0x1;
	_ =	sdelay $0x4  }
0x2e: {  	(v2sf) =	vpush v13, $0xC;
	_ =	sdelay $0x2  }
0x2f: {  	(v2sf) =	vpush v13, $0x8  }
0x30: {  	(v2sf) =	vpush v13, $0x9;
	s16 =	spop (v2sf)  }
0x31: {  	(v2sf) =	vpush v13, $0xA;
	s4 =	spop (v2sf)  }
0x32: {  	(v2sf) =	vpush v13, $0xB;
	s6 =	spop (v2sf)  }
0x33: {  	(v2sf) =	vpush v13, $0x7;
	s17 =	spop (v2sf)  }
0x34: {  	(v2sf) =	vpush v13, $0xD;
	s7 =	spop (v2sf)  }
0x35: {  	(v2sf) =	vpush v13, $0xE;
	s8 =	spop (v2sf)  }
0x36: {  	(v2sf) =	vpush v13, $0xF;
	p4 =	seq.s32 s7, $0x0;
	s19 =	spop (v2sf)  }
0x37: {  	(v2sf) =	vpush @!p4 v12, $0x3;
	p6 =	seq.s32 s19, $0x0  }
0x38: {  	s0 =	sadd.s32 s18, s16;
	p3 =	seq.s32 s17, $0x0;
	(v2sf) =	vpush @!p6 v12, $0x1  }
0x39: {  	[tilespmem:s30], [sflag:$0x1] =	stream.strided.gather [hbm4b:s0+s28], $0x800, s29, s28, $0x38;
	(v2sf) =	vpush @!p3 v12, $0x4;
	[tilespmem:$0x14800] =	vst v63  }
0x3a: {  	p1 =	seq.s32 s8, $0x0  }
0x3b: {  	s20 =	spop (v2sf);
	(v2sf) =	vpush @!p1 v12, $0x2  }
0x3c: {  	s5 =	simm.s32 $0x0;
	s1 =	simm.s32 @!p4 $0x0  }
0x3d: {  	p0 =	seq.s32 s4, $0x0;
	p2 =	seq.s32 s6, $0x0;
	s1 =	simm.s32 @p4 $0x1  }
0x3e: {  	[smem:$0x7F5] =	sst s1;
	s1 =	simm.s32 @!p3 $0x0;
	s23 =	spop (v2sf)  }
0x3f: {  	s0 =	simm.s32 @!p4 $0x7A1400;
	s1 =	simm.s32 @p3 $0x1;
	s25 =	spop (v2sf)  }
0x40: {  	[smem:$0x7F6] =	sst s1;
	s1 =	simm.s32 @!p1 $0x0;
	s9 =	spop (v2sf)  }
0x41: {  	s17 =	simm.s32 @!p6 $0x7A1400;
	s1 =	simm.s32 @p1 $0x1;
	s10 =	spop (v2sf)  }
0x42: {  	[smem:$0x7F4] =	sst s1;
	s1 =	simm.s32 @!p0 $0x0;
	s11 =	spop (v2sf)  }
0x43: {  	s19 =	simm.s32 @!p6 $0x400;
	(v2sf) =	vpush @!p2 v12, $0x5;
	s1 =	simm.s32 @p0 $0x1;
	s12 =	spop (v2sf)  }
0x44: {  	[smem:$0x7F8] =	sst s1;
	(v2sf) =	vpush @!p0 v12, $0x6;
	p0 =	seq.s32 s25, $0x0;
	s26 =	spop (v2sf)  }
0x45: {  	s1 =	simm.s32 @!p0 $0x0;
	p5 =	seq.s32 s11, $0x0;
	s13 =	spop (v2sf)  }
0x46: {  	s11 =	simm.s32 @!p4 $0x400;
	s1 =	simm.s32 @p0 $0x1;
	s6 =	spop @!p4 (v2sf)  }
0x47: {  	[smem:$0x7FB] =	sst s1;
	s6 =	sadd.s32 @!p4 s18, s6;
	s14 =	spop @!p6 (v2sf)  }
0x48: {  	s4 =	sadd.s32 @!p6 s18, s14;
	s14 =	simm.s32 @!p6 $0x1000;
	s15 =	spop @!p3 (v2sf)  }
0x49: {  	[tilespmem:s14], [sflag:$0x2] =	stream.strided.gather @!p6 [hbm4b:s4+s19], $0x800, s17, s19, $0x38;
	[tilespmem:$0x14800] =	vst v63  }
0x4a: {  	s4 =	simm.s32 @!p1 $0x1800;
	s14 =	spop @!p1 (v2sf);
	s17 =	simm.s32 @!p1 $0x7A1400  }
0x4b: {  	s19 =	simm.s32 @!p1 $0x400;
	s8 =	sadd.s32 @!p3 s18, s15;
	s14 =	sadd.s32 @!p1 s18, s14  }
0x4c: {  	[tilespmem:s4], [sflag:$0x3] =	stream.strided.gather @!p1 [hbm4b:s14+s19], $0x800, s17, s19, $0x38;
	[tilespmem:$0x14800] =	vst v63  }
0x4d: {  	(v2sf) =	vpush @!p5 v12, $0x7;
	p1 =	seq.s32 s23, $0x0;
	s4 =	simm.s32 @!p4 $0x2000;
	s14 =	sld [smem:$0x7FB]  }
0x4e: {  	(v2sf) =	vpush @!p1 v12, $0x8;
	[tilespmem:s4], [sflag:$0x4] =	stream.strided.gather @!p4 [hbm4b:s6+s11], $0x800, s0, s11, $0x38;
	[tilespmem:$0x14800] =	vst v63  }
0x4f: {  	(v2sf) =	vpush @!p0 v12, $0x9;
	s4 =	simm.s32 @!p3 $0x7A1400;
	s6 =	simm.s32 @!p3 $0x2800;
	p0 =	seq.s32 s9, $0x0  }
0x50: {  	s11 =	simm.s32 @!p3 $0x400;
	s9 =	simm.s32 @!p2 $0x3000;
	s1 =	simm.s32 @!p0 $0x0  }
0x51: {  	[tilespmem:s6], [sflag:$0x5] =	stream.strided.gather @!p3 [hbm4b:s8+s11], $0x800, s4, s11, $0x38;
	[tilespmem:$0x14800] =	vst v63  }
0x52: {  	p4 =	seq.s32 s20, $0x0;
	s1 =	simm.s32 @p0 $0x1;
	s4 =	simm.s32 @!p2 $0x400  }
0x53: {  	(v2sf) =	vpush @!p0 v12, $0xA;
	s6 =	simm.s32 @!p2 $0x7A1400;
	s8 =	spop @!p2 (v2sf);
	p0 =	seq.s32 s10, $0x0  }
0x54: {  	s11 =	sld [smem:$0x7F8];
	s10 =	simm.s32 @!p5 $0x7A1400;
	p3 =	seq.s32 s13, $0x0  }
0x55: {  	[smem:$0x7FC] =	sst s1;
	s1 =	simm.s32 @!p2 $0x0;
	s8 =	sadd.s32 @!p2 s18, s8  }
0x56: {  	[tilespmem:s9], [sflag:$0x6] =	stream.strided.gather @!p2 [hbm4b:s8+s4], $0x800, s6, s4, $0x38;
	[tilespmem:$0x14800] =	vst v63  }
0x57: {  	s1 =	simm.s32 @p2 $0x1;
	s9 =	simm.s32 @!p5 $0x4000;
	s15 =	sld [smem:$0x7FC]  }
0x58: {  	[smem:$0x7F7] =	sst s1;
	s1 =	simm.s32 @!p0 $0x0;
	p2 =	seq.s32 s11, $0x1  }
0x59: {  	s1 =	simm.s32 @p0 $0x1;
	s4 =	simm.s32 @!p2 $0x400;
	s6 =	simm.s32 @!p2 $0x7A1400  }
0x5a: {  	(v2sf) =	vpush @!p0 v12, $0xB;
	s7 =	simm.s32 @!p2 $0x3800;
	s8 =	spop @!p2 (v2sf);
	p0 =	seq.s32 s12, $0x0  }
0x5b: {  	[smem:$0x7FD] =	sst s1;
	s1 =	simm.s32 @!p0 $0x0;
	s8 =	sadd.s32 @!p2 s18, s8  }
0x5c: {  	(v2sf) =	vpush @!p4 v12, $0xC;
	[tilespmem:s7], [sflag:$0x7] =	stream.strided.gather @!p2 [hbm4b:s8+s4], $0x800, s6, s4, $0x38;
	[tilespmem:$0x14800] =	vst v63  }
0x5d: {  	(v2sf) =	vpush @!p0 v12, $0xD;
	s11 =	spop @!p5 (v2sf);
	s1 =	simm.s32 @p0 $0x1;
	p0 =	por p1, p1  }
0x5e: {  	s4 =	simm.s32 @!p1 $0x4800;
	s6 =	simm.s32 @!p1 $0x7A1400;
	s13 =	sld [smem:$0x7FD]  }
0x5f: {  	s7 =	simm.s32 @!p5 $0x400;
	[smem:$0x7F3] =	sst s1;
	s1 =	simm.s32 @!p1 $0x0  }
0x60: {  	s8 =	simm.s32 @!p4 $0x6800;
	s1 =	simm.s32 @p1 $0x1;
	s16 =	sld [smem:$0x7F3]  }
0x61: {  	s11 =	sadd.s32 @!p5 s18, s11;
	p1 =	por p5, p5;
	[smem:$0x7FA] =	sst s1  }
0x62: {  	[tilespmem:s9], [sflag:$0x8] =	stream.strided.gather @!p1 [hbm4b:s11+s7], $0x800, s10, s7, $0x38;
	[tilespmem:$0x14800] =	vst v63  }
0x63: {  	s1 =	simm.s32 @!p5 $0x0;
	p2 =	seq.s32 s13, $0x1;
	s7 =	simm.s32 @!p4 $0x7A1400  }
0x64: {  	(v2sf) =	vpush @!p3 v12, $0xF;
	p1 =	seq.s32 s14, $0x1;
	s11 =	simm.s32 @!p0 $0x400;
	s1 =	simm.s32 @p5 $0x1  }
0x65: {  	p5 =	seq.s32 s26, $0x0;
	s2 =	simm.s32 @!p2 $0x6000;
	s12 =	spop @!p0 (v2sf)  }
0x66: {  	[smem:$0x7F9] =	sst s1;
	(v2sf) =	vpush @!p5 v12, $0xE;
	s9 =	spop @!p1 (v2sf);
	s10 =	sadd.s32 @!p0 s18, s12  }
0x67: {  	[tilespmem:s4], [sflag:$0x9] =	stream.strided.gather @!p0 [hbm4b:s10+s11], $0x800, s6, s11, $0x38;
	[tilespmem:$0x14800] =	vst v63  }
0x68: {  	s12 =	simm.s32 @!p1 $0x7A1400;
	s9 =	sadd.s32 @!p1 s18, s9;
	p0 =	seq.s32 s15, $0x1  }
0x69: {  	s10 =	simm.s32 @!p1 $0x5000;
	s11 =	simm.s32 @!p1 $0x400;
	s6 =	spop @!p0 (v2sf)  }
0x6a: {  	[tilespmem:s10], [sflag:$0xA] =	stream.strided.gather @!p1 [hbm4b:s9+s11], $0x800, s12, s11, $0x38;
	[tilespmem:$0x14800] =	vst v63  }
0x6b: {  	v52 =	vnsel vm2, $0x80000000, v2;
	s4 =	simm.s32 @!p0 $0x5800;
	s6 =	sadd.s32 @!p0 s18, s6;
	s9 =	spop @!p2 (v2sf)  }
0x6c: {  	(xrf0) =	vmax.scan.msk.u32 $0xffff, v52;
	s10 =	simm.s32 @!p0 $0x400;
	s11 =	simm.s32 @!p0 $0x7A1400;
	p1 =	seq.s32 s16, $0x1  }
0x6d: {  	[tilespmem:s4], [sflag:$0xB] =	stream.strided.gather @!p0 [hbm4b:s6+s10], $0x800, s11, s10, $0x38;
	[tilespmem:$0x14800] =	vst v63  }
0x6e: {  	s12 =	simm.s32 @!p2 $0x7A1400;
	s6 =	sadd.s32 @!p2 s18, s9;
	s9 =	spop @!p4 (v2sf)  }
0x6f: {  	s4 =	simm.s32 @!p4 $0x400;
	s11 =	simm.s32 @!p2 $0x400;
	s10 =	spop @!p1 (v2sf)  }
0x70: {  	[tilespmem:s2], [sflag:$0xC] =	stream.strided.gather @!p2 [hbm4b:s6+s11], $0x800, s12, s11, $0x38;
	[tilespmem:$0x14800] =	vst v63  }
0x71: {  	s6 =	sadd.s32 @!p4 s18, s9;
	s9 =	sadd.s32 @!p1 s18, s10;
	s10 =	simm.s32 @!p1 $0x7000  }
0x72: {  	v12, _, _ =	vpop (xrf0);
	[tilespmem:s8], [sflag:$0xD] =	stream.strided.gather @!p4 [hbm4b:s6+s4], $0x800, s7, s4, $0x38;
	[tilespmem:$0x14800] =	vst v63  }
0x73: {  	v12 =	vxor.u32 $0x80000000, v12;
	s12 =	spop @!p3 (v2sf);
	s4 =	simm.s32 @!p1 $0x400;
	s6 =	simm.s32 @!p1 $0x7A1400  }
0x74: {  	v11 =	vand.u32 $0x7F, v11;
	v12 =	vshll.u32 v12, $0xB;
	[tilespmem:s10], [sflag:$0xE] =	stream.strided.gather @!p1 [hbm4b:s9+s4], $0x800, s6, s4, $0x38;
	[tilespmem:$0x14800] =	vst v63  }
0x75: {  	v11 =	vor.u32 v11, v12;
	s2 =	simm.s32 @!p3 $0x8000;
	s11 =	simm.s32 @!p5 $0x7800;
	s7 =	spop @!p5 (v2sf)  }
0x76: {  	v12 =	vbroadcast v11, $0x0;
	s6 =	simm.s32 @!p5 $0x400;
	s4 =	sadd.s32 @!p5 s18, s7;
	s7 =	simm.s32 @!p5 $0x7A1400  }
0x77: {  	[tilespmem:s11], [sflag:$0xF] =	stream.strided.gather @!p5 [hbm4b:s4+s6], $0x800, s7, s6, $0x38;
	[tilespmem:$0x14800] =	vst v63  }
0x78: {  	v53 =	vmov s5;
	v12 =	vor.u32 v3, v12;
	s0 =	sadd.s32 @!p3 s18, s12;
	s4 =	simm.s32 @!p3 $0x400;
	s6 =	simm.s32 @!p3 $0x7A1400  }
0x79: {  	v13 =	vshrl.u32 v53, $0x7;
	[tilespmem:s2], [sflag:$0x10] =	stream.strided.gather @!p3 [hbm4b:s0+s4], $0x800, s6, s4, $0x38;
	[tilespmem:$0x14800] =	vst v63  }
0x7a: {  	v13 =	vshll.u32 v13, $0x7;
	_ =	swait.ge [sflag:s31], $0x800  }
0x7b: {  	v13 =	vbroadcast v13, $0x0;
	[sflag:s31] =	ssyncset.done $0x0  }
0x7c: {  	[sflag:s31] =	ssyncadd.s32 $0xFFFFF800  }
0x7d: {  	v13 =	vor.u32 v1, v13;
	v12 =	vld.idx.msk [tilespmem:v12+s30+$0x0], $0xffff;
	_ =	sdelay $0x1  }
0x7e: {  	v14 =	vbroadcast v11, $0x1  }
0x7f: {  	s17 =	simm.s32 $0x10  }
0x80: {  	v15 =	vmov s17;
	v14 =	vor.u32 v3, v14  }
0x81: {  	v54 =	vshrl.u32 v15, $0x7;
	s0 =	simm.s32 @!p6 $0x2;
	[tilespmem:v13+s3+$0x0] =	vst.idx.msk $0xffff, v12  }
0x82: {  	v12 =	vshll.u32 v54, $0x7;
	_ =	swait.ge @!p6 [sflag:s0], $0x800  }
0x83: {  	v12 =	vbroadcast v12, $0x0;
	[sflag:s0] =	ssyncset.done @!p6 $0x0  }
0x84: {  	[sflag:s0] =	ssyncadd.s32 @!p6 $0xFFFFF800  }
0x85: {  	v12 =	vor.u32 v4, v12;
	v55 =	vld.idx.msk [tilespmem:v14+s30+$0x0], $0xffff  }
0x86: {  	s20 =	sld [smem:$0x7F4]  }
0x87: {  	v56 =	vbroadcast v11, $0x2  }
0x88: {  	s19 =	simm.s32 $0x20  }
0x89: {  	v57 =	vmov s19;
	v14 =	vor.u32 v3, v56;
	p0 =	seq.s32 s20, $0x1  }
0x8a: {  	v58 =	vshrl.u32 v57, $0x7;
	s0 =	simm.s32 @!p0 $0x3;
	[tilespmem:v12+s3+$0x0] =	vst.idx.msk $0xffff, v55  }
0x8b: {  	v12 =	vshll.u32 v58, $0x7;
	_ =	swait.ge @!p0 [sflag:s0], $0x800  }
0x8c: {  	v12 =	vbroadcast v12, $0x0;
	[sflag:s0] =	ssyncset.done @!p0 $0x0  }
0x8d: {  	[sflag:s0] =	ssyncadd.s32 @!p0 $0xFFFFF800  }
0x8e: {  	v12 =	vor.u32 v5, v12;
	v59 =	vld.idx.msk [tilespmem:v14+s30+$0x0], $0xffff  }
0x8f: {  	s25 =	sld [smem:$0x7F5]  }
0x90: {  	v60 =	vbroadcast v11, $0x3  }
0x91: {  	s23 =	simm.s32 $0x30  }
0x92: {  	v61 =	vmov s23;
	v14 =	vor.u32 v3, v60;
	p0 =	seq.s32 s25, $0x1  }
0x93: {  	v62 =	vshrl.u32 v61, $0x7;
	s0 =	simm.s32 @!p0 $0x4;
	[tilespmem:v12+s3+$0x0] =	vst.idx.msk $0xffff, v59  }
0x94: {  	v12 =	vshll.u32 v62, $0x7;
	_ =	swait.ge @!p0 [sflag:s0], $0x800  }
0x95: {  	v12 =	vbroadcast v12, $0x0;
	[sflag:s0] =	ssyncset.done @!p0 $0x0  }
0x96: {  	[sflag:s0] =	ssyncadd.s32 @!p0 $0xFFFFF800  }
0x97: {  	v12 =	vor.u32 v6, v12;
	v63 =	vld.idx.msk [tilespmem:v14+s30+$0x0], $0xffff  }
0x98: {  	s1 =	sld [smem:$0x7F6]  }
0x99: {  	v18 =	vbroadcast v11, $0x4  }
0x9a: {  	s26 =	simm.s32 $0x40  }
0x9b: {  	v19 =	vmov s26;
	v14 =	vor.u32 v3, v18;
	p0 =	seq.s32 s1, $0x1  }
0x9c: {  	v20 =	vshrl.u32 v19, $0x7;
	s0 =	simm.s32 @!p0 $0x5;
	[tilespmem:v12+s3+$0x0] =	vst.idx.msk $0xffff, v63  }
0x9d: {  	v12 =	vshll.u32 v20, $0x7;
	_ =	swait.ge @!p0 [sflag:s0], $0x800  }
0x9e: {  	v12 =	vbroadcast v12, $0x0;
	[sflag:s0] =	ssyncset.done @!p0 $0x0  }
0x9f: {  	[sflag:s0] =	ssyncadd.s32 @!p0 $0xFFFFF800  }
0xa0: {  	v12 =	vor.u32 v7, v12;
	v21 =	vld.idx.msk [tilespmem:v14+s30+$0x0], $0xffff  }
0xa1: {  	s4 =	sld [smem:$0x7F7]  }
0xa2: {  	v22 =	vbroadcast v11, $0x5  }
0xa3: {  	s2 =	simm.s32 $0x50  }
0xa4: {  	v23 =	vmov s2;
	v14 =	vor.u32 v3, v22;
	p0 =	seq.s32 s4, $0x1  }
0xa5: {  	v24 =	vshrl.u32 v23, $0x7;
	s0 =	simm.s32 @!p0 $0x6;
	[tilespmem:v12+s3+$0x0] =	vst.idx.msk $0xffff, v21  }
0xa6: {  	v12 =	vshll.u32 v24, $0x7;
	_ =	swait.ge @!p0 [sflag:s0], $0x800  }
0xa7: {  	v12 =	vbroadcast v12, $0x0;
	[sflag:s0] =	ssyncset.done @!p0 $0x0  }
0xa8: {  	[sflag:s0] =	ssyncadd.s32 @!p0 $0xFFFFF800  }
0xa9: {  	v12 =	vor.u32 v8, v12;
	v25 =	vld.idx.msk [tilespmem:v14+s30+$0x0], $0xffff  }
0xaa: {  	s6 =	sld [smem:$0x7F8]  }
0xab: {  	v26 =	vbroadcast v11, $0x6  }
0xac: {  	s5 =	simm.s32 $0x60  }
0xad: {  	v27 =	vmov s5;
	v14 =	vor.u32 v3, v26;
	p0 =	seq.s32 s6, $0x1  }
0xae: {  	v28 =	vshrl.u32 v27, $0x7;
	s0 =	simm.s32 @!p0 $0x7;
	[tilespmem:v12+s3+$0x0] =	vst.idx.msk $0xffff, v25  }
0xaf: {  	v12 =	vshll.u32 v28, $0x7;
	_ =	swait.ge @!p0 [sflag:s0], $0x800  }
0xb0: {  	v12 =	vbroadcast v12, $0x0;
	[sflag:s0] =	ssyncset.done @!p0 $0x0  }
0xb1: {  	[sflag:s0] =	ssyncadd.s32 @!p0 $0xFFFFF800  }
0xb2: {  	v12 =	vor.u32 v9, v12;
	v29 =	vld.idx.msk [tilespmem:v14+s30+$0x0], $0xffff  }
0xb3: {  	s8 =	sld [smem:$0x7F9]  }
0xb4: {  	v30 =	vbroadcast v11, $0x7  }
0xb5: {  	s7 =	simm.s32 $0x70  }
0xb6: {  	v31 =	vmov s7;
	v14 =	vor.u32 v3, v30;
	p0 =	seq.s32 s8, $0x1  }
0xb7: {  	v32 =	vshrl.u32 v31, $0x7;
	s0 =	simm.s32 @!p0 $0x8;
	[tilespmem:v12+s3+$0x0] =	vst.idx.msk $0xffff, v29  }
0xb8: {  	v12 =	vshll.u32 v32, $0x7;
	_ =	swait.ge @!p0 [sflag:s0], $0x800  }
0xb9: {  	v12 =	vbroadcast v12, $0x0;
	[sflag:s0] =	ssyncset.done @!p0 $0x0  }
0xba: {  	[sflag:s0] =	ssyncadd.s32 @!p0 $0xFFFFF800  }
0xbb: {  	v12 =	vor.u32 v10, v12;
	v33 =	vld.idx.msk [tilespmem:v14+s30+$0x0], $0xffff  }
0xbc: {  	s10 =	sld [smem:$0x7FA]  }
0xbd: {  	v34 =	vbroadcast v11, $0x8  }
0xbe: {  	s9 =	simm.s32 $0x80  }
0xbf: {  	v35 =	vmov s9;
	v14 =	vor.u32 v3, v34;
	p0 =	seq.s32 s10, $0x1  }
0xc0: {  	v36 =	vshrl.u32 v35, $0x7;
	s0 =	simm.s32 @!p0 $0x9;
	[tilespmem:v12+s3+$0x0] =	vst.idx.msk $0xffff, v33  }
0xc1: {  	v12 =	vshll.u32 v36, $0x7;
	_ =	swait.ge @!p0 [sflag:s0], $0x800  }
0xc2: {  	v12 =	vbroadcast v12, $0x0;
	[sflag:s0] =	ssyncset.done @!p0 $0x0  }
0xc3: {  	[sflag:s0] =	ssyncadd.s32 @!p0 $0xFFFFF800  }
0xc4: {  	v12 =	vor.u32 v1, v12;
	v37 =	vld.idx.msk [tilespmem:v14+s30+$0x0], $0xffff  }
0xc5: {  	s12 =	sld [smem:$0x7FB]  }
0xc6: {  	v38 =	vbroadcast v11, $0x9  }
0xc7: {  	s11 =	simm.s32 $0x90  }
0xc8: {  	v39 =	vmov s11;
	v14 =	vor.u32 v3, v38;
	p0 =	seq.s32 s12, $0x1  }
0xc9: {  	v40 =	vshrl.u32 v39, $0x7;
	s0 =	simm.s32 @!p0 $0xA;
	[tilespmem:v12+s3+$0x0] =	vst.idx.msk $0xffff, v37  }
0xca: {  	v12 =	vshll.u32 v40, $0x7;
	_ =	swait.ge @!p0 [sflag:s0], $0x800  }
0xcb: {  	v12 =	vbroadcast v12, $0x0;
	[sflag:s0] =	ssyncset.done @!p0 $0x0  }
0xcc: {  	[sflag:s0] =	ssyncadd.s32 @!p0 $0xFFFFF800  }
0xcd: {  	v12 =	vor.u32 v4, v12;
	v41 =	vld.idx.msk [tilespmem:v14+s30+$0x0], $0xffff  }
0xce: {  	s14 =	sld [smem:$0x7FC]  }
0xcf: {  	v42 =	vbroadcast v11, $0xA  }
0xd0: {  	s13 =	simm.s32 $0xA0  }
0xd1: {  	v43 =	vmov s13;
	v14 =	vor.u32 v3, v42;
	p0 =	seq.s32 s14, $0x1  }
0xd2: {  	v44 =	vshrl.u32 v43, $0x7;
	s0 =	simm.s32 @!p0 $0xB;
	[tilespmem:v12+s3+$0x0] =	vst.idx.msk $0xffff, v41  }
0xd3: {  	v12 =	vshll.u32 v44, $0x7;
	_ =	swait.ge @!p0 [sflag:s0], $0x800  }
0xd4: {  	v12 =	vbroadcast v12, $0x0;
	[sflag:s0] =	ssyncset.done @!p0 $0x0  }
0xd5: {  	[sflag:s0] =	ssyncadd.s32 @!p0 $0xFFFFF800  }
0xd6: {  	v12 =	vor.u32 v5, v12;
	v45 =	vld.idx.msk [tilespmem:v14+s30+$0x0], $0xffff  }
0xd7: {  	s16 =	sld [smem:$0x7FD]  }
0xd8: {  	v46 =	vbroadcast v11, $0xB  }
0xd9: {  	s15 =	simm.s32 $0xB0  }
0xda: {  	v47 =	vmov s15;
	v14 =	vor.u32 v3, v46;
	p0 =	seq.s32 s16, $0x1  }
0xdb: {  	v48 =	vshrl.u32 v47, $0x7;
	s0 =	simm.s32 @!p0 $0xC;
	[tilespmem:v12+s3+$0x0] =	vst.idx.msk $0xffff, v45  }
0xdc: {  	v12 =	vshll.u32 v48, $0x7;
	_ =	swait.ge @!p0 [sflag:s0], $0x800  }
0xdd: {  	v12 =	vbroadcast v12, $0x0;
	[sflag:s0] =	ssyncset.done @!p0 $0x0  }
0xde: {  	[sflag:s0] =	ssyncadd.s32 @!p0 $0xFFFFF800  }
0xdf: {  	v12 =	vor.u32 v6, v12;
	v49 =	vld.idx.msk [tilespmem:v14+s30+$0x0], $0xffff;
	_ =	sdelay $0x1  }
0xe0: {  	v50 =	vbroadcast v11, $0xC  }
0xe1: {  	s17 =	simm.s32 $0xC0  }
0xe2: {  	v51 =	vmov s17;
	v14 =	vor.u32 v3, v50  }
0xe3: {  	v52 =	vshrl.u32 v51, $0x7;
	s0 =	simm.s32 @!p4 $0xD;
	[tilespmem:v12+s3+$0x0] =	vst.idx.msk $0xffff, v49  }
0xe4: {  	v12 =	vshll.u32 v52, $0x7;
	_ =	swait.ge @!p4 [sflag:s0], $0x800  }
0xe5: {  	v12 =	vbroadcast v12, $0x0;
	[sflag:s0] =	ssyncset.done @!p4 $0x0  }
0xe6: {  	[sflag:s0] =	ssyncadd.s32 @!p4 $0xFFFFF800  }
0xe7: {  	v12 =	vor.u32 v7, v12;
	v53 =	vld.idx.msk [tilespmem:v14+s30+$0x0], $0xffff;
	_ =	sdelay $0x1  }
0xe8: {  	v54 =	vbroadcast v11, $0xD  }
0xe9: {  	s19 =	simm.s32 $0xD0  }
0xea: {  	v55 =	vmov s19;
	v14 =	vor.u32 v3, v54  }
0xeb: {  	v56 =	vshrl.u32 v55, $0x7;
	s0 =	simm.s32 @!p1 $0xE;
	[tilespmem:v12+s3+$0x0] =	vst.idx.msk $0xffff, v53  }
0xec: {  	v12 =	vshll.u32 v56, $0x7;
	_ =	swait.ge @!p1 [sflag:s0], $0x800  }
0xed: {  	v12 =	vbroadcast v12, $0x0;
	[sflag:s0] =	ssyncset.done @!p1 $0x0  }
0xee: {  	[sflag:s0] =	ssyncadd.s32 @!p1 $0xFFFFF800  }
0xef: {  	v12 =	vor.u32 v8, v12;
	v57 =	vld.idx.msk [tilespmem:v14+s30+$0x0], $0xffff;
	_ =	sdelay $0x1  }
0xf0: {  	v58 =	vbroadcast v11, $0xE  }
0xf1: {  	s20 =	simm.s32 $0xE0  }
0xf2: {  	v59 =	vmov s20;
	v14 =	vor.u32 v3, v58  }
0xf3: {  	v60 =	vshrl.u32 v59, $0x7;
	s0 =	simm.s32 @!p5 $0xF;
	[tilespmem:v12+s3+$0x0] =	vst.idx.msk $0xffff, v57  }
0xf4: {  	v12 =	vshll.u32 v60, $0x7;
	_ =	swait.ge @!p5 [sflag:s0], $0x800  }
0xf5: {  	v12 =	vbroadcast v12, $0x0;
	[sflag:s0] =	ssyncset.done @!p5 $0x0  }
0xf6: {  	[sflag:s0] =	ssyncadd.s32 @!p5 $0xFFFFF800  }
0xf7: {  	v12 =	vor.u32 v9, v12;
	v61 =	vld.idx.msk [tilespmem:v14+s30+$0x0], $0xffff;
	_ =	sdelay $0x1  }
0xf8: {  	v11 =	vbroadcast v11, $0xF  }
0xf9: {  	s23 =	simm.s32 $0xF0  }
0xfa: {  	v11 =	vor.u32 v3, v11;
	v62 =	vmov s23  }
0xfb: {  	v63 =	vshrl.u32 v62, $0x7;
	s0 =	simm.s32 @!p3 $0x10;
	[tilespmem:v12+s3+$0x0] =	vst.idx.msk $0xffff, v61  }
0xfc: {  	v12 =	vshll.u32 v63, $0x7;
	_ =	swait.ge @!p3 [sflag:s0], $0x800  }
0xfd: {  	v12 =	vbroadcast v12, $0x0;
	[sflag:s0] =	ssyncset.done @!p3 $0x0  }
0xfe: {  	[sflag:s0] =	ssyncadd.s32 @!p3 $0xFFFFF800  }
0xff: {  	v12 =	vor.u32 v10, v12;
	v11 =	vld.idx.msk [tilespmem:v11+s30+$0x0], $0xffff;
	_ =	sdelay $0x4  }
0x100: {  	[tilespmem:v12+s3+$0x0] =	vst.idx.msk $0xffff, v11  }
0x101: {  	v11 =	vld [tilespmem:s22+$0x0];
	_ =	sdelay $0x4  }
0x102: {  	v11 =	vshll.u32 v11, $0x1  }
0x103: {  	(v2sf) =	vpush v11, $0x0  }
0x104: {  	(v2sf) =	vpush v11, $0x1  }
0x105: {  	(v2sf) =	vpush v11, $0x2;
	_ =	sdelay $0x1  }
0x106: {  	(v2sf) =	vpush v11, $0x3;
	_ =	sdelay $0x1  }
0x107: {  	(v2sf) =	vpush v11, $0x4;
	_ =	sdelay $0x1  }
0x108: {  	(v2sf) =	vpush v11, $0x5;
	_ =	sdelay $0x1  }
0x109: {  	(v2sf) =	vpush v11, $0x6;
	_ =	sdelay $0x1  }
0x10a: {  	s5 =	simm.s32 $0x108C0;
	s26 =	simm.s32 $0x10800;
	s11 =	simm.s32 $0x10820  }
0x10b: {  	s31 =	simm.s32 $0x108E0;
	s20 =	simm.s32 $0x10850;
	s1 =	simm.s32 $0x1F0  }
0x10c: {  	s4 =	simm.s32 $0x10890;
	s6 =	simm.s32 $0x10860;
	s14 =	simm.s32 $0x10830;
	(v2sf) =	vpush v11, $0x7  }
0x10d: {  	s16 =	simm.s32 $0x10840;
	s0 =	simm.s32 $0x108D0;
	s25 =	spop (v2sf)  }
0x10e: {  	s3 =	simm.s32 $0x10810;
	(v2sf) =	vpush v11, $0x8;
	s2 =	sand.u32 $0x1FFFFFFE, s25;
	s30 =	spop (v2sf)  }
0x10f: {  	s2 =	sadd.s32 s21, s2;
	s8 =	sand.u32 $0x1FFFFFFE, s30;
	s9 =	spop (v2sf)  }
0x110: {  	[hbm4b:s2+s24] =	stream.linear.scatter [tilespmem:s26], [sflag:$0x11], $0x10, $0x38;
	[tilespmem:$0x14800] =	vst v63  }
0x111: {  	(v2sf) =	vpush v11, $0x9;
	s7 =	sadd.s32 s21, s8;
	s8 =	sand.u32 $0x1FFFFFFE, s9;
	s10 =	spop (v2sf)  }
0x112: {  	(v2sf) =	vpush v11, $0xA;
	[hbm4b:s7+s24] =	stream.linear.scatter [tilespmem:s3], [sflag:$0x11], $0x10, $0x38;
	[tilespmem:$0x14800] =	vst v63  }
0x113: {  	(v2sf) =	vpush v11, $0xB;
	s12 =	sadd.s32 s21, s8;
	s13 =	sand.u32 $0x1FFFFFFE, s10;
	s15 =	spop (v2sf)  }
0x114: {  	[hbm4b:s12+s24] =	stream.linear.scatter [tilespmem:s11], [sflag:$0x11], $0x10, $0x38;
	[tilespmem:$0x14800] =	vst v63  }
0x115: {  	(v2sf) =	vpush v11, $0xC;
	s8 =	sadd.s32 s21, s13;
	s7 =	sand.u32 $0x1FFFFFFE, s15;
	s17 =	spop (v2sf)  }
0x116: {  	[hbm4b:s8+s24] =	stream.linear.scatter [tilespmem:s14], [sflag:$0x11], $0x10, $0x38;
	[tilespmem:$0x14800] =	vst v63  }
0x117: {  	s7 =	sadd.s32 s21, s7;
	s19 =	spop (v2sf);
	s8 =	sand.u32 $0x1FFFFFFE, s17  }
0x118: {  	[hbm4b:s7+s24] =	stream.linear.scatter [tilespmem:s16], [sflag:$0x11], $0x10, $0x38;
	[tilespmem:$0x14800] =	vst v63  }
0x119: {  	s22 =	simm.s32 $0x108F0;
	(v2sf) =	vpush v11, $0xD;
	s25 =	sand.u32 $0x1FFFFFFE, s19;
	s23 =	sadd.s32 s21, s8  }
0x11a: {  	[hbm4b:s23+s24] =	stream.linear.scatter [tilespmem:s20], [sflag:$0x11], $0x10, $0x38;
	[tilespmem:$0x14800] =	vst v63  }
0x11b: {  	s26 =	simm.s32 $0x10870;
	s30 =	spop (v2sf);
	s8 =	sadd.s32 s21, s25  }
0x11c: {  	[hbm4b:s8+s24] =	stream.linear.scatter [tilespmem:s6], [sflag:$0x11], $0x10, $0x38;
	[tilespmem:$0x14800] =	vst v63  }
0x11d: {  	s3 =	simm.s32 $0x10880;
	s7 =	sand.u32 $0x1FFFFFFE, s30;
	s10 =	spop (v2sf)  }
0x11e: {  	s19 =	simm.s32 $0x108A0;
	s7 =	sadd.s32 s21, s7;
	s8 =	sand.u32 $0x1FFFFFFE, s10  }
0x11f: {  	[hbm4b:s7+s24] =	stream.linear.scatter [tilespmem:s26], [sflag:$0x11], $0x10, $0x38;
	[tilespmem:$0x14800] =	vst v63  }
0x120: {  	s25 =	simm.s32 $0x108B0;
	s11 =	spop (v2sf);
	s12 =	sadd.s32 s21, s8  }
0x121: {  	s13 =	sand.u32 $0x1FFFFFFE, s11;
	s14 =	spop (v2sf);
	s11 =	simm.s32 $0x210  }
0x122: {  	s15 =	sadd.s32 s21, s13;
	s16 =	sand.u32 $0x1FFFFFFE, s14;
	s17 =	spop (v2sf)  }
0x123: {  	[hbm4b:s12+s24] =	stream.linear.scatter [tilespmem:s3], [sflag:$0x11], $0x10, $0x38;
	[tilespmem:$0x14800] =	vst v63  }
0x124: {  	s20 =	sadd.s32 s21, s16;
	s23 =	sand.u32 $0x1FFFFFFE, s17;
	s30 =	spop (v2sf)  }
0x125: {  	[hbm4b:s15+s24] =	stream.linear.scatter [tilespmem:s4], [sflag:$0x11], $0x10, $0x38;
	[tilespmem:$0x14800] =	vst v63  }
0x126: {  	s17 =	simm.s32 $0x10;
	s26 =	sadd.s32 s21, s23;
	s2 =	sand.u32 $0x1FFFFFFE, s30  }
0x127: {  	[hbm4b:s20+s24] =	stream.linear.scatter [tilespmem:s19], [sflag:$0x11], $0x10, $0x38;
	[tilespmem:$0x14800] =	vst v63  }
0x128: {  	(v2sf) =	vpush v11, $0xE;
	s6 =	spop (v2sf);
	s20 =	simm.s32 $0x109F0;
	s19 =	simm.s32 $0x10  }
0x129: {  	(v2sf) =	vpush v11, $0xF;
	[hbm4b:s26+s24] =	stream.linear.scatter [tilespmem:s25], [sflag:$0x11], $0x10, $0x38;
	[tilespmem:$0x14800] =	vst v63  }
.LBB2_2:
0x12a: {  	_ =	sdelay $0x8  }
0x12b: {  	s2 =	sadd.s32 s21, s2;
	s4 =	sand.u32 $0x1FFFFFFE, s6  }
0x12c: {  	[hbm4b:s2+s24] =	stream.linear.scatter [tilespmem:s5], [sflag:$0x11], $0x10, $0x38;
	[tilespmem:$0x14800] =	vst v63  }
0x12d: {  	s5 =	sadd.s32 s21, s4  }
0x12e: {  	[hbm4b:s5+s24] =	stream.linear.scatter [tilespmem:s0], [sflag:$0x11], $0x10, $0x38;
	[tilespmem:$0x14800] =	vst v63  }
0x12f: {  	s3 =	spop (v2sf)  }
0x130: {  	s6 =	sand.u32 $0x1FFFFFFE, s3;
	s7 =	spop (v2sf)  }
0x131: {  	s9 =	sadd.s32 s21, s6;
	s10 =	sand.u32 $0x1FFFFFFE, s7  }
0x132: {  	[hbm4b:s9+s24] =	stream.linear.scatter [tilespmem:s31], [sflag:$0x11], $0x10, $0x38;
	[tilespmem:$0x14800] =	vst v63  }
0x133: {  	s13 =	sadd.s32 s21, s10  }
0x134: {  	[hbm4b:s13+s24] =	stream.linear.scatter [tilespmem:s22], [sflag:$0x11], $0x10, $0x38;
	[tilespmem:$0x14800] =	vst v63  }
0x135: {  	s14 =	smax.u32 s19, $0x1;
	v11 =	vld [tilespmem:s17+$0x0]  }
0x136: {  	v12 =	vld [tilespmem:s14+$0xFFFFFFFF];
	_ =	sdelay $0x1  }
0x137: {  	s8 =	sadd.s32 $0x100, s1  }
0x138: {  	p0 =	sne.s32 s8, $0x20F0  }
0x139: {  	s30 =	smov.u32 s1;
	s0 =	simm.s32 @!p0 $0x0  }
0x13a: {  	vm3 =	vmmov vm0;
	s0 =	simm.s32 @p0 $0x1;
	p0 =	seq.s32 s30, $0xF0;
	v12 =	vxor.u32 v11, v12  }
0x13b: {  	vm3 =	vmneg @p0 vm3;
	v27 =	vand.u32 $0xFFFFFF80, v11;
	vm2 =	vgt.u32 v12, $0x7F  }
0x13c: {  	(v2sf) =	vpush v27, $0x0;
	vm2 =	vmor vm2, vm3  }
0x13d: {  	vm2 =	vmor vm2, vm1  }
0x13e: {  	v28 =	vsel vm2, $0x1, v0  }
0x13f: {  	(v2sf) =	vpush v28, $0x6  }
0x140: {  	(v2sf) =	vpush v28, $0x5  }
0x141: {  	(v2sf) =	vpush v28, $0x4  }
0x142: {  	(v2sf) =	vpush v28, $0x3  }
0x143: {  	(v2sf) =	vpush v28, $0x2  }
0x144: {  	(v2sf) =	vpush v28, $0x1;
	_ =	sdelay $0x3  }
0x145: {  	(v2sf) =	vpush v28, $0xC  }
0x146: {  	(v2sf) =	vpush v28, $0x8  }
0x147: {  	(v2sf) =	vpush v28, $0x9  }
0x148: {  	[dreg:$0x6] =	wrdreg s19;
	(v2sf) =	vpush v28, $0xA;
	s15 =	spop (v2sf)  }
0x149: {  	s19 =	simm.s32 $0x800;
	[smem:$0x7F2] =	sst s0;
	s0 =	sadd.s32 s18, s15  }
0x14a: {  	(v2sf) =	vpush v28, $0xB;
	[tilespmem:s19], [sflag:$0x1] =	stream.strided.gather [hbm4b:s0+s28], $0x800, s29, s28, $0x38;
	[tilespmem:$0x14800] =	vst v63  }
0x14b: {  	s16 =	spop (v2sf)  }
0x14c: {  	s23 =	spop (v2sf)  }
0x14d: {  	(v2sf) =	vpush v28, $0x7;
	s24 =	spop (v2sf)  }
0x14e: {  	s25 =	spop (v2sf)  }
0x14f: {  	s12 =	sadd.s32 $0xFFFFFFD0, s20;
	[dreg:$0x5] =	wrdreg s8;
	(v2sf) =	vpush v28, $0xD;
	s7 =	spop (v2sf)  }
0x150: {  	[dreg:$0x7] =	wrdreg s12;
	s10 =	sadd.s32 $0xFFFFFF10, s30;
	s26 =	spop (v2sf)  }
0x151: {  	p2 =	seq.s32 s23, $0x0;
	p0 =	seq.s32 s24, $0x0;
	p1 =	seq.s32 s26, $0x0  }
0x152: {  	(v2sf) =	vpush v28, $0xE;
	s6 =	simm.s32 @!p2 $0x7A1400;
	p6 =	seq.s32 s25, $0x0;
	s1 =	simm.s32 @!p1 $0x0  }
0x153: {  	(v2sf) =	vpush v28, $0xF;
	s8 =	simm.s32 @!p0 $0x7A1400;
	s2 =	simm.s32 @!p0 $0x2800;
	s1 =	simm.s32 @p1 $0x1  }
0x154: {  	p3 =	seq.s32 s7, $0x0;
	(v2sf) =	vpush @!p6 v27, $0x3;
	[smem:$0x7E7] =	sst s1;
	s1 =	spop (v2sf)  }
0x155: {  	s26 =	simm.s32 @!p6 $0x2000;
	(v2sf) =	vpush @!p1 v27, $0x1;
	s3 =	spop (v2sf);
	p1 =	seq.s32 s1, $0x0  }
0x156: {  	s24 =	simm.s32 @!p3 $0x1800;
	s5 =	spop (v2sf);
	s1 =	simm.s32 @!p1 $0x0  }
0x157: {  	s23 =	sld [smem:$0x7E7];
	s1 =	simm.s32 @p1 $0x1;
	s9 =	spop (v2sf)  }
0x158: {  	p1 =	seq.s32 s16, $0x0;
	[smem:$0x7E5] =	sst s1;
	p4 =	seq.s32 s9, $0x0  }
0x159: {  	s12 =	spop (v2sf);
	s0 =	simm.s32 @!p1 $0x0;
	s1 =	simm.s32 @!p4 $0x0  }
0x15a: {  	s9 =	simm.s32 @!p2 $0x400;
	s0 =	simm.s32 @p1 $0x1;
	s1 =	simm.s32 @p4 $0x1  }
0x15b: {  	p5 =	seq.s32 s12, $0x0;
	[smem:$0x7E4] =	sst s1;
	s1 =	simm.s32 @!p0 $0x0  }
0x15c: {  	(v2sf) =	vpush @!p0 v27, $0x4;
	s13 =	spop (v2sf);
	[smem:$0x7EC] =	sst s0;
	s1 =	simm.s32 @p0 $0x1  }
0x15d: {  	(v2sf) =	vpush @!p3 v27, $0x2;
	s7 =	simm.s32 @!p5 $0x6000;
	[smem:$0x7EA] =	sst s1;
	s1 =	simm.s32 @!p1 $0x400  }
0x15e: {  	(v2sf) =	vpush @!p2 v27, $0x5;
	s14 =	spop (v2sf);
	[dreg:$0xb] =	wrdreg s1;
	s1 =	simm.s32 @!p1 $0x7A1400  }
0x15f: {  	(v2sf) =	vpush @!p1 v27, $0x6;
	[dreg:$0xd] =	wrdreg s1;
	s1 =	simm.s32 @!p1 $0x3800;
	p1 =	seq.s32 s13, $0x0  }
0x160: {  	v47 =	vmov s10;
	s10 =	sld [smem:$0x7EA];
	s0 =	simm.s32 @!p1 $0x4000;
	s12 =	simm.s32 @!p1 $0x7A1400  }
0x161: {  	p0 =	por p1, p1;
	[dreg:$0xf] =	wrdreg s0;
	s0 =	simm.s32 @!p1 $0x0  }
0x162: {  	(v2sf) =	vpush @!p1 v27, $0x7;
	s0 =	simm.s32 @p1 $0x1;
	p1 =	seq.s32 s3, $0x0;
	s3 =	sld [smem:$0x7E5]  }
0x163: {  	s13 =	simm.s32 @!p2 $0x3000;
	s15 =	simm.s32 @!p0 $0x400;
	[smem:$0x7ED] =	sst s0  }
0x164: {  	s0 =	simm.s32 @!p1 $0x0;
	s31 =	simm.s32 @!p1 $0x4800;
	s4 =	simm.s32 @!p1 $0x7A1400  }
0x165: {  	(v2sf) =	vpush @!p1 v27, $0x8;
	s0 =	simm.s32 @p1 $0x1;
	p1 =	seq.s32 s5, $0x0;
	s5 =	simm.s32 @!p5 $0x0  }
0x166: {  	[smem:$0x7EE] =	sst s0;
	s0 =	simm.s32 @!p1 $0x0;
	p0 =	seq.s32 s3, $0x1  }
0x167: {  	s5 =	simm.s32 @p5 $0x1;
	s0 =	simm.s32 @p1 $0x1;
	s3 =	simm.s32 @!p0 $0x6800  }
0x168: {  	(v2sf) =	vpush @!p1 v27, $0x9;
	p1 =	por p5, p5;
	[smem:$0x7F0] =	sst s5;
	s5 =	simm.s32 @!p0 $0x7A1400  }
0x169: {  	p5 =	por p0, p0;
	[dreg:$0x9] =	wrdreg s3;
	s3 =	spop (v2sf)  }
0x16a: {  	[dreg:$0xa] =	wrdreg s5;
	s5 =	simm.s32 @!p0 $0x400;
	p0 =	seq.s32 s14, $0x0  }
0x16b: {  	[smem:$0x7EF] =	sst s0;
	s16 =	spop (v2sf);
	s0 =	simm.s32 @!p0 $0x0  }
0x16c: {  	[dreg:$0xe] =	wrdreg s1;
	s0 =	simm.s32 @p0 $0x1;
	p0 =	seq.s32 s16, $0x0  }
0x16d: {  	s1 =	simm.s32 @!p6 $0x7A1400;
	[smem:$0x7F1] =	sst s0;
	s0 =	simm.s32 @!p0 $0x8000  }
0x16e: {  	s16 =	spop @!p6 (v2sf);
	[dreg:$0x8] =	wrdreg s0;
	s0 =	simm.s32 @!p6 $0x0  }
0x16f: {  	(v2sf) =	vpush @!p4 v27, $0xA;
	p4 =	por p0, p0;
	p0 =	por p3, p3;
	s0 =	simm.s32 @p6 $0x1  }
0x170: {  	[smem:$0x7E9] =	sst s0;
	s0 =	simm.s32 @!p3 $0x7A1400;
	p3 =	seq.s32 s23, $0x1  }
0x171: {  	[dreg:$0xc] =	wrdreg s5;
	s5 =	spop @!p3 (v2sf);
	s25 =	simm.s32 @!p3 $0x1000  }
0x172: {  	(v2sf) =	vpush @!p1 v27, $0xB;
	p1 =	seq.s32 s10, $0x1;
	s29 =	simm.s32 @!p3 $0x7A1400;
	s10 =	simm.s32 @!p0 $0x0  }
0x173: {  	s23 =	simm.s32 @!p3 $0x400;
	s5 =	sadd.s32 @!p3 s18, s5;
	s10 =	simm.s32 @p0 $0x1  }
0x174: {  	[tilespmem:s25], [sflag:$0x2] =	stream.strided.gather @!p3 [hbm4b:s5+s23], $0x800, s29, s23, $0x38;
	[tilespmem:$0x14800] =	vst v63  }
0x175: {  	s28 =	spop @!p1 (v2sf);
	[smem:$0x7E8] =	sst s10;
	s23 =	simm.s32 @!p2 $0x0  }
0x176: {  	s14 =	spop @!p0 (v2sf);
	s25 =	sld [smem:$0x7EC];
	s23 =	simm.s32 @p2 $0x1  }
0x177: {  	s5 =	simm.s32 @!p0 $0x400;
	s14 =	sadd.s32 @!p0 s18, s14;
	[smem:$0x7EB] =	sst s23  }
0x178: {  	[tilespmem:s24], [sflag:$0x3] =	stream.strided.gather @!p0 [hbm4b:s14+s5], $0x800, s0, s5, $0x38;
	[tilespmem:$0x14800] =	vst v63  }
0x179: {  	s16 =	sadd.s32 @!p6 s18, s16;
	s28 =	sadd.s32 @!p1 s18, s28;
	s5 =	sld [smem:$0x7F1]  }
0x17a: {  	p1 =	por p2, p2;
	s10 =	spop @!p2 (v2sf);
	s14 =	sld [smem:$0x7E9]  }
0x17b: {  	(v2sf) =	vpush @!p5 v27, $0xC;
	s10 =	sadd.s32 @!p2 s18, s10;
	s24 =	sld [smem:$0x7ED];
	p5 =	seq.s32 s25, $0x1  }
0x17c: {  	s25 =	sld [smem:$0x7EA];
	s23 =	spop @!p5 (v2sf);
	p2 =	seq.s32 s5, $0x1  }
0x17d: {  	p3 =	seq.s32 s14, $0x1;
	s5 =	sadd.s32 @!p5 s18, s23;
	s23 =	sld [smem:$0x7E4]  }
0x17e: {  	(v2sf) =	vpush @!p2 v27, $0xD;
	s0 =	simm.s32 @!p3 $0x400;
	p2 =	seq.s32 s24, $0x1;
	s24 =	sld [smem:$0x7F0]  }
0x17f: {  	p0 =	seq.s32 s25, $0x1;
	s25 =	sld [smem:$0x7E5];
	s14 =	spop @!p2 (v2sf)  }
0x180: {  	[tilespmem:s26], [sflag:$0x4] =	stream.strided.gather @!p3 [hbm4b:s16+s0], $0x800, s1, s0, $0x38;
	[tilespmem:$0x14800] =	vst v63  }
0x181: {  	s0 =	simm.s32 @!p0 $0x400;
	p3 =	por p2, p2;
	s26 =	sld [smem:$0x7EE]  }
0x182: {  	s16 =	sld [smem:$0x7EF];
	s1 =	sadd.s32 @!p2 s18, s14;
	p2 =	seq.s32 s3, $0x0  }
0x183: {  	[tilespmem:s2], [sflag:$0x5] =	stream.strided.gather @!p0 [hbm4b:s28+s0], $0x800, s8, s0, $0x38;
	[tilespmem:$0x14800] =	vst v63  }
0x184: {  	s2 =	simm.s32 @!p2 $0x0;
	s8 =	rddreg [dreg:$0xb]  }
0x185: {  	p6 =	seq.s32 s26, $0x1;
	s2 =	simm.s32 @p2 $0x1;
	s26 =	sld [smem:$0x7F1]  }
0x186: {  	[smem:$0x7E6] =	sst s2  }
0x187: {  	[tilespmem:s13], [sflag:$0x6] =	stream.strided.gather @!p1 [hbm4b:s10+s9], $0x800, s6, s9, $0x38;
	[tilespmem:$0x14800] =	vst v63  }
0x188: {  	p0 =	seq.s32 s16, $0x1;
	s9 =	rddreg [dreg:$0xd]  }
0x189: {  	s14 =	spop @!p6 (v2sf);
	p1 =	seq.s32 s23, $0x1;
	s10 =	rddreg [dreg:$0xe]  }
0x18a: {  	(v2sf) =	vpush @!p4 v27, $0xF;
	s0 =	sadd.s32 @!p6 s18, s14;
	s2 =	spop @!p0 (v2sf);
	s3 =	simm.s32 @!p1 $0x5800  }
0x18b: {  	(v2sf) =	vpush @!p2 v27, $0xE;
	p2 =	seq.s32 s25, $0x1;
	s2 =	sadd.s32 @!p0 s18, s2;
	s6 =	spop @!p1 (v2sf)  }
0x18c: {  	[tilespmem:s10], [sflag:$0x7] =	stream.strided.gather @!p5 [hbm4b:s5+s8], $0x800, s9, s8, $0x38;
	[tilespmem:$0x14800] =	vst v63  }
0x18d: {  	p5 =	por p1, p1;
	s6 =	sadd.s32 @!p1 s18, s6;
	p1 =	seq.s32 s24, $0x1  }
0x18e: {  	s5 =	simm.s32 @!p0 $0x5000;
	s8 =	rddreg [dreg:$0xf];
	s9 =	spop @!p1 (v2sf)  }
0x18f: {  	[tilespmem:s8], [sflag:$0x8] =	stream.strided.gather @!p3 [hbm4b:s1+s15], $0x800, s12, s15, $0x38;
	[tilespmem:$0x14800] =	vst v63  }
0x190: {  	s1 =	simm.s32 @!p6 $0x400;
	s8 =	sadd.s32 @!p1 s18, s9;
	s9 =	spop @!p2 (v2sf)  }
0x191: {  	[tilespmem:s31], [sflag:$0x9] =	stream.strided.gather @!p6 [hbm4b:s0+s1], $0x800, s4, s1, $0x38;
	[tilespmem:$0x14800] =	vst v63  }
0x192: {  	s0 =	simm.s32 @!p0 $0x400;
	s1 =	simm.s32 @!p0 $0x7A1400;
	s9 =	sadd.s32 @!p2 s18, s9  }
0x193: {  	[tilespmem:s5], [sflag:$0xA] =	stream.strided.gather @!p0 [hbm4b:s2+s0], $0x800, s1, s0, $0x38;
	[tilespmem:$0x14800] =	vst v63  }
0x194: {  	v46 =	vnsel vm2, $0x80000000, v2;
	s4 =	sld [smem:$0x7E6];
	s0 =	simm.s32 @!p5 $0x400;
	p0 =	seq.s32 s26, $0x1  }
0x195: {  	(xrf0) =	vmax.scan.msk.u32 $0xffff, v46;
	s1 =	simm.s32 @!p5 $0x7A1400;
	s5 =	rddreg [dreg:$0xa];
	s2 =	spop @!p0 (v2sf)  }
0x196: {  	[tilespmem:s3], [sflag:$0xB] =	stream.strided.gather @!p5 [hbm4b:s6+s0], $0x800, s1, s0, $0x38;
	[tilespmem:$0x14800] =	vst v63  }
0x197: {  	s0 =	simm.s32 @!p1 $0x400;
	s1 =	simm.s32 @!p1 $0x7A1400;
	s6 =	rddreg [dreg:$0xc]  }
0x198: {  	[tilespmem:s7], [sflag:$0xC] =	stream.strided.gather @!p1 [hbm4b:s8+s0], $0x800, s1, s0, $0x38;
	[tilespmem:$0x14800] =	vst v63  }
0x199: {  	s2 =	sadd.s32 @!p0 s18, s2;
	p1 =	seq.s32 s4, $0x1;
	s4 =	rddreg [dreg:$0x9]  }
0x19a: {  	[tilespmem:s4], [sflag:$0xD] =	stream.strided.gather @!p2 [hbm4b:s9+s6], $0x800, s5, s6, $0x38;
	[tilespmem:$0x14800] =	vst v63  }
0x19b: {  	v12, _, _ =	vpop (xrf0);
	s0 =	simm.s32 @!p0 $0x7000;
	s1 =	simm.s32 @!p1 $0x7800;
	s3 =	spop @!p4 (v2sf)  }
0x19c: {  	v12 =	vxor.u32 $0x80000000, v12;
	s4 =	simm.s32 @!p0 $0x400;
	s5 =	simm.s32 @!p0 $0x7A1400;
	s6 =	spop @!p1 (v2sf)  }
0x19d: {  	v11 =	vand.u32 $0x7F, v11;
	v12 =	vshll.u32 v12, $0xB;
	[tilespmem:s0], [sflag:$0xE] =	stream.strided.gather @!p0 [hbm4b:s2+s4], $0x800, s5, s4, $0x38;
	[tilespmem:$0x14800] =	vst v63  }
0x19e: {  	v11 =	vor.u32 v11, v12;
	s2 =	simm.s32 @!p1 $0x400;
	s4 =	simm.s32 @!p1 $0x7A1400;
	s0 =	sadd.s32 @!p1 s18, s6  }
0x19f: {  	v26 =	vbroadcast v11, $0x0;
	[tilespmem:s1], [sflag:$0xF] =	stream.strided.gather @!p1 [hbm4b:s0+s2], $0x800, s4, s2, $0x38;
	[tilespmem:$0x14800] =	vst v63  }
0x1a0: {  	s5 =	simm.s32 $0x1;
	s0 =	sadd.s32 @!p4 s18, s3  }
0x1a1: {  	v26 =	vor.u32 v3, v26;
	s1 =	simm.s32 @!p4 $0x400;
	s2 =	simm.s32 @!p4 $0x7A1400;
	s3 =	rddreg [dreg:$0x8]  }
0x1a2: {  	v28 =	vshrl.u32 v47, $0x7;
	[tilespmem:s3], [sflag:$0x10] =	stream.strided.gather @!p4 [hbm4b:s0+s1], $0x800, s2, s1, $0x38;
	[tilespmem:$0x14800] =	vst v63  }
0x1a3: {  	v28 =	vshll.u32 v28, $0x7;
	_ =	swait.ge [sflag:s5], $0x800  }
0x1a4: {  	v28 =	vbroadcast v28, $0x0;
	[sflag:s5] =	ssyncset.done $0x0  }
0x1a5: {  	[sflag:s5] =	ssyncadd.s32 $0xFFFFF800  }
0x1a6: {  	v48 =	vor.u32 v1, v28;
	v26 =	vld.idx.msk [tilespmem:v26+s19+$0x0], $0xffff  }
0x1a7: {  	s7 =	sld [smem:$0x7E7]  }
0x1a8: {  	v25 =	vbroadcast v11, $0x1  }
0x1a9: {  	s6 =	sadd.s32 $0xFFFFFF20, s30  }
0x1aa: {  	v25 =	vor.u32 v3, v25;
	v49 =	vmov s6;
	s2 =	simm.s32 $0x10800;
	p0 =	seq.s32 s7, $0x1  }
0x1ab: {  	s1 =	simm.s32 @!p0 $0x2;
	[tilespmem:v48+s2+$0x0] =	vst.idx.msk $0xffff, v26;
	v26 =	vshrl.u32 v49, $0x7  }
0x1ac: {  	_ =	swait.ge @!p0 [sflag:s1], $0x800;
	v26 =	vshll.u32 v26, $0x7  }
0x1ad: {  	[sflag:s1] =	ssyncset.done @!p0 $0x0;
	v26 =	vbroadcast v26, $0x0  }
0x1ae: {  	[sflag:s1] =	ssyncadd.s32 @!p0 $0xFFFFF800  }
0x1af: {  	v25 =	vld.idx.msk [tilespmem:v25+s19+$0x0], $0xffff;
	v26 =	vor.u32 v4, v26  }
0x1b0: {  	s9 =	sld [smem:$0x7E8]  }
0x1b1: {  	v24 =	vbroadcast v11, $0x2  }
0x1b2: {  	s8 =	sadd.s32 $0xFFFFFF30, s30  }
0x1b3: {  	v24 =	vor.u32 v3, v24;
	v50 =	vmov s8;
	p0 =	seq.s32 s9, $0x1  }
0x1b4: {  	s1 =	simm.s32 @!p0 $0x3;
	[tilespmem:v26+s2+$0x0] =	vst.idx.msk $0xffff, v25;
	v25 =	vshrl.u32 v50, $0x7  }
0x1b5: {  	_ =	swait.ge @!p0 [sflag:s1], $0x800;
	v25 =	vshll.u32 v25, $0x7  }
0x1b6: {  	[sflag:s1] =	ssyncset.done @!p0 $0x0;
	v25 =	vbroadcast v25, $0x0  }
0x1b7: {  	[sflag:s1] =	ssyncadd.s32 @!p0 $0xFFFFF800  }
0x1b8: {  	v24 =	vld.idx.msk [tilespmem:v24+s19+$0x0], $0xffff;
	v25 =	vor.u32 v5, v25  }
0x1b9: {  	s12 =	sld [smem:$0x7E9]  }
0x1ba: {  	v23 =	vbroadcast v11, $0x3  }
0x1bb: {  	s10 =	sadd.s32 $0xFFFFFF40, s30  }
0x1bc: {  	v23 =	vor.u32 v3, v23;
	v51 =	vmov s10;
	p0 =	seq.s32 s12, $0x1  }
0x1bd: {  	s1 =	simm.s32 @!p0 $0x4;
	[tilespmem:v25+s2+$0x0] =	vst.idx.msk $0xffff, v24;
	v24 =	vshrl.u32 v51, $0x7  }
0x1be: {  	_ =	swait.ge @!p0 [sflag:s1], $0x800;
	v24 =	vshll.u32 v24, $0x7  }
0x1bf: {  	[sflag:s1] =	ssyncset.done @!p0 $0x0;
	v24 =	vbroadcast v24, $0x0  }
0x1c0: {  	[sflag:s1] =	ssyncadd.s32 @!p0 $0xFFFFF800  }
0x1c1: {  	v23 =	vld.idx.msk [tilespmem:v23+s19+$0x0], $0xffff;
	v24 =	vor.u32 v6, v24  }
0x1c2: {  	s14 =	sld [smem:$0x7EA]  }
0x1c3: {  	v22 =	vbroadcast v11, $0x4  }
0x1c4: {  	s13 =	sadd.s32 $0xFFFFFF50, s30  }
0x1c5: {  	v22 =	vor.u32 v3, v22;
	v52 =	vmov s13;
	p0 =	seq.s32 s14, $0x1  }
0x1c6: {  	s1 =	simm.s32 @!p0 $0x5;
	[tilespmem:v24+s2+$0x0] =	vst.idx.msk $0xffff, v23;
	v23 =	vshrl.u32 v52, $0x7  }
0x1c7: {  	_ =	swait.ge @!p0 [sflag:s1], $0x800;
	v23 =	vshll.u32 v23, $0x7  }
0x1c8: {  	[sflag:s1] =	ssyncset.done @!p0 $0x0;
	v23 =	vbroadcast v23, $0x0  }
0x1c9: {  	[sflag:s1] =	ssyncadd.s32 @!p0 $0xFFFFF800  }
0x1ca: {  	v22 =	vld.idx.msk [tilespmem:v22+s19+$0x0], $0xffff;
	v23 =	vor.u32 v7, v23  }
0x1cb: {  	s16 =	sld [smem:$0x7EB]  }
0x1cc: {  	v21 =	vbroadcast v11, $0x5  }
0x1cd: {  	s15 =	sadd.s32 $0xFFFFFF60, s30  }
0x1ce: {  	v21 =	vor.u32 v3, v21;
	v53 =	vmov s15;
	p0 =	seq.s32 s16, $0x1  }
0x1cf: {  	s1 =	simm.s32 @!p0 $0x6;
	[tilespmem:v23+s2+$0x0] =	vst.idx.msk $0xffff, v22;
	v22 =	vshrl.u32 v53, $0x7  }
0x1d0: {  	_ =	swait.ge @!p0 [sflag:s1], $0x800;
	v22 =	vshll.u32 v22, $0x7  }
0x1d1: {  	[sflag:s1] =	ssyncset.done @!p0 $0x0;
	v22 =	vbroadcast v22, $0x0  }
0x1d2: {  	[sflag:s1] =	ssyncadd.s32 @!p0 $0xFFFFF800  }
0x1d3: {  	v21 =	vld.idx.msk [tilespmem:v21+s19+$0x0], $0xffff;
	v22 =	vor.u32 v8, v22  }
0x1d4: {  	s25 =	sld [smem:$0x7EC]  }
0x1d5: {  	v20 =	vbroadcast v11, $0x6  }
0x1d6: {  	s23 =	sadd.s32 $0xFFFFFF70, s30  }
0x1d7: {  	v20 =	vor.u32 v3, v20;
	v54 =	vmov s23;
	p0 =	seq.s32 s25, $0x1  }
0x1d8: {  	s1 =	simm.s32 @!p0 $0x7;
	[tilespmem:v22+s2+$0x0] =	vst.idx.msk $0xffff, v21;
	v21 =	vshrl.u32 v54, $0x7  }
0x1d9: {  	_ =	swait.ge @!p0 [sflag:s1], $0x800;
	v21 =	vshll.u32 v21, $0x7  }
0x1da: {  	[sflag:s1] =	ssyncset.done @!p0 $0x0;
	v21 =	vbroadcast v21, $0x0  }
0x1db: {  	[sflag:s1] =	ssyncadd.s32 @!p0 $0xFFFFF800  }
0x1dc: {  	v20 =	vld.idx.msk [tilespmem:v20+s19+$0x0], $0xffff;
	v21 =	vor.u32 v9, v21  }
0x1dd: {  	s3 =	sld [smem:$0x7ED]  }
0x1de: {  	v19 =	vbroadcast v11, $0x7  }
0x1df: {  	s26 =	sadd.s32 $0xFFFFFF80, s30  }
0x1e0: {  	v19 =	vor.u32 v3, v19;
	v55 =	vmov s26;
	p0 =	seq.s32 s3, $0x1  }
0x1e1: {  	s1 =	simm.s32 @!p0 $0x8;
	[tilespmem:v21+s2+$0x0] =	vst.idx.msk $0xffff, v20;
	v20 =	vshrl.u32 v55, $0x7  }
0x1e2: {  	_ =	swait.ge @!p0 [sflag:s1], $0x800;
	v20 =	vshll.u32 v20, $0x7  }
0x1e3: {  	[sflag:s1] =	ssyncset.done @!p0 $0x0;
	v20 =	vbroadcast v20, $0x0  }
0x1e4: {  	[sflag:s1] =	ssyncadd.s32 @!p0 $0xFFFFF800  }
0x1e5: {  	v19 =	vld.idx.msk [tilespmem:v19+s19+$0x0], $0xffff;
	v20 =	vor.u32 v10, v20  }
0x1e6: {  	s5 =	sld [smem:$0x7EE]  }
0x1e7: {  	v18 =	vbroadcast v11, $0x8  }
0x1e8: {  	s4 =	sadd.s32 $0xFFFFFF90, s30  }
0x1e9: {  	v18 =	vor.u32 v3, v18;
	v56 =	vmov s4;
	p0 =	seq.s32 s5, $0x1  }
0x1ea: {  	s1 =	simm.s32 @!p0 $0x9;
	[tilespmem:v20+s2+$0x0] =	vst.idx.msk $0xffff, v19;
	v19 =	vshrl.u32 v56, $0x7  }
0x1eb: {  	_ =	swait.ge @!p0 [sflag:s1], $0x800;
	v19 =	vshll.u32 v19, $0x7  }
0x1ec: {  	[sflag:s1] =	ssyncset.done @!p0 $0x0;
	v19 =	vbroadcast v19, $0x0  }
0x1ed: {  	[sflag:s1] =	ssyncadd.s32 @!p0 $0xFFFFF800  }
0x1ee: {  	v18 =	vld.idx.msk [tilespmem:v18+s19+$0x0], $0xffff;
	v19 =	vor.u32 v1, v19  }
0x1ef: {  	s7 =	sld [smem:$0x7EF]  }
0x1f0: {  	v17 =	vbroadcast v11, $0x9  }
0x1f1: {  	s6 =	sadd.s32 $0xFFFFFFA0, s30  }
0x1f2: {  	v17 =	vor.u32 v3, v17;
	v57 =	vmov s6;
	p0 =	seq.s32 s7, $0x1  }
0x1f3: {  	s1 =	simm.s32 @!p0 $0xA;
	[tilespmem:v19+s2+$0x0] =	vst.idx.msk $0xffff, v18;
	v18 =	vshrl.u32 v57, $0x7  }
0x1f4: {  	_ =	swait.ge @!p0 [sflag:s1], $0x800;
	v18 =	vshll.u32 v18, $0x7  }
0x1f5: {  	[sflag:s1] =	ssyncset.done @!p0 $0x0;
	v18 =	vbroadcast v18, $0x0  }
0x1f6: {  	[sflag:s1] =	ssyncadd.s32 @!p0 $0xFFFFF800  }
0x1f7: {  	v17 =	vld.idx.msk [tilespmem:v17+s19+$0x0], $0xffff;
	v18 =	vor.u32 v4, v18;
	_ =	sdelay $0x1  }
0x1f8: {  	v16 =	vbroadcast v11, $0xA  }
0x1f9: {  	s8 =	sadd.s32 $0xFFFFFFB0, s30  }
0x1fa: {  	v16 =	vor.u32 v3, v16;
	v58 =	vmov s8  }
0x1fb: {  	s1 =	simm.s32 @!p5 $0xB;
	[tilespmem:v18+s2+$0x0] =	vst.idx.msk $0xffff, v17;
	v17 =	vshrl.u32 v58, $0x7  }
0x1fc: {  	_ =	swait.ge @!p5 [sflag:s1], $0x800;
	v17 =	vshll.u32 v17, $0x7  }
0x1fd: {  	[sflag:s1] =	ssyncset.done @!p5 $0x0;
	v17 =	vbroadcast v17, $0x0  }
0x1fe: {  	[sflag:s1] =	ssyncadd.s32 @!p5 $0xFFFFF800  }
0x1ff: {  	v16 =	vld.idx.msk [tilespmem:v16+s19+$0x0], $0xffff;
	v17 =	vor.u32 v5, v17  }
0x200: {  	s10 =	sld [smem:$0x7F0]  }
0x201: {  	v15 =	vbroadcast v11, $0xB  }
0x202: {  	s9 =	sadd.s32 $0xFFFFFFC0, s30  }
0x203: {  	v15 =	vor.u32 v3, v15;
	v59 =	vmov s9;
	p0 =	seq.s32 s10, $0x1  }
0x204: {  	s1 =	simm.s32 @!p0 $0xC;
	[tilespmem:v17+s2+$0x0] =	vst.idx.msk $0xffff, v16;
	v16 =	vshrl.u32 v59, $0x7  }
0x205: {  	_ =	swait.ge @!p0 [sflag:s1], $0x800;
	v16 =	vshll.u32 v16, $0x7  }
0x206: {  	[sflag:s1] =	ssyncset.done @!p0 $0x0;
	v16 =	vbroadcast v16, $0x0  }
0x207: {  	[sflag:s1] =	ssyncadd.s32 @!p0 $0xFFFFF800  }
0x208: {  	v15 =	vld.idx.msk [tilespmem:v15+s19+$0x0], $0xffff;
	v16 =	vor.u32 v6, v16;
	_ =	sdelay $0x1  }
0x209: {  	v14 =	vbroadcast v11, $0xC  }
0x20a: {  	s12 =	sadd.s32 $0xFFFFFFD0, s30  }
0x20b: {  	v14 =	vor.u32 v3, v14;
	v60 =	vmov s12  }
0x20c: {  	s1 =	simm.s32 @!p2 $0xD;
	[tilespmem:v16+s2+$0x0] =	vst.idx.msk $0xffff, v15;
	v15 =	vshrl.u32 v60, $0x7  }
0x20d: {  	_ =	swait.ge @!p2 [sflag:s1], $0x800;
	v15 =	vshll.u32 v15, $0x7  }
0x20e: {  	[sflag:s1] =	ssyncset.done @!p2 $0x0;
	v15 =	vbroadcast v15, $0x0  }
0x20f: {  	[sflag:s1] =	ssyncadd.s32 @!p2 $0xFFFFF800  }
0x210: {  	v14 =	vld.idx.msk [tilespmem:v14+s19+$0x0], $0xffff;
	v15 =	vor.u32 v7, v15  }
0x211: {  	s14 =	sld [smem:$0x7F1]  }
0x212: {  	v13 =	vbroadcast v11, $0xD  }
0x213: {  	s13 =	sadd.s32 $0xFFFFFFE0, s30  }
0x214: {  	v13 =	vor.u32 v3, v13;
	v61 =	vmov s13;
	p0 =	seq.s32 s14, $0x1  }
0x215: {  	s1 =	simm.s32 @!p0 $0xE;
	[tilespmem:v15+s2+$0x0] =	vst.idx.msk $0xffff, v14;
	v14 =	vshrl.u32 v61, $0x7  }
0x216: {  	_ =	swait.ge @!p0 [sflag:s1], $0x800;
	v14 =	vshll.u32 v14, $0x7  }
0x217: {  	[sflag:s1] =	ssyncset.done @!p0 $0x0;
	v14 =	vbroadcast v14, $0x0  }
0x218: {  	[sflag:s1] =	ssyncadd.s32 @!p0 $0xFFFFF800  }
0x219: {  	v13 =	vld.idx.msk [tilespmem:v13+s19+$0x0], $0xffff;
	v14 =	vor.u32 v8, v14;
	_ =	sdelay $0x1  }
0x21a: {  	v12 =	vbroadcast v11, $0xE  }
0x21b: {  	s15 =	sadd.s32 $0xFFFFFFF0, s30  }
0x21c: {  	v12 =	vor.u32 v3, v12;
	v62 =	vmov s15  }
0x21d: {  	s1 =	simm.s32 @!p1 $0xF;
	[tilespmem:v14+s2+$0x0] =	vst.idx.msk $0xffff, v13;
	v13 =	vshrl.u32 v62, $0x7  }
0x21e: {  	_ =	swait.ge @!p1 [sflag:s1], $0x800;
	v13 =	vshll.u32 v13, $0x7  }
0x21f: {  	[sflag:s1] =	ssyncset.done @!p1 $0x0;
	v13 =	vbroadcast v13, $0x0  }
0x220: {  	[sflag:s1] =	ssyncadd.s32 @!p1 $0xFFFFF800  }
0x221: {  	v12 =	vld.idx.msk [tilespmem:v12+s19+$0x0], $0xffff;
	v13 =	vor.u32 v9, v13;
	_ =	sdelay $0x1  }
0x222: {  	v11 =	vbroadcast v11, $0xF;
	_ =	sdelay $0x1  }
0x223: {  	v63 =	vmov s30;
	v11 =	vor.u32 v3, v11  }
0x224: {  	s0 =	simm.s32 @!p4 $0x10;
	[tilespmem:v13+s2+$0x0] =	vst.idx.msk $0xffff, v12;
	v12 =	vshrl.u32 v63, $0x7  }
0x225: {  	_ =	swait.ge @!p4 [sflag:s0], $0x800;
	v12 =	vshll.u32 v12, $0x7  }
0x226: {  	[sflag:s0] =	ssyncset.done @!p4 $0x0;
	v12 =	vbroadcast v12, $0x0  }
0x227: {  	[sflag:s0] =	ssyncadd.s32 @!p4 $0xFFFFF800  }
0x228: {  	v11 =	vld.idx.msk [tilespmem:v11+s19+$0x0], $0xffff;
	v12 =	vor.u32 v10, v12;
	_ =	sdelay $0x4  }
0x229: {  	[tilespmem:v12+s2+$0x0] =	vst.idx.msk $0xffff, v11  }
0x22a: {  	v11 =	vld [tilespmem:s11+$0x0];
	_ =	sdelay $0x4  }
0x22b: {  	v11 =	vshll.u32 v11, $0x1  }
0x22c: {  	(v2sf) =	vpush v11, $0x0  }
0x22d: {  	(v2sf) =	vpush v11, $0x1  }
0x22e: {  	(v2sf) =	vpush v11, $0x2;
	_ =	sdelay $0x1  }
0x22f: {  	(v2sf) =	vpush v11, $0x3;
	_ =	sdelay $0x1  }
0x230: {  	(v2sf) =	vpush v11, $0x4;
	_ =	sdelay $0x1  }
0x231: {  	s22 =	smov.u32 s20;
	(v2sf) =	vpush v11, $0x5  }
0x232: {  	s17 =	sadd.s32 $0x10, s17;
	s29 =	simm.s32 $0x7A1400;
	s28 =	simm.s32 $0x400  }
0x233: {  	s24 =	simm.s32 $0x0;
	s31 =	sadd.s32 $0xFFFFFFF0, s20;
	s8 =	sadd.s32 $0xFFFFFFA0, s22;
	(v2sf) =	vpush v11, $0x6  }
0x234: {  	s4 =	sadd.s32 $0xFFFFFFC0, s22;
	s6 =	sadd.s32 $0xFFFFFF80, s22;
	s9 =	sadd.s32 $0xFFFFFF70, s22  }
0x235: {  	s12 =	sadd.s32 $0xFFFFFF30, s22;
	s25 =	sadd.s32 $0xFFFFFF10, s22;
	s3 =	sadd.s32 $0xFFFFFF50, s22;
	(v2sf) =	vpush v11, $0x7  }
0x236: {  	s5 =	sadd.s32 $0xFFFFFF60, s22;
	s7 =	sadd.s32 $0xFFFFFFB0, s22;
	s10 =	sadd.s32 $0xFFFFFF20, s22  }
0x237: {  	s1 =	sadd.s32 $0xFFFFFF40, s22;
	s16 =	rddreg [dreg:$0x6];
	s0 =	sadd.s32 $0xFFFFFFE0, s20;
	(v2sf) =	vpush v11, $0x8  }
0x238: {  	s20 =	sadd.s32 $0x100, s20;
	s19 =	sadd.s32 $0x10, s16;
	s23 =	spop (v2sf)  }
0x239: {  	s2 =	sadd.s32 $0xFFFFFF90, s22;
	s13 =	sand.u32 $0x1FFFFFFE, s23;
	s26 =	spop (v2sf);
	(v2sf) =	vpush v11, $0x9  }
0x23a: {  	s13 =	sadd.s32 s21, s13;
	s15 =	sand.u32 $0x1FFFFFFE, s26;
	s30 =	spop (v2sf)  }
0x23b: {  	[hbm4b:s13+s24] =	stream.linear.scatter [tilespmem:s25], [sflag:$0x11], $0x10, $0x38;
	[tilespmem:$0x14800] =	vst v63  }
0x23c: {  	s15 =	sadd.s32 s21, s15;
	s16 =	sand.u32 $0x1FFFFFFE, s30;
	s23 =	spop (v2sf)  }
0x23d: {  	[hbm4b:s15+s24] =	stream.linear.scatter [tilespmem:s10], [sflag:$0x11], $0x10, $0x38;
	[tilespmem:$0x14800] =	vst v63  }
0x23e: {  	(v2sf) =	vpush v11, $0xA;
	s25 =	sadd.s32 s21, s16;
	s26 =	sand.u32 $0x1FFFFFFE, s23;
	s30 =	spop (v2sf)  }
0x23f: {  	[hbm4b:s25+s24] =	stream.linear.scatter [tilespmem:s12], [sflag:$0x11], $0x10, $0x38;
	[tilespmem:$0x14800] =	vst v63  }
0x240: {  	(v2sf) =	vpush v11, $0xB;
	s15 =	sadd.s32 s21, s26;
	s16 =	sand.u32 $0x1FFFFFFE, s30;
	s23 =	spop (v2sf)  }
0x241: {  	(v2sf) =	vpush v11, $0xC;
	[hbm4b:s15+s24] =	stream.linear.scatter [tilespmem:s1], [sflag:$0x11], $0x10, $0x38;
	[tilespmem:$0x14800] =	vst v63  }
0x242: {  	s26 =	sand.u32 $0x1FFFFFFE, s23;
	s30 =	spop (v2sf);
	s25 =	sadd.s32 s21, s16  }
0x243: {  	(v2sf) =	vpush v11, $0xD;
	[hbm4b:s25+s24] =	stream.linear.scatter [tilespmem:s3], [sflag:$0x11], $0x10, $0x38;
	[tilespmem:$0x14800] =	vst v63  }
0x244: {  	s10 =	sadd.s32 s21, s26;
	s13 =	sand.u32 $0x1FFFFFFE, s30;
	s14 =	spop (v2sf)  }
0x245: {  	[hbm4b:s10+s24] =	stream.linear.scatter [tilespmem:s5], [sflag:$0x11], $0x10, $0x38;
	[tilespmem:$0x14800] =	vst v63  }
0x246: {  	s16 =	sand.u32 $0x1FFFFFFE, s14;
	s23 =	spop (v2sf);
	s15 =	sadd.s32 s21, s13  }
0x247: {  	[hbm4b:s15+s24] =	stream.linear.scatter [tilespmem:s9], [sflag:$0x11], $0x10, $0x38;
	[tilespmem:$0x14800] =	vst v63  }
0x248: {  	s1 =	rddreg [dreg:$0x5];
	s25 =	sadd.s32 s21, s16;
	s30 =	spop (v2sf)  }
0x249: {  	[hbm4b:s25+s24] =	stream.linear.scatter [tilespmem:s6], [sflag:$0x11], $0x10, $0x38;
	[tilespmem:$0x14800] =	vst v63  }
0x24a: {  	s26 =	sand.u32 $0x1FFFFFFE, s23;
	s10 =	sand.u32 $0x1FFFFFFE, s30;
	s30 =	sld [smem:$0x7F2]  }
0x24b: {  	s11 =	sadd.s32 $0x10, s11;
	s5 =	rddreg [dreg:$0x7];
	s9 =	sadd.s32 s21, s26  }
0x24c: {  	[hbm4b:s9+s24] =	stream.linear.scatter [tilespmem:s2], [sflag:$0x11], $0x10, $0x38;
	[tilespmem:$0x14800] =	vst v63  }
0x24d: {  	s12 =	spop (v2sf);
	s13 =	sadd.s32 s21, s10;
	p0 =	seq.s32 s30, $0x1  }
0x24e: {  	[hbm4b:s13+s24] =	stream.linear.scatter [tilespmem:s8], [sflag:$0x11], $0x10, $0x38;
	[tilespmem:$0x14800] =	vst v63  }
.Ltmp0:
0x24f: {  	s14 =	sand.u32 $0x1FFFFFFE, s12;
	s15 =	spop (v2sf);
	(pc) =	sbr.rel @p0 .LBB2_2-.Ltmp0, $4  }
0x250: {  	s16 =	sadd.s32 s21, s14;
	s23 =	sand.u32 $0x1FFFFFFE, s15;
	s25 =	spop (v2sf)  }
0x251: {  	[hbm4b:s16+s24] =	stream.linear.scatter [tilespmem:s7], [sflag:$0x11], $0x10, $0x38;
	[tilespmem:$0x14800] =	vst v63  }
0x252: {  	(v2sf) =	vpush v11, $0xE;
	s26 =	sadd.s32 s21, s23;
	s2 =	sand.u32 $0x1FFFFFFE, s25;
	s6 =	spop (v2sf)  }
0x253: {  	(v2sf) =	vpush v11, $0xF;
	[hbm4b:s26+s24] =	stream.linear.scatter [tilespmem:s4], [sflag:$0x11], $0x10, $0x38;
	[tilespmem:$0x14800] =	vst v63  }
0x254: {  	_ =	sdelay $0x8  }
0x255: {  	s1 =	sadd.s32 s21, s2;
	s15 =	sand.u32 $0x1FFFFFFE, s6  }
0x256: {  	[hbm4b:s1+s24] =	stream.linear.scatter [tilespmem:s5], [sflag:$0x11], $0x10, $0x38;
	[tilespmem:$0x14800] =	vst v63  }
0x257: {  	s16 =	sadd.s32 s21, s15  }
0x258: {  	[hbm4b:s16+s24] =	stream.linear.scatter [tilespmem:s0], [sflag:$0x11], $0x10, $0x38;
	[tilespmem:$0x14800] =	vst v63  }
0x259: {  	s3 =	spop (v2sf)  }
0x25a: {  	s17 =	sand.u32 $0x1FFFFFFE, s3;
	s19 =	spop (v2sf)  }
0x25b: {  	s20 =	sadd.s32 s21, s17;
	s23 =	sand.u32 $0x1FFFFFFE, s19  }
0x25c: {  	[hbm4b:s20+s24] =	stream.linear.scatter [tilespmem:s31], [sflag:$0x11], $0x10, $0x38;
	[tilespmem:$0x14800] =	vst v63  }
0x25d: {  	s26 =	simm.s32 $0x11;
	s30 =	simm.s32 $0x800;
	s25 =	sadd.s32 s21, s23  }
0x25e: {  	[hbm4b:s25+s24] =	stream.linear.scatter [tilespmem:s22], [sflag:$0x11], $0x10, $0x38;
	[tilespmem:$0x14800] =	vst v63  }
0x25f: {  	s19 =	simm.s32 $0x12800;
	s23 =	simm.s32 $0x128F0;
	_ =	swait.ge [sflag:s26], $0x2000  }
0x260: {  	s20 =	simm.s32 $0x0;
	s31 =	simm.s32 $0x1;
	[sflag:s26] =	ssyncset.done $0x0  }
0x261: {  	s22 =	simm.s32 $0xF0;
	s17 =	rddreg [dreg:$0x11];
	[sflag:s26] =	ssyncadd.s32 $0xFFFFE000  }
0x262: {  	s25 =	simm.s32 $0x400;
	s26 =	simm.s32 $0x600;
	s16 =	rddreg [dreg:$0x3]  }
.LBB2_4:
0x263: {  	v12 =	vld [tilespmem:s25+$0x0];
	s0 =	smax.u32 s20, $0x1  }
0x264: {  	v11 =	vld [tilespmem:s0+$0x3FF];
	_ =	sdelay $0x4  }
0x265: {  	p0 =	seq.s32 s22, $0xF0;
	vm2 =	vmmov vm0;
	v11 =	vxor.u32 v12, v11  }
0x266: {  	vm2 =	vmneg @p0 vm2;
	vm3 =	vgt.u32 v11, $0x7F  }
0x267: {  	vm2 =	vmor vm3, vm2  }
0x268: {  	v11 =	vand.u32 $0xFFFFFF80, v12;
	vm2 =	vmor vm2, vm1  }
0x269: {  	(v2sf) =	vpush v11, $0x0;
	v13 =	vsel vm2, $0x1, v0  }
0x26a: {  	(v2sf) =	vpush v13, $0x1;
	_ =	sdelay $0xd  }
0x26b: {  	s11 =	spop (v2sf)  }
0x26c: {  	s2 =	spop (v2sf)  }
0x26d: {  	p3 =	seq.s32 s2, $0x0  }
0x26e: {  	(v2sf) =	vpush @!p3 v11, $0x1  }
0x26f: {  	(v2sf) =	vpush v13, $0x2;
	_ =	sdelay $0xd  }
0x270: {  	s12 =	spop @!p3 (v2sf)  }
0x271: {  	s3 =	spop (v2sf)  }
0x272: {  	p4 =	seq.s32 s3, $0x0  }
0x273: {  	(v2sf) =	vpush @!p4 v11, $0x2  }
0x274: {  	(v2sf) =	vpush v13, $0x3;
	_ =	sdelay $0xd  }
0x275: {  	s13 =	spop @!p4 (v2sf)  }
0x276: {  	s4 =	spop (v2sf)  }
0x277: {  	p5 =	seq.s32 s4, $0x0  }
0x278: {  	(v2sf) =	vpush @!p5 v11, $0x3  }
0x279: {  	(v2sf) =	vpush v13, $0x4;
	_ =	sdelay $0xd  }
0x27a: {  	s14 =	spop @!p5 (v2sf)  }
0x27b: {  	s5 =	spop (v2sf)  }
0x27c: {  	p2 =	seq.s32 s5, $0x0  }
0x27d: {  	(v2sf) =	vpush @!p2 v11, $0x4  }
0x27e: {  	(v2sf) =	vpush v13, $0x5;
	_ =	sdelay $0xd  }
0x27f: {  	s15 =	spop @!p2 (v2sf)  }
0x280: {  	s6 =	spop (v2sf)  }
0x281: {  	p1 =	seq.s32 s6, $0x0  }
0x282: {  	(v2sf) =	vpush @!p1 v11, $0x5  }
0x283: {  	(v2sf) =	vpush v13, $0x6;
	_ =	sdelay $0xd  }
0x284: {  	s10 =	spop @!p1 (v2sf)  }
0x285: {  	s7 =	spop (v2sf)  }
0x286: {  	p0 =	seq.s32 s7, $0x0  }
0x287: {  	(v2sf) =	vpush @!p0 v11, $0x6  }
0x288: {  	(v2sf) =	vpush v13, $0x7;
	_ =	sdelay $0xd  }
0x289: {  	s6 =	spop @!p0 (v2sf)  }
0x28a: {  	s8 =	spop (v2sf)  }
0x28b: {  	p6 =	seq.s32 s8, $0x0  }
0x28c: {  	(v2sf) =	vpush @!p6 v11, $0x7  }
0x28d: {  	(v2sf) =	vpush v13, $0x8;
	_ =	sdelay $0xd  }
0x28e: {  	s7 =	spop @!p6 (v2sf)  }
0x28f: {  	s0 =	simm.s32 @!p0 $0x0;
	s9 =	spop (v2sf)  }
0x290: {  	s0 =	simm.s32 @p0 $0x1;
	p0 =	seq.s32 s9, $0x0  }
0x291: {  	(v2sf) =	vpush @!p0 v11, $0x8  }
0x292: {  	(v2sf) =	vpush v13, $0x9;
	_ =	sdelay $0xd  }
0x293: {  	s8 =	spop @!p0 (v2sf)  }
0x294: {  	[smem:$0x7DC] =	sst s0;
	s0 =	simm.s32 @!p0 $0x0;
	s1 =	spop (v2sf)  }
0x295: {  	s0 =	simm.s32 @p0 $0x1;
	p0 =	seq.s32 s1, $0x0  }
0x296: {  	(v2sf) =	vpush @!p0 v11, $0x9  }
0x297: {  	(v2sf) =	vpush v13, $0xA;
	_ =	sdelay $0xd  }
0x298: {  	s9 =	spop @!p0 (v2sf)  }
0x299: {  	[smem:$0x7DE] =	sst s0;
	s0 =	simm.s32 @!p0 $0x0;
	s2 =	spop (v2sf)  }
0x29a: {  	s0 =	simm.s32 @p0 $0x1;
	p0 =	seq.s32 s2, $0x0  }
0x29b: {  	(v2sf) =	vpush @!p0 v11, $0xA  }
0x29c: {  	(v2sf) =	vpush v13, $0xB;
	_ =	sdelay $0xd  }
0x29d: {  	s4 =	spop @!p0 (v2sf)  }
0x29e: {  	[smem:$0x7DF] =	sst s0;
	s0 =	simm.s32 @!p0 $0x0;
	s3 =	spop (v2sf)  }
0x29f: {  	s0 =	simm.s32 @p0 $0x1;
	p0 =	seq.s32 s3, $0x0  }
0x2a0: {  	(v2sf) =	vpush @!p0 v11, $0xB  }
0x2a1: {  	(v2sf) =	vpush v13, $0xC;
	_ =	sdelay $0xb  }
0x2a2: {  	[smem:$0x7E0] =	sst s0;
	s0 =	simm.s32 @!p0 $0x0  }
0x2a3: {  	s0 =	simm.s32 @p0 $0x1  }
0x2a4: {  	[smem:$0x7E1] =	sst s0;
	s0 =	spop @!p0 (v2sf)  }
0x2a5: {  	s1 =	spop (v2sf)  }
0x2a6: {  	p0 =	seq.s32 s1, $0x0  }
0x2a7: {  	(v2sf) =	vpush @!p0 v11, $0xC  }
0x2a8: {  	(v2sf) =	vpush v13, $0xD;
	_ =	sdelay $0xd  }
0x2a9: {  	s2 =	spop @!p0 (v2sf)  }
0x2aa: {  	s1 =	simm.s32 @!p0 $0x0;
	s5 =	spop (v2sf)  }
0x2ab: {  	s3 =	rddreg [dreg:$0x10];
	s1 =	simm.s32 @p0 $0x1;
	p0 =	seq.s32 s5, $0x0  }
0x2ac: {  	[smem:$0x7E2] =	sst s1;
	s5 =	sadd.s32 s16, s11;
	s1 =	simm.s32 @!p0 $0x0  }
0x2ad: {  	[tilespmem:s3], [sflag:$0x1] =	stream.strided.gather [hbm4b:s5+s28], $0x800, s29, s28, $0x38;
	[tilespmem:$0x14800] =	vst v63  }
0x2ae: {  	s11 =	simm.s32 @!p3 $0x9000;
	(v2sf) =	vpush @!p0 v11, $0xD;
	s3 =	simm.s32 @!p3 $0x400;
	s1 =	simm.s32 @p0 $0x1  }
0x2af: {  	s5 =	simm.s32 @!p3 $0x7A1400;
	(v2sf) =	vpush v13, $0xE;
	[smem:$0x7E3] =	sst s1;
	s1 =	sadd.s32 @!p3 s16, s12  }
0x2b0: {  	[tilespmem:s11], [sflag:$0x2] =	stream.strided.gather @!p3 [hbm4b:s1+s3], $0x800, s5, s3, $0x38;
	[tilespmem:$0x14800] =	vst v63  }
0x2b1: {  	s1 =	sadd.s32 @!p4 s16, s13  }
0x2b2: {  	s3 =	simm.s32 @!p4 $0x400;
	s5 =	simm.s32 @!p4 $0x7A1400;
	s11 =	simm.s32 @!p4 $0x9800  }
0x2b3: {  	[tilespmem:s11], [sflag:$0x3] =	stream.strided.gather @!p4 [hbm4b:s1+s3], $0x800, s5, s3, $0x38;
	[tilespmem:$0x14800] =	vst v63  }
0x2b4: {  	s1 =	sadd.s32 @!p5 s16, s14  }
0x2b5: {  	s3 =	simm.s32 @!p5 $0x400;
	s5 =	simm.s32 @!p5 $0x7A1400;
	s11 =	simm.s32 @!p5 $0xA000  }
0x2b6: {  	[tilespmem:s11], [sflag:$0x4] =	stream.strided.gather @!p5 [hbm4b:s1+s3], $0x800, s5, s3, $0x38;
	[tilespmem:$0x14800] =	vst v63  }
0x2b7: {  	s1 =	simm.s32 @!p2 $0x0  }
0x2b8: {  	s3 =	simm.s32 @!p2 $0x400;
	s5 =	simm.s32 @!p2 $0x7A1400;
	s1 =	simm.s32 @p2 $0x1  }
0x2b9: {  	s11 =	simm.s32 @!p2 $0xA800;
	[smem:$0x7DA] =	sst s1;
	s1 =	sadd.s32 @!p2 s16, s15  }
0x2ba: {  	[tilespmem:s11], [sflag:$0x5] =	stream.strided.gather @!p2 [hbm4b:s1+s3], $0x800, s5, s3, $0x38;
	[tilespmem:$0x14800] =	vst v63  }
0x2bb: {  	s3 =	simm.s32 @!p1 $0x0  }
0x2bc: {  	s12 =	sld [smem:$0x7DC];
	s3 =	simm.s32 @p1 $0x1  }
0x2bd: {  	s5 =	simm.s32 @!p1 $0x400;
	[smem:$0x7DB] =	sst s3;
	s1 =	spop @!p0 (v2sf)  }
0x2be: {  	s3 =	sadd.s32 @!p1 s16, s10;
	s10 =	simm.s32 @!p1 $0x7A1400;
	s11 =	spop (v2sf)  }
0x2bf: {  	p0 =	seq.s32 s12, $0x1;
	p2 =	seq.s32 s11, $0x0;
	s11 =	simm.s32 @!p1 $0xB000  }
0x2c0: {  	[tilespmem:s11], [sflag:$0x6] =	stream.strided.gather @!p1 [hbm4b:s3+s5], $0x800, s10, s5, $0x38;
	[tilespmem:$0x14800] =	vst v63  }
0x2c1: {  	s13 =	sld [smem:$0x7DE];
	s3 =	sadd.s32 @!p0 s16, s6  }
0x2c2: {  	s5 =	simm.s32 @!p0 $0x400;
	s6 =	simm.s32 @!p0 $0x7A1400;
	s10 =	simm.s32 @!p0 $0xB800  }
0x2c3: {  	[tilespmem:s10], [sflag:$0x7] =	stream.strided.gather @!p0 [hbm4b:s3+s5], $0x800, s6, s5, $0x38;
	[tilespmem:$0x14800] =	vst v63  }
0x2c4: {  	s14 =	sld [smem:$0x7DF];
	s3 =	simm.s32 @!p6 $0x0;
	s5 =	simm.s32 @!p6 $0x400  }
0x2c5: {  	s6 =	simm.s32 @!p6 $0x7A1400;
	p0 =	seq.s32 s13, $0x1;
	s3 =	simm.s32 @p6 $0x1  }
0x2c6: {  	(v2sf) =	vpush @!p2 v11, $0xE;
	[smem:$0x7DD] =	sst s3;
	s3 =	sadd.s32 @!p6 s16, s7;
	s7 =	simm.s32 @!p6 $0xC000  }
0x2c7: {  	(v2sf) =	vpush v13, $0xF;
	[tilespmem:s7], [sflag:$0x8] =	stream.strided.gather @!p6 [hbm4b:s3+s5], $0x800, s6, s5, $0x38;
	[tilespmem:$0x14800] =	vst v63  }
0x2c8: {  	p1 =	seq.s32 s14, $0x1;
	s3 =	sadd.s32 @!p0 s16, s8  }
0x2c9: {  	s5 =	simm.s32 @!p0 $0x400;
	s6 =	simm.s32 @!p0 $0x7A1400;
	s7 =	simm.s32 @!p0 $0xC800  }
0x2ca: {  	[tilespmem:s7], [sflag:$0x9] =	stream.strided.gather @!p0 [hbm4b:s3+s5], $0x800, s6, s5, $0x38;
	[tilespmem:$0x14800] =	vst v63  }
0x2cb: {  	s3 =	sadd.s32 @!p1 s16, s9  }
0x2cc: {  	s5 =	simm.s32 @!p1 $0x400;
	s6 =	simm.s32 @!p1 $0x7A1400;
	s7 =	simm.s32 @!p1 $0xD000  }
0x2cd: {  	[tilespmem:s7], [sflag:$0xA] =	stream.strided.gather @!p1 [hbm4b:s3+s5], $0x800, s6, s5, $0x38;
	[tilespmem:$0x14800] =	vst v63  }
0x2ce: {  	s6 =	sld [smem:$0x7E0];
	_ =	sdelay $0x2  }
0x2cf: {  	p0 =	seq.s32 s6, $0x1  }
0x2d0: {  	s4 =	sadd.s32 @!p0 s16, s4  }
0x2d1: {  	s5 =	simm.s32 @!p0 $0x400;
	s6 =	simm.s32 @!p0 $0x7A1400;
	s7 =	simm.s32 @!p0 $0xD800  }
0x2d2: {  	[tilespmem:s7], [sflag:$0xB] =	stream.strided.gather @!p0 [hbm4b:s4+s5], $0x800, s6, s5, $0x38;
	[tilespmem:$0x14800] =	vst v63  }
0x2d3: {  	s7 =	sld [smem:$0x7E1];
	s3 =	spop @!p2 (v2sf)  }
0x2d4: {  	s15 =	spop (v2sf)  }
0x2d5: {  	p1 =	seq.s32 s15, $0x0  }
0x2d6: {  	p0 =	seq.s32 s7, $0x1;
	(v2sf) =	vpush @!p1 v11, $0xF  }
0x2d7: {  	s8 =	sld [smem:$0x7E2];
	s0 =	sadd.s32 @!p0 s16, s0  }
0x2d8: {  	s4 =	simm.s32 @!p0 $0x400;
	s5 =	simm.s32 @!p0 $0x7A1400;
	s6 =	simm.s32 @!p0 $0xE000  }
0x2d9: {  	[tilespmem:s6], [sflag:$0xC] =	stream.strided.gather @!p0 [hbm4b:s0+s4], $0x800, s5, s4, $0x38;
	[tilespmem:$0x14800] =	vst v63  }
0x2da: {  	p0 =	seq.s32 s8, $0x1  }
0x2db: {  	s9 =	sld [smem:$0x7E3];
	s0 =	sadd.s32 @!p0 s16, s2  }
0x2dc: {  	s2 =	simm.s32 @!p0 $0x400;
	s4 =	simm.s32 @!p0 $0x7A1400;
	s5 =	simm.s32 @!p0 $0xE800  }
0x2dd: {  	[tilespmem:s5], [sflag:$0xD] =	stream.strided.gather @!p0 [hbm4b:s0+s2], $0x800, s4, s2, $0x38;
	[tilespmem:$0x14800] =	vst v63  }
0x2de: {  	p0 =	seq.s32 s9, $0x1  }
0x2df: {  	v11 =	vnsel vm2, $0x80000000, v2;
	s0 =	sadd.s32 @!p0 s16, s1  }
0x2e0: {  	(xrf0) =	vmax.scan.msk.u32 $0xffff, v11;
	s1 =	simm.s32 @!p0 $0x400;
	s2 =	simm.s32 @!p0 $0x7A1400;
	s4 =	simm.s32 @!p0 $0xF000  }
0x2e1: {  	[tilespmem:s4], [sflag:$0xE] =	stream.strided.gather @!p0 [hbm4b:s0+s1], $0x800, s2, s1, $0x38;
	[tilespmem:$0x14800] =	vst v63  }
0x2e2: {  	s0 =	sadd.s32 @!p2 s16, s3  }
0x2e3: {  	s1 =	simm.s32 @!p2 $0x400;
	s2 =	simm.s32 @!p2 $0x7A1400;
	s3 =	simm.s32 @!p2 $0xF800  }
0x2e4: {  	[tilespmem:s3], [sflag:$0xF] =	stream.strided.gather @!p2 [hbm4b:s0+s1], $0x800, s2, s1, $0x38;
	[tilespmem:$0x14800] =	vst v63  }
0x2e5: {  	s1 =	simm.s32 @!p1 $0x400;
	s0 =	spop @!p1 (v2sf)  }
0x2e6: {  	s2 =	simm.s32 @!p1 $0x7A1400;
	s3 =	simm.s32 @!p1 $0x10000;
	s0 =	sadd.s32 @!p1 s16, s0  }
0x2e7: {  	v11, _, _ =	vpop (xrf0);
	[tilespmem:s3], [sflag:$0x10] =	stream.strided.gather @!p1 [hbm4b:s0+s1], $0x800, s2, s1, $0x38;
	[tilespmem:$0x14800] =	vst v63  }
0x2e8: {  	v11 =	vxor.u32 $0x80000000, v11;
	_ =	swait.ge [sflag:s31], $0x800  }
0x2e9: {  	(v2sf) =	vpush v11, $0x0;
	_ =	sdelay $0xe  }
0x2ea: {  	s10 =	spop (v2sf)  }
0x2eb: {  	s0 =	sshll.u32 s10, $0xB  }
0x2ec: {  	v12 =	vand.u32 $0x7F, v12;
	s0 =	sadd.s32 $0x8000, s0  }
0x2ed: {  	v34 =	vor.u32 s0, v12  }
0x2ee: {  	v13 =	vbroadcast v34, $0x0  }
0x2ef: {  	s11 =	sadd.s32 $0xFFFFFF10, s22  }
0x2f0: {  	v14 =	vmov s11;
	v13 =	vor.u32 v3, v13  }
0x2f1: {  	v14 =	vshrl.u32 v14, $0x7  }
0x2f2: {  	v14 =	vshll.u32 v14, $0x7  }
0x2f3: {  	v14 =	vbroadcast v14, $0x0;
	[sflag:s31] =	ssyncset.done $0x0  }
0x2f4: {  	[sflag:s31] =	ssyncadd.s32 $0xFFFFF800  }
0x2f5: {  	v14 =	vor.u32 v1, v14;
	v13 =	vld.idx.msk [tilespmem:v13+s30+$0x0], $0xffff;
	_ =	sdelay $0x4  }
0x2f6: {  	s0 =	simm.s32 @!p3 $0x2;
	[tilespmem:v14+s19+$0x0] =	vst.idx.msk $0xffff, v13  }
0x2f7: {  	_ =	swait.ge @!p3 [sflag:s0], $0x800  }
0x2f8: {  	(v2sf) =	vpush v11, $0x1;
	_ =	sdelay $0xe  }
0x2f9: {  	s12 =	spop (v2sf)  }
0x2fa: {  	v35 =	vbroadcast v12, $0x1;
	s1 =	sshll.u32 s12, $0xB  }
0x2fb: {  	s1 =	sadd.s32 $0x8000, s1  }
0x2fc: {  	s13 =	sadd.s32 $0xFFFFFF20, s22;
	v13 =	vor.u32 s1, v35  }
0x2fd: {  	v36 =	vmov s13;
	v13 =	vor.u32 v3, v13  }
0x2fe: {  	v14 =	vshrl.u32 v36, $0x7  }
0x2ff: {  	v14 =	vshll.u32 v14, $0x7  }
0x300: {  	[sflag:s0] =	ssyncset.done @!p3 $0x0;
	v14 =	vbroadcast v14, $0x0  }
0x301: {  	[sflag:s0] =	ssyncadd.s32 @!p3 $0xFFFFF800  }
0x302: {  	v14 =	vor.u32 v4, v14;
	v13 =	vld.idx.msk [tilespmem:v13+s30+$0x0], $0xffff;
	_ =	sdelay $0x4  }
0x303: {  	s0 =	simm.s32 @!p4 $0x3;
	[tilespmem:v14+s19+$0x0] =	vst.idx.msk $0xffff, v13  }
0x304: {  	_ =	swait.ge @!p4 [sflag:s0], $0x800  }
0x305: {  	(v2sf) =	vpush v11, $0x2;
	_ =	sdelay $0xe  }
0x306: {  	s14 =	spop (v2sf)  }
0x307: {  	v37 =	vbroadcast v12, $0x2;
	s1 =	sshll.u32 s14, $0xB  }
0x308: {  	s1 =	sadd.s32 $0x8000, s1  }
0x309: {  	s15 =	sadd.s32 $0xFFFFFF30, s22;
	v13 =	vor.u32 s1, v37  }
0x30a: {  	v38 =	vmov s15;
	v13 =	vor.u32 v3, v13  }
0x30b: {  	v14 =	vshrl.u32 v38, $0x7  }
0x30c: {  	v14 =	vshll.u32 v14, $0x7  }
0x30d: {  	[sflag:s0] =	ssyncset.done @!p4 $0x0;
	v14 =	vbroadcast v14, $0x0  }
0x30e: {  	[sflag:s0] =	ssyncadd.s32 @!p4 $0xFFFFF800  }
0x30f: {  	v14 =	vor.u32 v5, v14;
	v13 =	vld.idx.msk [tilespmem:v13+s30+$0x0], $0xffff;
	_ =	sdelay $0x4  }
0x310: {  	s0 =	simm.s32 @!p5 $0x4;
	[tilespmem:v14+s19+$0x0] =	vst.idx.msk $0xffff, v13  }
0x311: {  	_ =	swait.ge @!p5 [sflag:s0], $0x800  }
0x312: {  	(v2sf) =	vpush v11, $0x3;
	_ =	sdelay $0xe  }
0x313: {  	s2 =	spop (v2sf)  }
0x314: {  	v39 =	vbroadcast v12, $0x3;
	s1 =	sshll.u32 s2, $0xB  }
0x315: {  	s1 =	sadd.s32 $0x8000, s1  }
0x316: {  	s3 =	sadd.s32 $0xFFFFFF40, s22;
	v13 =	vor.u32 s1, v39  }
0x317: {  	v40 =	vmov s3;
	v13 =	vor.u32 v3, v13  }
0x318: {  	v14 =	vshrl.u32 v40, $0x7  }
0x319: {  	v14 =	vshll.u32 v14, $0x7  }
0x31a: {  	[sflag:s0] =	ssyncset.done @!p5 $0x0;
	v14 =	vbroadcast v14, $0x0  }
0x31b: {  	[sflag:s0] =	ssyncadd.s32 @!p5 $0xFFFFF800  }
0x31c: {  	v14 =	vor.u32 v6, v14;
	v13 =	vld.idx.msk [tilespmem:v13+s30+$0x0], $0xffff  }
0x31d: {  	s4 =	sld [smem:$0x7DA];
	_ =	sdelay $0x2  }
0x31e: {  	p0 =	por p1, p1;
	p1 =	seq.s32 s4, $0x1  }
0x31f: {  	s0 =	simm.s32 @!p1 $0x5;
	[tilespmem:v14+s19+$0x0] =	vst.idx.msk $0xffff, v13  }
0x320: {  	_ =	swait.ge @!p1 [sflag:s0], $0x800  }
0x321: {  	(v2sf) =	vpush v11, $0x4;
	_ =	sdelay $0xe  }
0x322: {  	s5 =	spop (v2sf)  }
0x323: {  	v41 =	vbroadcast v12, $0x4;
	s1 =	sshll.u32 s5, $0xB  }
0x324: {  	s1 =	sadd.s32 $0x8000, s1  }
0x325: {  	s6 =	sadd.s32 $0xFFFFFF50, s22;
	v13 =	vor.u32 s1, v41  }
0x326: {  	v42 =	vmov s6;
	v13 =	vor.u32 v3, v13  }
0x327: {  	v14 =	vshrl.u32 v42, $0x7  }
0x328: {  	v14 =	vshll.u32 v14, $0x7  }
0x329: {  	[sflag:s0] =	ssyncset.done @!p1 $0x0;
	v14 =	vbroadcast v14, $0x0  }
0x32a: {  	[sflag:s0] =	ssyncadd.s32 @!p1 $0xFFFFF800  }
0x32b: {  	v14 =	vor.u32 v7, v14;
	v13 =	vld.idx.msk [tilespmem:v13+s30+$0x0], $0xffff  }
0x32c: {  	s7 =	sld [smem:$0x7DB];
	_ =	sdelay $0x2  }
0x32d: {  	p1 =	seq.s32 s7, $0x1  }
0x32e: {  	s0 =	simm.s32 @!p1 $0x6;
	[tilespmem:v14+s19+$0x0] =	vst.idx.msk $0xffff, v13  }
0x32f: {  	_ =	swait.ge @!p1 [sflag:s0], $0x800  }
0x330: {  	(v2sf) =	vpush v11, $0x5;
	_ =	sdelay $0xe  }
0x331: {  	s8 =	spop (v2sf)  }
0x332: {  	v43 =	vbroadcast v12, $0x5;
	s1 =	sshll.u32 s8, $0xB  }
0x333: {  	s1 =	sadd.s32 $0x8000, s1  }
0x334: {  	s9 =	sadd.s32 $0xFFFFFF60, s22;
	v13 =	vor.u32 s1, v43  }
0x335: {  	v44 =	vmov s9;
	v13 =	vor.u32 v3, v13  }
0x336: {  	v14 =	vshrl.u32 v44, $0x7  }
0x337: {  	v14 =	vshll.u32 v14, $0x7  }
0x338: {  	[sflag:s0] =	ssyncset.done @!p1 $0x0;
	v14 =	vbroadcast v14, $0x0  }
0x339: {  	[sflag:s0] =	ssyncadd.s32 @!p1 $0xFFFFF800  }
0x33a: {  	v14 =	vor.u32 v8, v14;
	v13 =	vld.idx.msk [tilespmem:v13+s30+$0x0], $0xffff  }
0x33b: {  	s10 =	sld [smem:$0x7DC];
	_ =	sdelay $0x2  }
0x33c: {  	p1 =	seq.s32 s10, $0x1  }
0x33d: {  	s0 =	simm.s32 @!p1 $0x7;
	[tilespmem:v14+s19+$0x0] =	vst.idx.msk $0xffff, v13  }
0x33e: {  	_ =	swait.ge @!p1 [sflag:s0], $0x800  }
0x33f: {  	(v2sf) =	vpush v11, $0x6;
	_ =	sdelay $0xe  }
0x340: {  	s11 =	spop (v2sf)  }
0x341: {  	v45 =	vbroadcast v12, $0x6;
	s1 =	sshll.u32 s11, $0xB  }
0x342: {  	s1 =	sadd.s32 $0x8000, s1  }
0x343: {  	s12 =	sadd.s32 $0xFFFFFF70, s22;
	v13 =	vor.u32 s1, v45  }
0x344: {  	v46 =	vmov s12;
	v13 =	vor.u32 v3, v13  }
0x345: {  	v14 =	vshrl.u32 v46, $0x7  }
0x346: {  	v14 =	vshll.u32 v14, $0x7  }
0x347: {  	[sflag:s0] =	ssyncset.done @!p1 $0x0;
	v14 =	vbroadcast v14, $0x0  }
0x348: {  	[sflag:s0] =	ssyncadd.s32 @!p1 $0xFFFFF800  }
0x349: {  	v14 =	vor.u32 v9, v14;
	v13 =	vld.idx.msk [tilespmem:v13+s30+$0x0], $0xffff  }
0x34a: {  	s13 =	sld [smem:$0x7DD];
	_ =	sdelay $0x2  }
0x34b: {  	p1 =	seq.s32 s13, $0x1  }
0x34c: {  	s0 =	simm.s32 @!p1 $0x8;
	[tilespmem:v14+s19+$0x0] =	vst.idx.msk $0xffff, v13  }
0x34d: {  	_ =	swait.ge @!p1 [sflag:s0], $0x800  }
0x34e: {  	(v2sf) =	vpush v11, $0x7;
	_ =	sdelay $0xe  }
0x34f: {  	s14 =	spop (v2sf)  }
0x350: {  	v47 =	vbroadcast v12, $0x7;
	s1 =	sshll.u32 s14, $0xB  }
0x351: {  	s1 =	sadd.s32 $0x8000, s1  }
0x352: {  	s15 =	sadd.s32 $0xFFFFFF80, s22;
	v13 =	vor.u32 s1, v47  }
0x353: {  	v48 =	vmov s15;
	v13 =	vor.u32 v3, v13  }
0x354: {  	v14 =	vshrl.u32 v48, $0x7  }
0x355: {  	v14 =	vshll.u32 v14, $0x7  }
0x356: {  	[sflag:s0] =	ssyncset.done @!p1 $0x0;
	v14 =	vbroadcast v14, $0x0  }
0x357: {  	[sflag:s0] =	ssyncadd.s32 @!p1 $0xFFFFF800  }
0x358: {  	v14 =	vor.u32 v10, v14;
	v13 =	vld.idx.msk [tilespmem:v13+s30+$0x0], $0xffff  }
0x359: {  	s1 =	sld [smem:$0x7DE];
	_ =	sdelay $0x2  }
0x35a: {  	p1 =	seq.s32 s1, $0x1  }
0x35b: {  	s0 =	simm.s32 @!p1 $0x9;
	[tilespmem:v14+s19+$0x0] =	vst.idx.msk $0xffff, v13  }
0x35c: {  	_ =	swait.ge @!p1 [sflag:s0], $0x800  }
0x35d: {  	(v2sf) =	vpush v11, $0x8;
	_ =	sdelay $0xe  }
0x35e: {  	s2 =	spop (v2sf)  }
0x35f: {  	v49 =	vbroadcast v12, $0x8;
	s1 =	sshll.u32 s2, $0xB  }
0x360: {  	s1 =	sadd.s32 $0x8000, s1  }
0x361: {  	s3 =	sadd.s32 $0xFFFFFF90, s22;
	v13 =	vor.u32 s1, v49  }
0x362: {  	v50 =	vmov s3;
	v13 =	vor.u32 v3, v13  }
0x363: {  	v14 =	vshrl.u32 v50, $0x7  }
0x364: {  	v14 =	vshll.u32 v14, $0x7  }
0x365: {  	[sflag:s0] =	ssyncset.done @!p1 $0x0;
	v14 =	vbroadcast v14, $0x0  }
0x366: {  	[sflag:s0] =	ssyncadd.s32 @!p1 $0xFFFFF800  }
0x367: {  	v14 =	vor.u32 v1, v14;
	v13 =	vld.idx.msk [tilespmem:v13+s30+$0x0], $0xffff  }
0x368: {  	s4 =	sld [smem:$0x7DF];
	_ =	sdelay $0x2  }
0x369: {  	p1 =	seq.s32 s4, $0x1  }
0x36a: {  	s0 =	simm.s32 @!p1 $0xA;
	[tilespmem:v14+s19+$0x0] =	vst.idx.msk $0xffff, v13  }
0x36b: {  	_ =	swait.ge @!p1 [sflag:s0], $0x800  }
0x36c: {  	(v2sf) =	vpush v11, $0x9;
	_ =	sdelay $0xe  }
0x36d: {  	s5 =	spop (v2sf)  }
0x36e: {  	v51 =	vbroadcast v12, $0x9;
	s1 =	sshll.u32 s5, $0xB  }
0x36f: {  	s1 =	sadd.s32 $0x8000, s1  }
0x370: {  	s6 =	sadd.s32 $0xFFFFFFA0, s22;
	v13 =	vor.u32 s1, v51  }
0x371: {  	v52 =	vmov s6;
	v13 =	vor.u32 v3, v13  }
0x372: {  	v14 =	vshrl.u32 v52, $0x7  }
0x373: {  	v14 =	vshll.u32 v14, $0x7  }
0x374: {  	[sflag:s0] =	ssyncset.done @!p1 $0x0;
	v14 =	vbroadcast v14, $0x0  }
0x375: {  	[sflag:s0] =	ssyncadd.s32 @!p1 $0xFFFFF800  }
0x376: {  	v14 =	vor.u32 v4, v14;
	v13 =	vld.idx.msk [tilespmem:v13+s30+$0x0], $0xffff  }
0x377: {  	s7 =	sld [smem:$0x7E0];
	_ =	sdelay $0x2  }
0x378: {  	p1 =	seq.s32 s7, $0x1  }
0x379: {  	s0 =	simm.s32 @!p1 $0xB;
	[tilespmem:v14+s19+$0x0] =	vst.idx.msk $0xffff, v13  }
0x37a: {  	_ =	swait.ge @!p1 [sflag:s0], $0x800  }
0x37b: {  	(v2sf) =	vpush v11, $0xA;
	_ =	sdelay $0xe  }
0x37c: {  	s8 =	spop (v2sf)  }
0x37d: {  	v53 =	vbroadcast v12, $0xA;
	s1 =	sshll.u32 s8, $0xB  }
0x37e: {  	s1 =	sadd.s32 $0x8000, s1  }
0x37f: {  	s9 =	sadd.s32 $0xFFFFFFB0, s22;
	v13 =	vor.u32 s1, v53  }
0x380: {  	v54 =	vmov s9;
	v13 =	vor.u32 v3, v13  }
0x381: {  	v14 =	vshrl.u32 v54, $0x7  }
0x382: {  	v14 =	vshll.u32 v14, $0x7  }
0x383: {  	[sflag:s0] =	ssyncset.done @!p1 $0x0;
	v14 =	vbroadcast v14, $0x0  }
0x384: {  	[sflag:s0] =	ssyncadd.s32 @!p1 $0xFFFFF800  }
0x385: {  	v14 =	vor.u32 v5, v14;
	v13 =	vld.idx.msk [tilespmem:v13+s30+$0x0], $0xffff  }
0x386: {  	s10 =	sld [smem:$0x7E1];
	_ =	sdelay $0x2  }
0x387: {  	p1 =	seq.s32 s10, $0x1  }
0x388: {  	s0 =	simm.s32 @!p1 $0xC;
	[tilespmem:v14+s19+$0x0] =	vst.idx.msk $0xffff, v13  }
0x389: {  	_ =	swait.ge @!p1 [sflag:s0], $0x800  }
0x38a: {  	(v2sf) =	vpush v11, $0xB;
	_ =	sdelay $0xe  }
0x38b: {  	s11 =	spop (v2sf)  }
0x38c: {  	v55 =	vbroadcast v12, $0xB;
	s1 =	sshll.u32 s11, $0xB  }
0x38d: {  	s1 =	sadd.s32 $0x8000, s1  }
0x38e: {  	s12 =	sadd.s32 $0xFFFFFFC0, s22;
	v13 =	vor.u32 s1, v55  }
0x38f: {  	v56 =	vmov s12;
	v13 =	vor.u32 v3, v13  }
0x390: {  	v14 =	vshrl.u32 v56, $0x7  }
0x391: {  	v14 =	vshll.u32 v14, $0x7  }
0x392: {  	[sflag:s0] =	ssyncset.done @!p1 $0x0;
	v14 =	vbroadcast v14, $0x0  }
0x393: {  	[sflag:s0] =	ssyncadd.s32 @!p1 $0xFFFFF800  }
0x394: {  	v14 =	vor.u32 v6, v14;
	v13 =	vld.idx.msk [tilespmem:v13+s30+$0x0], $0xffff  }
0x395: {  	s13 =	sld [smem:$0x7E2];
	_ =	sdelay $0x2  }
0x396: {  	p1 =	seq.s32 s13, $0x1  }
0x397: {  	s0 =	simm.s32 @!p1 $0xD;
	[tilespmem:v14+s19+$0x0] =	vst.idx.msk $0xffff, v13  }
0x398: {  	_ =	swait.ge @!p1 [sflag:s0], $0x800  }
0x399: {  	(v2sf) =	vpush v11, $0xC;
	_ =	sdelay $0xe  }
0x39a: {  	s14 =	spop (v2sf)  }
0x39b: {  	v57 =	vbroadcast v12, $0xC;
	s1 =	sshll.u32 s14, $0xB  }
0x39c: {  	s1 =	sadd.s32 $0x8000, s1  }
0x39d: {  	s15 =	sadd.s32 $0xFFFFFFD0, s22;
	v13 =	vor.u32 s1, v57  }
0x39e: {  	v58 =	vmov s15;
	v13 =	vor.u32 v3, v13  }
0x39f: {  	v14 =	vshrl.u32 v58, $0x7  }
0x3a0: {  	v14 =	vshll.u32 v14, $0x7  }
0x3a1: {  	[sflag:s0] =	ssyncset.done @!p1 $0x0;
	v14 =	vbroadcast v14, $0x0  }
0x3a2: {  	[sflag:s0] =	ssyncadd.s32 @!p1 $0xFFFFF800  }
0x3a3: {  	v14 =	vor.u32 v7, v14;
	v13 =	vld.idx.msk [tilespmem:v13+s30+$0x0], $0xffff  }
0x3a4: {  	s2 =	sld [smem:$0x7E3];
	_ =	sdelay $0x2  }
0x3a5: {  	p1 =	seq.s32 s2, $0x1  }
0x3a6: {  	s0 =	simm.s32 @!p1 $0xE;
	[tilespmem:v14+s19+$0x0] =	vst.idx.msk $0xffff, v13  }
0x3a7: {  	_ =	swait.ge @!p1 [sflag:s0], $0x800  }
0x3a8: {  	(v2sf) =	vpush v11, $0xD;
	_ =	sdelay $0xe  }
0x3a9: {  	s3 =	spop (v2sf)  }
0x3aa: {  	v59 =	vbroadcast v12, $0xD;
	s1 =	sshll.u32 s3, $0xB  }
0x3ab: {  	s1 =	sadd.s32 $0x8000, s1  }
0x3ac: {  	s4 =	sadd.s32 $0xFFFFFFE0, s22;
	v13 =	vor.u32 s1, v59  }
0x3ad: {  	v60 =	vmov s4;
	v13 =	vor.u32 v3, v13  }
0x3ae: {  	v14 =	vshrl.u32 v60, $0x7  }
0x3af: {  	v14 =	vshll.u32 v14, $0x7  }
0x3b0: {  	[sflag:s0] =	ssyncset.done @!p1 $0x0;
	v14 =	vbroadcast v14, $0x0  }
0x3b1: {  	[sflag:s0] =	ssyncadd.s32 @!p1 $0xFFFFF800  }
0x3b2: {  	v14 =	vor.u32 v8, v14;
	v13 =	vld.idx.msk [tilespmem:v13+s30+$0x0], $0xffff;
	_ =	sdelay $0x4  }
0x3b3: {  	s0 =	simm.s32 @!p2 $0xF;
	[tilespmem:v14+s19+$0x0] =	vst.idx.msk $0xffff, v13  }
0x3b4: {  	_ =	swait.ge @!p2 [sflag:s0], $0x800  }
0x3b5: {  	(v2sf) =	vpush v11, $0xE;
	_ =	sdelay $0xe  }
0x3b6: {  	s5 =	spop (v2sf)  }
0x3b7: {  	v61 =	vbroadcast v12, $0xE;
	s1 =	sshll.u32 s5, $0xB  }
0x3b8: {  	s1 =	sadd.s32 $0x8000, s1  }
0x3b9: {  	s6 =	sadd.s32 $0xFFFFFFF0, s22;
	v13 =	vor.u32 s1, v61  }
0x3ba: {  	v62 =	vmov s6;
	v13 =	vor.u32 v3, v13  }
0x3bb: {  	v14 =	vshrl.u32 v62, $0x7  }
0x3bc: {  	v14 =	vshll.u32 v14, $0x7  }
0x3bd: {  	[sflag:s0] =	ssyncset.done @!p2 $0x0;
	v14 =	vbroadcast v14, $0x0  }
0x3be: {  	[sflag:s0] =	ssyncadd.s32 @!p2 $0xFFFFF800  }
0x3bf: {  	v14 =	vor.u32 v9, v14;
	v13 =	vld.idx.msk [tilespmem:v13+s30+$0x0], $0xffff;
	_ =	sdelay $0x4  }
0x3c0: {  	s0 =	simm.s32 @!p0 $0x10;
	[tilespmem:v14+s19+$0x0] =	vst.idx.msk $0xffff, v13  }
0x3c1: {  	_ =	swait.ge @!p0 [sflag:s0], $0x800  }
0x3c2: {  	(v2sf) =	vpush v11, $0xF;
	_ =	sdelay $0xe  }
0x3c3: {  	s7 =	spop (v2sf)  }
0x3c4: {  	v11 =	vbroadcast v12, $0xF;
	s1 =	sshll.u32 s7, $0xB  }
0x3c5: {  	s1 =	sadd.s32 $0x8000, s1  }
0x3c6: {  	v11 =	vor.u32 s1, v11  }
0x3c7: {  	v63 =	vmov s22;
	v11 =	vor.u32 v3, v11  }
0x3c8: {  	v12 =	vshrl.u32 v63, $0x7  }
0x3c9: {  	v12 =	vshll.u32 v12, $0x7  }
0x3ca: {  	[sflag:s0] =	ssyncset.done @!p0 $0x0;
	v12 =	vbroadcast v12, $0x0  }
0x3cb: {  	[sflag:s0] =	ssyncadd.s32 @!p0 $0xFFFFF800  }
0x3cc: {  	v12 =	vor.u32 v10, v12;
	v11 =	vld.idx.msk [tilespmem:v11+s30+$0x0], $0xffff;
	_ =	sdelay $0x4  }
0x3cd: {  	[tilespmem:v12+s19+$0x0] =	vst.idx.msk $0xffff, v11  }
0x3ce: {  	v11 =	vld [tilespmem:s26+$0x0];
	_ =	sdelay $0x4  }
0x3cf: {  	v11 =	vshll.u32 v11, $0x1  }
0x3d0: {  	(v2sf) =	vpush v11, $0x0;
	_ =	sdelay $0x4  }
0x3d1: {  	(v2sf) =	vpush v11, $0x1  }
0x3d2: {  	(v2sf) =	vpush v11, $0x2  }
0x3d3: {  	(v2sf) =	vpush v11, $0x3;
	_ =	sdelay $0x1  }
0x3d4: {  	(v2sf) =	vpush v11, $0x4;
	_ =	sdelay $0x5  }
0x3d5: {  	s8 =	spop (v2sf);
	(v2sf) =	vpush v11, $0x5;
	_ =	sdelay $0x4  }
0x3d6: {  	s10 =	spop (v2sf)  }
0x3d7: {  	s0 =	sand.u32 $0x1FFFFFFE, s8;
	(v2sf) =	vpush v11, $0x6;
	s12 =	spop (v2sf)  }
0x3d8: {  	s9 =	sadd.s32 $0xFFFFFF10, s23;
	s0 =	sadd.s32 s17, s0;
	s14 =	spop (v2sf);
	(v2sf) =	vpush v11, $0x7  }
0x3d9: {  	[hbm4b:s0+s24] =	stream.linear.scatter [tilespmem:s9], [sflag:$0x11], $0x10, $0x38;
	[tilespmem:$0x14800] =	vst v63  }
0x3da: {  	s0 =	sand.u32 $0x1FFFFFFE, s10;
	s2 =	spop (v2sf);
	(v2sf) =	vpush v11, $0x8  }
0x3db: {  	s11 =	sadd.s32 $0xFFFFFF20, s23;
	s0 =	sadd.s32 s17, s0  }
0x3dc: {  	[hbm4b:s0+s24] =	stream.linear.scatter [tilespmem:s11], [sflag:$0x11], $0x10, $0x38;
	[tilespmem:$0x14800] =	vst v63  }
0x3dd: {  	s0 =	sand.u32 $0x1FFFFFFE, s12  }
0x3de: {  	s13 =	sadd.s32 $0xFFFFFF30, s23;
	s0 =	sadd.s32 s17, s0  }
0x3df: {  	[hbm4b:s0+s24] =	stream.linear.scatter [tilespmem:s13], [sflag:$0x11], $0x10, $0x38;
	[tilespmem:$0x14800] =	vst v63  }
0x3e0: {  	s0 =	sand.u32 $0x1FFFFFFE, s14;
	s4 =	spop (v2sf);
	(v2sf) =	vpush v11, $0x9  }
0x3e1: {  	s15 =	sadd.s32 $0xFFFFFF40, s23;
	s0 =	sadd.s32 s17, s0  }
0x3e2: {  	[hbm4b:s0+s24] =	stream.linear.scatter [tilespmem:s15], [sflag:$0x11], $0x10, $0x38;
	[tilespmem:$0x14800] =	vst v63  }
0x3e3: {  	s0 =	sand.u32 $0x1FFFFFFE, s2  }
0x3e4: {  	s3 =	sadd.s32 $0xFFFFFF50, s23;
	s0 =	sadd.s32 s17, s0;
	(v2sf) =	vpush v11, $0xA  }
0x3e5: {  	[hbm4b:s0+s24] =	stream.linear.scatter [tilespmem:s3], [sflag:$0x11], $0x10, $0x38;
	[tilespmem:$0x14800] =	vst v63  }
0x3e6: {  	s0 =	sand.u32 $0x1FFFFFFE, s4;
	s6 =	spop (v2sf);
	(v2sf) =	vpush v11, $0xB  }
0x3e7: {  	s5 =	sadd.s32 $0xFFFFFF60, s23;
	s0 =	sadd.s32 s17, s0;
	s8 =	spop (v2sf);
	(v2sf) =	vpush v11, $0xC  }
0x3e8: {  	[hbm4b:s0+s24] =	stream.linear.scatter [tilespmem:s5], [sflag:$0x11], $0x10, $0x38;
	[tilespmem:$0x14800] =	vst v63  }
0x3e9: {  	s0 =	sand.u32 $0x1FFFFFFE, s6;
	s10 =	spop (v2sf);
	(v2sf) =	vpush v11, $0xD  }
0x3ea: {  	s7 =	sadd.s32 $0xFFFFFF70, s23;
	s0 =	sadd.s32 s17, s0  }
0x3eb: {  	[hbm4b:s0+s24] =	stream.linear.scatter [tilespmem:s7], [sflag:$0x11], $0x10, $0x38;
	[tilespmem:$0x14800] =	vst v63  }
0x3ec: {  	s0 =	sand.u32 $0x1FFFFFFE, s8  }
0x3ed: {  	s9 =	sadd.s32 $0xFFFFFF80, s23;
	s0 =	sadd.s32 s17, s0  }
0x3ee: {  	[hbm4b:s0+s24] =	stream.linear.scatter [tilespmem:s9], [sflag:$0x11], $0x10, $0x38;
	[tilespmem:$0x14800] =	vst v63  }
0x3ef: {  	s0 =	sand.u32 $0x1FFFFFFE, s10;
	s12 =	spop (v2sf);
	(v2sf) =	vpush v11, $0xE  }
0x3f0: {  	s11 =	sadd.s32 $0xFFFFFF90, s23;
	s0 =	sadd.s32 s17, s0  }
0x3f1: {  	[hbm4b:s0+s24] =	stream.linear.scatter [tilespmem:s11], [sflag:$0x11], $0x10, $0x38;
	[tilespmem:$0x14800] =	vst v63  }
0x3f2: {  	s13 =	sadd.s32 $0xFFFFFFA0, s23;
	s0 =	sand.u32 $0x1FFFFFFE, s12  }
0x3f3: {  	s3 =	sadd.s32 $0xFFFFFFB0, s23;
	s14 =	spop (v2sf);
	(v2sf) =	vpush v11, $0xF;
	s0 =	sadd.s32 s17, s0  }
0x3f4: {  	[hbm4b:s0+s24] =	stream.linear.scatter [tilespmem:s13], [sflag:$0x11], $0x10, $0x38;
	[tilespmem:$0x14800] =	vst v63  }
0x3f5: {  	s6 =	sadd.s32 $0xFFFFFFC0, s23;
	s15 =	spop (v2sf);
	s0 =	sand.u32 $0x1FFFFFFE, s14  }
0x3f6: {  	s4 =	sand.u32 $0x1FFFFFFE, s15;
	s5 =	spop (v2sf);
	s0 =	sadd.s32 s17, s0  }
0x3f7: {  	[hbm4b:s0+s24] =	stream.linear.scatter [tilespmem:s3], [sflag:$0x11], $0x10, $0x38;
	[tilespmem:$0x14800] =	vst v63  }
0x3f8: {  	s7 =	sand.u32 $0x1FFFFFFE, s5;
	s8 =	spop (v2sf);
	s0 =	sadd.s32 s17, s4  }
0x3f9: {  	[hbm4b:s0+s24] =	stream.linear.scatter [tilespmem:s6], [sflag:$0x11], $0x10, $0x38;
	[tilespmem:$0x14800] =	vst v63  }
0x3fa: {  	s9 =	sadd.s32 $0xFFFFFFD0, s23;
	s10 =	sand.u32 $0x1FFFFFFE, s8;
	s0 =	sadd.s32 s17, s7  }
0x3fb: {  	[hbm4b:s0+s24] =	stream.linear.scatter [tilespmem:s9], [sflag:$0x11], $0x10, $0x38;
	[tilespmem:$0x14800] =	vst v63  }
0x3fc: {  	s12 =	sadd.s32 $0xFFFFFFE0, s23;
	s0 =	sadd.s32 s17, s10  }
0x3fd: {  	[hbm4b:s0+s24] =	stream.linear.scatter [tilespmem:s12], [sflag:$0x11], $0x10, $0x38;
	[tilespmem:$0x14800] =	vst v63  }
0x3fe: {  	s11 =	spop (v2sf)  }
0x3ff: {  	s22 =	sadd.s32 $0x100, s22;
	s13 =	sand.u32 $0x1FFFFFFE, s11  }
0x400: {  	p0 =	sne.s32 s22, $0x20F0;
	s14 =	sadd.s32 $0xFFFFFFF0, s23;
	s0 =	sadd.s32 s17, s13  }
0x401: {  	[hbm4b:s0+s24] =	stream.linear.scatter [tilespmem:s14], [sflag:$0x11], $0x10, $0x38;
	[tilespmem:$0x14800] =	vst v63  }
.Ltmp1:
0x402: {  	s15 =	spop (v2sf);
	(pc) =	sbr.rel @p0 .LBB2_4-.Ltmp1, $4  }
0x403: {  	s0 =	sand.u32 $0x1FFFFFFE, s15  }
0x404: {  	s20 =	sadd.s32 $0x10, s20;
	s0 =	sadd.s32 s17, s0  }
0x405: {  	[hbm4b:s0+s24] =	stream.linear.scatter [tilespmem:s23], [sflag:$0x11], $0x10, $0x38;
	[tilespmem:$0x14800] =	vst v63  }
0x406: {  	s25 =	sadd.s32 $0x10, s25;
	s26 =	sadd.s32 $0x10, s26;
	s23 =	sadd.s32 $0x100, s23  }
0x407: {  	s2 =	simm.s32 $0x11  }
0x408: {  	_ =	swait.ge [sflag:s2], $0x2000  }
0x409: {  	s1 =	rddreg [dreg:$0x17]  }
0x40a: {  	s0 =	rddreg [dreg:$0x16];
	s1 =	sadd.s32 $0x1, s1  }
0x40b: {  	p0 =	sne.s32 s1, s0  }
.Ltmp2:
0x40c: {  	_ = 	snop;
	(pc) =	sbr.rel @p0 .LBB2_1-.Ltmp2, $3  }
0x40d: {  	_ =	sdelay $0x1  }
0x40e: {  	[sflag:s2] =	ssyncset.done $0x0  }
0x40f: {  	s3 =	simm.s32 $0x10800;
	[sflag:s2] =	ssyncadd.s32 $0xFFFFE000  }
0x410: {  	_ =	sfence.sel $0x180000  }
0x411: {  	[bflag:$0x0] =	sbarrier.arrive $0xFFFF  }
0x412: {  	_ =	strace $0x90000047  }
0x413: {  	s0 =	stileid.u32;
	[bflag:$0x2] =	sbarrier.arrive $0xFFFF  }
0x414: {  	p0 =	sne.s32 s0, $0x0;
	s0 =	rddreg [dreg:$0x4]  }
0x415: {  	s0 =	sadd.s32 @!p0 $0x100000, s0  }
0x416: {  	[sflag:s0] =	ssyncadd.tile.s32 @!p0 $0x1;
	_ =	shalt  }
.Lfunc_end2:
_tile_overlayer_lowered:
.L_overlay_start_2:
0x417: {  	(tag) =	ssettag $0x2  }
0x418: {  	s0 =	rddreg [dreg:$0x0];
	s2 =	stileid.u32  }
0x419: {  	s1 =	rddreg [dreg:$0x1];
	p0 =	sne.s32 s2, $0x0  }
0x41a: {  	s3 =	rddreg [dreg:$0x2];
	[bflag:$0x3] =	sbarrier.arrive $0xFFFF;
	s2 =	simm.s32 @!p0 $0x1C12  }
0x41b: {  	[timem:s3], [sflag:s2] =	dma.local @!p0 [hbm:s0], s1  }
0x41c: {  	s0 =	simm.s32 @!p0 $0x12  }
0x41d: {  	_ =	swait.ge @!p0 [sflag:s0], s1  }
0x41e: {  	s1 =	ssub.s32 @!p0 $0x0, s1;
	[sflag:s0] =	ssyncset.done @!p0 $0x0  }
0x41f: {  	[sflag:s0] =	ssyncadd.s32 @!p0 s1  }
0x420: {  	[bflag:$0x3] =	sbarrier.arrive $0xFFFF  }
0x421: {  	_ =	shalt  }

</sc_bundles>
